<compile_context>
chip_gen: v7x
topology: tpu7x:2x2x1
jax: 0.10.2.dev20260603
libtpu: 0.0.44.dev20260713+nightly
codegen_flags: <defaults>
</compile_context>

<pallas_src>
import functools

import jax
import jax.numpy as jnp
from jax import lax
from jax.experimental import pallas as pl
from jax.experimental.pallas import tpu as pltpu
from jax.experimental.pallas import tpu_sc as plsc

_VP = 100096
_SPLIT = (2, 8, 16)


def _detile_body(in_ref, out_ref):
    v = in_ref.shape[2]
    topm = jnp.uint32(0xFFFF0000)
    for dp in range(4):
        au = lax.bitcast_convert_type(in_ref[0, 2 * dp, :], jnp.uint32)
        bu = lax.bitcast_convert_type(in_ref[0, 2 * dp + 1, :], jnp.uint32)
        packed = (au >> 16) | (bu & topm)
        out_ref[pl.ds(dp * _VP, v)] = lax.bitcast_convert_type(
            packed, jnp.float32)


def _detile(tables_t, f0, n_f):
    d, v = tables_t.shape[1], tables_t.shape[2]
    grid = (n_f, d // 8)
    return pl.pallas_call(
        _detile_body,
        grid=grid,
        in_specs=[pl.BlockSpec((1, 8, v), lambda f, g: (f + f0, g, 0))],
        out_specs=pl.BlockSpec((4 * _VP,), lambda f, g: (f * (d // 8) + g,)),
        out_shape=jax.ShapeDtypeStruct((n_f * (d // 2) * _VP,), jnp.float32),
    )(tables_t)


def _make_sc_colgather(f0, n_f, d, n_b, nw):
    nf2 = n_f // 2
    du = d // 2
    qb = n_b // 4
    mesh = plsc.VectorSubcoreMesh(core_axis_name="c", subcore_axis_name="s")

    @functools.partial(
        pl.kernel,
        mesh=mesh,
        compiler_params=pltpu.CompilerParams(use_tc_tiling_on_sc=False),
        out_type=jax.ShapeDtypeStruct((n_f * du, n_b), jnp.float32),
        scratch_types=[
            pltpu.VMEM_SHARED((2, 4, _VP), jnp.float32),
            pltpu.VMEM((n_b // 4,), jnp.int32),
            pltpu.VMEM((n_b // 4,), jnp.int32),
            pltpu.VMEM((n_b // 4,), jnp.float32),
            pltpu.VMEM((n_b // 4,), jnp.float32),
            pltpu.SemaphoreType.DMA,
            pltpu.SemaphoreType.DMA,
            pltpu.SemaphoreType.DMA,
            pltpu.SemaphoreType.DMA,
            pltpu.SemaphoreType.DMA,
            pltpu.SemaphoreType.DMA,
            pltpu.SemaphoreType.DMA,
            pltpu.SemaphoreType.DMA,
        ],
    )
    def gather_kernel(tbl_hbm, catt_hbm, out_hbm, plane, idx0, idx1,
                      buf0, buf1, lsem0, lsem1, isem0, isem1,
                      gsem0, gsem1, psem0, psem1):
        c = lax.axis_index("c")
        sid = lax.axis_index("s")
        dd = sid % 4
        b0 = (sid // 4) * qb
        idxs = (idx0, idx1)
        bufs = (buf0, buf1)
        lsems = (lsem0, lsem1)
        isems = (isem0, isem1)
        gsems = (gsem0, gsem1)
        psems = (psem0, psem1)
        n_qp = nf2 * 2

        def plane_src(g):
            row0 = (c * nf2 + g // 2) * du + (g % 2) * 4
            return tbl_hbm.at[pl.ds(row0, 4)]

        def plane_issue(g, slot):
            @pl.when(sid == 0)
            def _():
                pltpu.async_copy(plane_src(g), plane.at[slot], lsems[slot])

        def plane_wait(g, slot):
            @pl.when(sid == 0)
            def _():
                pltpu.make_async_copy(plane_src(g), plane.at[slot],
                                      lsems[slot]).wait()

        def idx_load(k):
            f_loc = c * nf2 + k
            return pltpu.async_copy(
                catt_hbm.at[f0 + f_loc, pl.ds(b0, qb)], idxs[k & 1],
                isems[k & 1])

        pcopies = [None, None]
        plane_issue(0, 0)
        icopy = idx_load(0)
        for g in range(n_qp):
            slot = g & 1
            k = g // 2
            if g + 1 < n_qp:
                plane_issue(g + 1, 1 - slot)
            plane_wait(g, slot)
            if g % 2 == 0:
                icopy.wait()
            plsc.subcore_barrier()
            if pcopies[slot] is not None:
                pcopies[slot].wait()
            pltpu.async_copy(
                plane.at[slot, dd].at[idxs[k & 1]], bufs[slot],
                gsems[slot]).wait()
            row = (c * nf2 + k) * du + (g % 2) * 4 + dd
            pcopies[slot] = pltpu.async_copy(
                bufs[slot], out_hbm.at[row, pl.ds(b0, qb)], psems[slot])
            if g % 2 == 1 and k + 1 < nf2:
                icopy = idx_load(k + 1)
            plsc.subcore_barrier()
        for j in range(2):
            if pcopies[j] is not None:
                pcopies[j].wait()

    return gather_kernel


def _mlp_t_body(ct_ref, w2t_ref, b2_ref, wat_ref, wbt_ref, bo_ref, b1_ref,
                *refs):
    n_pieces = (len(refs) - 1) // 3
    xc_refs = refs[:n_pieces]
    w1t_lo_refs = refs[n_pieces:2 * n_pieces]
    w1t_hi_refs = refs[2 * n_pieces:3 * n_pieces]
    o_ref = refs[-1]
    h_cat = b1_ref[...]
    for xc, wlo, whi in zip(xc_refs, w1t_lo_refs, w1t_hi_refs):
        u = lax.bitcast_convert_type(xc[...], jnp.uint32)
        lo = lax.bitcast_convert_type(u << 16, jnp.float32)
        hi = lax.bitcast_convert_type(u & jnp.uint32(0xFFFF0000), jnp.float32)
        h_cat = h_cat + jnp.dot(wlo[...], lo,
                                preferred_element_type=jnp.float32)
        h_cat = h_cat + jnp.dot(whi[...], hi,
                                preferred_element_type=jnp.float32)
    h_cont = jnp.dot(w2t_ref[...], ct_ref[...],
                     preferred_element_type=jnp.float32) + b2_ref[...]
    h_cat = jnp.maximum(h_cat, 0.0)
    h_cont = jnp.maximum(h_cont, 0.0)
    o_ref[...] = (jnp.dot(wat_ref[...], h_cont,
                          preferred_element_type=jnp.float32)
                  + jnp.dot(wbt_ref[...], h_cat,
                            preferred_element_type=jnp.float32)
                  + bo_ref[...])


def _mlp_t(xc_pieces, cont_t, W1, b1, W2, b2, Wout, bout, block_b=2048):
    n_b = cont_t.shape[1]
    c_dim = cont_t.shape[0]
    h_dim = W1.shape[1]
    out_dim = Wout.shape[1]
    w1t = W1.T
    w2t = W2.T
    wout_at = Wout[:h_dim].T
    wout_bt = Wout[h_dim:].T
    b1_2d = b1.reshape(h_dim, 1)
    b2_2d = b2.reshape(h_dim, 1)
    bout_2d = bout.reshape(out_dim, 1)
    w1t_lo_pieces = []
    w1t_hi_pieces = []
    col = 0
    for xc in xc_pieces:
        ncols = 2 * xc.shape[0]
        w1t_lo_pieces.append(w1t[:, col:col + ncols:2])
        w1t_hi_pieces.append(w1t[:, col + 1:col + ncols:2])
        col += ncols
    grid = (n_b // block_b,)

    def full(shape):
        return pl.BlockSpec(shape, lambda i: (0, 0))

    in_specs = [
        pl.BlockSpec((c_dim, block_b), lambda i: (0, i)),
        full(w2t.shape),
        full(b2_2d.shape),
        full(wout_at.shape),
        full(wout_bt.shape),
        full(bout_2d.shape),
        full(b1_2d.shape),
    ]
    for xc in xc_pieces:
        in_specs.append(pl.BlockSpec((xc.shape[0], block_b), lambda i: (0, i)))
    for w in w1t_lo_pieces + w1t_hi_pieces:
        in_specs.append(full(w.shape))

    out_t = pl.pallas_call(
        _mlp_t_body,
        grid=grid,
        in_specs=in_specs,
        out_specs=pl.BlockSpec((out_dim, block_b), lambda i: (0, i)),
        out_shape=jax.ShapeDtypeStruct((out_dim, n_b), jnp.float32),
    )(cont_t, w2t, b2_2d, wout_at, wout_bt, bout_2d, b1_2d,
      *xc_pieces, *w1t_lo_pieces, *w1t_hi_pieces)
    return out_t.T


def kernel(cat, cont, tables, W1, b1, W2, b2, Wout, bout):
    n_f, v, d = tables.shape
    n_b = cat.shape[0]
    tables_t = jnp.transpose(tables, (0, 2, 1))
    cat_t = cat.T
    cont_t = cont.T

    info = plsc.get_sparse_core_info()
    nw = info.num_cores * info.num_subcores

    xc_pieces = []
    f0 = 0
    for nf in _SPLIT:
        scratch = _detile(tables_t, f0, nf).reshape(nf * (d // 2), _VP)
        gather = _make_sc_colgather(f0, nf, d, n_b, nw)
        xc_pieces.append(gather(scratch, cat_t))
        f0 += nf

    return _mlp_t(xc_pieces, cont_t, W1, b1, W2, b2, Wout, bout)

# --- scband reference (transcript-rebuilt; emitter-appended) ---
"""Pipeline reference for scband-entity-embedding-46617575031126 (READ-ONLY COPY).

The authoritative reference and input builder live on the scoring server;
editing this copy changes nothing except your own understanding.
"""

import jax, jax.numpy as jnp
import numpy as np

B = 16384
F = 26          # number of categorical fields
V = 100001      # per-field table rows (vocab v + 1)
D = 16          # embedding dim per field
C = 13          # number of continuous fields
H = 100         # hidden_layer_dim
OUT = F + C     # 39


def setup_inputs(seed: int = 0) -> dict:
    key = jax.random.key(seed)
    ks = jax.random.split(key, 10)
    cat = jax.random.randint(ks[0], (B, F), 0, 100000).astype(jnp.int32)
    cont = jax.random.normal(ks[1], (B, C), dtype=jnp.float32)
    # learned parameters: per-field embedding tables stacked (all same size)
    tables = jax.random.normal(ks[2], (F, V, D), dtype=jnp.float32) * 0.02
    W1 = jax.random.normal(ks[3], (F * D, H), dtype=jnp.float32) * 0.02
    b1 = jnp.zeros((H,), dtype=jnp.float32)
    W2 = jax.random.normal(ks[4], (C, H), dtype=jnp.float32) * 0.02
    b2 = jnp.zeros((H,), dtype=jnp.float32)
    Wout = jax.random.normal(ks[5], (2 * H, OUT), dtype=jnp.float32) * 0.02
    bout = jnp.zeros((OUT,), dtype=jnp.float32)
    return {"cat": cat, "cont": cont, "tables": tables, "W1": W1, "b1": b1,
            "W2": W2, "b2": b2, "Wout": Wout, "bout": bout}


def reference(cat, cont, tables, W1, b1, W2, b2, Wout, bout):
    nF = tables.shape[0]
    nD = tables.shape[2]
    nB = cat.shape[0]
    # per-field embedding lookup: emb(cat[:, i]) for each field i, then concat on dim 1
    emb = tables[jnp.arange(nF)[None, :], cat]          # [B, F, D] gather
    x_cat = emb.reshape(nB, nF * nD)                    # == torch.cat(x_cat, dim=1)
    x_cat = x_cat @ W1 + b1                             # l1
    x_cont = cont @ W2 + b2                             # l2
    x = jnp.concatenate([x_cont, x_cat], axis=1)        # [B, 2H] (squeeze is no-op for B>1)
    x = jax.nn.relu(x)
    return x @ Wout + bout                              # [B, F+C]

if __name__ == "__main__":
    import jax
    _d = setup_inputs()
    print(jax.jit(kernel)(*tuple(_d.values())))

</pallas_src>

<mosaic_0001>
#map = affine_map<(d0, d1) -> (0, 0)>
module attributes {stable_mosaic.version = 14 : i64} {
  func.func @gather_kernel(%arg0: i32, %arg1: i32, %arg2: memref<64x100096xf32, #tpu.memory_space<hbm>>, %arg3: memref<26x16384xi32, #tpu.memory_space<hbm>>, %arg4: memref<64x16384xf32, #tpu.memory_space<hbm>>, %arg5: memref<2x4x100096xf32, #tpu.memory_space<vmem_shared>>, %arg6: memref<4096xi32, #tpu.memory_space<vmem>>, %arg7: memref<4096xi32, #tpu.memory_space<vmem>>, %arg8: memref<4096xf32, #tpu.memory_space<vmem>>, %arg9: memref<4096xf32, #tpu.memory_space<vmem>>, %arg10: memref<!tpu.dma_semaphore, #tpu.memory_space<semaphore_mem>>, %arg11: memref<!tpu.dma_semaphore, #tpu.memory_space<semaphore_mem>>, %arg12: memref<!tpu.dma_semaphore, #tpu.memory_space<semaphore_mem>>, %arg13: memref<!tpu.dma_semaphore, #tpu.memory_space<semaphore_mem>>, %arg14: memref<!tpu.dma_semaphore, #tpu.memory_space<semaphore_mem>>, %arg15: memref<!tpu.dma_semaphore, #tpu.memory_space<semaphore_mem>>, %arg16: memref<!tpu.dma_semaphore, #tpu.memory_space<semaphore_mem>>, %arg17: memref<!tpu.dma_semaphore, #tpu.memory_space<semaphore_mem>>) attributes {dimension_semantics = [#tpu.dimension_semantics<core_parallel>, #tpu.dimension_semantics<subcore_parallel>], iteration_bounds = array<i64: 2, 16>, scalar_prefetch = 0 : i64, scratch_operands = 13 : i64, tpu.core_type = #tpu.core_type<sc_vector_subcore>, window_params = [{transform_indices = #map}, {transform_indices = #map}, {transform_indices = #map}]} {
    %jit3A = arith.constant 4 : i32
    %eq3A = arith.constant 0 : i32
    %eq3A_0 = arith.cmpi eq, %jit3A, %eq3A : i32
    %jit3A_1 = arith.constant 1 : i32
    %select_n3A = arith.select %eq3A_0, %jit3A_1, %jit3A : i32
    %rem3A = arith.remsi %arg1, %select_n3A : i32
    %ne3A = arith.constant 0 : i32
    %ne3A_2 = arith.cmpi ne, %rem3A, %ne3A : i32
    %lt3A = arith.constant 0 : i32
    %lt3A_3 = arith.cmpi slt, %rem3A, %lt3A : i32
    %lt3A_4 = arith.constant 0 : i32
    %lt3A_5 = arith.cmpi slt, %select_n3A, %lt3A_4 : i32
    %ne3A_6 = arith.xori %lt3A_3, %lt3A_5 : i1
    %and3A = arith.andi %ne3A_6, %ne3A_2 : i1
    %add3A = arith.addi %rem3A, %select_n3A : i32
    %select_n3A_7 = arith.select %and3A, %add3A, %rem3A : i32
    %jit3A_8 = arith.constant 4 : i32
    %div3A = arith.divsi %arg1, %jit3A_8 : i32
    %sign3A = arith.constant 0 : i32
    %sign3A_9 = arith.cmpi sgt, %arg1, %sign3A : i32
    %sign3A_10 = arith.extui %sign3A_9 : i1 to i32
    %sign3A_11 = arith.constant 0 : i32
    %sign3A_12 = arith.cmpi slt, %arg1, %sign3A_11 : i32
    %sign3A_13 = arith.extui %sign3A_12 : i1 to i32
    %sign3A_14 = arith.subi %sign3A_10, %sign3A_13 : i32
    %sign3A_15 = arith.constant 0 : i32
    %sign3A_16 = arith.cmpi sgt, %jit3A_8, %sign3A_15 : i32
    %sign3A_17 = arith.extui %sign3A_16 : i1 to i32
    %sign3A_18 = arith.constant 0 : i32
    %sign3A_19 = arith.cmpi slt, %jit3A_8, %sign3A_18 : i32
    %sign3A_20 = arith.extui %sign3A_19 : i1 to i32
    %sign3A_21 = arith.subi %sign3A_17, %sign3A_20 : i32
    %ne3A_22 = arith.cmpi ne, %sign3A_14, %sign3A_21 : i32
    %rem3A_23 = arith.remsi %arg1, %jit3A_8 : i32
    %ne3A_24 = arith.constant 0 : i32
    %ne3A_25 = arith.cmpi ne, %rem3A_23, %ne3A_24 : i32
    %and3A_26 = arith.andi %ne3A_22, %ne3A_25 : i1
    %sub3A = arith.constant 1 : i32
    %sub3A_27 = arith.subi %div3A, %sub3A : i32
    %select_n3A_28 = arith.select %and3A_26, %sub3A_27, %div3A : i32
    %mul3A = arith.constant 4096 : i32
    %mul3A_29 = arith.muli %select_n3A_28, %mul3A : i32
    %eq3A_30 = arith.constant 0 : i32
    %eq3A_31 = arith.cmpi eq, %arg1, %eq3A_30 : i32
    %convert_element_type3A = arith.extui %eq3A_31 : i1 to i32
    %cond3A = arith.constant 0 : i32
    %cond3A_32 = arith.cmpi ne, %convert_element_type3A, %cond3A : i32
    scf.if %cond3A_32 {
      %mul3A_409 = arith.constant 4 : i32
      %mul3A_410 = arith.muli %arg0, %mul3A_409 : i32
      %add3A_411 = arith.constant 0 : i32
      %add3A_412 = arith.addi %mul3A_410, %add3A_411 : i32
      %mul3A_413 = arith.constant 8 : i32
      %mul3A_414 = arith.muli %add3A_412, %mul3A_413 : i32
      %add3A_415 = arith.constant 0 : i32
      %add3A_416 = arith.addi %mul3A_414, %add3A_415 : i32
      %dma_start3A_417 = arith.constant 0 : i32
      %dma_start3A_418 = arith.constant 0 : i32
      %dma_start3A_419 = arith.constant 0 : i32
      %dma_start3A_420 = tpu.memref_slice %arg5[%dma_start3A_417, %dma_start3A_418, %dma_start3A_419] : memref<2x4x100096xf32, #tpu.memory_space<vmem_shared>> -> memref<1x4x100096xf32, #tpu.memory_space<vmem_shared>>
      %dma_start3A_421 = tpu.memref_squeeze %dma_start3A_420 : memref<1x4x100096xf32, #tpu.memory_space<vmem_shared>> -> memref<4x100096xf32, #tpu.memory_space<vmem_shared>>
      %dma_start3A_422 = arith.constant 0 : i32
      %dma_start3A_423 = tpu.memref_slice %arg2[%add3A_416, %dma_start3A_422] : memref<64x100096xf32, #tpu.memory_space<hbm>> -> memref<4x100096xf32, #tpu.memory_space<hbm>>
      tpu.enqueue_dma source(%dma_start3A_423 : memref<4x100096xf32, #tpu.memory_space<hbm>>) target(%dma_start3A_421 : memref<4x100096xf32, #tpu.memory_space<vmem_shared>>) target_semaphore(%arg10 : memref<!tpu.dma_semaphore, #tpu.memory_space<semaphore_mem>>)
    } else {
    }
    %mul3A_33 = arith.constant 4 : i32
    %mul3A_34 = arith.muli %arg0, %mul3A_33 : i32
    %add3A_35 = arith.constant 0 : i32
    %add3A_36 = arith.addi %mul3A_34, %add3A_35 : i32
    %add3A_37 = arith.constant 2 : i32
    %add3A_38 = arith.addi %add3A_37, %add3A_36 : i32
    %dma_start3A = tpu.memref_slice %arg3[%add3A_38, %mul3A_29] : memref<26x16384xi32, #tpu.memory_space<hbm>> -> memref<1x4096xi32, #tpu.memory_space<hbm>>
    %dma_start3A_39 = tpu.memref_squeeze %dma_start3A : memref<1x4096xi32, #tpu.memory_space<hbm>> -> memref<4096xi32, #tpu.memory_space<hbm>>
    %dma_start3A_40 = tpu.memref_slice %arg3[%add3A_38, %mul3A_29] : memref<26x16384xi32, #tpu.memory_space<hbm>> -> memref<1x4096xi32, #tpu.memory_space<hbm>>
    %dma_start3A_41 = tpu.memref_squeeze %dma_start3A_40 : memref<1x4096xi32, #tpu.memory_space<hbm>> -> memref<4096xi32, #tpu.memory_space<hbm>>
    tpu.enqueue_dma source(%dma_start3A_41 : memref<4096xi32, #tpu.memory_space<hbm>>) target(%arg6 : memref<4096xi32, #tpu.memory_space<vmem>>) target_semaphore(%arg12 : memref<!tpu.dma_semaphore, #tpu.memory_space<semaphore_mem>>)
    %eq3A_42 = arith.constant 0 : i32
    %eq3A_43 = arith.cmpi eq, %arg1, %eq3A_42 : i32
    %convert_element_type3A_44 = arith.extui %eq3A_43 : i1 to i32
    %cond3A_45 = arith.constant 0 : i32
    %cond3A_46 = arith.cmpi ne, %convert_element_type3A_44, %cond3A_45 : i32
    scf.if %cond3A_46 {
      %mul3A_409 = arith.constant 4 : i32
      %mul3A_410 = arith.muli %arg0, %mul3A_409 : i32
      %add3A_411 = arith.constant 0 : i32
      %add3A_412 = arith.addi %mul3A_410, %add3A_411 : i32
      %mul3A_413 = arith.constant 8 : i32
      %mul3A_414 = arith.muli %add3A_412, %mul3A_413 : i32
      %add3A_415 = arith.constant 4 : i32
      %add3A_416 = arith.addi %mul3A_414, %add3A_415 : i32
      %dma_start3A_417 = arith.constant 1 : i32
      %dma_start3A_418 = arith.constant 0 : i32
      %dma_start3A_419 = arith.constant 0 : i32
      %dma_start3A_420 = tpu.memref_slice %arg5[%dma_start3A_417, %dma_start3A_418, %dma_start3A_419] : memref<2x4x100096xf32, #tpu.memory_space<vmem_shared>> -> memref<1x4x100096xf32, #tpu.memory_space<vmem_shared>>
      %dma_start3A_421 = tpu.memref_squeeze %dma_start3A_420 : memref<1x4x100096xf32, #tpu.memory_space<vmem_shared>> -> memref<4x100096xf32, #tpu.memory_space<vmem_shared>>
      %dma_start3A_422 = arith.constant 0 : i32
      %dma_start3A_423 = tpu.memref_slice %arg2[%add3A_416, %dma_start3A_422] : memref<64x100096xf32, #tpu.memory_space<hbm>> -> memref<4x100096xf32, #tpu.memory_space<hbm>>
      tpu.enqueue_dma source(%dma_start3A_423 : memref<4x100096xf32, #tpu.memory_space<hbm>>) target(%dma_start3A_421 : memref<4x100096xf32, #tpu.memory_space<vmem_shared>>) target_semaphore(%arg11 : memref<!tpu.dma_semaphore, #tpu.memory_space<semaphore_mem>>)
    } else {
    }
    %eq3A_47 = arith.constant 0 : i32
    %eq3A_48 = arith.cmpi eq, %arg1, %eq3A_47 : i32
    %convert_element_type3A_49 = arith.extui %eq3A_48 : i1 to i32
    %cond3A_50 = arith.constant 0 : i32
    %cond3A_51 = arith.cmpi ne, %convert_element_type3A_49, %cond3A_50 : i32
    scf.if %cond3A_51 {
      %mul3A_409 = arith.constant 4 : i32
      %mul3A_410 = arith.muli %arg0, %mul3A_409 : i32
      %add3A_411 = arith.constant 0 : i32
      %add3A_412 = arith.addi %mul3A_410, %add3A_411 : i32
      %mul3A_413 = arith.constant 8 : i32
      %mul3A_414 = arith.muli %add3A_412, %mul3A_413 : i32
      %add3A_415 = arith.constant 0 : i32
      %add3A_416 = arith.addi %mul3A_414, %add3A_415 : i32
      %dma_wait3A_417 = arith.constant 0 : i32
      %dma_wait3A_418 = arith.constant 0 : i32
      %dma_wait3A_419 = arith.constant 0 : i32
      %dma_wait3A_420 = tpu.memref_slice %arg5[%dma_wait3A_417, %dma_wait3A_418, %dma_wait3A_419] : memref<2x4x100096xf32, #tpu.memory_space<vmem_shared>> -> memref<1x4x100096xf32, #tpu.memory_space<vmem_shared>>
      %dma_wait3A_421 = tpu.memref_squeeze %dma_wait3A_420 : memref<1x4x100096xf32, #tpu.memory_space<vmem_shared>> -> memref<4x100096xf32, #tpu.memory_space<vmem_shared>>
      %dma_wait3A_422 = arith.constant 0 : i32
      %dma_wait3A_423 = tpu.memref_slice %arg2[%add3A_416, %dma_wait3A_422] : memref<64x100096xf32, #tpu.memory_space<hbm>> -> memref<4x100096xf32, #tpu.memory_space<hbm>>
      tpu.wait_dma2 semaphore(%arg10 : memref<!tpu.dma_semaphore, #tpu.memory_space<semaphore_mem>>) src(%dma_wait3A_423 : memref<4x100096xf32, #tpu.memory_space<hbm>>) dst(%dma_wait3A_421 : memref<4x100096xf32, #tpu.memory_space<vmem_shared>>)
    } else {
    }
    %dma_wait3A = tpu.memref_slice %arg3[%add3A_38, %mul3A_29] : memref<26x16384xi32, #tpu.memory_space<hbm>> -> memref<1x4096xi32, #tpu.memory_space<hbm>>
    %dma_wait3A_52 = tpu.memref_squeeze %dma_wait3A : memref<1x4096xi32, #tpu.memory_space<hbm>> -> memref<4096xi32, #tpu.memory_space<hbm>>
    %dma_wait3A_53 = tpu.memref_slice %arg3[%add3A_38, %mul3A_29] : memref<26x16384xi32, #tpu.memory_space<hbm>> -> memref<1x4096xi32, #tpu.memory_space<hbm>>
    %dma_wait3A_54 = tpu.memref_squeeze %dma_wait3A_53 : memref<1x4096xi32, #tpu.memory_space<hbm>> -> memref<4096xi32, #tpu.memory_space<hbm>>
    tpu.wait_dma2 semaphore(%arg12 : memref<!tpu.dma_semaphore, #tpu.memory_space<semaphore_mem>>) src(%dma_wait3A_54 : memref<4096xi32, #tpu.memory_space<hbm>>) dst(%arg6 : memref<4096xi32, #tpu.memory_space<vmem>>)
    %barrier3A = arith.constant 0 : index
    tpu.barrier barrier_id(%barrier3A)
    %dma_start3A_55 = arith.constant 0 : i32
    %dma_start3A_56 = arith.constant 0 : i32
    %dma_start3A_57 = tpu.memref_slice %arg5[%dma_start3A_55, %select_n3A_7, %dma_start3A_56] : memref<2x4x100096xf32, #tpu.memory_space<vmem_shared>> -> memref<1x1x100096xf32, #tpu.memory_space<vmem_shared>>
    %dma_start3A_58 = tpu.memref_squeeze %dma_start3A_57 : memref<1x1x100096xf32, #tpu.memory_space<vmem_shared>> -> memref<100096xf32, #tpu.memory_space<vmem_shared>>
    %dma_start3A_59 = arith.constant 0 : i32
    %dma_start3A_60 = tpu.memref_slice %dma_start3A_58[%dma_start3A_59] : memref<100096xf32, #tpu.memory_space<vmem_shared>> -> memref<100096xf32, #tpu.memory_space<vmem_shared>>
    tpu.enqueue_indirect_dma source(%dma_start3A_60 : memref<100096xf32, #tpu.memory_space<vmem_shared>>) target(%arg8 : memref<4096xf32, #tpu.memory_space<vmem>>) offsets(%arg6 : memref<4096xi32, #tpu.memory_space<vmem>>) semaphore(%arg14 : memref<!tpu.dma_semaphore, #tpu.memory_space<semaphore_mem>>)
    %dma_wait3A_61 = arith.constant 0 : i32
    %dma_wait3A_62 = arith.constant 0 : i32
    %dma_wait3A_63 = tpu.memref_slice %arg5[%dma_wait3A_61, %select_n3A_7, %dma_wait3A_62] : memref<2x4x100096xf32, #tpu.memory_space<vmem_shared>> -> memref<1x1x100096xf32, #tpu.memory_space<vmem_shared>>
    %dma_wait3A_64 = tpu.memref_squeeze %dma_wait3A_63 : memref<1x1x100096xf32, #tpu.memory_space<vmem_shared>> -> memref<100096xf32, #tpu.memory_space<vmem_shared>>
    %dma_wait3A_65 = arith.constant 0 : i32
    %dma_wait3A_66 = tpu.memref_slice %dma_wait3A_64[%dma_wait3A_65] : memref<100096xf32, #tpu.memory_space<vmem_shared>> -> memref<100096xf32, #tpu.memory_space<vmem_shared>>
    tpu.wait_indirect_dma semaphore(%arg14 : memref<!tpu.dma_semaphore, #tpu.memory_space<semaphore_mem>>) src(%dma_wait3A_66 : memref<100096xf32, #tpu.memory_space<vmem_shared>>) dst(%arg8 : memref<4096xf32, #tpu.memory_space<vmem>>)
    %mul3A_67 = arith.constant 4 : i32
    %mul3A_68 = arith.muli %arg0, %mul3A_67 : i32
    %add3A_69 = arith.constant 0 : i32
    %add3A_70 = arith.addi %mul3A_68, %add3A_69 : i32
    %mul3A_71 = arith.constant 8 : i32
    %mul3A_72 = arith.muli %add3A_70, %mul3A_71 : i32
    %add3A_73 = arith.constant 0 : i32
    %add3A_74 = arith.addi %mul3A_72, %add3A_73 : i32
    %add3A_75 = arith.addi %add3A_74, %select_n3A_7 : i32
    %dma_start3A_76 = tpu.memref_slice %arg4[%add3A_75, %mul3A_29] : memref<64x16384xf32, #tpu.memory_space<hbm>> -> memref<1x4096xf32, #tpu.memory_space<hbm>>
    %dma_start3A_77 = tpu.memref_squeeze %dma_start3A_76 : memref<1x4096xf32, #tpu.memory_space<hbm>> -> memref<4096xf32, #tpu.memory_space<hbm>>
    %dma_start3A_78 = tpu.memref_slice %arg4[%add3A_75, %mul3A_29] : memref<64x16384xf32, #tpu.memory_space<hbm>> -> memref<1x4096xf32, #tpu.memory_space<hbm>>
    %dma_start3A_79 = tpu.memref_squeeze %dma_start3A_78 : memref<1x4096xf32, #tpu.memory_space<hbm>> -> memref<4096xf32, #tpu.memory_space<hbm>>
    tpu.enqueue_dma source(%arg8 : memref<4096xf32, #tpu.memory_space<vmem>>) target(%dma_start3A_79 : memref<4096xf32, #tpu.memory_space<hbm>>) target_semaphore(%arg16 : memref<!tpu.dma_semaphore, #tpu.memory_space<semaphore_mem>>)
    %barrier3A_80 = arith.constant 0 : index
    tpu.barrier barrier_id(%barrier3A_80)
    %eq3A_81 = arith.constant 0 : i32
    %eq3A_82 = arith.cmpi eq, %arg1, %eq3A_81 : i32
    %convert_element_type3A_83 = arith.extui %eq3A_82 : i1 to i32
    %cond3A_84 = arith.constant 0 : i32
    %cond3A_85 = arith.cmpi ne, %convert_element_type3A_83, %cond3A_84 : i32
    scf.if %cond3A_85 {
      %mul3A_409 = arith.constant 4 : i32
      %mul3A_410 = arith.muli %arg0, %mul3A_409 : i32
      %add3A_411 = arith.constant 1 : i32
      %add3A_412 = arith.addi %mul3A_410, %add3A_411 : i32
      %mul3A_413 = arith.constant 8 : i32
      %mul3A_414 = arith.muli %add3A_412, %mul3A_413 : i32
      %add3A_415 = arith.constant 0 : i32
      %add3A_416 = arith.addi %mul3A_414, %add3A_415 : i32
      %dma_start3A_417 = arith.constant 0 : i32
      %dma_start3A_418 = arith.constant 0 : i32
      %dma_start3A_419 = arith.constant 0 : i32
      %dma_start3A_420 = tpu.memref_slice %arg5[%dma_start3A_417, %dma_start3A_418, %dma_start3A_419] : memref<2x4x100096xf32, #tpu.memory_space<vmem_shared>> -> memref<1x4x100096xf32, #tpu.memory_space<vmem_shared>>
      %dma_start3A_421 = tpu.memref_squeeze %dma_start3A_420 : memref<1x4x100096xf32, #tpu.memory_space<vmem_shared>> -> memref<4x100096xf32, #tpu.memory_space<vmem_shared>>
      %dma_start3A_422 = arith.constant 0 : i32
      %dma_start3A_423 = tpu.memref_slice %arg2[%add3A_416, %dma_start3A_422] : memref<64x100096xf32, #tpu.memory_space<hbm>> -> memref<4x100096xf32, #tpu.memory_space<hbm>>
      tpu.enqueue_dma source(%dma_start3A_423 : memref<4x100096xf32, #tpu.memory_space<hbm>>) target(%dma_start3A_421 : memref<4x100096xf32, #tpu.memory_space<vmem_shared>>) target_semaphore(%arg10 : memref<!tpu.dma_semaphore, #tpu.memory_space<semaphore_mem>>)
    } else {
    }
    %eq3A_86 = arith.constant 0 : i32
    %eq3A_87 = arith.cmpi eq, %arg1, %eq3A_86 : i32
    %convert_element_type3A_88 = arith.extui %eq3A_87 : i1 to i32
    %cond3A_89 = arith.constant 0 : i32
    %cond3A_90 = arith.cmpi ne, %convert_element_type3A_88, %cond3A_89 : i32
    scf.if %cond3A_90 {
      %mul3A_409 = arith.constant 4 : i32
      %mul3A_410 = arith.muli %arg0, %mul3A_409 : i32
      %add3A_411 = arith.constant 0 : i32
      %add3A_412 = arith.addi %mul3A_410, %add3A_411 : i32
      %mul3A_413 = arith.constant 8 : i32
      %mul3A_414 = arith.muli %add3A_412, %mul3A_413 : i32
      %add3A_415 = arith.constant 4 : i32
      %add3A_416 = arith.addi %mul3A_414, %add3A_415 : i32
      %dma_wait3A_417 = arith.constant 1 : i32
      %dma_wait3A_418 = arith.constant 0 : i32
      %dma_wait3A_419 = arith.constant 0 : i32
      %dma_wait3A_420 = tpu.memref_slice %arg5[%dma_wait3A_417, %dma_wait3A_418, %dma_wait3A_419] : memref<2x4x100096xf32, #tpu.memory_space<vmem_shared>> -> memref<1x4x100096xf32, #tpu.memory_space<vmem_shared>>
      %dma_wait3A_421 = tpu.memref_squeeze %dma_wait3A_420 : memref<1x4x100096xf32, #tpu.memory_space<vmem_shared>> -> memref<4x100096xf32, #tpu.memory_space<vmem_shared>>
      %dma_wait3A_422 = arith.constant 0 : i32
      %dma_wait3A_423 = tpu.memref_slice %arg2[%add3A_416, %dma_wait3A_422] : memref<64x100096xf32, #tpu.memory_space<hbm>> -> memref<4x100096xf32, #tpu.memory_space<hbm>>
      tpu.wait_dma2 semaphore(%arg11 : memref<!tpu.dma_semaphore, #tpu.memory_space<semaphore_mem>>) src(%dma_wait3A_423 : memref<4x100096xf32, #tpu.memory_space<hbm>>) dst(%dma_wait3A_421 : memref<4x100096xf32, #tpu.memory_space<vmem_shared>>)
    } else {
    }
    %barrier3A_91 = arith.constant 0 : index
    tpu.barrier barrier_id(%barrier3A_91)
    %dma_start3A_92 = arith.constant 1 : i32
    %dma_start3A_93 = arith.constant 0 : i32
    %dma_start3A_94 = tpu.memref_slice %arg5[%dma_start3A_92, %select_n3A_7, %dma_start3A_93] : memref<2x4x100096xf32, #tpu.memory_space<vmem_shared>> -> memref<1x1x100096xf32, #tpu.memory_space<vmem_shared>>
    %dma_start3A_95 = tpu.memref_squeeze %dma_start3A_94 : memref<1x1x100096xf32, #tpu.memory_space<vmem_shared>> -> memref<100096xf32, #tpu.memory_space<vmem_shared>>
    %dma_start3A_96 = arith.constant 0 : i32
    %dma_start3A_97 = tpu.memref_slice %dma_start3A_95[%dma_start3A_96] : memref<100096xf32, #tpu.memory_space<vmem_shared>> -> memref<100096xf32, #tpu.memory_space<vmem_shared>>
    tpu.enqueue_indirect_dma source(%dma_start3A_97 : memref<100096xf32, #tpu.memory_space<vmem_shared>>) target(%arg9 : memref<4096xf32, #tpu.memory_space<vmem>>) offsets(%arg6 : memref<4096xi32, #tpu.memory_space<vmem>>) semaphore(%arg15 : memref<!tpu.dma_semaphore, #tpu.memory_space<semaphore_mem>>)
    %dma_wait3A_98 = arith.constant 1 : i32
    %dma_wait3A_99 = arith.constant 0 : i32
    %dma_wait3A_100 = tpu.memref_slice %arg5[%dma_wait3A_98, %select_n3A_7, %dma_wait3A_99] : memref<2x4x100096xf32, #tpu.memory_space<vmem_shared>> -> memref<1x1x100096xf32, #tpu.memory_space<vmem_shared>>
    %dma_wait3A_101 = tpu.memref_squeeze %dma_wait3A_100 : memref<1x1x100096xf32, #tpu.memory_space<vmem_shared>> -> memref<100096xf32, #tpu.memory_space<vmem_shared>>
    %dma_wait3A_102 = arith.constant 0 : i32
    %dma_wait3A_103 = tpu.memref_slice %dma_wait3A_101[%dma_wait3A_102] : memref<100096xf32, #tpu.memory_space<vmem_shared>> -> memref<100096xf32, #tpu.memory_space<vmem_shared>>
    tpu.wait_indirect_dma semaphore(%arg15 : memref<!tpu.dma_semaphore, #tpu.memory_space<semaphore_mem>>) src(%dma_wait3A_103 : memref<100096xf32, #tpu.memory_space<vmem_shared>>) dst(%arg9 : memref<4096xf32, #tpu.memory_space<vmem>>)
    %mul3A_104 = arith.constant 4 : i32
    %mul3A_105 = arith.muli %arg0, %mul3A_104 : i32
    %add3A_106 = arith.constant 0 : i32
    %add3A_107 = arith.addi %mul3A_105, %add3A_106 : i32
    %mul3A_108 = arith.constant 8 : i32
    %mul3A_109 = arith.muli %add3A_107, %mul3A_108 : i32
    %add3A_110 = arith.constant 4 : i32
    %add3A_111 = arith.addi %mul3A_109, %add3A_110 : i32
    %add3A_112 = arith.addi %add3A_111, %select_n3A_7 : i32
    %dma_start3A_113 = tpu.memref_slice %arg4[%add3A_112, %mul3A_29] : memref<64x16384xf32, #tpu.memory_space<hbm>> -> memref<1x4096xf32, #tpu.memory_space<hbm>>
    %dma_start3A_114 = tpu.memref_squeeze %dma_start3A_113 : memref<1x4096xf32, #tpu.memory_space<hbm>> -> memref<4096xf32, #tpu.memory_space<hbm>>
    %dma_start3A_115 = tpu.memref_slice %arg4[%add3A_112, %mul3A_29] : memref<64x16384xf32, #tpu.memory_space<hbm>> -> memref<1x4096xf32, #tpu.memory_space<hbm>>
    %dma_start3A_116 = tpu.memref_squeeze %dma_start3A_115 : memref<1x4096xf32, #tpu.memory_space<hbm>> -> memref<4096xf32, #tpu.memory_space<hbm>>
    tpu.enqueue_dma source(%arg9 : memref<4096xf32, #tpu.memory_space<vmem>>) target(%dma_start3A_116 : memref<4096xf32, #tpu.memory_space<hbm>>) target_semaphore(%arg17 : memref<!tpu.dma_semaphore, #tpu.memory_space<semaphore_mem>>)
    %mul3A_117 = arith.constant 4 : i32
    %mul3A_118 = arith.muli %arg0, %mul3A_117 : i32
    %add3A_119 = arith.constant 1 : i32
    %add3A_120 = arith.addi %mul3A_118, %add3A_119 : i32
    %add3A_121 = arith.constant 2 : i32
    %add3A_122 = arith.addi %add3A_121, %add3A_120 : i32
    %dma_start3A_123 = tpu.memref_slice %arg3[%add3A_122, %mul3A_29] : memref<26x16384xi32, #tpu.memory_space<hbm>> -> memref<1x4096xi32, #tpu.memory_space<hbm>>
    %dma_start3A_124 = tpu.memref_squeeze %dma_start3A_123 : memref<1x4096xi32, #tpu.memory_space<hbm>> -> memref<4096xi32, #tpu.memory_space<hbm>>
    %dma_start3A_125 = tpu.memref_slice %arg3[%add3A_122, %mul3A_29] : memref<26x16384xi32, #tpu.memory_space<hbm>> -> memref<1x4096xi32, #tpu.memory_space<hbm>>
    %dma_start3A_126 = tpu.memref_squeeze %dma_start3A_125 : memref<1x4096xi32, #tpu.memory_space<hbm>> -> memref<4096xi32, #tpu.memory_space<hbm>>
    tpu.enqueue_dma source(%dma_start3A_126 : memref<4096xi32, #tpu.memory_space<hbm>>) target(%arg7 : memref<4096xi32, #tpu.memory_space<vmem>>) target_semaphore(%arg13 : memref<!tpu.dma_semaphore, #tpu.memory_space<semaphore_mem>>)
    %barrier3A_127 = arith.constant 0 : index
    tpu.barrier barrier_id(%barrier3A_127)
    %eq3A_128 = arith.constant 0 : i32
    %eq3A_129 = arith.cmpi eq, %arg1, %eq3A_128 : i32
    %convert_element_type3A_130 = arith.extui %eq3A_129 : i1 to i32
    %cond3A_131 = arith.constant 0 : i32
    %cond3A_132 = arith.cmpi ne, %convert_element_type3A_130, %cond3A_131 : i32
    scf.if %cond3A_132 {
      %mul3A_409 = arith.constant 4 : i32
      %mul3A_410 = arith.muli %arg0, %mul3A_409 : i32
      %add3A_411 = arith.constant 1 : i32
      %add3A_412 = arith.addi %mul3A_410, %add3A_411 : i32
      %mul3A_413 = arith.constant 8 : i32
      %mul3A_414 = arith.muli %add3A_412, %mul3A_413 : i32
      %add3A_415 = arith.constant 4 : i32
      %add3A_416 = arith.addi %mul3A_414, %add3A_415 : i32
      %dma_start3A_417 = arith.constant 1 : i32
      %dma_start3A_418 = arith.constant 0 : i32
      %dma_start3A_419 = arith.constant 0 : i32
      %dma_start3A_420 = tpu.memref_slice %arg5[%dma_start3A_417, %dma_start3A_418, %dma_start3A_419] : memref<2x4x100096xf32, #tpu.memory_space<vmem_shared>> -> memref<1x4x100096xf32, #tpu.memory_space<vmem_shared>>
      %dma_start3A_421 = tpu.memref_squeeze %dma_start3A_420 : memref<1x4x100096xf32, #tpu.memory_space<vmem_shared>> -> memref<4x100096xf32, #tpu.memory_space<vmem_shared>>
      %dma_start3A_422 = arith.constant 0 : i32
      %dma_start3A_423 = tpu.memref_slice %arg2[%add3A_416, %dma_start3A_422] : memref<64x100096xf32, #tpu.memory_space<hbm>> -> memref<4x100096xf32, #tpu.memory_space<hbm>>
      tpu.enqueue_dma source(%dma_start3A_423 : memref<4x100096xf32, #tpu.memory_space<hbm>>) target(%dma_start3A_421 : memref<4x100096xf32, #tpu.memory_space<vmem_shared>>) target_semaphore(%arg11 : memref<!tpu.dma_semaphore, #tpu.memory_space<semaphore_mem>>)
    } else {
    }
    %eq3A_133 = arith.constant 0 : i32
    %eq3A_134 = arith.cmpi eq, %arg1, %eq3A_133 : i32
    %convert_element_type3A_135 = arith.extui %eq3A_134 : i1 to i32
    %cond3A_136 = arith.constant 0 : i32
    %cond3A_137 = arith.cmpi ne, %convert_element_type3A_135, %cond3A_136 : i32
    scf.if %cond3A_137 {
      %mul3A_409 = arith.constant 4 : i32
      %mul3A_410 = arith.muli %arg0, %mul3A_409 : i32
      %add3A_411 = arith.constant 1 : i32
      %add3A_412 = arith.addi %mul3A_410, %add3A_411 : i32
      %mul3A_413 = arith.constant 8 : i32
      %mul3A_414 = arith.muli %add3A_412, %mul3A_413 : i32
      %add3A_415 = arith.constant 0 : i32
      %add3A_416 = arith.addi %mul3A_414, %add3A_415 : i32
      %dma_wait3A_417 = arith.constant 0 : i32
      %dma_wait3A_418 = arith.constant 0 : i32
      %dma_wait3A_419 = arith.constant 0 : i32
      %dma_wait3A_420 = tpu.memref_slice %arg5[%dma_wait3A_417, %dma_wait3A_418, %dma_wait3A_419] : memref<2x4x100096xf32, #tpu.memory_space<vmem_shared>> -> memref<1x4x100096xf32, #tpu.memory_space<vmem_shared>>
      %dma_wait3A_421 = tpu.memref_squeeze %dma_wait3A_420 : memref<1x4x100096xf32, #tpu.memory_space<vmem_shared>> -> memref<4x100096xf32, #tpu.memory_space<vmem_shared>>
      %dma_wait3A_422 = arith.constant 0 : i32
      %dma_wait3A_423 = tpu.memref_slice %arg2[%add3A_416, %dma_wait3A_422] : memref<64x100096xf32, #tpu.memory_space<hbm>> -> memref<4x100096xf32, #tpu.memory_space<hbm>>
      tpu.wait_dma2 semaphore(%arg10 : memref<!tpu.dma_semaphore, #tpu.memory_space<semaphore_mem>>) src(%dma_wait3A_423 : memref<4x100096xf32, #tpu.memory_space<hbm>>) dst(%dma_wait3A_421 : memref<4x100096xf32, #tpu.memory_space<vmem_shared>>)
    } else {
    }
    %dma_wait3A_138 = tpu.memref_slice %arg3[%add3A_122, %mul3A_29] : memref<26x16384xi32, #tpu.memory_space<hbm>> -> memref<1x4096xi32, #tpu.memory_space<hbm>>
    %dma_wait3A_139 = tpu.memref_squeeze %dma_wait3A_138 : memref<1x4096xi32, #tpu.memory_space<hbm>> -> memref<4096xi32, #tpu.memory_space<hbm>>
    %dma_wait3A_140 = tpu.memref_slice %arg3[%add3A_122, %mul3A_29] : memref<26x16384xi32, #tpu.memory_space<hbm>> -> memref<1x4096xi32, #tpu.memory_space<hbm>>
    %dma_wait3A_141 = tpu.memref_squeeze %dma_wait3A_140 : memref<1x4096xi32, #tpu.memory_space<hbm>> -> memref<4096xi32, #tpu.memory_space<hbm>>
    tpu.wait_dma2 semaphore(%arg13 : memref<!tpu.dma_semaphore, #tpu.memory_space<semaphore_mem>>) src(%dma_wait3A_141 : memref<4096xi32, #tpu.memory_space<hbm>>) dst(%arg7 : memref<4096xi32, #tpu.memory_space<vmem>>)
    %barrier3A_142 = arith.constant 0 : index
    tpu.barrier barrier_id(%barrier3A_142)
    %dma_wait3A_143 = tpu.memref_slice %arg4[%add3A_75, %mul3A_29] : memref<64x16384xf32, #tpu.memory_space<hbm>> -> memref<1x4096xf32, #tpu.memory_space<hbm>>
    %dma_wait3A_144 = tpu.memref_squeeze %dma_wait3A_143 : memref<1x4096xf32, #tpu.memory_space<hbm>> -> memref<4096xf32, #tpu.memory_space<hbm>>
    %dma_wait3A_145 = tpu.memref_slice %arg4[%add3A_75, %mul3A_29] : memref<64x16384xf32, #tpu.memory_space<hbm>> -> memref<1x4096xf32, #tpu.memory_space<hbm>>
    %dma_wait3A_146 = tpu.memref_squeeze %dma_wait3A_145 : memref<1x4096xf32, #tpu.memory_space<hbm>> -> memref<4096xf32, #tpu.memory_space<hbm>>
    tpu.wait_dma2 semaphore(%arg16 : memref<!tpu.dma_semaphore, #tpu.memory_space<semaphore_mem>>) src(%arg8 : memref<4096xf32, #tpu.memory_space<vmem>>) dst(%dma_wait3A_146 : memref<4096xf32, #tpu.memory_space<hbm>>)
    %dma_start3A_147 = arith.constant 0 : i32
    %dma_start3A_148 = arith.constant 0 : i32
    %dma_start3A_149 = tpu.memref_slice %arg5[%dma_start3A_147, %select_n3A_7, %dma_start3A_148] : memref<2x4x100096xf32, #tpu.memory_space<vmem_shared>> -> memref<1x1x100096xf32, #tpu.memory_space<vmem_shared>>
    %dma_start3A_150 = tpu.memref_squeeze %dma_start3A_149 : memref<1x1x100096xf32, #tpu.memory_space<vmem_shared>> -> memref<100096xf32, #tpu.memory_space<vmem_shared>>
    %dma_start3A_151 = arith.constant 0 : i32
    %dma_start3A_152 = tpu.memref_slice %dma_start3A_150[%dma_start3A_151] : memref<100096xf32, #tpu.memory_space<vmem_shared>> -> memref<100096xf32, #tpu.memory_space<vmem_shared>>
    tpu.enqueue_indirect_dma source(%dma_start3A_152 : memref<100096xf32, #tpu.memory_space<vmem_shared>>) target(%arg8 : memref<4096xf32, #tpu.memory_space<vmem>>) offsets(%arg7 : memref<4096xi32, #tpu.memory_space<vmem>>) semaphore(%arg14 : memref<!tpu.dma_semaphore, #tpu.memory_space<semaphore_mem>>)
    %dma_wait3A_153 = arith.constant 0 : i32
    %dma_wait3A_154 = arith.constant 0 : i32
    %dma_wait3A_155 = tpu.memref_slice %arg5[%dma_wait3A_153, %select_n3A_7, %dma_wait3A_154] : memref<2x4x100096xf32, #tpu.memory_space<vmem_shared>> -> memref<1x1x100096xf32, #tpu.memory_space<vmem_shared>>
    %dma_wait3A_156 = tpu.memref_squeeze %dma_wait3A_155 : memref<1x1x100096xf32, #tpu.memory_space<vmem_shared>> -> memref<100096xf32, #tpu.memory_space<vmem_shared>>
    %dma_wait3A_157 = arith.constant 0 : i32
    %dma_wait3A_158 = tpu.memref_slice %dma_wait3A_156[%dma_wait3A_157] : memref<100096xf32, #tpu.memory_space<vmem_shared>> -> memref<100096xf32, #tpu.memory_space<vmem_shared>>
    tpu.wait_indirect_dma semaphore(%arg14 : memref<!tpu.dma_semaphore, #tpu.memory_space<semaphore_mem>>) src(%dma_wait3A_158 : memref<100096xf32, #tpu.memory_space<vmem_shared>>) dst(%arg8 : memref<4096xf32, #tpu.memory_space<vmem>>)
    %mul3A_159 = arith.constant 4 : i32
    %mul3A_160 = arith.muli %arg0, %mul3A_159 : i32
    %add3A_161 = arith.constant 1 : i32
    %add3A_162 = arith.addi %mul3A_160, %add3A_161 : i32
    %mul3A_163 = arith.constant 8 : i32
    %mul3A_164 = arith.muli %add3A_162, %mul3A_163 : i32
    %add3A_165 = arith.constant 0 : i32
    %add3A_166 = arith.addi %mul3A_164, %add3A_165 : i32
    %add3A_167 = arith.addi %add3A_166, %select_n3A_7 : i32
    %dma_start3A_168 = tpu.memref_slice %arg4[%add3A_167, %mul3A_29] : memref<64x16384xf32, #tpu.memory_space<hbm>> -> memref<1x4096xf32, #tpu.memory_space<hbm>>
    %dma_start3A_169 = tpu.memref_squeeze %dma_start3A_168 : memref<1x4096xf32, #tpu.memory_space<hbm>> -> memref<4096xf32, #tpu.memory_space<hbm>>
    %dma_start3A_170 = tpu.memref_slice %arg4[%add3A_167, %mul3A_29] : memref<64x16384xf32, #tpu.memory_space<hbm>> -> memref<1x4096xf32, #tpu.memory_space<hbm>>
    %dma_start3A_171 = tpu.memref_squeeze %dma_start3A_170 : memref<1x4096xf32, #tpu.memory_space<hbm>> -> memref<4096xf32, #tpu.memory_space<hbm>>
    tpu.enqueue_dma source(%arg8 : memref<4096xf32, #tpu.memory_space<vmem>>) target(%dma_start3A_171 : memref<4096xf32, #tpu.memory_space<hbm>>) target_semaphore(%arg16 : memref<!tpu.dma_semaphore, #tpu.memory_space<semaphore_mem>>)
    %barrier3A_172 = arith.constant 0 : index
    tpu.barrier barrier_id(%barrier3A_172)
    %eq3A_173 = arith.constant 0 : i32
    %eq3A_174 = arith.cmpi eq, %arg1, %eq3A_173 : i32
    %convert_element_type3A_175 = arith.extui %eq3A_174 : i1 to i32
    %cond3A_176 = arith.constant 0 : i32
    %cond3A_177 = arith.cmpi ne, %convert_element_type3A_175, %cond3A_176 : i32
    scf.if %cond3A_177 {
      %mul3A_409 = arith.constant 4 : i32
      %mul3A_410 = arith.muli %arg0, %mul3A_409 : i32
      %add3A_411 = arith.constant 2 : i32
      %add3A_412 = arith.addi %mul3A_410, %add3A_411 : i32
      %mul3A_413 = arith.constant 8 : i32
      %mul3A_414 = arith.muli %add3A_412, %mul3A_413 : i32
      %add3A_415 = arith.constant 0 : i32
      %add3A_416 = arith.addi %mul3A_414, %add3A_415 : i32
      %dma_start3A_417 = arith.constant 0 : i32
      %dma_start3A_418 = arith.constant 0 : i32
      %dma_start3A_419 = arith.constant 0 : i32
      %dma_start3A_420 = tpu.memref_slice %arg5[%dma_start3A_417, %dma_start3A_418, %dma_start3A_419] : memref<2x4x100096xf32, #tpu.memory_space<vmem_shared>> -> memref<1x4x100096xf32, #tpu.memory_space<vmem_shared>>
      %dma_start3A_421 = tpu.memref_squeeze %dma_start3A_420 : memref<1x4x100096xf32, #tpu.memory_space<vmem_shared>> -> memref<4x100096xf32, #tpu.memory_space<vmem_shared>>
      %dma_start3A_422 = arith.constant 0 : i32
      %dma_start3A_423 = tpu.memref_slice %arg2[%add3A_416, %dma_start3A_422] : memref<64x100096xf32, #tpu.memory_space<hbm>> -> memref<4x100096xf32, #tpu.memory_space<hbm>>
      tpu.enqueue_dma source(%dma_start3A_423 : memref<4x100096xf32, #tpu.memory_space<hbm>>) target(%dma_start3A_421 : memref<4x100096xf32, #tpu.memory_space<vmem_shared>>) target_semaphore(%arg10 : memref<!tpu.dma_semaphore, #tpu.memory_space<semaphore_mem>>)
    } else {
    }
    %eq3A_178 = arith.constant 0 : i32
    %eq3A_179 = arith.cmpi eq, %arg1, %eq3A_178 : i32
    %convert_element_type3A_180 = arith.extui %eq3A_179 : i1 to i32
    %cond3A_181 = arith.constant 0 : i32
    %cond3A_182 = arith.cmpi ne, %convert_element_type3A_180, %cond3A_181 : i32
    scf.if %cond3A_182 {
      %mul3A_409 = arith.constant 4 : i32
      %mul3A_410 = arith.muli %arg0, %mul3A_409 : i32
      %add3A_411 = arith.constant 1 : i32
      %add3A_412 = arith.addi %mul3A_410, %add3A_411 : i32
      %mul3A_413 = arith.constant 8 : i32
      %mul3A_414 = arith.muli %add3A_412, %mul3A_413 : i32
      %add3A_415 = arith.constant 4 : i32
      %add3A_416 = arith.addi %mul3A_414, %add3A_415 : i32
      %dma_wait3A_417 = arith.constant 1 : i32
      %dma_wait3A_418 = arith.constant 0 : i32
      %dma_wait3A_419 = arith.constant 0 : i32
      %dma_wait3A_420 = tpu.memref_slice %arg5[%dma_wait3A_417, %dma_wait3A_418, %dma_wait3A_419] : memref<2x4x100096xf32, #tpu.memory_space<vmem_shared>> -> memref<1x4x100096xf32, #tpu.memory_space<vmem_shared>>
      %dma_wait3A_421 = tpu.memref_squeeze %dma_wait3A_420 : memref<1x4x100096xf32, #tpu.memory_space<vmem_shared>> -> memref<4x100096xf32, #tpu.memory_space<vmem_shared>>
      %dma_wait3A_422 = arith.constant 0 : i32
      %dma_wait3A_423 = tpu.memref_slice %arg2[%add3A_416, %dma_wait3A_422] : memref<64x100096xf32, #tpu.memory_space<hbm>> -> memref<4x100096xf32, #tpu.memory_space<hbm>>
      tpu.wait_dma2 semaphore(%arg11 : memref<!tpu.dma_semaphore, #tpu.memory_space<semaphore_mem>>) src(%dma_wait3A_423 : memref<4x100096xf32, #tpu.memory_space<hbm>>) dst(%dma_wait3A_421 : memref<4x100096xf32, #tpu.memory_space<vmem_shared>>)
    } else {
    }
    %barrier3A_183 = arith.constant 0 : index
    tpu.barrier barrier_id(%barrier3A_183)
    %dma_wait3A_184 = tpu.memref_slice %arg4[%add3A_112, %mul3A_29] : memref<64x16384xf32, #tpu.memory_space<hbm>> -> memref<1x4096xf32, #tpu.memory_space<hbm>>
    %dma_wait3A_185 = tpu.memref_squeeze %dma_wait3A_184 : memref<1x4096xf32, #tpu.memory_space<hbm>> -> memref<4096xf32, #tpu.memory_space<hbm>>
    %dma_wait3A_186 = tpu.memref_slice %arg4[%add3A_112, %mul3A_29] : memref<64x16384xf32, #tpu.memory_space<hbm>> -> memref<1x4096xf32, #tpu.memory_space<hbm>>
    %dma_wait3A_187 = tpu.memref_squeeze %dma_wait3A_186 : memref<1x4096xf32, #tpu.memory_space<hbm>> -> memref<4096xf32, #tpu.memory_space<hbm>>
    tpu.wait_dma2 semaphore(%arg17 : memref<!tpu.dma_semaphore, #tpu.memory_space<semaphore_mem>>) src(%arg9 : memref<4096xf32, #tpu.memory_space<vmem>>) dst(%dma_wait3A_187 : memref<4096xf32, #tpu.memory_space<hbm>>)
    %dma_start3A_188 = arith.constant 1 : i32
    %dma_start3A_189 = arith.constant 0 : i32
    %dma_start3A_190 = tpu.memref_slice %arg5[%dma_start3A_188, %select_n3A_7, %dma_start3A_189] : memref<2x4x100096xf32, #tpu.memory_space<vmem_shared>> -> memref<1x1x100096xf32, #tpu.memory_space<vmem_shared>>
    %dma_start3A_191 = tpu.memref_squeeze %dma_start3A_190 : memref<1x1x100096xf32, #tpu.memory_space<vmem_shared>> -> memref<100096xf32, #tpu.memory_space<vmem_shared>>
    %dma_start3A_192 = arith.constant 0 : i32
    %dma_start3A_193 = tpu.memref_slice %dma_start3A_191[%dma_start3A_192] : memref<100096xf32, #tpu.memory_space<vmem_shared>> -> memref<100096xf32, #tpu.memory_space<vmem_shared>>
    tpu.enqueue_indirect_dma source(%dma_start3A_193 : memref<100096xf32, #tpu.memory_space<vmem_shared>>) target(%arg9 : memref<4096xf32, #tpu.memory_space<vmem>>) offsets(%arg7 : memref<4096xi32, #tpu.memory_space<vmem>>) semaphore(%arg15 : memref<!tpu.dma_semaphore, #tpu.memory_space<semaphore_mem>>)
    %dma_wait3A_194 = arith.constant 1 : i32
    %dma_wait3A_195 = arith.constant 0 : i32
    %dma_wait3A_196 = tpu.memref_slice %arg5[%dma_wait3A_194, %select_n3A_7, %dma_wait3A_195] : memref<2x4x100096xf32, #tpu.memory_space<vmem_shared>> -> memref<1x1x100096xf32, #tpu.memory_space<vmem_shared>>
    %dma_wait3A_197 = tpu.memref_squeeze %dma_wait3A_196 : memref<1x1x100096xf32, #tpu.memory_space<vmem_shared>> -> memref<100096xf32, #tpu.memory_space<vmem_shared>>
    %dma_wait3A_198 = arith.constant 0 : i32
    %dma_wait3A_199 = tpu.memref_slice %dma_wait3A_197[%dma_wait3A_198] : memref<100096xf32, #tpu.memory_space<vmem_shared>> -> memref<100096xf32, #tpu.memory_space<vmem_shared>>
    tpu.wait_indirect_dma semaphore(%arg15 : memref<!tpu.dma_semaphore, #tpu.memory_space<semaphore_mem>>) src(%dma_wait3A_199 : memref<100096xf32, #tpu.memory_space<vmem_shared>>) dst(%arg9 : memref<4096xf32, #tpu.memory_space<vmem>>)
    %mul3A_200 = arith.constant 4 : i32
    %mul3A_201 = arith.muli %arg0, %mul3A_200 : i32
    %add3A_202 = arith.constant 1 : i32
    %add3A_203 = arith.addi %mul3A_201, %add3A_202 : i32
    %mul3A_204 = arith.constant 8 : i32
    %mul3A_205 = arith.muli %add3A_203, %mul3A_204 : i32
    %add3A_206 = arith.constant 4 : i32
    %add3A_207 = arith.addi %mul3A_205, %add3A_206 : i32
    %add3A_208 = arith.addi %add3A_207, %select_n3A_7 : i32
    %dma_start3A_209 = tpu.memref_slice %arg4[%add3A_208, %mul3A_29] : memref<64x16384xf32, #tpu.memory_space<hbm>> -> memref<1x4096xf32, #tpu.memory_space<hbm>>
    %dma_start3A_210 = tpu.memref_squeeze %dma_start3A_209 : memref<1x4096xf32, #tpu.memory_space<hbm>> -> memref<4096xf32, #tpu.memory_space<hbm>>
    %dma_start3A_211 = tpu.memref_slice %arg4[%add3A_208, %mul3A_29] : memref<64x16384xf32, #tpu.memory_space<hbm>> -> memref<1x4096xf32, #tpu.memory_space<hbm>>
    %dma_start3A_212 = tpu.memref_squeeze %dma_start3A_211 : memref<1x4096xf32, #tpu.memory_space<hbm>> -> memref<4096xf32, #tpu.memory_space<hbm>>
    tpu.enqueue_dma source(%arg9 : memref<4096xf32, #tpu.memory_space<vmem>>) target(%dma_start3A_212 : memref<4096xf32, #tpu.memory_space<hbm>>) target_semaphore(%arg17 : memref<!tpu.dma_semaphore, #tpu.memory_space<semaphore_mem>>)
    %mul3A_213 = arith.constant 4 : i32
    %mul3A_214 = arith.muli %arg0, %mul3A_213 : i32
    %add3A_215 = arith.constant 2 : i32
    %add3A_216 = arith.addi %mul3A_214, %add3A_215 : i32
    %add3A_217 = arith.constant 2 : i32
    %add3A_218 = arith.addi %add3A_217, %add3A_216 : i32
    %dma_start3A_219 = tpu.memref_slice %arg3[%add3A_218, %mul3A_29] : memref<26x16384xi32, #tpu.memory_space<hbm>> -> memref<1x4096xi32, #tpu.memory_space<hbm>>
    %dma_start3A_220 = tpu.memref_squeeze %dma_start3A_219 : memref<1x4096xi32, #tpu.memory_space<hbm>> -> memref<4096xi32, #tpu.memory_space<hbm>>
    %dma_start3A_221 = tpu.memref_slice %arg3[%add3A_218, %mul3A_29] : memref<26x16384xi32, #tpu.memory_space<hbm>> -> memref<1x4096xi32, #tpu.memory_space<hbm>>
    %dma_start3A_222 = tpu.memref_squeeze %dma_start3A_221 : memref<1x4096xi32, #tpu.memory_space<hbm>> -> memref<4096xi32, #tpu.memory_space<hbm>>
    tpu.enqueue_dma source(%dma_start3A_222 : memref<4096xi32, #tpu.memory_space<hbm>>) target(%arg6 : memref<4096xi32, #tpu.memory_space<vmem>>) target_semaphore(%arg12 : memref<!tpu.dma_semaphore, #tpu.memory_space<semaphore_mem>>)
    %barrier3A_223 = arith.constant 0 : index
    tpu.barrier barrier_id(%barrier3A_223)
    %eq3A_224 = arith.constant 0 : i32
    %eq3A_225 = arith.cmpi eq, %arg1, %eq3A_224 : i32
    %convert_element_type3A_226 = arith.extui %eq3A_225 : i1 to i32
    %cond3A_227 = arith.constant 0 : i32
    %cond3A_228 = arith.cmpi ne, %convert_element_type3A_226, %cond3A_227 : i32
    scf.if %cond3A_228 {
      %mul3A_409 = arith.constant 4 : i32
      %mul3A_410 = arith.muli %arg0, %mul3A_409 : i32
      %add3A_411 = arith.constant 2 : i32
      %add3A_412 = arith.addi %mul3A_410, %add3A_411 : i32
      %mul3A_413 = arith.constant 8 : i32
      %mul3A_414 = arith.muli %add3A_412, %mul3A_413 : i32
      %add3A_415 = arith.constant 4 : i32
      %add3A_416 = arith.addi %mul3A_414, %add3A_415 : i32
      %dma_start3A_417 = arith.constant 1 : i32
      %dma_start3A_418 = arith.constant 0 : i32
      %dma_start3A_419 = arith.constant 0 : i32
      %dma_start3A_420 = tpu.memref_slice %arg5[%dma_start3A_417, %dma_start3A_418, %dma_start3A_419] : memref<2x4x100096xf32, #tpu.memory_space<vmem_shared>> -> memref<1x4x100096xf32, #tpu.memory_space<vmem_shared>>
      %dma_start3A_421 = tpu.memref_squeeze %dma_start3A_420 : memref<1x4x100096xf32, #tpu.memory_space<vmem_shared>> -> memref<4x100096xf32, #tpu.memory_space<vmem_shared>>
      %dma_start3A_422 = arith.constant 0 : i32
      %dma_start3A_423 = tpu.memref_slice %arg2[%add3A_416, %dma_start3A_422] : memref<64x100096xf32, #tpu.memory_space<hbm>> -> memref<4x100096xf32, #tpu.memory_space<hbm>>
      tpu.enqueue_dma source(%dma_start3A_423 : memref<4x100096xf32, #tpu.memory_space<hbm>>) target(%dma_start3A_421 : memref<4x100096xf32, #tpu.memory_space<vmem_shared>>) target_semaphore(%arg11 : memref<!tpu.dma_semaphore, #tpu.memory_space<semaphore_mem>>)
    } else {
    }
    %eq3A_229 = arith.constant 0 : i32
    %eq3A_230 = arith.cmpi eq, %arg1, %eq3A_229 : i32
    %convert_element_type3A_231 = arith.extui %eq3A_230 : i1 to i32
    %cond3A_232 = arith.constant 0 : i32
    %cond3A_233 = arith.cmpi ne, %convert_element_type3A_231, %cond3A_232 : i32
    scf.if %cond3A_233 {
      %mul3A_409 = arith.constant 4 : i32
      %mul3A_410 = arith.muli %arg0, %mul3A_409 : i32
      %add3A_411 = arith.constant 2 : i32
      %add3A_412 = arith.addi %mul3A_410, %add3A_411 : i32
      %mul3A_413 = arith.constant 8 : i32
      %mul3A_414 = arith.muli %add3A_412, %mul3A_413 : i32
      %add3A_415 = arith.constant 0 : i32
      %add3A_416 = arith.addi %mul3A_414, %add3A_415 : i32
      %dma_wait3A_417 = arith.constant 0 : i32
      %dma_wait3A_418 = arith.constant 0 : i32
      %dma_wait3A_419 = arith.constant 0 : i32
      %dma_wait3A_420 = tpu.memref_slice %arg5[%dma_wait3A_417, %dma_wait3A_418, %dma_wait3A_419] : memref<2x4x100096xf32, #tpu.memory_space<vmem_shared>> -> memref<1x4x100096xf32, #tpu.memory_space<vmem_shared>>
      %dma_wait3A_421 = tpu.memref_squeeze %dma_wait3A_420 : memref<1x4x100096xf32, #tpu.memory_space<vmem_shared>> -> memref<4x100096xf32, #tpu.memory_space<vmem_shared>>
      %dma_wait3A_422 = arith.constant 0 : i32
      %dma_wait3A_423 = tpu.memref_slice %arg2[%add3A_416, %dma_wait3A_422] : memref<64x100096xf32, #tpu.memory_space<hbm>> -> memref<4x100096xf32, #tpu.memory_space<hbm>>
      tpu.wait_dma2 semaphore(%arg10 : memref<!tpu.dma_semaphore, #tpu.memory_space<semaphore_mem>>) src(%dma_wait3A_423 : memref<4x100096xf32, #tpu.memory_space<hbm>>) dst(%dma_wait3A_421 : memref<4x100096xf32, #tpu.memory_space<vmem_shared>>)
    } else {
    }
    %dma_wait3A_234 = tpu.memref_slice %arg3[%add3A_218, %mul3A_29] : memref<26x16384xi32, #tpu.memory_space<hbm>> -> memref<1x4096xi32, #tpu.memory_space<hbm>>
    %dma_wait3A_235 = tpu.memref_squeeze %dma_wait3A_234 : memref<1x4096xi32, #tpu.memory_space<hbm>> -> memref<4096xi32, #tpu.memory_space<hbm>>
    %dma_wait3A_236 = tpu.memref_slice %arg3[%add3A_218, %mul3A_29] : memref<26x16384xi32, #tpu.memory_space<hbm>> -> memref<1x4096xi32, #tpu.memory_space<hbm>>
    %dma_wait3A_237 = tpu.memref_squeeze %dma_wait3A_236 : memref<1x4096xi32, #tpu.memory_space<hbm>> -> memref<4096xi32, #tpu.memory_space<hbm>>
    tpu.wait_dma2 semaphore(%arg12 : memref<!tpu.dma_semaphore, #tpu.memory_space<semaphore_mem>>) src(%dma_wait3A_237 : memref<4096xi32, #tpu.memory_space<hbm>>) dst(%arg6 : memref<4096xi32, #tpu.memory_space<vmem>>)
    %barrier3A_238 = arith.constant 0 : index
    tpu.barrier barrier_id(%barrier3A_238)
    %dma_wait3A_239 = tpu.memref_slice %arg4[%add3A_167, %mul3A_29] : memref<64x16384xf32, #tpu.memory_space<hbm>> -> memref<1x4096xf32, #tpu.memory_space<hbm>>
    %dma_wait3A_240 = tpu.memref_squeeze %dma_wait3A_239 : memref<1x4096xf32, #tpu.memory_space<hbm>> -> memref<4096xf32, #tpu.memory_space<hbm>>
    %dma_wait3A_241 = tpu.memref_slice %arg4[%add3A_167, %mul3A_29] : memref<64x16384xf32, #tpu.memory_space<hbm>> -> memref<1x4096xf32, #tpu.memory_space<hbm>>
    %dma_wait3A_242 = tpu.memref_squeeze %dma_wait3A_241 : memref<1x4096xf32, #tpu.memory_space<hbm>> -> memref<4096xf32, #tpu.memory_space<hbm>>
    tpu.wait_dma2 semaphore(%arg16 : memref<!tpu.dma_semaphore, #tpu.memory_space<semaphore_mem>>) src(%arg8 : memref<4096xf32, #tpu.memory_space<vmem>>) dst(%dma_wait3A_242 : memref<4096xf32, #tpu.memory_space<hbm>>)
    %dma_start3A_243 = arith.constant 0 : i32
    %dma_start3A_244 = arith.constant 0 : i32
    %dma_start3A_245 = tpu.memref_slice %arg5[%dma_start3A_243, %select_n3A_7, %dma_start3A_244] : memref<2x4x100096xf32, #tpu.memory_space<vmem_shared>> -> memref<1x1x100096xf32, #tpu.memory_space<vmem_shared>>
    %dma_start3A_246 = tpu.memref_squeeze %dma_start3A_245 : memref<1x1x100096xf32, #tpu.memory_space<vmem_shared>> -> memref<100096xf32, #tpu.memory_space<vmem_shared>>
    %dma_start3A_247 = arith.constant 0 : i32
    %dma_start3A_248 = tpu.memref_slice %dma_start3A_246[%dma_start3A_247] : memref<100096xf32, #tpu.memory_space<vmem_shared>> -> memref<100096xf32, #tpu.memory_space<vmem_shared>>
    tpu.enqueue_indirect_dma source(%dma_start3A_248 : memref<100096xf32, #tpu.memory_space<vmem_shared>>) target(%arg8 : memref<4096xf32, #tpu.memory_space<vmem>>) offsets(%arg6 : memref<4096xi32, #tpu.memory_space<vmem>>) semaphore(%arg14 : memref<!tpu.dma_semaphore, #tpu.memory_space<semaphore_mem>>)
    %dma_wait3A_249 = arith.constant 0 : i32
    %dma_wait3A_250 = arith.constant 0 : i32
    %dma_wait3A_251 = tpu.memref_slice %arg5[%dma_wait3A_249, %select_n3A_7, %dma_wait3A_250] : memref<2x4x100096xf32, #tpu.memory_space<vmem_shared>> -> memref<1x1x100096xf32, #tpu.memory_space<vmem_shared>>
    %dma_wait3A_252 = tpu.memref_squeeze %dma_wait3A_251 : memref<1x1x100096xf32, #tpu.memory_space<vmem_shared>> -> memref<100096xf32, #tpu.memory_space<vmem_shared>>
    %dma_wait3A_253 = arith.constant 0 : i32
    %dma_wait3A_254 = tpu.memref_slice %dma_wait3A_252[%dma_wait3A_253] : memref<100096xf32, #tpu.memory_space<vmem_shared>> -> memref<100096xf32, #tpu.memory_space<vmem_shared>>
    tpu.wait_indirect_dma semaphore(%arg14 : memref<!tpu.dma_semaphore, #tpu.memory_space<semaphore_mem>>) src(%dma_wait3A_254 : memref<100096xf32, #tpu.memory_space<vmem_shared>>) dst(%arg8 : memref<4096xf32, #tpu.memory_space<vmem>>)
    %mul3A_255 = arith.constant 4 : i32
    %mul3A_256 = arith.muli %arg0, %mul3A_255 : i32
    %add3A_257 = arith.constant 2 : i32
    %add3A_258 = arith.addi %mul3A_256, %add3A_257 : i32
    %mul3A_259 = arith.constant 8 : i32
    %mul3A_260 = arith.muli %add3A_258, %mul3A_259 : i32
    %add3A_261 = arith.constant 0 : i32
    %add3A_262 = arith.addi %mul3A_260, %add3A_261 : i32
    %add3A_263 = arith.addi %add3A_262, %select_n3A_7 : i32
    %dma_start3A_264 = tpu.memref_slice %arg4[%add3A_263, %mul3A_29] : memref<64x16384xf32, #tpu.memory_space<hbm>> -> memref<1x4096xf32, #tpu.memory_space<hbm>>
    %dma_start3A_265 = tpu.memref_squeeze %dma_start3A_264 : memref<1x4096xf32, #tpu.memory_space<hbm>> -> memref<4096xf32, #tpu.memory_space<hbm>>
    %dma_start3A_266 = tpu.memref_slice %arg4[%add3A_263, %mul3A_29] : memref<64x16384xf32, #tpu.memory_space<hbm>> -> memref<1x4096xf32, #tpu.memory_space<hbm>>
    %dma_start3A_267 = tpu.memref_squeeze %dma_start3A_266 : memref<1x4096xf32, #tpu.memory_space<hbm>> -> memref<4096xf32, #tpu.memory_space<hbm>>
    tpu.enqueue_dma source(%arg8 : memref<4096xf32, #tpu.memory_space<vmem>>) target(%dma_start3A_267 : memref<4096xf32, #tpu.memory_space<hbm>>) target_semaphore(%arg16 : memref<!tpu.dma_semaphore, #tpu.memory_space<semaphore_mem>>)
    %barrier3A_268 = arith.constant 0 : index
    tpu.barrier barrier_id(%barrier3A_268)
    %eq3A_269 = arith.constant 0 : i32
    %eq3A_270 = arith.cmpi eq, %arg1, %eq3A_269 : i32
    %convert_element_type3A_271 = arith.extui %eq3A_270 : i1 to i32
    %cond3A_272 = arith.constant 0 : i32
    %cond3A_273 = arith.cmpi ne, %convert_element_type3A_271, %cond3A_272 : i32
    scf.if %cond3A_273 {
      %mul3A_409 = arith.constant 4 : i32
      %mul3A_410 = arith.muli %arg0, %mul3A_409 : i32
      %add3A_411 = arith.constant 3 : i32
      %add3A_412 = arith.addi %mul3A_410, %add3A_411 : i32
      %mul3A_413 = arith.constant 8 : i32
      %mul3A_414 = arith.muli %add3A_412, %mul3A_413 : i32
      %add3A_415 = arith.constant 0 : i32
      %add3A_416 = arith.addi %mul3A_414, %add3A_415 : i32
      %dma_start3A_417 = arith.constant 0 : i32
      %dma_start3A_418 = arith.constant 0 : i32
      %dma_start3A_419 = arith.constant 0 : i32
      %dma_start3A_420 = tpu.memref_slice %arg5[%dma_start3A_417, %dma_start3A_418, %dma_start3A_419] : memref<2x4x100096xf32, #tpu.memory_space<vmem_shared>> -> memref<1x4x100096xf32, #tpu.memory_space<vmem_shared>>
      %dma_start3A_421 = tpu.memref_squeeze %dma_start3A_420 : memref<1x4x100096xf32, #tpu.memory_space<vmem_shared>> -> memref<4x100096xf32, #tpu.memory_space<vmem_shared>>
      %dma_start3A_422 = arith.constant 0 : i32
      %dma_start3A_423 = tpu.memref_slice %arg2[%add3A_416, %dma_start3A_422] : memref<64x100096xf32, #tpu.memory_space<hbm>> -> memref<4x100096xf32, #tpu.memory_space<hbm>>
      tpu.enqueue_dma source(%dma_start3A_423 : memref<4x100096xf32, #tpu.memory_space<hbm>>) target(%dma_start3A_421 : memref<4x100096xf32, #tpu.memory_space<vmem_shared>>) target_semaphore(%arg10 : memref<!tpu.dma_semaphore, #tpu.memory_space<semaphore_mem>>)
    } else {
    }
    %eq3A_274 = arith.constant 0 : i32
    %eq3A_275 = arith.cmpi eq, %arg1, %eq3A_274 : i32
    %convert_element_type3A_276 = arith.extui %eq3A_275 : i1 to i32
    %cond3A_277 = arith.constant 0 : i32
    %cond3A_278 = arith.cmpi ne, %convert_element_type3A_276, %cond3A_277 : i32
    scf.if %cond3A_278 {
      %mul3A_409 = arith.constant 4 : i32
      %mul3A_410 = arith.muli %arg0, %mul3A_409 : i32
      %add3A_411 = arith.constant 2 : i32
      %add3A_412 = arith.addi %mul3A_410, %add3A_411 : i32
      %mul3A_413 = arith.constant 8 : i32
      %mul3A_414 = arith.muli %add3A_412, %mul3A_413 : i32
      %add3A_415 = arith.constant 4 : i32
      %add3A_416 = arith.addi %mul3A_414, %add3A_415 : i32
      %dma_wait3A_417 = arith.constant 1 : i32
      %dma_wait3A_418 = arith.constant 0 : i32
      %dma_wait3A_419 = arith.constant 0 : i32
      %dma_wait3A_420 = tpu.memref_slice %arg5[%dma_wait3A_417, %dma_wait3A_418, %dma_wait3A_419] : memref<2x4x100096xf32, #tpu.memory_space<vmem_shared>> -> memref<1x4x100096xf32, #tpu.memory_space<vmem_shared>>
      %dma_wait3A_421 = tpu.memref_squeeze %dma_wait3A_420 : memref<1x4x100096xf32, #tpu.memory_space<vmem_shared>> -> memref<4x100096xf32, #tpu.memory_space<vmem_shared>>
      %dma_wait3A_422 = arith.constant 0 : i32
      %dma_wait3A_423 = tpu.memref_slice %arg2[%add3A_416, %dma_wait3A_422] : memref<64x100096xf32, #tpu.memory_space<hbm>> -> memref<4x100096xf32, #tpu.memory_space<hbm>>
      tpu.wait_dma2 semaphore(%arg11 : memref<!tpu.dma_semaphore, #tpu.memory_space<semaphore_mem>>) src(%dma_wait3A_423 : memref<4x100096xf32, #tpu.memory_space<hbm>>) dst(%dma_wait3A_421 : memref<4x100096xf32, #tpu.memory_space<vmem_shared>>)
    } else {
    }
    %barrier3A_279 = arith.constant 0 : index
    tpu.barrier barrier_id(%barrier3A_279)
    %dma_wait3A_280 = tpu.memref_slice %arg4[%add3A_208, %mul3A_29] : memref<64x16384xf32, #tpu.memory_space<hbm>> -> memref<1x4096xf32, #tpu.memory_space<hbm>>
    %dma_wait3A_281 = tpu.memref_squeeze %dma_wait3A_280 : memref<1x4096xf32, #tpu.memory_space<hbm>> -> memref<4096xf32, #tpu.memory_space<hbm>>
    %dma_wait3A_282 = tpu.memref_slice %arg4[%add3A_208, %mul3A_29] : memref<64x16384xf32, #tpu.memory_space<hbm>> -> memref<1x4096xf32, #tpu.memory_space<hbm>>
    %dma_wait3A_283 = tpu.memref_squeeze %dma_wait3A_282 : memref<1x4096xf32, #tpu.memory_space<hbm>> -> memref<4096xf32, #tpu.memory_space<hbm>>
    tpu.wait_dma2 semaphore(%arg17 : memref<!tpu.dma_semaphore, #tpu.memory_space<semaphore_mem>>) src(%arg9 : memref<4096xf32, #tpu.memory_space<vmem>>) dst(%dma_wait3A_283 : memref<4096xf32, #tpu.memory_space<hbm>>)
    %dma_start3A_284 = arith.constant 1 : i32
    %dma_start3A_285 = arith.constant 0 : i32
    %dma_start3A_286 = tpu.memref_slice %arg5[%dma_start3A_284, %select_n3A_7, %dma_start3A_285] : memref<2x4x100096xf32, #tpu.memory_space<vmem_shared>> -> memref<1x1x100096xf32, #tpu.memory_space<vmem_shared>>
    %dma_start3A_287 = tpu.memref_squeeze %dma_start3A_286 : memref<1x1x100096xf32, #tpu.memory_space<vmem_shared>> -> memref<100096xf32, #tpu.memory_space<vmem_shared>>
    %dma_start3A_288 = arith.constant 0 : i32
    %dma_start3A_289 = tpu.memref_slice %dma_start3A_287[%dma_start3A_288] : memref<100096xf32, #tpu.memory_space<vmem_shared>> -> memref<100096xf32, #tpu.memory_space<vmem_shared>>
    tpu.enqueue_indirect_dma source(%dma_start3A_289 : memref<100096xf32, #tpu.memory_space<vmem_shared>>) target(%arg9 : memref<4096xf32, #tpu.memory_space<vmem>>) offsets(%arg6 : memref<4096xi32, #tpu.memory_space<vmem>>) semaphore(%arg15 : memref<!tpu.dma_semaphore, #tpu.memory_space<semaphore_mem>>)
    %dma_wait3A_290 = arith.constant 1 : i32
    %dma_wait3A_291 = arith.constant 0 : i32
    %dma_wait3A_292 = tpu.memref_slice %arg5[%dma_wait3A_290, %select_n3A_7, %dma_wait3A_291] : memref<2x4x100096xf32, #tpu.memory_space<vmem_shared>> -> memref<1x1x100096xf32, #tpu.memory_space<vmem_shared>>
    %dma_wait3A_293 = tpu.memref_squeeze %dma_wait3A_292 : memref<1x1x100096xf32, #tpu.memory_space<vmem_shared>> -> memref<100096xf32, #tpu.memory_space<vmem_shared>>
    %dma_wait3A_294 = arith.constant 0 : i32
    %dma_wait3A_295 = tpu.memref_slice %dma_wait3A_293[%dma_wait3A_294] : memref<100096xf32, #tpu.memory_space<vmem_shared>> -> memref<100096xf32, #tpu.memory_space<vmem_shared>>
    tpu.wait_indirect_dma semaphore(%arg15 : memref<!tpu.dma_semaphore, #tpu.memory_space<semaphore_mem>>) src(%dma_wait3A_295 : memref<100096xf32, #tpu.memory_space<vmem_shared>>) dst(%arg9 : memref<4096xf32, #tpu.memory_space<vmem>>)
    %mul3A_296 = arith.constant 4 : i32
    %mul3A_297 = arith.muli %arg0, %mul3A_296 : i32
    %add3A_298 = arith.constant 2 : i32
    %add3A_299 = arith.addi %mul3A_297, %add3A_298 : i32
    %mul3A_300 = arith.constant 8 : i32
    %mul3A_301 = arith.muli %add3A_299, %mul3A_300 : i32
    %add3A_302 = arith.constant 4 : i32
    %add3A_303 = arith.addi %mul3A_301, %add3A_302 : i32
    %add3A_304 = arith.addi %add3A_303, %select_n3A_7 : i32
    %dma_start3A_305 = tpu.memref_slice %arg4[%add3A_304, %mul3A_29] : memref<64x16384xf32, #tpu.memory_space<hbm>> -> memref<1x4096xf32, #tpu.memory_space<hbm>>
    %dma_start3A_306 = tpu.memref_squeeze %dma_start3A_305 : memref<1x4096xf32, #tpu.memory_space<hbm>> -> memref<4096xf32, #tpu.memory_space<hbm>>
    %dma_start3A_307 = tpu.memref_slice %arg4[%add3A_304, %mul3A_29] : memref<64x16384xf32, #tpu.memory_space<hbm>> -> memref<1x4096xf32, #tpu.memory_space<hbm>>
    %dma_start3A_308 = tpu.memref_squeeze %dma_start3A_307 : memref<1x4096xf32, #tpu.memory_space<hbm>> -> memref<4096xf32, #tpu.memory_space<hbm>>
    tpu.enqueue_dma source(%arg9 : memref<4096xf32, #tpu.memory_space<vmem>>) target(%dma_start3A_308 : memref<4096xf32, #tpu.memory_space<hbm>>) target_semaphore(%arg17 : memref<!tpu.dma_semaphore, #tpu.memory_space<semaphore_mem>>)
    %mul3A_309 = arith.constant 4 : i32
    %mul3A_310 = arith.muli %arg0, %mul3A_309 : i32
    %add3A_311 = arith.constant 3 : i32
    %add3A_312 = arith.addi %mul3A_310, %add3A_311 : i32
    %add3A_313 = arith.constant 2 : i32
    %add3A_314 = arith.addi %add3A_313, %add3A_312 : i32
    %dma_start3A_315 = tpu.memref_slice %arg3[%add3A_314, %mul3A_29] : memref<26x16384xi32, #tpu.memory_space<hbm>> -> memref<1x4096xi32, #tpu.memory_space<hbm>>
    %dma_start3A_316 = tpu.memref_squeeze %dma_start3A_315 : memref<1x4096xi32, #tpu.memory_space<hbm>> -> memref<4096xi32, #tpu.memory_space<hbm>>
    %dma_start3A_317 = tpu.memref_slice %arg3[%add3A_314, %mul3A_29] : memref<26x16384xi32, #tpu.memory_space<hbm>> -> memref<1x4096xi32, #tpu.memory_space<hbm>>
    %dma_start3A_318 = tpu.memref_squeeze %dma_start3A_317 : memref<1x4096xi32, #tpu.memory_space<hbm>> -> memref<4096xi32, #tpu.memory_space<hbm>>
    tpu.enqueue_dma source(%dma_start3A_318 : memref<4096xi32, #tpu.memory_space<hbm>>) target(%arg7 : memref<4096xi32, #tpu.memory_space<vmem>>) target_semaphore(%arg13 : memref<!tpu.dma_semaphore, #tpu.memory_space<semaphore_mem>>)
    %barrier3A_319 = arith.constant 0 : index
    tpu.barrier barrier_id(%barrier3A_319)
    %eq3A_320 = arith.constant 0 : i32
    %eq3A_321 = arith.cmpi eq, %arg1, %eq3A_320 : i32
    %convert_element_type3A_322 = arith.extui %eq3A_321 : i1 to i32
    %cond3A_323 = arith.constant 0 : i32
    %cond3A_324 = arith.cmpi ne, %convert_element_type3A_322, %cond3A_323 : i32
    scf.if %cond3A_324 {
      %mul3A_409 = arith.constant 4 : i32
      %mul3A_410 = arith.muli %arg0, %mul3A_409 : i32
      %add3A_411 = arith.constant 3 : i32
      %add3A_412 = arith.addi %mul3A_410, %add3A_411 : i32
      %mul3A_413 = arith.constant 8 : i32
      %mul3A_414 = arith.muli %add3A_412, %mul3A_413 : i32
      %add3A_415 = arith.constant 4 : i32
      %add3A_416 = arith.addi %mul3A_414, %add3A_415 : i32
      %dma_start3A_417 = arith.constant 1 : i32
      %dma_start3A_418 = arith.constant 0 : i32
      %dma_start3A_419 = arith.constant 0 : i32
      %dma_start3A_420 = tpu.memref_slice %arg5[%dma_start3A_417, %dma_start3A_418, %dma_start3A_419] : memref<2x4x100096xf32, #tpu.memory_space<vmem_shared>> -> memref<1x4x100096xf32, #tpu.memory_space<vmem_shared>>
      %dma_start3A_421 = tpu.memref_squeeze %dma_start3A_420 : memref<1x4x100096xf32, #tpu.memory_space<vmem_shared>> -> memref<4x100096xf32, #tpu.memory_space<vmem_shared>>
      %dma_start3A_422 = arith.constant 0 : i32
      %dma_start3A_423 = tpu.memref_slice %arg2[%add3A_416, %dma_start3A_422] : memref<64x100096xf32, #tpu.memory_space<hbm>> -> memref<4x100096xf32, #tpu.memory_space<hbm>>
      tpu.enqueue_dma source(%dma_start3A_423 : memref<4x100096xf32, #tpu.memory_space<hbm>>) target(%dma_start3A_421 : memref<4x100096xf32, #tpu.memory_space<vmem_shared>>) target_semaphore(%arg11 : memref<!tpu.dma_semaphore, #tpu.memory_space<semaphore_mem>>)
    } else {
    }
    %eq3A_325 = arith.constant 0 : i32
    %eq3A_326 = arith.cmpi eq, %arg1, %eq3A_325 : i32
    %convert_element_type3A_327 = arith.extui %eq3A_326 : i1 to i32
    %cond3A_328 = arith.constant 0 : i32
    %cond3A_329 = arith.cmpi ne, %convert_element_type3A_327, %cond3A_328 : i32
    scf.if %cond3A_329 {
      %mul3A_409 = arith.constant 4 : i32
      %mul3A_410 = arith.muli %arg0, %mul3A_409 : i32
      %add3A_411 = arith.constant 3 : i32
      %add3A_412 = arith.addi %mul3A_410, %add3A_411 : i32
      %mul3A_413 = arith.constant 8 : i32
      %mul3A_414 = arith.muli %add3A_412, %mul3A_413 : i32
      %add3A_415 = arith.constant 0 : i32
      %add3A_416 = arith.addi %mul3A_414, %add3A_415 : i32
      %dma_wait3A_417 = arith.constant 0 : i32
      %dma_wait3A_418 = arith.constant 0 : i32
      %dma_wait3A_419 = arith.constant 0 : i32
      %dma_wait3A_420 = tpu.memref_slice %arg5[%dma_wait3A_417, %dma_wait3A_418, %dma_wait3A_419] : memref<2x4x100096xf32, #tpu.memory_space<vmem_shared>> -> memref<1x4x100096xf32, #tpu.memory_space<vmem_shared>>
      %dma_wait3A_421 = tpu.memref_squeeze %dma_wait3A_420 : memref<1x4x100096xf32, #tpu.memory_space<vmem_shared>> -> memref<4x100096xf32, #tpu.memory_space<vmem_shared>>
      %dma_wait3A_422 = arith.constant 0 : i32
      %dma_wait3A_423 = tpu.memref_slice %arg2[%add3A_416, %dma_wait3A_422] : memref<64x100096xf32, #tpu.memory_space<hbm>> -> memref<4x100096xf32, #tpu.memory_space<hbm>>
      tpu.wait_dma2 semaphore(%arg10 : memref<!tpu.dma_semaphore, #tpu.memory_space<semaphore_mem>>) src(%dma_wait3A_423 : memref<4x100096xf32, #tpu.memory_space<hbm>>) dst(%dma_wait3A_421 : memref<4x100096xf32, #tpu.memory_space<vmem_shared>>)
    } else {
    }
    %dma_wait3A_330 = tpu.memref_slice %arg3[%add3A_314, %mul3A_29] : memref<26x16384xi32, #tpu.memory_space<hbm>> -> memref<1x4096xi32, #tpu.memory_space<hbm>>
    %dma_wait3A_331 = tpu.memref_squeeze %dma_wait3A_330 : memref<1x4096xi32, #tpu.memory_space<hbm>> -> memref<4096xi32, #tpu.memory_space<hbm>>
    %dma_wait3A_332 = tpu.memref_slice %arg3[%add3A_314, %mul3A_29] : memref<26x16384xi32, #tpu.memory_space<hbm>> -> memref<1x4096xi32, #tpu.memory_space<hbm>>
    %dma_wait3A_333 = tpu.memref_squeeze %dma_wait3A_332 : memref<1x4096xi32, #tpu.memory_space<hbm>> -> memref<4096xi32, #tpu.memory_space<hbm>>
    tpu.wait_dma2 semaphore(%arg13 : memref<!tpu.dma_semaphore, #tpu.memory_space<semaphore_mem>>) src(%dma_wait3A_333 : memref<4096xi32, #tpu.memory_space<hbm>>) dst(%arg7 : memref<4096xi32, #tpu.memory_space<vmem>>)
    %barrier3A_334 = arith.constant 0 : index
    tpu.barrier barrier_id(%barrier3A_334)
    %dma_wait3A_335 = tpu.memref_slice %arg4[%add3A_263, %mul3A_29] : memref<64x16384xf32, #tpu.memory_space<hbm>> -> memref<1x4096xf32, #tpu.memory_space<hbm>>
    %dma_wait3A_336 = tpu.memref_squeeze %dma_wait3A_335 : memref<1x4096xf32, #tpu.memory_space<hbm>> -> memref<4096xf32, #tpu.memory_space<hbm>>
    %dma_wait3A_337 = tpu.memref_slice %arg4[%add3A_263, %mul3A_29] : memref<64x16384xf32, #tpu.memory_space<hbm>> -> memref<1x4096xf32, #tpu.memory_space<hbm>>
    %dma_wait3A_338 = tpu.memref_squeeze %dma_wait3A_337 : memref<1x4096xf32, #tpu.memory_space<hbm>> -> memref<4096xf32, #tpu.memory_space<hbm>>
    tpu.wait_dma2 semaphore(%arg16 : memref<!tpu.dma_semaphore, #tpu.memory_space<semaphore_mem>>) src(%arg8 : memref<4096xf32, #tpu.memory_space<vmem>>) dst(%dma_wait3A_338 : memref<4096xf32, #tpu.memory_space<hbm>>)
    %dma_start3A_339 = arith.constant 0 : i32
    %dma_start3A_340 = arith.constant 0 : i32
    %dma_start3A_341 = tpu.memref_slice %arg5[%dma_start3A_339, %select_n3A_7, %dma_start3A_340] : memref<2x4x100096xf32, #tpu.memory_space<vmem_shared>> -> memref<1x1x100096xf32, #tpu.memory_space<vmem_shared>>
    %dma_start3A_342 = tpu.memref_squeeze %dma_start3A_341 : memref<1x1x100096xf32, #tpu.memory_space<vmem_shared>> -> memref<100096xf32, #tpu.memory_space<vmem_shared>>
    %dma_start3A_343 = arith.constant 0 : i32
    %dma_start3A_344 = tpu.memref_slice %dma_start3A_342[%dma_start3A_343] : memref<100096xf32, #tpu.memory_space<vmem_shared>> -> memref<100096xf32, #tpu.memory_space<vmem_shared>>
    tpu.enqueue_indirect_dma source(%dma_start3A_344 : memref<100096xf32, #tpu.memory_space<vmem_shared>>) target(%arg8 : memref<4096xf32, #tpu.memory_space<vmem>>) offsets(%arg7 : memref<4096xi32, #tpu.memory_space<vmem>>) semaphore(%arg14 : memref<!tpu.dma_semaphore, #tpu.memory_space<semaphore_mem>>)
    %dma_wait3A_345 = arith.constant 0 : i32
    %dma_wait3A_346 = arith.constant 0 : i32
    %dma_wait3A_347 = tpu.memref_slice %arg5[%dma_wait3A_345, %select_n3A_7, %dma_wait3A_346] : memref<2x4x100096xf32, #tpu.memory_space<vmem_shared>> -> memref<1x1x100096xf32, #tpu.memory_space<vmem_shared>>
    %dma_wait3A_348 = tpu.memref_squeeze %dma_wait3A_347 : memref<1x1x100096xf32, #tpu.memory_space<vmem_shared>> -> memref<100096xf32, #tpu.memory_space<vmem_shared>>
    %dma_wait3A_349 = arith.constant 0 : i32
    %dma_wait3A_350 = tpu.memref_slice %dma_wait3A_348[%dma_wait3A_349] : memref<100096xf32, #tpu.memory_space<vmem_shared>> -> memref<100096xf32, #tpu.memory_space<vmem_shared>>
    tpu.wait_indirect_dma semaphore(%arg14 : memref<!tpu.dma_semaphore, #tpu.memory_space<semaphore_mem>>) src(%dma_wait3A_350 : memref<100096xf32, #tpu.memory_space<vmem_shared>>) dst(%arg8 : memref<4096xf32, #tpu.memory_space<vmem>>)
    %mul3A_351 = arith.constant 4 : i32
    %mul3A_352 = arith.muli %arg0, %mul3A_351 : i32
    %add3A_353 = arith.constant 3 : i32
    %add3A_354 = arith.addi %mul3A_352, %add3A_353 : i32
    %mul3A_355 = arith.constant 8 : i32
    %mul3A_356 = arith.muli %add3A_354, %mul3A_355 : i32
    %add3A_357 = arith.constant 0 : i32
    %add3A_358 = arith.addi %mul3A_356, %add3A_357 : i32
    %add3A_359 = arith.addi %add3A_358, %select_n3A_7 : i32
    %dma_start3A_360 = tpu.memref_slice %arg4[%add3A_359, %mul3A_29] : memref<64x16384xf32, #tpu.memory_space<hbm>> -> memref<1x4096xf32, #tpu.memory_space<hbm>>
    %dma_start3A_361 = tpu.memref_squeeze %dma_start3A_360 : memref<1x4096xf32, #tpu.memory_space<hbm>> -> memref<4096xf32, #tpu.memory_space<hbm>>
    %dma_start3A_362 = tpu.memref_slice %arg4[%add3A_359, %mul3A_29] : memref<64x16384xf32, #tpu.memory_space<hbm>> -> memref<1x4096xf32, #tpu.memory_space<hbm>>
    %dma_start3A_363 = tpu.memref_squeeze %dma_start3A_362 : memref<1x4096xf32, #tpu.memory_space<hbm>> -> memref<4096xf32, #tpu.memory_space<hbm>>
    tpu.enqueue_dma source(%arg8 : memref<4096xf32, #tpu.memory_space<vmem>>) target(%dma_start3A_363 : memref<4096xf32, #tpu.memory_space<hbm>>) target_semaphore(%arg16 : memref<!tpu.dma_semaphore, #tpu.memory_space<semaphore_mem>>)
    %barrier3A_364 = arith.constant 0 : index
    tpu.barrier barrier_id(%barrier3A_364)
    %eq3A_365 = arith.constant 0 : i32
    %eq3A_366 = arith.cmpi eq, %arg1, %eq3A_365 : i32
    %convert_element_type3A_367 = arith.extui %eq3A_366 : i1 to i32
    %cond3A_368 = arith.constant 0 : i32
    %cond3A_369 = arith.cmpi ne, %convert_element_type3A_367, %cond3A_368 : i32
    scf.if %cond3A_369 {
      %mul3A_409 = arith.constant 4 : i32
      %mul3A_410 = arith.muli %arg0, %mul3A_409 : i32
      %add3A_411 = arith.constant 3 : i32
      %add3A_412 = arith.addi %mul3A_410, %add3A_411 : i32
      %mul3A_413 = arith.constant 8 : i32
      %mul3A_414 = arith.muli %add3A_412, %mul3A_413 : i32
      %add3A_415 = arith.constant 4 : i32
      %add3A_416 = arith.addi %mul3A_414, %add3A_415 : i32
      %dma_wait3A_417 = arith.constant 1 : i32
      %dma_wait3A_418 = arith.constant 0 : i32
      %dma_wait3A_419 = arith.constant 0 : i32
      %dma_wait3A_420 = tpu.memref_slice %arg5[%dma_wait3A_417, %dma_wait3A_418, %dma_wait3A_419] : memref<2x4x100096xf32, #tpu.memory_space<vmem_shared>> -> memref<1x4x100096xf32, #tpu.memory_space<vmem_shared>>
      %dma_wait3A_421 = tpu.memref_squeeze %dma_wait3A_420 : memref<1x4x100096xf32, #tpu.memory_space<vmem_shared>> -> memref<4x100096xf32, #tpu.memory_space<vmem_shared>>
      %dma_wait3A_422 = arith.constant 0 : i32
      %dma_wait3A_423 = tpu.memref_slice %arg2[%add3A_416, %dma_wait3A_422] : memref<64x100096xf32, #tpu.memory_space<hbm>> -> memref<4x100096xf32, #tpu.memory_space<hbm>>
      tpu.wait_dma2 semaphore(%arg11 : memref<!tpu.dma_semaphore, #tpu.memory_space<semaphore_mem>>) src(%dma_wait3A_423 : memref<4x100096xf32, #tpu.memory_space<hbm>>) dst(%dma_wait3A_421 : memref<4x100096xf32, #tpu.memory_space<vmem_shared>>)
    } else {
    }
    %barrier3A_370 = arith.constant 0 : index
    tpu.barrier barrier_id(%barrier3A_370)
    %dma_wait3A_371 = tpu.memref_slice %arg4[%add3A_304, %mul3A_29] : memref<64x16384xf32, #tpu.memory_space<hbm>> -> memref<1x4096xf32, #tpu.memory_space<hbm>>
    %dma_wait3A_372 = tpu.memref_squeeze %dma_wait3A_371 : memref<1x4096xf32, #tpu.memory_space<hbm>> -> memref<4096xf32, #tpu.memory_space<hbm>>
    %dma_wait3A_373 = tpu.memref_slice %arg4[%add3A_304, %mul3A_29] : memref<64x16384xf32, #tpu.memory_space<hbm>> -> memref<1x4096xf32, #tpu.memory_space<hbm>>
    %dma_wait3A_374 = tpu.memref_squeeze %dma_wait3A_373 : memref<1x4096xf32, #tpu.memory_space<hbm>> -> memref<4096xf32, #tpu.memory_space<hbm>>
    tpu.wait_dma2 semaphore(%arg17 : memref<!tpu.dma_semaphore, #tpu.memory_space<semaphore_mem>>) src(%arg9 : memref<4096xf32, #tpu.memory_space<vmem>>) dst(%dma_wait3A_374 : memref<4096xf32, #tpu.memory_space<hbm>>)
    %dma_start3A_375 = arith.constant 1 : i32
    %dma_start3A_376 = arith.constant 0 : i32
    %dma_start3A_377 = tpu.memref_slice %arg5[%dma_start3A_375, %select_n3A_7, %dma_start3A_376] : memref<2x4x100096xf32, #tpu.memory_space<vmem_shared>> -> memref<1x1x100096xf32, #tpu.memory_space<vmem_shared>>
    %dma_start3A_378 = tpu.memref_squeeze %dma_start3A_377 : memref<1x1x100096xf32, #tpu.memory_space<vmem_shared>> -> memref<100096xf32, #tpu.memory_space<vmem_shared>>
    %dma_start3A_379 = arith.constant 0 : i32
    %dma_start3A_380 = tpu.memref_slice %dma_start3A_378[%dma_start3A_379] : memref<100096xf32, #tpu.memory_space<vmem_shared>> -> memref<100096xf32, #tpu.memory_space<vmem_shared>>
    tpu.enqueue_indirect_dma source(%dma_start3A_380 : memref<100096xf32, #tpu.memory_space<vmem_shared>>) target(%arg9 : memref<4096xf32, #tpu.memory_space<vmem>>) offsets(%arg7 : memref<4096xi32, #tpu.memory_space<vmem>>) semaphore(%arg15 : memref<!tpu.dma_semaphore, #tpu.memory_space<semaphore_mem>>)
    %dma_wait3A_381 = arith.constant 1 : i32
    %dma_wait3A_382 = arith.constant 0 : i32
    %dma_wait3A_383 = tpu.memref_slice %arg5[%dma_wait3A_381, %select_n3A_7, %dma_wait3A_382] : memref<2x4x100096xf32, #tpu.memory_space<vmem_shared>> -> memref<1x1x100096xf32, #tpu.memory_space<vmem_shared>>
    %dma_wait3A_384 = tpu.memref_squeeze %dma_wait3A_383 : memref<1x1x100096xf32, #tpu.memory_space<vmem_shared>> -> memref<100096xf32, #tpu.memory_space<vmem_shared>>
    %dma_wait3A_385 = arith.constant 0 : i32
    %dma_wait3A_386 = tpu.memref_slice %dma_wait3A_384[%dma_wait3A_385] : memref<100096xf32, #tpu.memory_space<vmem_shared>> -> memref<100096xf32, #tpu.memory_space<vmem_shared>>
    tpu.wait_indirect_dma semaphore(%arg15 : memref<!tpu.dma_semaphore, #tpu.memory_space<semaphore_mem>>) src(%dma_wait3A_386 : memref<100096xf32, #tpu.memory_space<vmem_shared>>) dst(%arg9 : memref<4096xf32, #tpu.memory_space<vmem>>)
    %mul3A_387 = arith.constant 4 : i32
    %mul3A_388 = arith.muli %arg0, %mul3A_387 : i32
    %add3A_389 = arith.constant 3 : i32
    %add3A_390 = arith.addi %mul3A_388, %add3A_389 : i32
    %mul3A_391 = arith.constant 8 : i32
    %mul3A_392 = arith.muli %add3A_390, %mul3A_391 : i32
    %add3A_393 = arith.constant 4 : i32
    %add3A_394 = arith.addi %mul3A_392, %add3A_393 : i32
    %add3A_395 = arith.addi %add3A_394, %select_n3A_7 : i32
    %dma_start3A_396 = tpu.memref_slice %arg4[%add3A_395, %mul3A_29] : memref<64x16384xf32, #tpu.memory_space<hbm>> -> memref<1x4096xf32, #tpu.memory_space<hbm>>
    %dma_start3A_397 = tpu.memref_squeeze %dma_start3A_396 : memref<1x4096xf32, #tpu.memory_space<hbm>> -> memref<4096xf32, #tpu.memory_space<hbm>>
    %dma_start3A_398 = tpu.memref_slice %arg4[%add3A_395, %mul3A_29] : memref<64x16384xf32, #tpu.memory_space<hbm>> -> memref<1x4096xf32, #tpu.memory_space<hbm>>
    %dma_start3A_399 = tpu.memref_squeeze %dma_start3A_398 : memref<1x4096xf32, #tpu.memory_space<hbm>> -> memref<4096xf32, #tpu.memory_space<hbm>>
    tpu.enqueue_dma source(%arg9 : memref<4096xf32, #tpu.memory_space<vmem>>) target(%dma_start3A_399 : memref<4096xf32, #tpu.memory_space<hbm>>) target_semaphore(%arg17 : memref<!tpu.dma_semaphore, #tpu.memory_space<semaphore_mem>>)
    %barrier3A_400 = arith.constant 0 : index
    tpu.barrier barrier_id(%barrier3A_400)
    %dma_wait3A_401 = tpu.memref_slice %arg4[%add3A_359, %mul3A_29] : memref<64x16384xf32, #tpu.memory_space<hbm>> -> memref<1x4096xf32, #tpu.memory_space<hbm>>
    %dma_wait3A_402 = tpu.memref_squeeze %dma_wait3A_401 : memref<1x4096xf32, #tpu.memory_space<hbm>> -> memref<4096xf32, #tpu.memory_space<hbm>>
    %dma_wait3A_403 = tpu.memref_slice %arg4[%add3A_359, %mul3A_29] : memref<64x16384xf32, #tpu.memory_space<hbm>> -> memref<1x4096xf32, #tpu.memory_space<hbm>>
    %dma_wait3A_404 = tpu.memref_squeeze %dma_wait3A_403 : memref<1x4096xf32, #tpu.memory_space<hbm>> -> memref<4096xf32, #tpu.memory_space<hbm>>
    tpu.wait_dma2 semaphore(%arg16 : memref<!tpu.dma_semaphore, #tpu.memory_space<semaphore_mem>>) src(%arg8 : memref<4096xf32, #tpu.memory_space<vmem>>) dst(%dma_wait3A_404 : memref<4096xf32, #tpu.memory_space<hbm>>)
    %dma_wait3A_405 = tpu.memref_slice %arg4[%add3A_395, %mul3A_29] : memref<64x16384xf32, #tpu.memory_space<hbm>> -> memref<1x4096xf32, #tpu.memory_space<hbm>>
    %dma_wait3A_406 = tpu.memref_squeeze %dma_wait3A_405 : memref<1x4096xf32, #tpu.memory_space<hbm>> -> memref<4096xf32, #tpu.memory_space<hbm>>
    %dma_wait3A_407 = tpu.memref_slice %arg4[%add3A_395, %mul3A_29] : memref<64x16384xf32, #tpu.memory_space<hbm>> -> memref<1x4096xf32, #tpu.memory_space<hbm>>
    %dma_wait3A_408 = tpu.memref_squeeze %dma_wait3A_407 : memref<1x4096xf32, #tpu.memory_space<hbm>> -> memref<4096xf32, #tpu.memory_space<hbm>>
    tpu.wait_dma2 semaphore(%arg17 : memref<!tpu.dma_semaphore, #tpu.memory_space<semaphore_mem>>) src(%arg9 : memref<4096xf32, #tpu.memory_space<vmem>>) dst(%dma_wait3A_408 : memref<4096xf32, #tpu.memory_space<hbm>>)
    return
  }
}

#map = affine_map<(d0, d1) -> (0, 0)>
module attributes {stable_mosaic.version = 14 : i64} {
  func.func @gather_kernel(%arg0: i32, %arg1: i32, %arg2: memref<128x100096xf32, #tpu.memory_space<hbm>>, %arg3: memref<26x16384xi32, #tpu.memory_space<hbm>>, %arg4: memref<128x16384xf32, #tpu.memory_space<hbm>>, %arg5: memref<2x4x100096xf32, #tpu.memory_space<vmem_shared>>, %arg6: memref<4096xi32, #tpu.memory_space<vmem>>, %arg7: memref<4096xi32, #tpu.memory_space<vmem>>, %arg8: memref<4096xf32, #tpu.memory_space<vmem>>, %arg9: memref<4096xf32, #tpu.memory_space<vmem>>, %arg10: memref<!tpu.dma_semaphore, #tpu.memory_space<semaphore_mem>>, %arg11: memref<!tpu.dma_semaphore, #tpu.memory_space<semaphore_mem>>, %arg12: memref<!tpu.dma_semaphore, #tpu.memory_space<semaphore_mem>>, %arg13: memref<!tpu.dma_semaphore, #tpu.memory_space<semaphore_mem>>, %arg14: memref<!tpu.dma_semaphore, #tpu.memory_space<semaphore_mem>>, %arg15: memref<!tpu.dma_semaphore, #tpu.memory_space<semaphore_mem>>, %arg16: memref<!tpu.dma_semaphore, #tpu.memory_space<semaphore_mem>>, %arg17: memref<!tpu.dma_semaphore, #tpu.memory_space<semaphore_mem>>) attributes {dimension_semantics = [#tpu.dimension_semantics<core_parallel>, #tpu.dimension_semantics<subcore_parallel>], iteration_bounds = array<i64: 2, 16>, scalar_prefetch = 0 : i64, scratch_operands = 13 : i64, tpu.core_type = #tpu.core_type<sc_vector_subcore>, window_params = [{transform_indices = #map}, {transform_indices = #map}, {transform_indices = #map}]} {
    %jit3A = arith.constant 4 : i32
    %eq3A = arith.constant 0 : i32
    %eq3A_0 = arith.cmpi eq, %jit3A, %eq3A : i32
    %jit3A_1 = arith.constant 1 : i32
    %select_n3A = arith.select %eq3A_0, %jit3A_1, %jit3A : i32
    %rem3A = arith.remsi %arg1, %select_n3A : i32
    %ne3A = arith.constant 0 : i32
    %ne3A_2 = arith.cmpi ne, %rem3A, %ne3A : i32
    %lt3A = arith.constant 0 : i32
    %lt3A_3 = arith.cmpi slt, %rem3A, %lt3A : i32
    %lt3A_4 = arith.constant 0 : i32
    %lt3A_5 = arith.cmpi slt, %select_n3A, %lt3A_4 : i32
    %ne3A_6 = arith.xori %lt3A_3, %lt3A_5 : i1
    %and3A = arith.andi %ne3A_6, %ne3A_2 : i1
    %add3A = arith.addi %rem3A, %select_n3A : i32
    %select_n3A_7 = arith.select %and3A, %add3A, %rem3A : i32
    %jit3A_8 = arith.constant 4 : i32
    %div3A = arith.divsi %arg1, %jit3A_8 : i32
    %sign3A = arith.constant 0 : i32
    %sign3A_9 = arith.cmpi sgt, %arg1, %sign3A : i32
    %sign3A_10 = arith.extui %sign3A_9 : i1 to i32
    %sign3A_11 = arith.constant 0 : i32
    %sign3A_12 = arith.cmpi slt, %arg1, %sign3A_11 : i32
    %sign3A_13 = arith.extui %sign3A_12 : i1 to i32
    %sign3A_14 = arith.subi %sign3A_10, %sign3A_13 : i32
    %sign3A_15 = arith.constant 0 : i32
    %sign3A_16 = arith.cmpi sgt, %jit3A_8, %sign3A_15 : i32
    %sign3A_17 = arith.extui %sign3A_16 : i1 to i32
    %sign3A_18 = arith.constant 0 : i32
    %sign3A_19 = arith.cmpi slt, %jit3A_8, %sign3A_18 : i32
    %sign3A_20 = arith.extui %sign3A_19 : i1 to i32
    %sign3A_21 = arith.subi %sign3A_17, %sign3A_20 : i32
    %ne3A_22 = arith.cmpi ne, %sign3A_14, %sign3A_21 : i32
    %rem3A_23 = arith.remsi %arg1, %jit3A_8 : i32
    %ne3A_24 = arith.constant 0 : i32
    %ne3A_25 = arith.cmpi ne, %rem3A_23, %ne3A_24 : i32
    %and3A_26 = arith.andi %ne3A_22, %ne3A_25 : i1
    %sub3A = arith.constant 1 : i32
    %sub3A_27 = arith.subi %div3A, %sub3A : i32
    %select_n3A_28 = arith.select %and3A_26, %sub3A_27, %div3A : i32
    %mul3A = arith.constant 4096 : i32
    %mul3A_29 = arith.muli %select_n3A_28, %mul3A : i32
    %eq3A_30 = arith.constant 0 : i32
    %eq3A_31 = arith.cmpi eq, %arg1, %eq3A_30 : i32
    %convert_element_type3A = arith.extui %eq3A_31 : i1 to i32
    %cond3A = arith.constant 0 : i32
    %cond3A_32 = arith.cmpi ne, %convert_element_type3A, %cond3A : i32
    scf.if %cond3A_32 {
      %mul3A_793 = arith.constant 8 : i32
      %mul3A_794 = arith.muli %arg0, %mul3A_793 : i32
      %add3A_795 = arith.constant 0 : i32
      %add3A_796 = arith.addi %mul3A_794, %add3A_795 : i32
      %mul3A_797 = arith.constant 8 : i32
      %mul3A_798 = arith.muli %add3A_796, %mul3A_797 : i32
      %add3A_799 = arith.constant 0 : i32
      %add3A_800 = arith.addi %mul3A_798, %add3A_799 : i32
      %dma_start3A_801 = arith.constant 0 : i32
      %dma_start3A_802 = arith.constant 0 : i32
      %dma_start3A_803 = arith.constant 0 : i32
      %dma_start3A_804 = tpu.memref_slice %arg5[%dma_start3A_801, %dma_start3A_802, %dma_start3A_803] : memref<2x4x100096xf32, #tpu.memory_space<vmem_shared>> -> memref<1x4x100096xf32, #tpu.memory_space<vmem_shared>>
      %dma_start3A_805 = tpu.memref_squeeze %dma_start3A_804 : memref<1x4x100096xf32, #tpu.memory_space<vmem_shared>> -> memref<4x100096xf32, #tpu.memory_space<vmem_shared>>
      %dma_start3A_806 = arith.constant 0 : i32
      %dma_start3A_807 = tpu.memref_slice %arg2[%add3A_800, %dma_start3A_806] : memref<128x100096xf32, #tpu.memory_space<hbm>> -> memref<4x100096xf32, #tpu.memory_space<hbm>>
      tpu.enqueue_dma source(%dma_start3A_807 : memref<4x100096xf32, #tpu.memory_space<hbm>>) target(%dma_start3A_805 : memref<4x100096xf32, #tpu.memory_space<vmem_shared>>) target_semaphore(%arg10 : memref<!tpu.dma_semaphore, #tpu.memory_space<semaphore_mem>>)
    } else {
    }
    %mul3A_33 = arith.constant 8 : i32
    %mul3A_34 = arith.muli %arg0, %mul3A_33 : i32
    %add3A_35 = arith.constant 0 : i32
    %add3A_36 = arith.addi %mul3A_34, %add3A_35 : i32
    %add3A_37 = arith.constant 10 : i32
    %add3A_38 = arith.addi %add3A_37, %add3A_36 : i32
    %dma_start3A = tpu.memref_slice %arg3[%add3A_38, %mul3A_29] : memref<26x16384xi32, #tpu.memory_space<hbm>> -> memref<1x4096xi32, #tpu.memory_space<hbm>>
    %dma_start3A_39 = tpu.memref_squeeze %dma_start3A : memref<1x4096xi32, #tpu.memory_space<hbm>> -> memref<4096xi32, #tpu.memory_space<hbm>>
    %dma_start3A_40 = tpu.memref_slice %arg3[%add3A_38, %mul3A_29] : memref<26x16384xi32, #tpu.memory_space<hbm>> -> memref<1x4096xi32, #tpu.memory_space<hbm>>
    %dma_start3A_41 = tpu.memref_squeeze %dma_start3A_40 : memref<1x4096xi32, #tpu.memory_space<hbm>> -> memref<4096xi32, #tpu.memory_space<hbm>>
    tpu.enqueue_dma source(%dma_start3A_41 : memref<4096xi32, #tpu.memory_space<hbm>>) target(%arg6 : memref<4096xi32, #tpu.memory_space<vmem>>) target_semaphore(%arg12 : memref<!tpu.dma_semaphore, #tpu.memory_space<semaphore_mem>>)
    %eq3A_42 = arith.constant 0 : i32
    %eq3A_43 = arith.cmpi eq, %arg1, %eq3A_42 : i32
    %convert_element_type3A_44 = arith.extui %eq3A_43 : i1 to i32
    %cond3A_45 = arith.constant 0 : i32
    %cond3A_46 = arith.cmpi ne, %convert_element_type3A_44, %cond3A_45 : i32
    scf.if %cond3A_46 {
      %mul3A_793 = arith.constant 8 : i32
      %mul3A_794 = arith.muli %arg0, %mul3A_793 : i32
      %add3A_795 = arith.constant 0 : i32
      %add3A_796 = arith.addi %mul3A_794, %add3A_795 : i32
      %mul3A_797 = arith.constant 8 : i32
      %mul3A_798 = arith.muli %add3A_796, %mul3A_797 : i32
      %add3A_799 = arith.constant 4 : i32
      %add3A_800 = arith.addi %mul3A_798, %add3A_799 : i32
      %dma_start3A_801 = arith.constant 1 : i32
      %dma_start3A_802 = arith.constant 0 : i32
      %dma_start3A_803 = arith.constant 0 : i32
      %dma_start3A_804 = tpu.memref_slice %arg5[%dma_start3A_801, %dma_start3A_802, %dma_start3A_803] : memref<2x4x100096xf32, #tpu.memory_space<vmem_shared>> -> memref<1x4x100096xf32, #tpu.memory_space<vmem_shared>>
      %dma_start3A_805 = tpu.memref_squeeze %dma_start3A_804 : memref<1x4x100096xf32, #tpu.memory_space<vmem_shared>> -> memref<4x100096xf32, #tpu.memory_space<vmem_shared>>
      %dma_start3A_806 = arith.constant 0 : i32
      %dma_start3A_807 = tpu.memref_slice %arg2[%add3A_800, %dma_start3A_806] : memref<128x100096xf32, #tpu.memory_space<hbm>> -> memref<4x100096xf32, #tpu.memory_space<hbm>>
      tpu.enqueue_dma source(%dma_start3A_807 : memref<4x100096xf32, #tpu.memory_space<hbm>>) target(%dma_start3A_805 : memref<4x100096xf32, #tpu.memory_space<vmem_shared>>) target_semaphore(%arg11 : memref<!tpu.dma_semaphore, #tpu.memory_space<semaphore_mem>>)
    } else {
    }
    %eq3A_47 = arith.constant 0 : i32
    %eq3A_48 = arith.cmpi eq, %arg1, %eq3A_47 : i32
    %convert_element_type3A_49 = arith.extui %eq3A_48 : i1 to i32
    %cond3A_50 = arith.constant 0 : i32
    %cond3A_51 = arith.cmpi ne, %convert_element_type3A_49, %cond3A_50 : i32
    scf.if %cond3A_51 {
      %mul3A_793 = arith.constant 8 : i32
      %mul3A_794 = arith.muli %arg0, %mul3A_793 : i32
      %add3A_795 = arith.constant 0 : i32
      %add3A_796 = arith.addi %mul3A_794, %add3A_795 : i32
      %mul3A_797 = arith.constant 8 : i32
      %mul3A_798 = arith.muli %add3A_796, %mul3A_797 : i32
      %add3A_799 = arith.constant 0 : i32
      %add3A_800 = arith.addi %mul3A_798, %add3A_799 : i32
      %dma_wait3A_801 = arith.constant 0 : i32
      %dma_wait3A_802 = arith.constant 0 : i32
      %dma_wait3A_803 = arith.constant 0 : i32
      %dma_wait3A_804 = tpu.memref_slice %arg5[%dma_wait3A_801, %dma_wait3A_802, %dma_wait3A_803] : memref<2x4x100096xf32, #tpu.memory_space<vmem_shared>> -> memref<1x4x100096xf32, #tpu.memory_space<vmem_shared>>
      %dma_wait3A_805 = tpu.memref_squeeze %dma_wait3A_804 : memref<1x4x100096xf32, #tpu.memory_space<vmem_shared>> -> memref<4x100096xf32, #tpu.memory_space<vmem_shared>>
      %dma_wait3A_806 = arith.constant 0 : i32
      %dma_wait3A_807 = tpu.memref_slice %arg2[%add3A_800, %dma_wait3A_806] : memref<128x100096xf32, #tpu.memory_space<hbm>> -> memref<4x100096xf32, #tpu.memory_space<hbm>>
      tpu.wait_dma2 semaphore(%arg10 : memref<!tpu.dma_semaphore, #tpu.memory_space<semaphore_mem>>) src(%dma_wait3A_807 : memref<4x100096xf32, #tpu.memory_space<hbm>>) dst(%dma_wait3A_805 : memref<4x100096xf32, #tpu.memory_space<vmem_shared>>)
    } else {
    }
    %dma_wait3A = tpu.memref_slice %arg3[%add3A_38, %mul3A_29] : memref<26x16384xi32, #tpu.memory_space<hbm>> -> memref<1x4096xi32, #tpu.memory_space<hbm>>
    %dma_wait3A_52 = tpu.memref_squeeze %dma_wait3A : memref<1x4096xi32, #tpu.memory_space<hbm>> -> memref<4096xi32, #tpu.memory_space<hbm>>
    %dma_wait3A_53 = tpu.memref_slice %arg3[%add3A_38, %mul3A_29] : memref<26x16384xi32, #tpu.memory_space<hbm>> -> memref<1x4096xi32, #tpu.memory_space<hbm>>
    %dma_wait3A_54 = tpu.memref_squeeze %dma_wait3A_53 : memref<1x4096xi32, #tpu.memory_space<hbm>> -> memref<4096xi32, #tpu.memory_space<hbm>>
    tpu.wait_dma2 semaphore(%arg12 : memref<!tpu.dma_semaphore, #tpu.memory_space<semaphore_mem>>) src(%dma_wait3A_54 : memref<4096xi32, #tpu.memory_space<hbm>>) dst(%arg6 : memref<4096xi32, #tpu.memory_space<vmem>>)
    %barrier3A = arith.constant 0 : index
    tpu.barrier barrier_id(%barrier3A)
    %dma_start3A_55 = arith.constant 0 : i32
    %dma_start3A_56 = arith.constant 0 : i32
    %dma_start3A_57 = tpu.memref_slice %arg5[%dma_start3A_55, %select_n3A_7, %dma_start3A_56] : memref<2x4x100096xf32, #tpu.memory_space<vmem_shared>> -> memref<1x1x100096xf32, #tpu.memory_space<vmem_shared>>
    %dma_start3A_58 = tpu.memref_squeeze %dma_start3A_57 : memref<1x1x100096xf32, #tpu.memory_space<vmem_shared>> -> memref<100096xf32, #tpu.memory_space<vmem_shared>>
    %dma_start3A_59 = arith.constant 0 : i32
    %dma_start3A_60 = tpu.memref_slice %dma_start3A_58[%dma_start3A_59] : memref<100096xf32, #tpu.memory_space<vmem_shared>> -> memref<100096xf32, #tpu.memory_space<vmem_shared>>
    tpu.enqueue_indirect_dma source(%dma_start3A_60 : memref<100096xf32, #tpu.memory_space<vmem_shared>>) target(%arg8 : memref<4096xf32, #tpu.memory_space<vmem>>) offsets(%arg6 : memref<4096xi32, #tpu.memory_space<vmem>>) semaphore(%arg14 : memref<!tpu.dma_semaphore, #tpu.memory_space<semaphore_mem>>)
    %dma_wait3A_61 = arith.constant 0 : i32
    %dma_wait3A_62 = arith.constant 0 : i32
    %dma_wait3A_63 = tpu.memref_slice %arg5[%dma_wait3A_61, %select_n3A_7, %dma_wait3A_62] : memref<2x4x100096xf32, #tpu.memory_space<vmem_shared>> -> memref<1x1x100096xf32, #tpu.memory_space<vmem_shared>>
    %dma_wait3A_64 = tpu.memref_squeeze %dma_wait3A_63 : memref<1x1x100096xf32, #tpu.memory_space<vmem_shared>> -> memref<100096xf32, #tpu.memory_space<vmem_shared>>
    %dma_wait3A_65 = arith.constant 0 : i32
    %dma_wait3A_66 = tpu.memref_slice %dma_wait3A_64[%dma_wait3A_65] : memref<100096xf32, #tpu.memory_space<vmem_shared>> -> memref<100096xf32, #tpu.memory_space<vmem_shared>>
    tpu.wait_indirect_dma semaphore(%arg14 : memref<!tpu.dma_semaphore, #tpu.memory_space<semaphore_mem>>) src(%dma_wait3A_66 : memref<100096xf32, #tpu.memory_space<vmem_shared>>) dst(%arg8 : memref<4096xf32, #tpu.memory_space<vmem>>)
    %mul3A_67 = arith.constant 8 : i32
    %mul3A_68 = arith.muli %arg0, %mul3A_67 : i32
    %add3A_69 = arith.constant 0 : i32
    %add3A_70 = arith.addi %mul3A_68, %add3A_69 : i32
    %mul3A_71 = arith.constant 8 : i32
    %mul3A_72 = arith.muli %add3A_70, %mul3A_71 : i32
    %add3A_73 = arith.constant 0 : i32
    %add3A_74 = arith.addi %mul3A_72, %add3A_73 : i32
    %add3A_75 = arith.addi %add3A_74, %select_n3A_7 : i32
    %dma_start3A_76 = tpu.memref_slice %arg4[%add3A_75, %mul3A_29] : memref<128x16384xf32, #tpu.memory_space<hbm>> -> memref<1x4096xf32, #tpu.memory_space<hbm>>
    %dma_start3A_77 = tpu.memref_squeeze %dma_start3A_76 : memref<1x4096xf32, #tpu.memory_space<hbm>> -> memref<4096xf32, #tpu.memory_space<hbm>>
    %dma_start3A_78 = tpu.memref_slice %arg4[%add3A_75, %mul3A_29] : memref<128x16384xf32, #tpu.memory_space<hbm>> -> memref<1x4096xf32, #tpu.memory_space<hbm>>
    %dma_start3A_79 = tpu.memref_squeeze %dma_start3A_78 : memref<1x4096xf32, #tpu.memory_space<hbm>> -> memref<4096xf32, #tpu.memory_space<hbm>>
    tpu.enqueue_dma source(%arg8 : memref<4096xf32, #tpu.memory_space<vmem>>) target(%dma_start3A_79 : memref<4096xf32, #tpu.memory_space<hbm>>) target_semaphore(%arg16 : memref<!tpu.dma_semaphore, #tpu.memory_space<semaphore_mem>>)
    %barrier3A_80 = arith.constant 0 : index
    tpu.barrier barrier_id(%barrier3A_80)
    %eq3A_81 = arith.constant 0 : i32
    %eq3A_82 = arith.cmpi eq, %arg1, %eq3A_81 : i32
    %convert_element_type3A_83 = arith.extui %eq3A_82 : i1 to i32
    %cond3A_84 = arith.constant 0 : i32
    %cond3A_85 = arith.cmpi ne, %convert_element_type3A_83, %cond3A_84 : i32
    scf.if %cond3A_85 {
      %mul3A_793 = arith.constant 8 : i32
      %mul3A_794 = arith.muli %arg0, %mul3A_793 : i32
      %add3A_795 = arith.constant 1 : i32
      %add3A_796 = arith.addi %mul3A_794, %add3A_795 : i32
      %mul3A_797 = arith.constant 8 : i32
      %mul3A_798 = arith.muli %add3A_796, %mul3A_797 : i32
      %add3A_799 = arith.constant 0 : i32
      %add3A_800 = arith.addi %mul3A_798, %add3A_799 : i32
      %dma_start3A_801 = arith.constant 0 : i32
      %dma_start3A_802 = arith.constant 0 : i32
      %dma_start3A_803 = arith.constant 0 : i32
      %dma_start3A_804 = tpu.memref_slice %arg5[%dma_start3A_801, %dma_start3A_802, %dma_start3A_803] : memref<2x4x100096xf32, #tpu.memory_space<vmem_shared>> -> memref<1x4x100096xf32, #tpu.memory_space<vmem_shared>>
      %dma_start3A_805 = tpu.memref_squeeze %dma_start3A_804 : memref<1x4x100096xf32, #tpu.memory_space<vmem_shared>> -> memref<4x100096xf32, #tpu.memory_space<vmem_shared>>
      %dma_start3A_806 = arith.constant 0 : i32
      %dma_start3A_807 = tpu.memref_slice %arg2[%add3A_800, %dma_start3A_806] : memref<128x100096xf32, #tpu.memory_space<hbm>> -> memref<4x100096xf32, #tpu.memory_space<hbm>>
      tpu.enqueue_dma source(%dma_start3A_807 : memref<4x100096xf32, #tpu.memory_space<hbm>>) target(%dma_start3A_805 : memref<4x100096xf32, #tpu.memory_space<vmem_shared>>) target_semaphore(%arg10 : memref<!tpu.dma_semaphore, #tpu.memory_space<semaphore_mem>>)
    } else {
    }
    %eq3A_86 = arith.constant 0 : i32
    %eq3A_87 = arith.cmpi eq, %arg1, %eq3A_86 : i32
    %convert_element_type3A_88 = arith.extui %eq3A_87 : i1 to i32
    %cond3A_89 = arith.constant 0 : i32
    %cond3A_90 = arith.cmpi ne, %convert_element_type3A_88, %cond3A_89 : i32
    scf.if %cond3A_90 {
      %mul3A_793 = arith.constant 8 : i32
      %mul3A_794 = arith.muli %arg0, %mul3A_793 : i32
      %add3A_795 = arith.constant 0 : i32
      %add3A_796 = arith.addi %mul3A_794, %add3A_795 : i32
      %mul3A_797 = arith.constant 8 : i32
      %mul3A_798 = arith.muli %add3A_796, %mul3A_797 : i32
      %add3A_799 = arith.constant 4 : i32
      %add3A_800 = arith.addi %mul3A_798, %add3A_799 : i32
      %dma_wait3A_801 = arith.constant 1 : i32
      %dma_wait3A_802 = arith.constant 0 : i32
      %dma_wait3A_803 = arith.constant 0 : i32
      %dma_wait3A_804 = tpu.memref_slice %arg5[%dma_wait3A_801, %dma_wait3A_802, %dma_wait3A_803] : memref<2x4x100096xf32, #tpu.memory_space<vmem_shared>> -> memref<1x4x100096xf32, #tpu.memory_space<vmem_shared>>
      %dma_wait3A_805 = tpu.memref_squeeze %dma_wait3A_804 : memref<1x4x100096xf32, #tpu.memory_space<vmem_shared>> -> memref<4x100096xf32, #tpu.memory_space<vmem_shared>>
      %dma_wait3A_806 = arith.constant 0 : i32
      %dma_wait3A_807 = tpu.memref_slice %arg2[%add3A_800, %dma_wait3A_806] : memref<128x100096xf32, #tpu.memory_space<hbm>> -> memref<4x100096xf32, #tpu.memory_space<hbm>>
      tpu.wait_dma2 semaphore(%arg11 : memref<!tpu.dma_semaphore, #tpu.memory_space<semaphore_mem>>) src(%dma_wait3A_807 : memref<4x100096xf32, #tpu.memory_space<hbm>>) dst(%dma_wait3A_805 : memref<4x100096xf32, #tpu.memory_space<vmem_shared>>)
    } else {
    }
    %barrier3A_91 = arith.constant 0 : index
    tpu.barrier barrier_id(%barrier3A_91)
    %dma_start3A_92 = arith.constant 1 : i32
    %dma_start3A_93 = arith.constant 0 : i32
    %dma_start3A_94 = tpu.memref_slice %arg5[%dma_start3A_92, %select_n3A_7, %dma_start3A_93] : memref<2x4x100096xf32, #tpu.memory_space<vmem_shared>> -> memref<1x1x100096xf32, #tpu.memory_space<vmem_shared>>
    %dma_start3A_95 = tpu.memref_squeeze %dma_start3A_94 : memref<1x1x100096xf32, #tpu.memory_space<vmem_shared>> -> memref<100096xf32, #tpu.memory_space<vmem_shared>>
    %dma_start3A_96 = arith.constant 0 : i32
    %dma_start3A_97 = tpu.memref_slice %dma_start3A_95[%dma_start3A_96] : memref<100096xf32, #tpu.memory_space<vmem_shared>> -> memref<100096xf32, #tpu.memory_space<vmem_shared>>
    tpu.enqueue_indirect_dma source(%dma_start3A_97 : memref<100096xf32, #tpu.memory_space<vmem_shared>>) target(%arg9 : memref<4096xf32, #tpu.memory_space<vmem>>) offsets(%arg6 : memref<4096xi32, #tpu.memory_space<vmem>>) semaphore(%arg15 : memref<!tpu.dma_semaphore, #tpu.memory_space<semaphore_mem>>)
    %dma_wait3A_98 = arith.constant 1 : i32
    %dma_wait3A_99 = arith.constant 0 : i32
    %dma_wait3A_100 = tpu.memref_slice %arg5[%dma_wait3A_98, %select_n3A_7, %dma_wait3A_99] : memref<2x4x100096xf32, #tpu.memory_space<vmem_shared>> -> memref<1x1x100096xf32, #tpu.memory_space<vmem_shared>>
    %dma_wait3A_101 = tpu.memref_squeeze %dma_wait3A_100 : memref<1x1x100096xf32, #tpu.memory_space<vmem_shared>> -> memref<100096xf32, #tpu.memory_space<vmem_shared>>
    %dma_wait3A_102 = arith.constant 0 : i32
    %dma_wait3A_103 = tpu.memref_slice %dma_wait3A_101[%dma_wait3A_102] : memref<100096xf32, #tpu.memory_space<vmem_shared>> -> memref<100096xf32, #tpu.memory_space<vmem_shared>>
    tpu.wait_indirect_dma semaphore(%arg15 : memref<!tpu.dma_semaphore, #tpu.memory_space<semaphore_mem>>) src(%dma_wait3A_103 : memref<100096xf32, #tpu.memory_space<vmem_shared>>) dst(%arg9 : memref<4096xf32, #tpu.memory_space<vmem>>)
    %mul3A_104 = arith.constant 8 : i32
    %mul3A_105 = arith.muli %arg0, %mul3A_104 : i32
    %add3A_106 = arith.constant 0 : i32
    %add3A_107 = arith.addi %mul3A_105, %add3A_106 : i32
    %mul3A_108 = arith.constant 8 : i32
    %mul3A_109 = arith.muli %add3A_107, %mul3A_108 : i32
    %add3A_110 = arith.constant 4 : i32
    %add3A_111 = arith.addi %mul3A_109, %add3A_110 : i32
    %add3A_112 = arith.addi %add3A_111, %select_n3A_7 : i32
    %dma_start3A_113 = tpu.memref_slice %arg4[%add3A_112, %mul3A_29] : memref<128x16384xf32, #tpu.memory_space<hbm>> -> memref<1x4096xf32, #tpu.memory_space<hbm>>
    %dma_start3A_114 = tpu.memref_squeeze %dma_start3A_113 : memref<1x4096xf32, #tpu.memory_space<hbm>> -> memref<4096xf32, #tpu.memory_space<hbm>>
    %dma_start3A_115 = tpu.memref_slice %arg4[%add3A_112, %mul3A_29] : memref<128x16384xf32, #tpu.memory_space<hbm>> -> memref<1x4096xf32, #tpu.memory_space<hbm>>
    %dma_start3A_116 = tpu.memref_squeeze %dma_start3A_115 : memref<1x4096xf32, #tpu.memory_space<hbm>> -> memref<4096xf32, #tpu.memory_space<hbm>>
    tpu.enqueue_dma source(%arg9 : memref<4096xf32, #tpu.memory_space<vmem>>) target(%dma_start3A_116 : memref<4096xf32, #tpu.memory_space<hbm>>) target_semaphore(%arg17 : memref<!tpu.dma_semaphore, #tpu.memory_space<semaphore_mem>>)
    %mul3A_117 = arith.constant 8 : i32
    %mul3A_118 = arith.muli %arg0, %mul3A_117 : i32
    %add3A_119 = arith.constant 1 : i32
    %add3A_120 = arith.addi %mul3A_118, %add3A_119 : i32
    %add3A_121 = arith.constant 10 : i32
    %add3A_122 = arith.addi %add3A_121, %add3A_120 : i32
    %dma_start3A_123 = tpu.memref_slice %arg3[%add3A_122, %mul3A_29] : memref<26x16384xi32, #tpu.memory_space<hbm>> -> memref<1x4096xi32, #tpu.memory_space<hbm>>
    %dma_start3A_124 = tpu.memref_squeeze %dma_start3A_123 : memref<1x4096xi32, #tpu.memory_space<hbm>> -> memref<4096xi32, #tpu.memory_space<hbm>>
    %dma_start3A_125 = tpu.memref_slice %arg3[%add3A_122, %mul3A_29] : memref<26x16384xi32, #tpu.memory_space<hbm>> -> memref<1x4096xi32, #tpu.memory_space<hbm>>
    %dma_start3A_126 = tpu.memref_squeeze %dma_start3A_125 : memref<1x4096xi32, #tpu.memory_space<hbm>> -> memref<4096xi32, #tpu.memory_space<hbm>>
    tpu.enqueue_dma source(%dma_start3A_126 : memref<4096xi32, #tpu.memory_space<hbm>>) target(%arg7 : memref<4096xi32, #tpu.memory_space<vmem>>) target_semaphore(%arg13 : memref<!tpu.dma_semaphore, #tpu.memory_space<semaphore_mem>>)
    %barrier3A_127 = arith.constant 0 : index
    tpu.barrier barrier_id(%barrier3A_127)
    %eq3A_128 = arith.constant 0 : i32
    %eq3A_129 = arith.cmpi eq, %arg1, %eq3A_128 : i32
    %convert_element_type3A_130 = arith.extui %eq3A_129 : i1 to i32
    %cond3A_131 = arith.constant 0 : i32
    %cond3A_132 = arith.cmpi ne, %convert_element_type3A_130, %cond3A_131 : i32
    scf.if %cond3A_132 {
      %mul3A_793 = arith.constant 8 : i32
      %mul3A_794 = arith.muli %arg0, %mul3A_793 : i32
      %add3A_795 = arith.constant 1 : i32
      %add3A_796 = arith.addi %mul3A_794, %add3A_795 : i32
      %mul3A_797 = arith.constant 8 : i32
      %mul3A_798 = arith.muli %add3A_796, %mul3A_797 : i32
      %add3A_799 = arith.constant 4 : i32
      %add3A_800 = arith.addi %mul3A_798, %add3A_799 : i32
      %dma_start3A_801 = arith.constant 1 : i32
      %dma_start3A_802 = arith.constant 0 : i32
      %dma_start3A_803 = arith.constant 0 : i32
      %dma_start3A_804 = tpu.memref_slice %arg5[%dma_start3A_801, %dma_start3A_802, %dma_start3A_803] : memref<2x4x100096xf32, #tpu.memory_space<vmem_shared>> -> memref<1x4x100096xf32, #tpu.memory_space<vmem_shared>>
      %dma_start3A_805 = tpu.memref_squeeze %dma_start3A_804 : memref<1x4x100096xf32, #tpu.memory_space<vmem_shared>> -> memref<4x100096xf32, #tpu.memory_space<vmem_shared>>
      %dma_start3A_806 = arith.constant 0 : i32
      %dma_start3A_807 = tpu.memref_slice %arg2[%add3A_800, %dma_start3A_806] : memref<128x100096xf32, #tpu.memory_space<hbm>> -> memref<4x100096xf32, #tpu.memory_space<hbm>>
      tpu.enqueue_dma source(%dma_start3A_807 : memref<4x100096xf32, #tpu.memory_space<hbm>>) target(%dma_start3A_805 : memref<4x100096xf32, #tpu.memory_space<vmem_shared>>) target_semaphore(%arg11 : memref<!tpu.dma_semaphore, #tpu.memory_space<semaphore_mem>>)
    } else {
    }
    %eq3A_133 = arith.constant 0 : i32
    %eq3A_134 = arith.cmpi eq, %arg1, %eq3A_133 : i32
    %convert_element_type3A_135 = arith.extui %eq3A_134 : i1 to i32
    %cond3A_136 = arith.constant 0 : i32
    %cond3A_137 = arith.cmpi ne, %convert_element_type3A_135, %cond3A_136 : i32
    scf.if %cond3A_137 {
      %mul3A_793 = arith.constant 8 : i32
      %mul3A_794 = arith.muli %arg0, %mul3A_793 : i32
      %add3A_795 = arith.constant 1 : i32
      %add3A_796 = arith.addi %mul3A_794, %add3A_795 : i32
      %mul3A_797 = arith.constant 8 : i32
      %mul3A_798 = arith.muli %add3A_796, %mul3A_797 : i32
      %add3A_799 = arith.constant 0 : i32
      %add3A_800 = arith.addi %mul3A_798, %add3A_799 : i32
      %dma_wait3A_801 = arith.constant 0 : i32
      %dma_wait3A_802 = arith.constant 0 : i32
      %dma_wait3A_803 = arith.constant 0 : i32
      %dma_wait3A_804 = tpu.memref_slice %arg5[%dma_wait3A_801, %dma_wait3A_802, %dma_wait3A_803] : memref<2x4x100096xf32, #tpu.memory_space<vmem_shared>> -> memref<1x4x100096xf32, #tpu.memory_space<vmem_shared>>
      %dma_wait3A_805 = tpu.memref_squeeze %dma_wait3A_804 : memref<1x4x100096xf32, #tpu.memory_space<vmem_shared>> -> memref<4x100096xf32, #tpu.memory_space<vmem_shared>>
      %dma_wait3A_806 = arith.constant 0 : i32
      %dma_wait3A_807 = tpu.memref_slice %arg2[%add3A_800, %dma_wait3A_806] : memref<128x100096xf32, #tpu.memory_space<hbm>> -> memref<4x100096xf32, #tpu.memory_space<hbm>>
      tpu.wait_dma2 semaphore(%arg10 : memref<!tpu.dma_semaphore, #tpu.memory_space<semaphore_mem>>) src(%dma_wait3A_807 : memref<4x100096xf32, #tpu.memory_space<hbm>>) dst(%dma_wait3A_805 : memref<4x100096xf32, #tpu.memory_space<vmem_shared>>)
    } else {
    }
    %dma_wait3A_138 = tpu.memref_slice %arg3[%add3A_122, %mul3A_29] : memref<26x16384xi32, #tpu.memory_space<hbm>> -> memref<1x4096xi32, #tpu.memory_space<hbm>>
    %dma_wait3A_139 = tpu.memref_squeeze %dma_wait3A_138 : memref<1x4096xi32, #tpu.memory_space<hbm>> -> memref<4096xi32, #tpu.memory_space<hbm>>
    %dma_wait3A_140 = tpu.memref_slice %arg3[%add3A_122, %mul3A_29] : memref<26x16384xi32, #tpu.memory_space<hbm>> -> memref<1x4096xi32, #tpu.memory_space<hbm>>
    %dma_wait3A_141 = tpu.memref_squeeze %dma_wait3A_140 : memref<1x4096xi32, #tpu.memory_space<hbm>> -> memref<4096xi32, #tpu.memory_space<hbm>>
    tpu.wait_dma2 semaphore(%arg13 : memref<!tpu.dma_semaphore, #tpu.memory_space<semaphore_mem>>) src(%dma_wait3A_141 : memref<4096xi32, #tpu.memory_space<hbm>>) dst(%arg7 : memref<4096xi32, #tpu.memory_space<vmem>>)
    %barrier3A_142 = arith.constant 0 : index
    tpu.barrier barrier_id(%barrier3A_142)
    %dma_wait3A_143 = tpu.memref_slice %arg4[%add3A_75, %mul3A_29] : memref<128x16384xf32, #tpu.memory_space<hbm>> -> memref<1x4096xf32, #tpu.memory_space<hbm>>
    %dma_wait3A_144 = tpu.memref_squeeze %dma_wait3A_143 : memref<1x4096xf32, #tpu.memory_space<hbm>> -> memref<4096xf32, #tpu.memory_space<hbm>>
    %dma_wait3A_145 = tpu.memref_slice %arg4[%add3A_75, %mul3A_29] : memref<128x16384xf32, #tpu.memory_space<hbm>> -> memref<1x4096xf32, #tpu.memory_space<hbm>>
    %dma_wait3A_146 = tpu.memref_squeeze %dma_wait3A_145 : memref<1x4096xf32, #tpu.memory_space<hbm>> -> memref<4096xf32, #tpu.memory_space<hbm>>
    tpu.wait_dma2 semaphore(%arg16 : memref<!tpu.dma_semaphore, #tpu.memory_space<semaphore_mem>>) src(%arg8 : memref<4096xf32, #tpu.memory_space<vmem>>) dst(%dma_wait3A_146 : memref<4096xf32, #tpu.memory_space<hbm>>)
    %dma_start3A_147 = arith.constant 0 : i32
    %dma_start3A_148 = arith.constant 0 : i32
    %dma_start3A_149 = tpu.memref_slice %arg5[%dma_start3A_147, %select_n3A_7, %dma_start3A_148] : memref<2x4x100096xf32, #tpu.memory_space<vmem_shared>> -> memref<1x1x100096xf32, #tpu.memory_space<vmem_shared>>
    %dma_start3A_150 = tpu.memref_squeeze %dma_start3A_149 : memref<1x1x100096xf32, #tpu.memory_space<vmem_shared>> -> memref<100096xf32, #tpu.memory_space<vmem_shared>>
    %dma_start3A_151 = arith.constant 0 : i32
    %dma_start3A_152 = tpu.memref_slice %dma_start3A_150[%dma_start3A_151] : memref<100096xf32, #tpu.memory_space<vmem_shared>> -> memref<100096xf32, #tpu.memory_space<vmem_shared>>
    tpu.enqueue_indirect_dma source(%dma_start3A_152 : memref<100096xf32, #tpu.memory_space<vmem_shared>>) target(%arg8 : memref<4096xf32, #tpu.memory_space<vmem>>) offsets(%arg7 : memref<4096xi32, #tpu.memory_space<vmem>>) semaphore(%arg14 : memref<!tpu.dma_semaphore, #tpu.memory_space<semaphore_mem>>)
    %dma_wait3A_153 = arith.constant 0 : i32
    %dma_wait3A_154 = arith.constant 0 : i32
    %dma_wait3A_155 = tpu.memref_slice %arg5[%dma_wait3A_153, %select_n3A_7, %dma_wait3A_154] : memref<2x4x100096xf32, #tpu.memory_space<vmem_shared>> -> memref<1x1x100096xf32, #tpu.memory_space<vmem_shared>>
    %dma_wait3A_156 = tpu.memref_squeeze %dma_wait3A_155 : memref<1x1x100096xf32, #tpu.memory_space<vmem_shared>> -> memref<100096xf32, #tpu.memory_space<vmem_shared>>
    %dma_wait3A_157 = arith.constant 0 : i32
    %dma_wait3A_158 = tpu.memref_slice %dma_wait3A_156[%dma_wait3A_157] : memref<100096xf32, #tpu.memory_space<vmem_shared>> -> memref<100096xf32, #tpu.memory_space<vmem_shared>>
    tpu.wait_indirect_dma semaphore(%arg14 : memref<!tpu.dma_semaphore, #tpu.memory_space<semaphore_mem>>) src(%dma_wait3A_158 : memref<100096xf32, #tpu.memory_space<vmem_shared>>) dst(%arg8 : memref<4096xf32, #tpu.memory_space<vmem>>)
    %mul3A_159 = arith.constant 8 : i32
    %mul3A_160 = arith.muli %arg0, %mul3A_159 : i32
    %add3A_161 = arith.constant 1 : i32
    %add3A_162 = arith.addi %mul3A_160, %add3A_161 : i32
    %mul3A_163 = arith.constant 8 : i32
    %mul3A_164 = arith.muli %add3A_162, %mul3A_163 : i32
    %add3A_165 = arith.constant 0 : i32
    %add3A_166 = arith.addi %mul3A_164, %add3A_165 : i32
    %add3A_167 = arith.addi %add3A_166, %select_n3A_7 : i32
    %dma_start3A_168 = tpu.memref_slice %arg4[%add3A_167, %mul3A_29] : memref<128x16384xf32, #tpu.memory_space<hbm>> -> memref<1x4096xf32, #tpu.memory_space<hbm>>
    %dma_start3A_169 = tpu.memref_squeeze %dma_start3A_168 : memref<1x4096xf32, #tpu.memory_space<hbm>> -> memref<4096xf32, #tpu.memory_space<hbm>>
    %dma_start3A_170 = tpu.memref_slice %arg4[%add3A_167, %mul3A_29] : memref<128x16384xf32, #tpu.memory_space<hbm>> -> memref<1x4096xf32, #tpu.memory_space<hbm>>
    %dma_start3A_171 = tpu.memref_squeeze %dma_start3A_170 : memref<1x4096xf32, #tpu.memory_space<hbm>> -> memref<4096xf32, #tpu.memory_space<hbm>>
    tpu.enqueue_dma source(%arg8 : memref<4096xf32, #tpu.memory_space<vmem>>) target(%dma_start3A_171 : memref<4096xf32, #tpu.memory_space<hbm>>) target_semaphore(%arg16 : memref<!tpu.dma_semaphore, #tpu.memory_space<semaphore_mem>>)
    %barrier3A_172 = arith.constant 0 : index
    tpu.barrier barrier_id(%barrier3A_172)
    %eq3A_173 = arith.constant 0 : i32
    %eq3A_174 = arith.cmpi eq, %arg1, %eq3A_173 : i32
    %convert_element_type3A_175 = arith.extui %eq3A_174 : i1 to i32
    %cond3A_176 = arith.constant 0 : i32
    %cond3A_177 = arith.cmpi ne, %convert_element_type3A_175, %cond3A_176 : i32
    scf.if %cond3A_177 {
      %mul3A_793 = arith.constant 8 : i32
      %mul3A_794 = arith.muli %arg0, %mul3A_793 : i32
      %add3A_795 = arith.constant 2 : i32
      %add3A_796 = arith.addi %mul3A_794, %add3A_795 : i32
      %mul3A_797 = arith.constant 8 : i32
      %mul3A_798 = arith.muli %add3A_796, %mul3A_797 : i32
      %add3A_799 = arith.constant 0 : i32
      %add3A_800 = arith.addi %mul3A_798, %add3A_799 : i32
      %dma_start3A_801 = arith.constant 0 : i32
      %dma_start3A_802 = arith.constant 0 : i32
      %dma_start3A_803 = arith.constant 0 : i32
      %dma_start3A_804 = tpu.memref_slice %arg5[%dma_start3A_801, %dma_start3A_802, %dma_start3A_803] : memref<2x4x100096xf32, #tpu.memory_space<vmem_shared>> -> memref<1x4x100096xf32, #tpu.memory_space<vmem_shared>>
      %dma_start3A_805 = tpu.memref_squeeze %dma_start3A_804 : memref<1x4x100096xf32, #tpu.memory_space<vmem_shared>> -> memref<4x100096xf32, #tpu.memory_space<vmem_shared>>
      %dma_start3A_806 = arith.constant 0 : i32
      %dma_start3A_807 = tpu.memref_slice %arg2[%add3A_800, %dma_start3A_806] : memref<128x100096xf32, #tpu.memory_space<hbm>> -> memref<4x100096xf32, #tpu.memory_space<hbm>>
      tpu.enqueue_dma source(%dma_start3A_807 : memref<4x100096xf32, #tpu.memory_space<hbm>>) target(%dma_start3A_805 : memref<4x100096xf32, #tpu.memory_space<vmem_shared>>) target_semaphore(%arg10 : memref<!tpu.dma_semaphore, #tpu.memory_space<semaphore_mem>>)
    } else {
    }
    %eq3A_178 = arith.constant 0 : i32
    %eq3A_179 = arith.cmpi eq, %arg1, %eq3A_178 : i32
    %convert_element_type3A_180 = arith.extui %eq3A_179 : i1 to i32
    %cond3A_181 = arith.constant 0 : i32
    %cond3A_182 = arith.cmpi ne, %convert_element_type3A_180, %cond3A_181 : i32
    scf.if %cond3A_182 {
      %mul3A_793 = arith.constant 8 : i32
      %mul3A_794 = arith.muli %arg0, %mul3A_793 : i32
      %add3A_795 = arith.constant 1 : i32
      %add3A_796 = arith.addi %mul3A_794, %add3A_795 : i32
      %mul3A_797 = arith.constant 8 : i32
      %mul3A_798 = arith.muli %add3A_796, %mul3A_797 : i32
      %add3A_799 = arith.constant 4 : i32
      %add3A_800 = arith.addi %mul3A_798, %add3A_799 : i32
      %dma_wait3A_801 = arith.constant 1 : i32
      %dma_wait3A_802 = arith.constant 0 : i32
      %dma_wait3A_803 = arith.constant 0 : i32
      %dma_wait3A_804 = tpu.memref_slice %arg5[%dma_wait3A_801, %dma_wait3A_802, %dma_wait3A_803] : memref<2x4x100096xf32, #tpu.memory_space<vmem_shared>> -> memref<1x4x100096xf32, #tpu.memory_space<vmem_shared>>
      %dma_wait3A_805 = tpu.memref_squeeze %dma_wait3A_804 : memref<1x4x100096xf32, #tpu.memory_space<vmem_shared>> -> memref<4x100096xf32, #tpu.memory_space<vmem_shared>>
      %dma_wait3A_806 = arith.constant 0 : i32
      %dma_wait3A_807 = tpu.memref_slice %arg2[%add3A_800, %dma_wait3A_806] : memref<128x100096xf32, #tpu.memory_space<hbm>> -> memref<4x100096xf32, #tpu.memory_space<hbm>>
      tpu.wait_dma2 semaphore(%arg11 : memref<!tpu.dma_semaphore, #tpu.memory_space<semaphore_mem>>) src(%dma_wait3A_807 : memref<4x100096xf32, #tpu.memory_space<hbm>>) dst(%dma_wait3A_805 : memref<4x100096xf32, #tpu.memory_space<vmem_shared>>)
    } else {
    }
    %barrier3A_183 = arith.constant 0 : index
    tpu.barrier barrier_id(%barrier3A_183)
    %dma_wait3A_184 = tpu.memref_slice %arg4[%add3A_112, %mul3A_29] : memref<128x16384xf32, #tpu.memory_space<hbm>> -> memref<1x4096xf32, #tpu.memory_space<hbm>>
    %dma_wait3A_185 = tpu.memref_squeeze %dma_wait3A_184 : memref<1x4096xf32, #tpu.memory_space<hbm>> -> memref<4096xf32, #tpu.memory_space<hbm>>
    %dma_wait3A_186 = tpu.memref_slice %arg4[%add3A_112, %mul3A_29] : memref<128x16384xf32, #tpu.memory_space<hbm>> -> memref<1x4096xf32, #tpu.memory_space<hbm>>
    %dma_wait3A_187 = tpu.memref_squeeze %dma_wait3A_186 : memref<1x4096xf32, #tpu.memory_space<hbm>> -> memref<4096xf32, #tpu.memory_space<hbm>>
    tpu.wait_dma2 semaphore(%arg17 : memref<!tpu.dma_semaphore, #tpu.memory_space<semaphore_mem>>) src(%arg9 : memref<4096xf32, #tpu.memory_space<vmem>>) dst(%dma_wait3A_187 : memref<4096xf32, #tpu.memory_space<hbm>>)
    %dma_start3A_188 = arith.constant 1 : i32
    %dma_start3A_189 = arith.constant 0 : i32
    %dma_start3A_190 = tpu.memref_slice %arg5[%dma_start3A_188, %select_n3A_7, %dma_start3A_189] : memref<2x4x100096xf32, #tpu.memory_space<vmem_shared>> -> memref<1x1x100096xf32, #tpu.memory_space<vmem_shared>>
    %dma_start3A_191 = tpu.memref_squeeze %dma_start3A_190 : memref<1x1x100096xf32, #tpu.memory_space<vmem_shared>> -> memref<100096xf32, #tpu.memory_space<vmem_shared>>
    %dma_start3A_192 = arith.constant 0 : i32
    %dma_start3A_193 = tpu.memref_slice %dma_start3A_191[%dma_start3A_192] : memref<100096xf32, #tpu.memory_space<vmem_shared>> -> memref<100096xf32, #tpu.memory_space<vmem_shared>>
    tpu.enqueue_indirect_dma source(%dma_start3A_193 : memref<100096xf32, #tpu.memory_space<vmem_shared>>) target(%arg9 : memref<4096xf32, #tpu.memory_space<vmem>>) offsets(%arg7 : memref<4096xi32, #tpu.memory_space<vmem>>) semaphore(%arg15 : memref<!tpu.dma_semaphore, #tpu.memory_space<semaphore_mem>>)
    %dma_wait3A_194 = arith.constant 1 : i32
    %dma_wait3A_195 = arith.constant 0 : i32
    %dma_wait3A_196 = tpu.memref_slice %arg5[%dma_wait3A_194, %select_n3A_7, %dma_wait3A_195] : memref<2x4x100096xf32, #tpu.memory_space<vmem_shared>> -> memref<1x1x100096xf32, #tpu.memory_space<vmem_shared>>
    %dma_wait3A_197 = tpu.memref_squeeze %dma_wait3A_196 : memref<1x1x100096xf32, #tpu.memory_space<vmem_shared>> -> memref<100096xf32, #tpu.memory_space<vmem_shared>>
    %dma_wait3A_198 = arith.constant 0 : i32
    %dma_wait3A_199 = tpu.memref_slice %dma_wait3A_197[%dma_wait3A_198] : memref<100096xf32, #tpu.memory_space<vmem_shared>> -> memref<100096xf32, #tpu.memory_space<vmem_shared>>
    tpu.wait_indirect_dma semaphore(%arg15 : memref<!tpu.dma_semaphore, #tpu.memory_space<semaphore_mem>>) src(%dma_wait3A_199 : memref<100096xf32, #tpu.memory_space<vmem_shared>>) dst(%arg9 : memref<4096xf32, #tpu.memory_space<vmem>>)
    %mul3A_200 = arith.constant 8 : i32
    %mul3A_201 = arith.muli %arg0, %mul3A_200 : i32
    %add3A_202 = arith.constant 1 : i32
    %add3A_203 = arith.addi %mul3A_201, %add3A_202 : i32
    %mul3A_204 = arith.constant 8 : i32
    %mul3A_205 = arith.muli %add3A_203, %mul3A_204 : i32
    %add3A_206 = arith.constant 4 : i32
    %add3A_207 = arith.addi %mul3A_205, %add3A_206 : i32
    %add3A_208 = arith.addi %add3A_207, %select_n3A_7 : i32
    %dma_start3A_209 = tpu.memref_slice %arg4[%add3A_208, %mul3A_29] : memref<128x16384xf32, #tpu.memory_space<hbm>> -> memref<1x4096xf32, #tpu.memory_space<hbm>>
    %dma_start3A_210 = tpu.memref_squeeze %dma_start3A_209 : memref<1x4096xf32, #tpu.memory_space<hbm>> -> memref<4096xf32, #tpu.memory_space<hbm>>
    %dma_start3A_211 = tpu.memref_slice %arg4[%add3A_208, %mul3A_29] : memref<128x16384xf32, #tpu.memory_space<hbm>> -> memref<1x4096xf32, #tpu.memory_space<hbm>>
    %dma_start3A_212 = tpu.memref_squeeze %dma_start3A_211 : memref<1x4096xf32, #tpu.memory_space<hbm>> -> memref<4096xf32, #tpu.memory_space<hbm>>
    tpu.enqueue_dma source(%arg9 : memref<4096xf32, #tpu.memory_space<vmem>>) target(%dma_start3A_212 : memref<4096xf32, #tpu.memory_space<hbm>>) target_semaphore(%arg17 : memref<!tpu.dma_semaphore, #tpu.memory_space<semaphore_mem>>)
    %mul3A_213 = arith.constant 8 : i32
    %mul3A_214 = arith.muli %arg0, %mul3A_213 : i32
    %add3A_215 = arith.constant 2 : i32
    %add3A_216 = arith.addi %mul3A_214, %add3A_215 : i32
    %add3A_217 = arith.constant 10 : i32
    %add3A_218 = arith.addi %add3A_217, %add3A_216 : i32
    %dma_start3A_219 = tpu.memref_slice %arg3[%add3A_218, %mul3A_29] : memref<26x16384xi32, #tpu.memory_space<hbm>> -> memref<1x4096xi32, #tpu.memory_space<hbm>>
    %dma_start3A_220 = tpu.memref_squeeze %dma_start3A_219 : memref<1x4096xi32, #tpu.memory_space<hbm>> -> memref<4096xi32, #tpu.memory_space<hbm>>
    %dma_start3A_221 = tpu.memref_slice %arg3[%add3A_218, %mul3A_29] : memref<26x16384xi32, #tpu.memory_space<hbm>> -> memref<1x4096xi32, #tpu.memory_space<hbm>>
    %dma_start3A_222 = tpu.memref_squeeze %dma_start3A_221 : memref<1x4096xi32, #tpu.memory_space<hbm>> -> memref<4096xi32, #tpu.memory_space<hbm>>
    tpu.enqueue_dma source(%dma_start3A_222 : memref<4096xi32, #tpu.memory_space<hbm>>) target(%arg6 : memref<4096xi32, #tpu.memory_space<vmem>>) target_semaphore(%arg12 : memref<!tpu.dma_semaphore, #tpu.memory_space<semaphore_mem>>)
    %barrier3A_223 = arith.constant 0 : index
    tpu.barrier barrier_id(%barrier3A_223)
    %eq3A_224 = arith.constant 0 : i32
    %eq3A_225 = arith.cmpi eq, %arg1, %eq3A_224 : i32
    %convert_element_type3A_226 = arith.extui %eq3A_225 : i1 to i32
    %cond3A_227 = arith.constant 0 : i32
    %cond3A_228 = arith.cmpi ne, %convert_element_type3A_226, %cond3A_227 : i32
    scf.if %cond3A_228 {
      %mul3A_793 = arith.constant 8 : i32
      %mul3A_794 = arith.muli %arg0, %mul3A_793 : i32
      %add3A_795 = arith.constant 2 : i32
      %add3A_796 = arith.addi %mul3A_794, %add3A_795 : i32
      %mul3A_797 = arith.constant 8 : i32
      %mul3A_798 = arith.muli %add3A_796, %mul3A_797 : i32
      %add3A_799 = arith.constant 4 : i32
      %add3A_800 = arith.addi %mul3A_798, %add3A_799 : i32
      %dma_start3A_801 = arith.constant 1 : i32
      %dma_start3A_802 = arith.constant 0 : i32
      %dma_start3A_803 = arith.constant 0 : i32
      %dma_start3A_804 = tpu.memref_slice %arg5[%dma_start3A_801, %dma_start3A_802, %dma_start3A_803] : memref<2x4x100096xf32, #tpu.memory_space<vmem_shared>> -> memref<1x4x100096xf32, #tpu.memory_space<vmem_shared>>
      %dma_start3A_805 = tpu.memref_squeeze %dma_start3A_804 : memref<1x4x100096xf32, #tpu.memory_space<vmem_shared>> -> memref<4x100096xf32, #tpu.memory_space<vmem_shared>>
      %dma_start3A_806 = arith.constant 0 : i32
      %dma_start3A_807 = tpu.memref_slice %arg2[%add3A_800, %dma_start3A_806] : memref<128x100096xf32, #tpu.memory_space<hbm>> -> memref<4x100096xf32, #tpu.memory_space<hbm>>
      tpu.enqueue_dma source(%dma_start3A_807 : memref<4x100096xf32, #tpu.memory_space<hbm>>) target(%dma_start3A_805 : memref<4x100096xf32, #tpu.memory_space<vmem_shared>>) target_semaphore(%arg11 : memref<!tpu.dma_semaphore, #tpu.memory_space<semaphore_mem>>)
    } else {
    }
    %eq3A_229 = arith.constant 0 : i32
    %eq3A_230 = arith.cmpi eq, %arg1, %eq3A_229 : i32
    %convert_element_type3A_231 = arith.extui %eq3A_230 : i1 to i32
    %cond3A_232 = arith.constant 0 : i32
    %cond3A_233 = arith.cmpi ne, %convert_element_type3A_231, %cond3A_232 : i32
    scf.if %cond3A_233 {
      %mul3A_793 = arith.constant 8 : i32
      %mul3A_794 = arith.muli %arg0, %mul3A_793 : i32
      %add3A_795 = arith.constant 2 : i32
      %add3A_796 = arith.addi %mul3A_794, %add3A_795 : i32
      %mul3A_797 = arith.constant 8 : i32
      %mul3A_798 = arith.muli %add3A_796, %mul3A_797 : i32
      %add3A_799 = arith.constant 0 : i32
      %add3A_800 = arith.addi %mul3A_798, %add3A_799 : i32
      %dma_wait3A_801 = arith.constant 0 : i32
      %dma_wait3A_802 = arith.constant 0 : i32
      %dma_wait3A_803 = arith.constant 0 : i32
      %dma_wait3A_804 = tpu.memref_slice %arg5[%dma_wait3A_801, %dma_wait3A_802, %dma_wait3A_803] : memref<2x4x100096xf32, #tpu.memory_space<vmem_shared>> -> memref<1x4x100096xf32, #tpu.memory_space<vmem_shared>>
      %dma_wait3A_805 = tpu.memref_squeeze %dma_wait3A_804 : memref<1x4x100096xf32, #tpu.memory_space<vmem_shared>> -> memref<4x100096xf32, #tpu.memory_space<vmem_shared>>
      %dma_wait3A_806 = arith.constant 0 : i32
      %dma_wait3A_807 = tpu.memref_slice %arg2[%add3A_800, %dma_wait3A_806] : memref<128x100096xf32, #tpu.memory_space<hbm>> -> memref<4x100096xf32, #tpu.memory_space<hbm>>
      tpu.wait_dma2 semaphore(%arg10 : memref<!tpu.dma_semaphore, #tpu.memory_space<semaphore_mem>>) src(%dma_wait3A_807 : memref<4x100096xf32, #tpu.memory_space<hbm>>) dst(%dma_wait3A_805 : memref<4x100096xf32, #tpu.memory_space<vmem_shared>>)
    } else {
    }
    %dma_wait3A_234 = tpu.memref_slice %arg3[%add3A_218, %mul3A_29] : memref<26x16384xi32, #tpu.memory_space<hbm>> -> memref<1x4096xi32, #tpu.memory_space<hbm>>
    %dma_wait3A_235 = tpu.memref_squeeze %dma_wait3A_234 : memref<1x4096xi32, #tpu.memory_space<hbm>> -> memref<4096xi32, #tpu.memory_space<hbm>>
    %dma_wait3A_236 = tpu.memref_slice %arg3[%add3A_218, %mul3A_29] : memref<26x16384xi32, #tpu.memory_space<hbm>> -> memref<1x4096xi32, #tpu.memory_space<hbm>>
    %dma_wait3A_237 = tpu.memref_squeeze %dma_wait3A_236 : memref<1x4096xi32, #tpu.memory_space<hbm>> -> memref<4096xi32, #tpu.memory_space<hbm>>
    tpu.wait_dma2 semaphore(%arg12 : memref<!tpu.dma_semaphore, #tpu.memory_space<semaphore_mem>>) src(%dma_wait3A_237 : memref<4096xi32, #tpu.memory_space<hbm>>) dst(%arg6 : memref<4096xi32, #tpu.memory_space<vmem>>)
    %barrier3A_238 = arith.constant 0 : index
    tpu.barrier barrier_id(%barrier3A_238)
    %dma_wait3A_239 = tpu.memref_slice %arg4[%add3A_167, %mul3A_29] : memref<128x16384xf32, #tpu.memory_space<hbm>> -> memref<1x4096xf32, #tpu.memory_space<hbm>>
    %dma_wait3A_240 = tpu.memref_squeeze %dma_wait3A_239 : memref<1x4096xf32, #tpu.memory_space<hbm>> -> memref<4096xf32, #tpu.memory_space<hbm>>
    %dma_wait3A_241 = tpu.memref_slice %arg4[%add3A_167, %mul3A_29] : memref<128x16384xf32, #tpu.memory_space<hbm>> -> memref<1x4096xf32, #tpu.memory_space<hbm>>
    %dma_wait3A_242 = tpu.memref_squeeze %dma_wait3A_241 : memref<1x4096xf32, #tpu.memory_space<hbm>> -> memref<4096xf32, #tpu.memory_space<hbm>>
    tpu.wait_dma2 semaphore(%arg16 : memref<!tpu.dma_semaphore, #tpu.memory_space<semaphore_mem>>) src(%arg8 : memref<4096xf32, #tpu.memory_space<vmem>>) dst(%dma_wait3A_242 : memref<4096xf32, #tpu.memory_space<hbm>>)
    %dma_start3A_243 = arith.constant 0 : i32
    %dma_start3A_244 = arith.constant 0 : i32
    %dma_start3A_245 = tpu.memref_slice %arg5[%dma_start3A_243, %select_n3A_7, %dma_start3A_244] : memref<2x4x100096xf32, #tpu.memory_space<vmem_shared>> -> memref<1x1x100096xf32, #tpu.memory_space<vmem_shared>>
    %dma_start3A_246 = tpu.memref_squeeze %dma_start3A_245 : memref<1x1x100096xf32, #tpu.memory_space<vmem_shared>> -> memref<100096xf32, #tpu.memory_space<vmem_shared>>
    %dma_start3A_247 = arith.constant 0 : i32
    %dma_start3A_248 = tpu.memref_slice %dma_start3A_246[%dma_start3A_247] : memref<100096xf32, #tpu.memory_space<vmem_shared>> -> memref<100096xf32, #tpu.memory_space<vmem_shared>>
    tpu.enqueue_indirect_dma source(%dma_start3A_248 : memref<100096xf32, #tpu.memory_space<vmem_shared>>) target(%arg8 : memref<4096xf32, #tpu.memory_space<vmem>>) offsets(%arg6 : memref<4096xi32, #tpu.memory_space<vmem>>) semaphore(%arg14 : memref<!tpu.dma_semaphore, #tpu.memory_space<semaphore_mem>>)
    %dma_wait3A_249 = arith.constant 0 : i32
    %dma_wait3A_250 = arith.constant 0 : i32
    %dma_wait3A_251 = tpu.memref_slice %arg5[%dma_wait3A_249, %select_n3A_7, %dma_wait3A_250] : memref<2x4x100096xf32, #tpu.memory_space<vmem_shared>> -> memref<1x1x100096xf32, #tpu.memory_space<vmem_shared>>
    %dma_wait3A_252 = tpu.memref_squeeze %dma_wait3A_251 : memref<1x1x100096xf32, #tpu.memory_space<vmem_shared>> -> memref<100096xf32, #tpu.memory_space<vmem_shared>>
    %dma_wait3A_253 = arith.constant 0 : i32
    %dma_wait3A_254 = tpu.memref_slice %dma_wait3A_252[%dma_wait3A_253] : memref<100096xf32, #tpu.memory_space<vmem_shared>> -> memref<100096xf32, #tpu.memory_space<vmem_shared>>
    tpu.wait_indirect_dma semaphore(%arg14 : memref<!tpu.dma_semaphore, #tpu.memory_space<semaphore_mem>>) src(%dma_wait3A_254 : memref<100096xf32, #tpu.memory_space<vmem_shared>>) dst(%arg8 : memref<4096xf32, #tpu.memory_space<vmem>>)
    %mul3A_255 = arith.constant 8 : i32
    %mul3A_256 = arith.muli %arg0, %mul3A_255 : i32
    %add3A_257 = arith.constant 2 : i32
    %add3A_258 = arith.addi %mul3A_256, %add3A_257 : i32
    %mul3A_259 = arith.constant 8 : i32
    %mul3A_260 = arith.muli %add3A_258, %mul3A_259 : i32
    %add3A_261 = arith.constant 0 : i32
    %add3A_262 = arith.addi %mul3A_260, %add3A_261 : i32
    %add3A_263 = arith.addi %add3A_262, %select_n3A_7 : i32
    %dma_start3A_264 = tpu.memref_slice %arg4[%add3A_263, %mul3A_29] : memref<128x16384xf32, #tpu.memory_space<hbm>> -> memref<1x4096xf32, #tpu.memory_space<hbm>>
    %dma_start3A_265 = tpu.memref_squeeze %dma_start3A_264 : memref<1x4096xf32, #tpu.memory_space<hbm>> -> memref<4096xf32, #tpu.memory_space<hbm>>
    %dma_start3A_266 = tpu.memref_slice %arg4[%add3A_263, %mul3A_29] : memref<128x16384xf32, #tpu.memory_space<hbm>> -> memref<1x4096xf32, #tpu.memory_space<hbm>>
    %dma_start3A_267 = tpu.memref_squeeze %dma_start3A_266 : memref<1x4096xf32, #tpu.memory_space<hbm>> -> memref<4096xf32, #tpu.memory_space<hbm>>
    tpu.enqueue_dma source(%arg8 : memref<4096xf32, #tpu.memory_space<vmem>>) target(%dma_start3A_267 : memref<4096xf32, #tpu.memory_space<hbm>>) target_semaphore(%arg16 : memref<!tpu.dma_semaphore, #tpu.memory_space<semaphore_mem>>)
    %barrier3A_268 = arith.constant 0 : index
    tpu.barrier barrier_id(%barrier3A_268)
    %eq3A_269 = arith.constant 0 : i32
    %eq3A_270 = arith.cmpi eq, %arg1, %eq3A_269 : i32
    %convert_element_type3A_271 = arith.extui %eq3A_270 : i1 to i32
    %cond3A_272 = arith.constant 0 : i32
    %cond3A_273 = arith.cmpi ne, %convert_element_type3A_271, %cond3A_272 : i32
    scf.if %cond3A_273 {
      %mul3A_793 = arith.constant 8 : i32
      %mul3A_794 = arith.muli %arg0, %mul3A_793 : i32
      %add3A_795 = arith.constant 3 : i32
      %add3A_796 = arith.addi %mul3A_794, %add3A_795 : i32
      %mul3A_797 = arith.constant 8 : i32
      %mul3A_798 = arith.muli %add3A_796, %mul3A_797 : i32
      %add3A_799 = arith.constant 0 : i32
      %add3A_800 = arith.addi %mul3A_798, %add3A_799 : i32
      %dma_start3A_801 = arith.constant 0 : i32
      %dma_start3A_802 = arith.constant 0 : i32
      %dma_start3A_803 = arith.constant 0 : i32
      %dma_start3A_804 = tpu.memref_slice %arg5[%dma_start3A_801, %dma_start3A_802, %dma_start3A_803] : memref<2x4x100096xf32, #tpu.memory_space<vmem_shared>> -> memref<1x4x100096xf32, #tpu.memory_space<vmem_shared>>
      %dma_start3A_805 = tpu.memref_squeeze %dma_start3A_804 : memref<1x4x100096xf32, #tpu.memory_space<vmem_shared>> -> memref<4x100096xf32, #tpu.memory_space<vmem_shared>>
      %dma_start3A_806 = arith.constant 0 : i32
      %dma_start3A_807 = tpu.memref_slice %arg2[%add3A_800, %dma_start3A_806] : memref<128x100096xf32, #tpu.memory_space<hbm>> -> memref<4x100096xf32, #tpu.memory_space<hbm>>
      tpu.enqueue_dma source(%dma_start3A_807 : memref<4x100096xf32, #tpu.memory_space<hbm>>) target(%dma_start3A_805 : memref<4x100096xf32, #tpu.memory_space<vmem_shared>>) target_semaphore(%arg10 : memref<!tpu.dma_semaphore, #tpu.memory_space<semaphore_mem>>)
    } else {
    }
    %eq3A_274 = arith.constant 0 : i32
    %eq3A_275 = arith.cmpi eq, %arg1, %eq3A_274 : i32
    %convert_element_type3A_276 = arith.extui %eq3A_275 : i1 to i32
    %cond3A_277 = arith.constant 0 : i32
    %cond3A_278 = arith.cmpi ne, %convert_element_type3A_276, %cond3A_277 : i32
    scf.if %cond3A_278 {
      %mul3A_793 = arith.constant 8 : i32
      %mul3A_794 = arith.muli %arg0, %mul3A_793 : i32
      %add3A_795 = arith.constant 2 : i32
      %add3A_796 = arith.addi %mul3A_794, %add3A_795 : i32
      %mul3A_797 = arith.constant 8 : i32
      %mul3A_798 = arith.muli %add3A_796, %mul3A_797 : i32
      %add3A_799 = arith.constant 4 : i32
      %add3A_800 = arith.addi %mul3A_798, %add3A_799 : i32
      %dma_wait3A_801 = arith.constant 1 : i32
      %dma_wait3A_802 = arith.constant 0 : i32
      %dma_wait3A_803 = arith.constant 0 : i32
      %dma_wait3A_804 = tpu.memref_slice %arg5[%dma_wait3A_801, %dma_wait3A_802, %dma_wait3A_803] : memref<2x4x100096xf32, #tpu.memory_space<vmem_shared>> -> memref<1x4x100096xf32, #tpu.memory_space<vmem_shared>>
      %dma_wait3A_805 = tpu.memref_squeeze %dma_wait3A_804 : memref<1x4x100096xf32, #tpu.memory_space<vmem_shared>> -> memref<4x100096xf32, #tpu.memory_space<vmem_shared>>
      %dma_wait3A_806 = arith.constant 0 : i32
      %dma_wait3A_807 = tpu.memref_slice %arg2[%add3A_800, %dma_wait3A_806] : memref<128x100096xf32, #tpu.memory_space<hbm>> -> memref<4x100096xf32, #tpu.memory_space<hbm>>
      tpu.wait_dma2 semaphore(%arg11 : memref<!tpu.dma_semaphore, #tpu.memory_space<semaphore_mem>>) src(%dma_wait3A_807 : memref<4x100096xf32, #tpu.memory_space<hbm>>) dst(%dma_wait3A_805 : memref<4x100096xf32, #tpu.memory_space<vmem_shared>>)
    } else {
    }
    %barrier3A_279 = arith.constant 0 : index
    tpu.barrier barrier_id(%barrier3A_279)
    %dma_wait3A_280 = tpu.memref_slice %arg4[%add3A_208, %mul3A_29] : memref<128x16384xf32, #tpu.memory_space<hbm>> -> memref<1x4096xf32, #tpu.memory_space<hbm>>
    %dma_wait3A_281 = tpu.memref_squeeze %dma_wait3A_280 : memref<1x4096xf32, #tpu.memory_space<hbm>> -> memref<4096xf32, #tpu.memory_space<hbm>>
    %dma_wait3A_282 = tpu.memref_slice %arg4[%add3A_208, %mul3A_29] : memref<128x16384xf32, #tpu.memory_space<hbm>> -> memref<1x4096xf32, #tpu.memory_space<hbm>>
    %dma_wait3A_283 = tpu.memref_squeeze %dma_wait3A_282 : memref<1x4096xf32, #tpu.memory_space<hbm>> -> memref<4096xf32, #tpu.memory_space<hbm>>
    tpu.wait_dma2 semaphore(%arg17 : memref<!tpu.dma_semaphore, #tpu.memory_space<semaphore_mem>>) src(%arg9 : memref<4096xf32, #tpu.memory_space<vmem>>) dst(%dma_wait3A_283 : memref<4096xf32, #tpu.memory_space<hbm>>)
    %dma_start3A_284 = arith.constant 1 : i32
    %dma_start3A_285 = arith.constant 0 : i32
    %dma_start3A_286 = tpu.memref_slice %arg5[%dma_start3A_284, %select_n3A_7, %dma_start3A_285] : memref<2x4x100096xf32, #tpu.memory_space<vmem_shared>> -> memref<1x1x100096xf32, #tpu.memory_space<vmem_shared>>
    %dma_start3A_287 = tpu.memref_squeeze %dma_start3A_286 : memref<1x1x100096xf32, #tpu.memory_space<vmem_shared>> -> memref<100096xf32, #tpu.memory_space<vmem_shared>>
    %dma_start3A_288 = arith.constant 0 : i32
    %dma_start3A_289 = tpu.memref_slice %dma_start3A_287[%dma_start3A_288] : memref<100096xf32, #tpu.memory_space<vmem_shared>> -> memref<100096xf32, #tpu.memory_space<vmem_shared>>
    tpu.enqueue_indirect_dma source(%dma_start3A_289 : memref<100096xf32, #tpu.memory_space<vmem_shared>>) target(%arg9 : memref<4096xf32, #tpu.memory_space<vmem>>) offsets(%arg6 : memref<4096xi32, #tpu.memory_space<vmem>>) semaphore(%arg15 : memref<!tpu.dma_semaphore, #tpu.memory_space<semaphore_mem>>)
    %dma_wait3A_290 = arith.constant 1 : i32
    %dma_wait3A_291 = arith.constant 0 : i32
    %dma_wait3A_292 = tpu.memref_slice %arg5[%dma_wait3A_290, %select_n3A_7, %dma_wait3A_291] : memref<2x4x100096xf32, #tpu.memory_space<vmem_shared>> -> memref<1x1x100096xf32, #tpu.memory_space<vmem_shared>>
    %dma_wait3A_293 = tpu.memref_squeeze %dma_wait3A_292 : memref<1x1x100096xf32, #tpu.memory_space<vmem_shared>> -> memref<100096xf32, #tpu.memory_space<vmem_shared>>
    %dma_wait3A_294 = arith.constant 0 : i32
    %dma_wait3A_295 = tpu.memref_slice %dma_wait3A_293[%dma_wait3A_294] : memref<100096xf32, #tpu.memory_space<vmem_shared>> -> memref<100096xf32, #tpu.memory_space<vmem_shared>>
    tpu.wait_indirect_dma semaphore(%arg15 : memref<!tpu.dma_semaphore, #tpu.memory_space<semaphore_mem>>) src(%dma_wait3A_295 : memref<100096xf32, #tpu.memory_space<vmem_shared>>) dst(%arg9 : memref<4096xf32, #tpu.memory_space<vmem>>)
    %mul3A_296 = arith.constant 8 : i32
    %mul3A_297 = arith.muli %arg0, %mul3A_296 : i32
    %add3A_298 = arith.constant 2 : i32
    %add3A_299 = arith.addi %mul3A_297, %add3A_298 : i32
    %mul3A_300 = arith.constant 8 : i32
    %mul3A_301 = arith.muli %add3A_299, %mul3A_300 : i32
    %add3A_302 = arith.constant 4 : i32
    %add3A_303 = arith.addi %mul3A_301, %add3A_302 : i32
    %add3A_304 = arith.addi %add3A_303, %select_n3A_7 : i32
    %dma_start3A_305 = tpu.memref_slice %arg4[%add3A_304, %mul3A_29] : memref<128x16384xf32, #tpu.memory_space<hbm>> -> memref<1x4096xf32, #tpu.memory_space<hbm>>
    %dma_start3A_306 = tpu.memref_squeeze %dma_start3A_305 : memref<1x4096xf32, #tpu.memory_space<hbm>> -> memref<4096xf32, #tpu.memory_space<hbm>>
    %dma_start3A_307 = tpu.memref_slice %arg4[%add3A_304, %mul3A_29] : memref<128x16384xf32, #tpu.memory_space<hbm>> -> memref<1x4096xf32, #tpu.memory_space<hbm>>
    %dma_start3A_308 = tpu.memref_squeeze %dma_start3A_307 : memref<1x4096xf32, #tpu.memory_space<hbm>> -> memref<4096xf32, #tpu.memory_space<hbm>>
    tpu.enqueue_dma source(%arg9 : memref<4096xf32, #tpu.memory_space<vmem>>) target(%dma_start3A_308 : memref<4096xf32, #tpu.memory_space<hbm>>) target_semaphore(%arg17 : memref<!tpu.dma_semaphore, #tpu.memory_space<semaphore_mem>>)
    %mul3A_309 = arith.constant 8 : i32
    %mul3A_310 = arith.muli %arg0, %mul3A_309 : i32
    %add3A_311 = arith.constant 3 : i32
    %add3A_312 = arith.addi %mul3A_310, %add3A_311 : i32
    %add3A_313 = arith.constant 10 : i32
    %add3A_314 = arith.addi %add3A_313, %add3A_312 : i32
    %dma_start3A_315 = tpu.memref_slice %arg3[%add3A_314, %mul3A_29] : memref<26x16384xi32, #tpu.memory_space<hbm>> -> memref<1x4096xi32, #tpu.memory_space<hbm>>
    %dma_start3A_316 = tpu.memref_squeeze %dma_start3A_315 : memref<1x4096xi32, #tpu.memory_space<hbm>> -> memref<4096xi32, #tpu.memory_space<hbm>>
    %dma_start3A_317 = tpu.memref_slice %arg3[%add3A_314, %mul3A_29] : memref<26x16384xi32, #tpu.memory_space<hbm>> -> memref<1x4096xi32, #tpu.memory_space<hbm>>
    %dma_start3A_318 = tpu.memref_squeeze %dma_start3A_317 : memref<1x4096xi32, #tpu.memory_space<hbm>> -> memref<4096xi32, #tpu.memory_space<hbm>>
    tpu.enqueue_dma source(%dma_start3A_318 : memref<4096xi32, #tpu.memory_space<hbm>>) target(%arg7 : memref<4096xi32, #tpu.memory_space<vmem>>) target_semaphore(%arg13 : memref<!tpu.dma_semaphore, #tpu.memory_space<semaphore_mem>>)
    %barrier3A_319 = arith.constant 0 : index
    tpu.barrier barrier_id(%barrier3A_319)
    %eq3A_320 = arith.constant 0 : i32
    %eq3A_321 = arith.cmpi eq, %arg1, %eq3A_320 : i32
    %convert_element_type3A_322 = arith.extui %eq3A_321 : i1 to i32
    %cond3A_323 = arith.constant 0 : i32
    %cond3A_324 = arith.cmpi ne, %convert_element_type3A_322, %cond3A_323 : i32
    scf.if %cond3A_324 {
      %mul3A_793 = arith.constant 8 : i32
      %mul3A_794 = arith.muli %arg0, %mul3A_793 : i32
      %add3A_795 = arith.constant 3 : i32
      %add3A_796 = arith.addi %mul3A_794, %add3A_795 : i32
      %mul3A_797 = arith.constant 8 : i32
      %mul3A_798 = arith.muli %add3A_796, %mul3A_797 : i32
      %add3A_799 = arith.constant 4 : i32
      %add3A_800 = arith.addi %mul3A_798, %add3A_799 : i32
      %dma_start3A_801 = arith.constant 1 : i32
      %dma_start3A_802 = arith.constant 0 : i32
      %dma_start3A_803 = arith.constant 0 : i32
      %dma_start3A_804 = tpu.memref_slice %arg5[%dma_start3A_801, %dma_start3A_802, %dma_start3A_803] : memref<2x4x100096xf32, #tpu.memory_space<vmem_shared>> -> memref<1x4x100096xf32, #tpu.memory_space<vmem_shared>>
      %dma_start3A_805 = tpu.memref_squeeze %dma_start3A_804 : memref<1x4x100096xf32, #tpu.memory_space<vmem_shared>> -> memref<4x100096xf32, #tpu.memory_space<vmem_shared>>
      %dma_start3A_806 = arith.constant 0 : i32
      %dma_start3A_807 = tpu.memref_slice %arg2[%add3A_800, %dma_start3A_806] : memref<128x100096xf32, #tpu.memory_space<hbm>> -> memref<4x100096xf32, #tpu.memory_space<hbm>>
      tpu.enqueue_dma source(%dma_start3A_807 : memref<4x100096xf32, #tpu.memory_space<hbm>>) target(%dma_start3A_805 : memref<4x100096xf32, #tpu.memory_space<vmem_shared>>) target_semaphore(%arg11 : memref<!tpu.dma_semaphore, #tpu.memory_space<semaphore_mem>>)
    } else {
    }
    %eq3A_325 = arith.constant 0 : i32
    %eq3A_326 = arith.cmpi eq, %arg1, %eq3A_325 : i32
    %convert_element_type3A_327 = arith.extui %eq3A_326 : i1 to i32
    %cond3A_328 = arith.constant 0 : i32
    %cond3A_329 = arith.cmpi ne, %convert_element_type3A_327, %cond3A_328 : i32
    scf.if %cond3A_329 {
      %mul3A_793 = arith.constant 8 : i32
      %mul3A_794 = arith.muli %arg0, %mul3A_793 : i32
      %add3A_795 = arith.constant 3 : i32
      %add3A_796 = arith.addi %mul3A_794, %add3A_795 : i32
      %mul3A_797 = arith.constant 8 : i32
      %mul3A_798 = arith.muli %add3A_796, %mul3A_797 : i32
      %add3A_799 = arith.constant 0 : i32
      %add3A_800 = arith.addi %mul3A_798, %add3A_799 : i32
      %dma_wait3A_801 = arith.constant 0 : i32
      %dma_wait3A_802 = arith.constant 0 : i32
      %dma_wait3A_803 = arith.constant 0 : i32
      %dma_wait3A_804 = tpu.memref_slice %arg5[%dma_wait3A_801, %dma_wait3A_802, %dma_wait3A_803] : memref<2x4x100096xf32, #tpu.memory_space<vmem_shared>> -> memref<1x4x100096xf32, #tpu.memory_space<vmem_shared>>
      %dma_wait3A_805 = tpu.memref_squeeze %dma_wait3A_804 : memref<1x4x100096xf32, #tpu.memory_space<vmem_shared>> -> memref<4x100096xf32, #tpu.memory_space<vmem_shared>>
      %dma_wait3A_806 = arith.constant 0 : i32
      %dma_wait3A_807 = tpu.memref_slice %arg2[%add3A_800, %dma_wait3A_806] : memref<128x100096xf32, #tpu.memory_space<hbm>> -> memref<4x100096xf32, #tpu.memory_space<hbm>>
      tpu.wait_dma2 semaphore(%arg10 : memref<!tpu.dma_semaphore, #tpu.memory_space<semaphore_mem>>) src(%dma_wait3A_807 : memref<4x100096xf32, #tpu.memory_space<hbm>>) dst(%dma_wait3A_805 : memref<4x100096xf32, #tpu.memory_space<vmem_shared>>)
    } else {
    }
    %dma_wait3A_330 = tpu.memref_slice %arg3[%add3A_314, %mul3A_29] : memref<26x16384xi32, #tpu.memory_space<hbm>> -> memref<1x4096xi32, #tpu.memory_space<hbm>>
    %dma_wait3A_331 = tpu.memref_squeeze %dma_wait3A_330 : memref<1x4096xi32, #tpu.memory_space<hbm>> -> memref<4096xi32, #tpu.memory_space<hbm>>
    %dma_wait3A_332 = tpu.memref_slice %arg3[%add3A_314, %mul3A_29] : memref<26x16384xi32, #tpu.memory_space<hbm>> -> memref<1x4096xi32, #tpu.memory_space<hbm>>
    %dma_wait3A_333 = tpu.memref_squeeze %dma_wait3A_332 : memref<1x4096xi32, #tpu.memory_space<hbm>> -> memref<4096xi32, #tpu.memory_space<hbm>>
    tpu.wait_dma2 semaphore(%arg13 : memref<!tpu.dma_semaphore, #tpu.memory_space<semaphore_mem>>) src(%dma_wait3A_333 : memref<4096xi32, #tpu.memory_space<hbm>>) dst(%arg7 : memref<4096xi32, #tpu.memory_space<vmem>>)
    %barrier3A_334 = arith.constant 0 : index
    tpu.barrier barrier_id(%barrier3A_334)
    %dma_wait3A_335 = tpu.memref_slice %arg4[%add3A_263, %mul3A_29] : memref<128x16384xf32, #tpu.memory_space<hbm>> -> memref<1x4096xf32, #tpu.memory_space<hbm>>
    %dma_wait3A_336 = tpu.memref_squeeze %dma_wait3A_335 : memref<1x4096xf32, #tpu.memory_space<hbm>> -> memref<4096xf32, #tpu.memory_space<hbm>>
    %dma_wait3A_337 = tpu.memref_slice %arg4[%add3A_263, %mul3A_29] : memref<128x16384xf32, #tpu.memory_space<hbm>> -> memref<1x4096xf32, #tpu.memory_space<hbm>>
    %dma_wait3A_338 = tpu.memref_squeeze %dma_wait3A_337 : memref<1x4096xf32, #tpu.memory_space<hbm>> -> memref<4096xf32, #tpu.memory_space<hbm>>
    tpu.wait_dma2 semaphore(%arg16 : memref<!tpu.dma_semaphore, #tpu.memory_space<semaphore_mem>>) src(%arg8 : memref<4096xf32, #tpu.memory_space<vmem>>) dst(%dma_wait3A_338 : memref<4096xf32, #tpu.memory_space<hbm>>)
    %dma_start3A_339 = arith.constant 0 : i32
    %dma_start3A_340 = arith.constant 0 : i32
    %dma_start3A_341 = tpu.memref_slice %arg5[%dma_start3A_339, %select_n3A_7, %dma_start3A_340] : memref<2x4x100096xf32, #tpu.memory_space<vmem_shared>> -> memref<1x1x100096xf32, #tpu.memory_space<vmem_shared>>
    %dma_start3A_342 = tpu.memref_squeeze %dma_start3A_341 : memref<1x1x100096xf32, #tpu.memory_space<vmem_shared>> -> memref<100096xf32, #tpu.memory_space<vmem_shared>>
    %dma_start3A_343 = arith.constant 0 : i32
    %dma_start3A_344 = tpu.memref_slice %dma_start3A_342[%dma_start3A_343] : memref<100096xf32, #tpu.memory_space<vmem_shared>> -> memref<100096xf32, #tpu.memory_space<vmem_shared>>
    tpu.enqueue_indirect_dma source(%dma_start3A_344 : memref<100096xf32, #tpu.memory_space<vmem_shared>>) target(%arg8 : memref<4096xf32, #tpu.memory_space<vmem>>) offsets(%arg7 : memref<4096xi32, #tpu.memory_space<vmem>>) semaphore(%arg14 : memref<!tpu.dma_semaphore, #tpu.memory_space<semaphore_mem>>)
    %dma_wait3A_345 = arith.constant 0 : i32
    %dma_wait3A_346 = arith.constant 0 : i32
    %dma_wait3A_347 = tpu.memref_slice %arg5[%dma_wait3A_345, %select_n3A_7, %dma_wait3A_346] : memref<2x4x100096xf32, #tpu.memory_space<vmem_shared>> -> memref<1x1x100096xf32, #tpu.memory_space<vmem_shared>>
    %dma_wait3A_348 = tpu.memref_squeeze %dma_wait3A_347 : memref<1x1x100096xf32, #tpu.memory_space<vmem_shared>> -> memref<100096xf32, #tpu.memory_space<vmem_shared>>
    %dma_wait3A_349 = arith.constant 0 : i32
    %dma_wait3A_350 = tpu.memref_slice %dma_wait3A_348[%dma_wait3A_349] : memref<100096xf32, #tpu.memory_space<vmem_shared>> -> memref<100096xf32, #tpu.memory_space<vmem_shared>>
    tpu.wait_indirect_dma semaphore(%arg14 : memref<!tpu.dma_semaphore, #tpu.memory_space<semaphore_mem>>) src(%dma_wait3A_350 : memref<100096xf32, #tpu.memory_space<vmem_shared>>) dst(%arg8 : memref<4096xf32, #tpu.memory_space<vmem>>)
    %mul3A_351 = arith.constant 8 : i32
    %mul3A_352 = arith.muli %arg0, %mul3A_351 : i32
    %add3A_353 = arith.constant 3 : i32
    %add3A_354 = arith.addi %mul3A_352, %add3A_353 : i32
    %mul3A_355 = arith.constant 8 : i32
    %mul3A_356 = arith.muli %add3A_354, %mul3A_355 : i32
    %add3A_357 = arith.constant 0 : i32
    %add3A_358 = arith.addi %mul3A_356, %add3A_357 : i32
    %add3A_359 = arith.addi %add3A_358, %select_n3A_7 : i32
    %dma_start3A_360 = tpu.memref_slice %arg4[%add3A_359, %mul3A_29] : memref<128x16384xf32, #tpu.memory_space<hbm>> -> memref<1x4096xf32, #tpu.memory_space<hbm>>
    %dma_start3A_361 = tpu.memref_squeeze %dma_start3A_360 : memref<1x4096xf32, #tpu.memory_space<hbm>> -> memref<4096xf32, #tpu.memory_space<hbm>>
    %dma_start3A_362 = tpu.memref_slice %arg4[%add3A_359, %mul3A_29] : memref<128x16384xf32, #tpu.memory_space<hbm>> -> memref<1x4096xf32, #tpu.memory_space<hbm>>
    %dma_start3A_363 = tpu.memref_squeeze %dma_start3A_362 : memref<1x4096xf32, #tpu.memory_space<hbm>> -> memref<4096xf32, #tpu.memory_space<hbm>>
    tpu.enqueue_dma source(%arg8 : memref<4096xf32, #tpu.memory_space<vmem>>) target(%dma_start3A_363 : memref<4096xf32, #tpu.memory_space<hbm>>) target_semaphore(%arg16 : memref<!tpu.dma_semaphore, #tpu.memory_space<semaphore_mem>>)
    %barrier3A_364 = arith.constant 0 : index
    tpu.barrier barrier_id(%barrier3A_364)
    %eq3A_365 = arith.constant 0 : i32
    %eq3A_366 = arith.cmpi eq, %arg1, %eq3A_365 : i32
    %convert_element_type3A_367 = arith.extui %eq3A_366 : i1 to i32
    %cond3A_368 = arith.constant 0 : i32
    %cond3A_369 = arith.cmpi ne, %convert_element_type3A_367, %cond3A_368 : i32
    scf.if %cond3A_369 {
      %mul3A_793 = arith.constant 8 : i32
      %mul3A_794 = arith.muli %arg0, %mul3A_793 : i32
      %add3A_795 = arith.constant 4 : i32
      %add3A_796 = arith.addi %mul3A_794, %add3A_795 : i32
      %mul3A_797 = arith.constant 8 : i32
      %mul3A_798 = arith.muli %add3A_796, %mul3A_797 : i32
      %add3A_799 = arith.constant 0 : i32
      %add3A_800 = arith.addi %mul3A_798, %add3A_799 : i32
      %dma_start3A_801 = arith.constant 0 : i32
      %dma_start3A_802 = arith.constant 0 : i32
      %dma_start3A_803 = arith.constant 0 : i32
      %dma_start3A_804 = tpu.memref_slice %arg5[%dma_start3A_801, %dma_start3A_802, %dma_start3A_803] : memref<2x4x100096xf32, #tpu.memory_space<vmem_shared>> -> memref<1x4x100096xf32, #tpu.memory_space<vmem_shared>>
      %dma_start3A_805 = tpu.memref_squeeze %dma_start3A_804 : memref<1x4x100096xf32, #tpu.memory_space<vmem_shared>> -> memref<4x100096xf32, #tpu.memory_space<vmem_shared>>
      %dma_start3A_806 = arith.constant 0 : i32
      %dma_start3A_807 = tpu.memref_slice %arg2[%add3A_800, %dma_start3A_806] : memref<128x100096xf32, #tpu.memory_space<hbm>> -> memref<4x100096xf32, #tpu.memory_space<hbm>>
      tpu.enqueue_dma source(%dma_start3A_807 : memref<4x100096xf32, #tpu.memory_space<hbm>>) target(%dma_start3A_805 : memref<4x100096xf32, #tpu.memory_space<vmem_shared>>) target_semaphore(%arg10 : memref<!tpu.dma_semaphore, #tpu.memory_space<semaphore_mem>>)
    } else {
    }
    %eq3A_370 = arith.constant 0 : i32
    %eq3A_371 = arith.cmpi eq, %arg1, %eq3A_370 : i32
    %convert_element_type3A_372 = arith.extui %eq3A_371 : i1 to i32
    %cond3A_373 = arith.constant 0 : i32
    %cond3A_374 = arith.cmpi ne, %convert_element_type3A_372, %cond3A_373 : i32
    scf.if %cond3A_374 {
      %mul3A_793 = arith.constant 8 : i32
      %mul3A_794 = arith.muli %arg0, %mul3A_793 : i32
      %add3A_795 = arith.constant 3 : i32
      %add3A_796 = arith.addi %mul3A_794, %add3A_795 : i32
      %mul3A_797 = arith.constant 8 : i32
      %mul3A_798 = arith.muli %add3A_796, %mul3A_797 : i32
      %add3A_799 = arith.constant 4 : i32
      %add3A_800 = arith.addi %mul3A_798, %add3A_799 : i32
      %dma_wait3A_801 = arith.constant 1 : i32
      %dma_wait3A_802 = arith.constant 0 : i32
      %dma_wait3A_803 = arith.constant 0 : i32
      %dma_wait3A_804 = tpu.memref_slice %arg5[%dma_wait3A_801, %dma_wait3A_802, %dma_wait3A_803] : memref<2x4x100096xf32, #tpu.memory_space<vmem_shared>> -> memref<1x4x100096xf32, #tpu.memory_space<vmem_shared>>
      %dma_wait3A_805 = tpu.memref_squeeze %dma_wait3A_804 : memref<1x4x100096xf32, #tpu.memory_space<vmem_shared>> -> memref<4x100096xf32, #tpu.memory_space<vmem_shared>>
      %dma_wait3A_806 = arith.constant 0 : i32
      %dma_wait3A_807 = tpu.memref_slice %arg2[%add3A_800, %dma_wait3A_806] : memref<128x100096xf32, #tpu.memory_space<hbm>> -> memref<4x100096xf32, #tpu.memory_space<hbm>>
      tpu.wait_dma2 semaphore(%arg11 : memref<!tpu.dma_semaphore, #tpu.memory_space<semaphore_mem>>) src(%dma_wait3A_807 : memref<4x100096xf32, #tpu.memory_space<hbm>>) dst(%dma_wait3A_805 : memref<4x100096xf32, #tpu.memory_space<vmem_shared>>)
    } else {
    }
    %barrier3A_375 = arith.constant 0 : index
    tpu.barrier barrier_id(%barrier3A_375)
    %dma_wait3A_376 = tpu.memref_slice %arg4[%add3A_304, %mul3A_29] : memref<128x16384xf32, #tpu.memory_space<hbm>> -> memref<1x4096xf32, #tpu.memory_space<hbm>>
    %dma_wait3A_377 = tpu.memref_squeeze %dma_wait3A_376 : memref<1x4096xf32, #tpu.memory_space<hbm>> -> memref<4096xf32, #tpu.memory_space<hbm>>
    %dma_wait3A_378 = tpu.memref_slice %arg4[%add3A_304, %mul3A_29] : memref<128x16384xf32, #tpu.memory_space<hbm>> -> memref<1x4096xf32, #tpu.memory_space<hbm>>
    %dma_wait3A_379 = tpu.memref_squeeze %dma_wait3A_378 : memref<1x4096xf32, #tpu.memory_space<hbm>> -> memref<4096xf32, #tpu.memory_space<hbm>>
    tpu.wait_dma2 semaphore(%arg17 : memref<!tpu.dma_semaphore, #tpu.memory_space<semaphore_mem>>) src(%arg9 : memref<4096xf32, #tpu.memory_space<vmem>>) dst(%dma_wait3A_379 : memref<4096xf32, #tpu.memory_space<hbm>>)
    %dma_start3A_380 = arith.constant 1 : i32
    %dma_start3A_381 = arith.constant 0 : i32
    %dma_start3A_382 = tpu.memref_slice %arg5[%dma_start3A_380, %select_n3A_7, %dma_start3A_381] : memref<2x4x100096xf32, #tpu.memory_space<vmem_shared>> -> memref<1x1x100096xf32, #tpu.memory_space<vmem_shared>>
    %dma_start3A_383 = tpu.memref_squeeze %dma_start3A_382 : memref<1x1x100096xf32, #tpu.memory_space<vmem_shared>> -> memref<100096xf32, #tpu.memory_space<vmem_shared>>
    %dma_start3A_384 = arith.constant 0 : i32
    %dma_start3A_385 = tpu.memref_slice %dma_start3A_383[%dma_start3A_384] : memref<100096xf32, #tpu.memory_space<vmem_shared>> -> memref<100096xf32, #tpu.memory_space<vmem_shared>>
    tpu.enqueue_indirect_dma source(%dma_start3A_385 : memref<100096xf32, #tpu.memory_space<vmem_shared>>) target(%arg9 : memref<4096xf32, #tpu.memory_space<vmem>>) offsets(%arg7 : memref<4096xi32, #tpu.memory_space<vmem>>) semaphore(%arg15 : memref<!tpu.dma_semaphore, #tpu.memory_space<semaphore_mem>>)
    %dma_wait3A_386 = arith.constant 1 : i32
    %dma_wait3A_387 = arith.constant 0 : i32
    %dma_wait3A_388 = tpu.memref_slice %arg5[%dma_wait3A_386, %select_n3A_7, %dma_wait3A_387] : memref<2x4x100096xf32, #tpu.memory_space<vmem_shared>> -> memref<1x1x100096xf32, #tpu.memory_space<vmem_shared>>
    %dma_wait3A_389 = tpu.memref_squeeze %dma_wait3A_388 : memref<1x1x100096xf32, #tpu.memory_space<vmem_shared>> -> memref<100096xf32, #tpu.memory_space<vmem_shared>>
    %dma_wait3A_390 = arith.constant 0 : i32
    %dma_wait3A_391 = tpu.memref_slice %dma_wait3A_389[%dma_wait3A_390] : memref<100096xf32, #tpu.memory_space<vmem_shared>> -> memref<100096xf32, #tpu.memory_space<vmem_shared>>
    tpu.wait_indirect_dma semaphore(%arg15 : memref<!tpu.dma_semaphore, #tpu.memory_space<semaphore_mem>>) src(%dma_wait3A_391 : memref<100096xf32, #tpu.memory_space<vmem_shared>>) dst(%arg9 : memref<4096xf32, #tpu.memory_space<vmem>>)
    %mul3A_392 = arith.constant 8 : i32
    %mul3A_393 = arith.muli %arg0, %mul3A_392 : i32
    %add3A_394 = arith.constant 3 : i32
    %add3A_395 = arith.addi %mul3A_393, %add3A_394 : i32
    %mul3A_396 = arith.constant 8 : i32
    %mul3A_397 = arith.muli %add3A_395, %mul3A_396 : i32
    %add3A_398 = arith.constant 4 : i32
    %add3A_399 = arith.addi %mul3A_397, %add3A_398 : i32
    %add3A_400 = arith.addi %add3A_399, %select_n3A_7 : i32
    %dma_start3A_401 = tpu.memref_slice %arg4[%add3A_400, %mul3A_29] : memref<128x16384xf32, #tpu.memory_space<hbm>> -> memref<1x4096xf32, #tpu.memory_space<hbm>>
    %dma_start3A_402 = tpu.memref_squeeze %dma_start3A_401 : memref<1x4096xf32, #tpu.memory_space<hbm>> -> memref<4096xf32, #tpu.memory_space<hbm>>
    %dma_start3A_403 = tpu.memref_slice %arg4[%add3A_400, %mul3A_29] : memref<128x16384xf32, #tpu.memory_space<hbm>> -> memref<1x4096xf32, #tpu.memory_space<hbm>>
    %dma_start3A_404 = tpu.memref_squeeze %dma_start3A_403 : memref<1x4096xf32, #tpu.memory_space<hbm>> -> memref<4096xf32, #tpu.memory_space<hbm>>
    tpu.enqueue_dma source(%arg9 : memref<4096xf32, #tpu.memory_space<vmem>>) target(%dma_start3A_404 : memref<4096xf32, #tpu.memory_space<hbm>>) target_semaphore(%arg17 : memref<!tpu.dma_semaphore, #tpu.memory_space<semaphore_mem>>)
    %mul3A_405 = arith.constant 8 : i32
    %mul3A_406 = arith.muli %arg0, %mul3A_405 : i32
    %add3A_407 = arith.constant 4 : i32
    %add3A_408 = arith.addi %mul3A_406, %add3A_407 : i32
    %add3A_409 = arith.constant 10 : i32
    %add3A_410 = arith.addi %add3A_409, %add3A_408 : i32
    %dma_start3A_411 = tpu.memref_slice %arg3[%add3A_410, %mul3A_29] : memref<26x16384xi32, #tpu.memory_space<hbm>> -> memref<1x4096xi32, #tpu.memory_space<hbm>>
    %dma_start3A_412 = tpu.memref_squeeze %dma_start3A_411 : memref<1x4096xi32, #tpu.memory_space<hbm>> -> memref<4096xi32, #tpu.memory_space<hbm>>
    %dma_start3A_413 = tpu.memref_slice %arg3[%add3A_410, %mul3A_29] : memref<26x16384xi32, #tpu.memory_space<hbm>> -> memref<1x4096xi32, #tpu.memory_space<hbm>>
    %dma_start3A_414 = tpu.memref_squeeze %dma_start3A_413 : memref<1x4096xi32, #tpu.memory_space<hbm>> -> memref<4096xi32, #tpu.memory_space<hbm>>
    tpu.enqueue_dma source(%dma_start3A_414 : memref<4096xi32, #tpu.memory_space<hbm>>) target(%arg6 : memref<4096xi32, #tpu.memory_space<vmem>>) target_semaphore(%arg12 : memref<!tpu.dma_semaphore, #tpu.memory_space<semaphore_mem>>)
    %barrier3A_415 = arith.constant 0 : index
    tpu.barrier barrier_id(%barrier3A_415)
    %eq3A_416 = arith.constant 0 : i32
    %eq3A_417 = arith.cmpi eq, %arg1, %eq3A_416 : i32
    %convert_element_type3A_418 = arith.extui %eq3A_417 : i1 to i32
    %cond3A_419 = arith.constant 0 : i32
    %cond3A_420 = arith.cmpi ne, %convert_element_type3A_418, %cond3A_419 : i32
    scf.if %cond3A_420 {
      %mul3A_793 = arith.constant 8 : i32
      %mul3A_794 = arith.muli %arg0, %mul3A_793 : i32
      %add3A_795 = arith.constant 4 : i32
      %add3A_796 = arith.addi %mul3A_794, %add3A_795 : i32
      %mul3A_797 = arith.constant 8 : i32
      %mul3A_798 = arith.muli %add3A_796, %mul3A_797 : i32
      %add3A_799 = arith.constant 4 : i32
      %add3A_800 = arith.addi %mul3A_798, %add3A_799 : i32
      %dma_start3A_801 = arith.constant 1 : i32
      %dma_start3A_802 = arith.constant 0 : i32
      %dma_start3A_803 = arith.constant 0 : i32
      %dma_start3A_804 = tpu.memref_slice %arg5[%dma_start3A_801, %dma_start3A_802, %dma_start3A_803] : memref<2x4x100096xf32, #tpu.memory_space<vmem_shared>> -> memref<1x4x100096xf32, #tpu.memory_space<vmem_shared>>
      %dma_start3A_805 = tpu.memref_squeeze %dma_start3A_804 : memref<1x4x100096xf32, #tpu.memory_space<vmem_shared>> -> memref<4x100096xf32, #tpu.memory_space<vmem_shared>>
      %dma_start3A_806 = arith.constant 0 : i32
      %dma_start3A_807 = tpu.memref_slice %arg2[%add3A_800, %dma_start3A_806] : memref<128x100096xf32, #tpu.memory_space<hbm>> -> memref<4x100096xf32, #tpu.memory_space<hbm>>
      tpu.enqueue_dma source(%dma_start3A_807 : memref<4x100096xf32, #tpu.memory_space<hbm>>) target(%dma_start3A_805 : memref<4x100096xf32, #tpu.memory_space<vmem_shared>>) target_semaphore(%arg11 : memref<!tpu.dma_semaphore, #tpu.memory_space<semaphore_mem>>)
    } else {
    }
    %eq3A_421 = arith.constant 0 : i32
    %eq3A_422 = arith.cmpi eq, %arg1, %eq3A_421 : i32
    %convert_element_type3A_423 = arith.extui %eq3A_422 : i1 to i32
    %cond3A_424 = arith.constant 0 : i32
    %cond3A_425 = arith.cmpi ne, %convert_element_type3A_423, %cond3A_424 : i32
    scf.if %cond3A_425 {
      %mul3A_793 = arith.constant 8 : i32
      %mul3A_794 = arith.muli %arg0, %mul3A_793 : i32
      %add3A_795 = arith.constant 4 : i32
      %add3A_796 = arith.addi %mul3A_794, %add3A_795 : i32
      %mul3A_797 = arith.constant 8 : i32
      %mul3A_798 = arith.muli %add3A_796, %mul3A_797 : i32
      %add3A_799 = arith.constant 0 : i32
      %add3A_800 = arith.addi %mul3A_798, %add3A_799 : i32
      %dma_wait3A_801 = arith.constant 0 : i32
      %dma_wait3A_802 = arith.constant 0 : i32
      %dma_wait3A_803 = arith.constant 0 : i32
      %dma_wait3A_804 = tpu.memref_slice %arg5[%dma_wait3A_801, %dma_wait3A_802, %dma_wait3A_803] : memref<2x4x100096xf32, #tpu.memory_space<vmem_shared>> -> memref<1x4x100096xf32, #tpu.memory_space<vmem_shared>>
      %dma_wait3A_805 = tpu.memref_squeeze %dma_wait3A_804 : memref<1x4x100096xf32, #tpu.memory_space<vmem_shared>> -> memref<4x100096xf32, #tpu.memory_space<vmem_shared>>
      %dma_wait3A_806 = arith.constant 0 : i32
      %dma_wait3A_807 = tpu.memref_slice %arg2[%add3A_800, %dma_wait3A_806] : memref<128x100096xf32, #tpu.memory_space<hbm>> -> memref<4x100096xf32, #tpu.memory_space<hbm>>
      tpu.wait_dma2 semaphore(%arg10 : memref<!tpu.dma_semaphore, #tpu.memory_space<semaphore_mem>>) src(%dma_wait3A_807 : memref<4x100096xf32, #tpu.memory_space<hbm>>) dst(%dma_wait3A_805 : memref<4x100096xf32, #tpu.memory_space<vmem_shared>>)
    } else {
    }
    %dma_wait3A_426 = tpu.memref_slice %arg3[%add3A_410, %mul3A_29] : memref<26x16384xi32, #tpu.memory_space<hbm>> -> memref<1x4096xi32, #tpu.memory_space<hbm>>
    %dma_wait3A_427 = tpu.memref_squeeze %dma_wait3A_426 : memref<1x4096xi32, #tpu.memory_space<hbm>> -> memref<4096xi32, #tpu.memory_space<hbm>>
    %dma_wait3A_428 = tpu.memref_slice %arg3[%add3A_410, %mul3A_29] : memref<26x16384xi32, #tpu.memory_space<hbm>> -> memref<1x4096xi32, #tpu.memory_space<hbm>>
    %dma_wait3A_429 = tpu.memref_squeeze %dma_wait3A_428 : memref<1x4096xi32, #tpu.memory_space<hbm>> -> memref<4096xi32, #tpu.memory_space<hbm>>
    tpu.wait_dma2 semaphore(%arg12 : memref<!tpu.dma_semaphore, #tpu.memory_space<semaphore_mem>>) src(%dma_wait3A_429 : memref<4096xi32, #tpu.memory_space<hbm>>) dst(%arg6 : memref<4096xi32, #tpu.memory_space<vmem>>)
    %barrier3A_430 = arith.constant 0 : index
    tpu.barrier barrier_id(%barrier3A_430)
    %dma_wait3A_431 = tpu.memref_slice %arg4[%add3A_359, %mul3A_29] : memref<128x16384xf32, #tpu.memory_space<hbm>> -> memref<1x4096xf32, #tpu.memory_space<hbm>>
    %dma_wait3A_432 = tpu.memref_squeeze %dma_wait3A_431 : memref<1x4096xf32, #tpu.memory_space<hbm>> -> memref<4096xf32, #tpu.memory_space<hbm>>
    %dma_wait3A_433 = tpu.memref_slice %arg4[%add3A_359, %mul3A_29] : memref<128x16384xf32, #tpu.memory_space<hbm>> -> memref<1x4096xf32, #tpu.memory_space<hbm>>
    %dma_wait3A_434 = tpu.memref_squeeze %dma_wait3A_433 : memref<1x4096xf32, #tpu.memory_space<hbm>> -> memref<4096xf32, #tpu.memory_space<hbm>>
    tpu.wait_dma2 semaphore(%arg16 : memref<!tpu.dma_semaphore, #tpu.memory_space<semaphore_mem>>) src(%arg8 : memref<4096xf32, #tpu.memory_space<vmem>>) dst(%dma_wait3A_434 : memref<4096xf32, #tpu.memory_space<hbm>>)
    %dma_start3A_435 = arith.constant 0 : i32
    %dma_start3A_436 = arith.constant 0 : i32
    %dma_start3A_437 = tpu.memref_slice %arg5[%dma_start3A_435, %select_n3A_7, %dma_start3A_436] : memref<2x4x100096xf32, #tpu.memory_space<vmem_shared>> -> memref<1x1x100096xf32, #tpu.memory_space<vmem_shared>>
    %dma_start3A_438 = tpu.memref_squeeze %dma_start3A_437 : memref<1x1x100096xf32, #tpu.memory_space<vmem_shared>> -> memref<100096xf32, #tpu.memory_space<vmem_shared>>
    %dma_start3A_439 = arith.constant 0 : i32
    %dma_start3A_440 = tpu.memref_slice %dma_start3A_438[%dma_start3A_439] : memref<100096xf32, #tpu.memory_space<vmem_shared>> -> memref<100096xf32, #tpu.memory_space<vmem_shared>>
    tpu.enqueue_indirect_dma source(%dma_start3A_440 : memref<100096xf32, #tpu.memory_space<vmem_shared>>) target(%arg8 : memref<4096xf32, #tpu.memory_space<vmem>>) offsets(%arg6 : memref<4096xi32, #tpu.memory_space<vmem>>) semaphore(%arg14 : memref<!tpu.dma_semaphore, #tpu.memory_space<semaphore_mem>>)
    %dma_wait3A_441 = arith.constant 0 : i32
    %dma_wait3A_442 = arith.constant 0 : i32
    %dma_wait3A_443 = tpu.memref_slice %arg5[%dma_wait3A_441, %select_n3A_7, %dma_wait3A_442] : memref<2x4x100096xf32, #tpu.memory_space<vmem_shared>> -> memref<1x1x100096xf32, #tpu.memory_space<vmem_shared>>
    %dma_wait3A_444 = tpu.memref_squeeze %dma_wait3A_443 : memref<1x1x100096xf32, #tpu.memory_space<vmem_shared>> -> memref<100096xf32, #tpu.memory_space<vmem_shared>>
    %dma_wait3A_445 = arith.constant 0 : i32
    %dma_wait3A_446 = tpu.memref_slice %dma_wait3A_444[%dma_wait3A_445] : memref<100096xf32, #tpu.memory_space<vmem_shared>> -> memref<100096xf32, #tpu.memory_space<vmem_shared>>
    tpu.wait_indirect_dma semaphore(%arg14 : memref<!tpu.dma_semaphore, #tpu.memory_space<semaphore_mem>>) src(%dma_wait3A_446 : memref<100096xf32, #tpu.memory_space<vmem_shared>>) dst(%arg8 : memref<4096xf32, #tpu.memory_space<vmem>>)
    %mul3A_447 = arith.constant 8 : i32
    %mul3A_448 = arith.muli %arg0, %mul3A_447 : i32
    %add3A_449 = arith.constant 4 : i32
    %add3A_450 = arith.addi %mul3A_448, %add3A_449 : i32
    %mul3A_451 = arith.constant 8 : i32
    %mul3A_452 = arith.muli %add3A_450, %mul3A_451 : i32
    %add3A_453 = arith.constant 0 : i32
    %add3A_454 = arith.addi %mul3A_452, %add3A_453 : i32
    %add3A_455 = arith.addi %add3A_454, %select_n3A_7 : i32
    %dma_start3A_456 = tpu.memref_slice %arg4[%add3A_455, %mul3A_29] : memref<128x16384xf32, #tpu.memory_space<hbm>> -> memref<1x4096xf32, #tpu.memory_space<hbm>>
    %dma_start3A_457 = tpu.memref_squeeze %dma_start3A_456 : memref<1x4096xf32, #tpu.memory_space<hbm>> -> memref<4096xf32, #tpu.memory_space<hbm>>
    %dma_start3A_458 = tpu.memref_slice %arg4[%add3A_455, %mul3A_29] : memref<128x16384xf32, #tpu.memory_space<hbm>> -> memref<1x4096xf32, #tpu.memory_space<hbm>>
    %dma_start3A_459 = tpu.memref_squeeze %dma_start3A_458 : memref<1x4096xf32, #tpu.memory_space<hbm>> -> memref<4096xf32, #tpu.memory_space<hbm>>
    tpu.enqueue_dma source(%arg8 : memref<4096xf32, #tpu.memory_space<vmem>>) target(%dma_start3A_459 : memref<4096xf32, #tpu.memory_space<hbm>>) target_semaphore(%arg16 : memref<!tpu.dma_semaphore, #tpu.memory_space<semaphore_mem>>)
    %barrier3A_460 = arith.constant 0 : index
    tpu.barrier barrier_id(%barrier3A_460)
    %eq3A_461 = arith.constant 0 : i32
    %eq3A_462 = arith.cmpi eq, %arg1, %eq3A_461 : i32
    %convert_element_type3A_463 = arith.extui %eq3A_462 : i1 to i32
    %cond3A_464 = arith.constant 0 : i32
    %cond3A_465 = arith.cmpi ne, %convert_element_type3A_463, %cond3A_464 : i32
    scf.if %cond3A_465 {
      %mul3A_793 = arith.constant 8 : i32
      %mul3A_794 = arith.muli %arg0, %mul3A_793 : i32
      %add3A_795 = arith.constant 5 : i32
      %add3A_796 = arith.addi %mul3A_794, %add3A_795 : i32
      %mul3A_797 = arith.constant 8 : i32
      %mul3A_798 = arith.muli %add3A_796, %mul3A_797 : i32
      %add3A_799 = arith.constant 0 : i32
      %add3A_800 = arith.addi %mul3A_798, %add3A_799 : i32
      %dma_start3A_801 = arith.constant 0 : i32
      %dma_start3A_802 = arith.constant 0 : i32
      %dma_start3A_803 = arith.constant 0 : i32
      %dma_start3A_804 = tpu.memref_slice %arg5[%dma_start3A_801, %dma_start3A_802, %dma_start3A_803] : memref<2x4x100096xf32, #tpu.memory_space<vmem_shared>> -> memref<1x4x100096xf32, #tpu.memory_space<vmem_shared>>
      %dma_start3A_805 = tpu.memref_squeeze %dma_start3A_804 : memref<1x4x100096xf32, #tpu.memory_space<vmem_shared>> -> memref<4x100096xf32, #tpu.memory_space<vmem_shared>>
      %dma_start3A_806 = arith.constant 0 : i32
      %dma_start3A_807 = tpu.memref_slice %arg2[%add3A_800, %dma_start3A_806] : memref<128x100096xf32, #tpu.memory_space<hbm>> -> memref<4x100096xf32, #tpu.memory_space<hbm>>
      tpu.enqueue_dma source(%dma_start3A_807 : memref<4x100096xf32, #tpu.memory_space<hbm>>) target(%dma_start3A_805 : memref<4x100096xf32, #tpu.memory_space<vmem_shared>>) target_semaphore(%arg10 : memref<!tpu.dma_semaphore, #tpu.memory_space<semaphore_mem>>)
    } else {
    }
    %eq3A_466 = arith.constant 0 : i32
    %eq3A_467 = arith.cmpi eq, %arg1, %eq3A_466 : i32
    %convert_element_type3A_468 = arith.extui %eq3A_467 : i1 to i32
    %cond3A_469 = arith.constant 0 : i32
    %cond3A_470 = arith.cmpi ne, %convert_element_type3A_468, %cond3A_469 : i32
    scf.if %cond3A_470 {
      %mul3A_793 = arith.constant 8 : i32
      %mul3A_794 = arith.muli %arg0, %mul3A_793 : i32
      %add3A_795 = arith.constant 4 : i32
      %add3A_796 = arith.addi %mul3A_794, %add3A_795 : i32
      %mul3A_797 = arith.constant 8 : i32
      %mul3A_798 = arith.muli %add3A_796, %mul3A_797 : i32
      %add3A_799 = arith.constant 4 : i32
      %add3A_800 = arith.addi %mul3A_798, %add3A_799 : i32
      %dma_wait3A_801 = arith.constant 1 : i32
      %dma_wait3A_802 = arith.constant 0 : i32
      %dma_wait3A_803 = arith.constant 0 : i32
      %dma_wait3A_804 = tpu.memref_slice %arg5[%dma_wait3A_801, %dma_wait3A_802, %dma_wait3A_803] : memref<2x4x100096xf32, #tpu.memory_space<vmem_shared>> -> memref<1x4x100096xf32, #tpu.memory_space<vmem_shared>>
      %dma_wait3A_805 = tpu.memref_squeeze %dma_wait3A_804 : memref<1x4x100096xf32, #tpu.memory_space<vmem_shared>> -> memref<4x100096xf32, #tpu.memory_space<vmem_shared>>
      %dma_wait3A_806 = arith.constant 0 : i32
      %dma_wait3A_807 = tpu.memref_slice %arg2[%add3A_800, %dma_wait3A_806] : memref<128x100096xf32, #tpu.memory_space<hbm>> -> memref<4x100096xf32, #tpu.memory_space<hbm>>
      tpu.wait_dma2 semaphore(%arg11 : memref<!tpu.dma_semaphore, #tpu.memory_space<semaphore_mem>>) src(%dma_wait3A_807 : memref<4x100096xf32, #tpu.memory_space<hbm>>) dst(%dma_wait3A_805 : memref<4x100096xf32, #tpu.memory_space<vmem_shared>>)
    } else {
    }
    %barrier3A_471 = arith.constant 0 : index
    tpu.barrier barrier_id(%barrier3A_471)
    %dma_wait3A_472 = tpu.memref_slice %arg4[%add3A_400, %mul3A_29] : memref<128x16384xf32, #tpu.memory_space<hbm>> -> memref<1x4096xf32, #tpu.memory_space<hbm>>
    %dma_wait3A_473 = tpu.memref_squeeze %dma_wait3A_472 : memref<1x4096xf32, #tpu.memory_space<hbm>> -> memref<4096xf32, #tpu.memory_space<hbm>>
    %dma_wait3A_474 = tpu.memref_slice %arg4[%add3A_400, %mul3A_29] : memref<128x16384xf32, #tpu.memory_space<hbm>> -> memref<1x4096xf32, #tpu.memory_space<hbm>>
    %dma_wait3A_475 = tpu.memref_squeeze %dma_wait3A_474 : memref<1x4096xf32, #tpu.memory_space<hbm>> -> memref<4096xf32, #tpu.memory_space<hbm>>
    tpu.wait_dma2 semaphore(%arg17 : memref<!tpu.dma_semaphore, #tpu.memory_space<semaphore_mem>>) src(%arg9 : memref<4096xf32, #tpu.memory_space<vmem>>) dst(%dma_wait3A_475 : memref<4096xf32, #tpu.memory_space<hbm>>)
    %dma_start3A_476 = arith.constant 1 : i32
    %dma_start3A_477 = arith.constant 0 : i32
    %dma_start3A_478 = tpu.memref_slice %arg5[%dma_start3A_476, %select_n3A_7, %dma_start3A_477] : memref<2x4x100096xf32, #tpu.memory_space<vmem_shared>> -> memref<1x1x100096xf32, #tpu.memory_space<vmem_shared>>
    %dma_start3A_479 = tpu.memref_squeeze %dma_start3A_478 : memref<1x1x100096xf32, #tpu.memory_space<vmem_shared>> -> memref<100096xf32, #tpu.memory_space<vmem_shared>>
    %dma_start3A_480 = arith.constant 0 : i32
    %dma_start3A_481 = tpu.memref_slice %dma_start3A_479[%dma_start3A_480] : memref<100096xf32, #tpu.memory_space<vmem_shared>> -> memref<100096xf32, #tpu.memory_space<vmem_shared>>
    tpu.enqueue_indirect_dma source(%dma_start3A_481 : memref<100096xf32, #tpu.memory_space<vmem_shared>>) target(%arg9 : memref<4096xf32, #tpu.memory_space<vmem>>) offsets(%arg6 : memref<4096xi32, #tpu.memory_space<vmem>>) semaphore(%arg15 : memref<!tpu.dma_semaphore, #tpu.memory_space<semaphore_mem>>)
    %dma_wait3A_482 = arith.constant 1 : i32
    %dma_wait3A_483 = arith.constant 0 : i32
    %dma_wait3A_484 = tpu.memref_slice %arg5[%dma_wait3A_482, %select_n3A_7, %dma_wait3A_483] : memref<2x4x100096xf32, #tpu.memory_space<vmem_shared>> -> memref<1x1x100096xf32, #tpu.memory_space<vmem_shared>>
    %dma_wait3A_485 = tpu.memref_squeeze %dma_wait3A_484 : memref<1x1x100096xf32, #tpu.memory_space<vmem_shared>> -> memref<100096xf32, #tpu.memory_space<vmem_shared>>
    %dma_wait3A_486 = arith.constant 0 : i32
    %dma_wait3A_487 = tpu.memref_slice %dma_wait3A_485[%dma_wait3A_486] : memref<100096xf32, #tpu.memory_space<vmem_shared>> -> memref<100096xf32, #tpu.memory_space<vmem_shared>>
    tpu.wait_indirect_dma semaphore(%arg15 : memref<!tpu.dma_semaphore, #tpu.memory_space<semaphore_mem>>) src(%dma_wait3A_487 : memref<100096xf32, #tpu.memory_space<vmem_shared>>) dst(%arg9 : memref<4096xf32, #tpu.memory_space<vmem>>)
    %mul3A_488 = arith.constant 8 : i32
    %mul3A_489 = arith.muli %arg0, %mul3A_488 : i32
    %add3A_490 = arith.constant 4 : i32
    %add3A_491 = arith.addi %mul3A_489, %add3A_490 : i32
    %mul3A_492 = arith.constant 8 : i32
    %mul3A_493 = arith.muli %add3A_491, %mul3A_492 : i32
    %add3A_494 = arith.constant 4 : i32
    %add3A_495 = arith.addi %mul3A_493, %add3A_494 : i32
    %add3A_496 = arith.addi %add3A_495, %select_n3A_7 : i32
    %dma_start3A_497 = tpu.memref_slice %arg4[%add3A_496, %mul3A_29] : memref<128x16384xf32, #tpu.memory_space<hbm>> -> memref<1x4096xf32, #tpu.memory_space<hbm>>
    %dma_start3A_498 = tpu.memref_squeeze %dma_start3A_497 : memref<1x4096xf32, #tpu.memory_space<hbm>> -> memref<4096xf32, #tpu.memory_space<hbm>>
    %dma_start3A_499 = tpu.memref_slice %arg4[%add3A_496, %mul3A_29] : memref<128x16384xf32, #tpu.memory_space<hbm>> -> memref<1x4096xf32, #tpu.memory_space<hbm>>
    %dma_start3A_500 = tpu.memref_squeeze %dma_start3A_499 : memref<1x4096xf32, #tpu.memory_space<hbm>> -> memref<4096xf32, #tpu.memory_space<hbm>>
    tpu.enqueue_dma source(%arg9 : memref<4096xf32, #tpu.memory_space<vmem>>) target(%dma_start3A_500 : memref<4096xf32, #tpu.memory_space<hbm>>) target_semaphore(%arg17 : memref<!tpu.dma_semaphore, #tpu.memory_space<semaphore_mem>>)
    %mul3A_501 = arith.constant 8 : i32
    %mul3A_502 = arith.muli %arg0, %mul3A_501 : i32
    %add3A_503 = arith.constant 5 : i32
    %add3A_504 = arith.addi %mul3A_502, %add3A_503 : i32
    %add3A_505 = arith.constant 10 : i32
    %add3A_506 = arith.addi %add3A_505, %add3A_504 : i32
    %dma_start3A_507 = tpu.memref_slice %arg3[%add3A_506, %mul3A_29] : memref<26x16384xi32, #tpu.memory_space<hbm>> -> memref<1x4096xi32, #tpu.memory_space<hbm>>
    %dma_start3A_508 = tpu.memref_squeeze %dma_start3A_507 : memref<1x4096xi32, #tpu.memory_space<hbm>> -> memref<4096xi32, #tpu.memory_space<hbm>>
    %dma_start3A_509 = tpu.memref_slice %arg3[%add3A_506, %mul3A_29] : memref<26x16384xi32, #tpu.memory_space<hbm>> -> memref<1x4096xi32, #tpu.memory_space<hbm>>
    %dma_start3A_510 = tpu.memref_squeeze %dma_start3A_509 : memref<1x4096xi32, #tpu.memory_space<hbm>> -> memref<4096xi32, #tpu.memory_space<hbm>>
    tpu.enqueue_dma source(%dma_start3A_510 : memref<4096xi32, #tpu.memory_space<hbm>>) target(%arg7 : memref<4096xi32, #tpu.memory_space<vmem>>) target_semaphore(%arg13 : memref<!tpu.dma_semaphore, #tpu.memory_space<semaphore_mem>>)
    %barrier3A_511 = arith.constant 0 : index
    tpu.barrier barrier_id(%barrier3A_511)
    %eq3A_512 = arith.constant 0 : i32
    %eq3A_513 = arith.cmpi eq, %arg1, %eq3A_512 : i32
    %convert_element_type3A_514 = arith.extui %eq3A_513 : i1 to i32
    %cond3A_515 = arith.constant 0 : i32
    %cond3A_516 = arith.cmpi ne, %convert_element_type3A_514, %cond3A_515 : i32
    scf.if %cond3A_516 {
      %mul3A_793 = arith.constant 8 : i32
      %mul3A_794 = arith.muli %arg0, %mul3A_793 : i32
      %add3A_795 = arith.constant 5 : i32
      %add3A_796 = arith.addi %mul3A_794, %add3A_795 : i32
      %mul3A_797 = arith.constant 8 : i32
      %mul3A_798 = arith.muli %add3A_796, %mul3A_797 : i32
      %add3A_799 = arith.constant 4 : i32
      %add3A_800 = arith.addi %mul3A_798, %add3A_799 : i32
      %dma_start3A_801 = arith.constant 1 : i32
      %dma_start3A_802 = arith.constant 0 : i32
      %dma_start3A_803 = arith.constant 0 : i32
      %dma_start3A_804 = tpu.memref_slice %arg5[%dma_start3A_801, %dma_start3A_802, %dma_start3A_803] : memref<2x4x100096xf32, #tpu.memory_space<vmem_shared>> -> memref<1x4x100096xf32, #tpu.memory_space<vmem_shared>>
      %dma_start3A_805 = tpu.memref_squeeze %dma_start3A_804 : memref<1x4x100096xf32, #tpu.memory_space<vmem_shared>> -> memref<4x100096xf32, #tpu.memory_space<vmem_shared>>
      %dma_start3A_806 = arith.constant 0 : i32
      %dma_start3A_807 = tpu.memref_slice %arg2[%add3A_800, %dma_start3A_806] : memref<128x100096xf32, #tpu.memory_space<hbm>> -> memref<4x100096xf32, #tpu.memory_space<hbm>>
      tpu.enqueue_dma source(%dma_start3A_807 : memref<4x100096xf32, #tpu.memory_space<hbm>>) target(%dma_start3A_805 : memref<4x100096xf32, #tpu.memory_space<vmem_shared>>) target_semaphore(%arg11 : memref<!tpu.dma_semaphore, #tpu.memory_space<semaphore_mem>>)
    } else {
    }
    %eq3A_517 = arith.constant 0 : i32
    %eq3A_518 = arith.cmpi eq, %arg1, %eq3A_517 : i32
    %convert_element_type3A_519 = arith.extui %eq3A_518 : i1 to i32
    %cond3A_520 = arith.constant 0 : i32
    %cond3A_521 = arith.cmpi ne, %convert_element_type3A_519, %cond3A_520 : i32
    scf.if %cond3A_521 {
      %mul3A_793 = arith.constant 8 : i32
      %mul3A_794 = arith.muli %arg0, %mul3A_793 : i32
      %add3A_795 = arith.constant 5 : i32
      %add3A_796 = arith.addi %mul3A_794, %add3A_795 : i32
      %mul3A_797 = arith.constant 8 : i32
      %mul3A_798 = arith.muli %add3A_796, %mul3A_797 : i32
      %add3A_799 = arith.constant 0 : i32
      %add3A_800 = arith.addi %mul3A_798, %add3A_799 : i32
      %dma_wait3A_801 = arith.constant 0 : i32
      %dma_wait3A_802 = arith.constant 0 : i32
      %dma_wait3A_803 = arith.constant 0 : i32
      %dma_wait3A_804 = tpu.memref_slice %arg5[%dma_wait3A_801, %dma_wait3A_802, %dma_wait3A_803] : memref<2x4x100096xf32, #tpu.memory_space<vmem_shared>> -> memref<1x4x100096xf32, #tpu.memory_space<vmem_shared>>
      %dma_wait3A_805 = tpu.memref_squeeze %dma_wait3A_804 : memref<1x4x100096xf32, #tpu.memory_space<vmem_shared>> -> memref<4x100096xf32, #tpu.memory_space<vmem_shared>>
      %dma_wait3A_806 = arith.constant 0 : i32
      %dma_wait3A_807 = tpu.memref_slice %arg2[%add3A_800, %dma_wait3A_806] : memref<128x100096xf32, #tpu.memory_space<hbm>> -> memref<4x100096xf32, #tpu.memory_space<hbm>>
      tpu.wait_dma2 semaphore(%arg10 : memref<!tpu.dma_semaphore, #tpu.memory_space<semaphore_mem>>) src(%dma_wait3A_807 : memref<4x100096xf32, #tpu.memory_space<hbm>>) dst(%dma_wait3A_805 : memref<4x100096xf32, #tpu.memory_space<vmem_shared>>)
    } else {
    }
    %dma_wait3A_522 = tpu.memref_slice %arg3[%add3A_506, %mul3A_29] : memref<26x16384xi32, #tpu.memory_space<hbm>> -> memref<1x4096xi32, #tpu.memory_space<hbm>>
    %dma_wait3A_523 = tpu.memref_squeeze %dma_wait3A_522 : memref<1x4096xi32, #tpu.memory_space<hbm>> -> memref<4096xi32, #tpu.memory_space<hbm>>
    %dma_wait3A_524 = tpu.memref_slice %arg3[%add3A_506, %mul3A_29] : memref<26x16384xi32, #tpu.memory_space<hbm>> -> memref<1x4096xi32, #tpu.memory_space<hbm>>
    %dma_wait3A_525 = tpu.memref_squeeze %dma_wait3A_524 : memref<1x4096xi32, #tpu.memory_space<hbm>> -> memref<4096xi32, #tpu.memory_space<hbm>>
    tpu.wait_dma2 semaphore(%arg13 : memref<!tpu.dma_semaphore, #tpu.memory_space<semaphore_mem>>) src(%dma_wait3A_525 : memref<4096xi32, #tpu.memory_space<hbm>>) dst(%arg7 : memref<4096xi32, #tpu.memory_space<vmem>>)
    %barrier3A_526 = arith.constant 0 : index
    tpu.barrier barrier_id(%barrier3A_526)
    %dma_wait3A_527 = tpu.memref_slice %arg4[%add3A_455, %mul3A_29] : memref<128x16384xf32, #tpu.memory_space<hbm>> -> memref<1x4096xf32, #tpu.memory_space<hbm>>
    %dma_wait3A_528 = tpu.memref_squeeze %dma_wait3A_527 : memref<1x4096xf32, #tpu.memory_space<hbm>> -> memref<4096xf32, #tpu.memory_space<hbm>>
    %dma_wait3A_529 = tpu.memref_slice %arg4[%add3A_455, %mul3A_29] : memref<128x16384xf32, #tpu.memory_space<hbm>> -> memref<1x4096xf32, #tpu.memory_space<hbm>>
    %dma_wait3A_530 = tpu.memref_squeeze %dma_wait3A_529 : memref<1x4096xf32, #tpu.memory_space<hbm>> -> memref<4096xf32, #tpu.memory_space<hbm>>
    tpu.wait_dma2 semaphore(%arg16 : memref<!tpu.dma_semaphore, #tpu.memory_space<semaphore_mem>>) src(%arg8 : memref<4096xf32, #tpu.memory_space<vmem>>) dst(%dma_wait3A_530 : memref<4096xf32, #tpu.memory_space<hbm>>)
    %dma_start3A_531 = arith.constant 0 : i32
    %dma_start3A_532 = arith.constant 0 : i32
    %dma_start3A_533 = tpu.memref_slice %arg5[%dma_start3A_531, %select_n3A_7, %dma_start3A_532] : memref<2x4x100096xf32, #tpu.memory_space<vmem_shared>> -> memref<1x1x100096xf32, #tpu.memory_space<vmem_shared>>
    %dma_start3A_534 = tpu.memref_squeeze %dma_start3A_533 : memref<1x1x100096xf32, #tpu.memory_space<vmem_shared>> -> memref<100096xf32, #tpu.memory_space<vmem_shared>>
    %dma_start3A_535 = arith.constant 0 : i32
    %dma_start3A_536 = tpu.memref_slice %dma_start3A_534[%dma_start3A_535] : memref<100096xf32, #tpu.memory_space<vmem_shared>> -> memref<100096xf32, #tpu.memory_space<vmem_shared>>
    tpu.enqueue_indirect_dma source(%dma_start3A_536 : memref<100096xf32, #tpu.memory_space<vmem_shared>>) target(%arg8 : memref<4096xf32, #tpu.memory_space<vmem>>) offsets(%arg7 : memref<4096xi32, #tpu.memory_space<vmem>>) semaphore(%arg14 : memref<!tpu.dma_semaphore, #tpu.memory_space<semaphore_mem>>)
    %dma_wait3A_537 = arith.constant 0 : i32
    %dma_wait3A_538 = arith.constant 0 : i32
    %dma_wait3A_539 = tpu.memref_slice %arg5[%dma_wait3A_537, %select_n3A_7, %dma_wait3A_538] : memref<2x4x100096xf32, #tpu.memory_space<vmem_shared>> -> memref<1x1x100096xf32, #tpu.memory_space<vmem_shared>>
    %dma_wait3A_540 = tpu.memref_squeeze %dma_wait3A_539 : memref<1x1x100096xf32, #tpu.memory_space<vmem_shared>> -> memref<100096xf32, #tpu.memory_space<vmem_shared>>
    %dma_wait3A_541 = arith.constant 0 : i32
    %dma_wait3A_542 = tpu.memref_slice %dma_wait3A_540[%dma_wait3A_541] : memref<100096xf32, #tpu.memory_space<vmem_shared>> -> memref<100096xf32, #tpu.memory_space<vmem_shared>>
    tpu.wait_indirect_dma semaphore(%arg14 : memref<!tpu.dma_semaphore, #tpu.memory_space<semaphore_mem>>) src(%dma_wait3A_542 : memref<100096xf32, #tpu.memory_space<vmem_shared>>) dst(%arg8 : memref<4096xf32, #tpu.memory_space<vmem>>)
    %mul3A_543 = arith.constant 8 : i32
    %mul3A_544 = arith.muli %arg0, %mul3A_543 : i32
    %add3A_545 = arith.constant 5 : i32
    %add3A_546 = arith.addi %mul3A_544, %add3A_545 : i32
    %mul3A_547 = arith.constant 8 : i32
    %mul3A_548 = arith.muli %add3A_546, %mul3A_547 : i32
    %add3A_549 = arith.constant 0 : i32
    %add3A_550 = arith.addi %mul3A_548, %add3A_549 : i32
    %add3A_551 = arith.addi %add3A_550, %select_n3A_7 : i32
    %dma_start3A_552 = tpu.memref_slice %arg4[%add3A_551, %mul3A_29] : memref<128x16384xf32, #tpu.memory_space<hbm>> -> memref<1x4096xf32, #tpu.memory_space<hbm>>
    %dma_start3A_553 = tpu.memref_squeeze %dma_start3A_552 : memref<1x4096xf32, #tpu.memory_space<hbm>> -> memref<4096xf32, #tpu.memory_space<hbm>>
    %dma_start3A_554 = tpu.memref_slice %arg4[%add3A_551, %mul3A_29] : memref<128x16384xf32, #tpu.memory_space<hbm>> -> memref<1x4096xf32, #tpu.memory_space<hbm>>
    %dma_start3A_555 = tpu.memref_squeeze %dma_start3A_554 : memref<1x4096xf32, #tpu.memory_space<hbm>> -> memref<4096xf32, #tpu.memory_space<hbm>>
    tpu.enqueue_dma source(%arg8 : memref<4096xf32, #tpu.memory_space<vmem>>) target(%dma_start3A_555 : memref<4096xf32, #tpu.memory_space<hbm>>) target_semaphore(%arg16 : memref<!tpu.dma_semaphore, #tpu.memory_space<semaphore_mem>>)
    %barrier3A_556 = arith.constant 0 : index
    tpu.barrier barrier_id(%barrier3A_556)
    %eq3A_557 = arith.constant 0 : i32
    %eq3A_558 = arith.cmpi eq, %arg1, %eq3A_557 : i32
    %convert_element_type3A_559 = arith.extui %eq3A_558 : i1 to i32
    %cond3A_560 = arith.constant 0 : i32
    %cond3A_561 = arith.cmpi ne, %convert_element_type3A_559, %cond3A_560 : i32
    scf.if %cond3A_561 {
      %mul3A_793 = arith.constant 8 : i32
      %mul3A_794 = arith.muli %arg0, %mul3A_793 : i32
      %add3A_795 = arith.constant 6 : i32
      %add3A_796 = arith.addi %mul3A_794, %add3A_795 : i32
      %mul3A_797 = arith.constant 8 : i32
      %mul3A_798 = arith.muli %add3A_796, %mul3A_797 : i32
      %add3A_799 = arith.constant 0 : i32
      %add3A_800 = arith.addi %mul3A_798, %add3A_799 : i32
      %dma_start3A_801 = arith.constant 0 : i32
      %dma_start3A_802 = arith.constant 0 : i32
      %dma_start3A_803 = arith.constant 0 : i32
      %dma_start3A_804 = tpu.memref_slice %arg5[%dma_start3A_801, %dma_start3A_802, %dma_start3A_803] : memref<2x4x100096xf32, #tpu.memory_space<vmem_shared>> -> memref<1x4x100096xf32, #tpu.memory_space<vmem_shared>>
      %dma_start3A_805 = tpu.memref_squeeze %dma_start3A_804 : memref<1x4x100096xf32, #tpu.memory_space<vmem_shared>> -> memref<4x100096xf32, #tpu.memory_space<vmem_shared>>
      %dma_start3A_806 = arith.constant 0 : i32
      %dma_start3A_807 = tpu.memref_slice %arg2[%add3A_800, %dma_start3A_806] : memref<128x100096xf32, #tpu.memory_space<hbm>> -> memref<4x100096xf32, #tpu.memory_space<hbm>>
      tpu.enqueue_dma source(%dma_start3A_807 : memref<4x100096xf32, #tpu.memory_space<hbm>>) target(%dma_start3A_805 : memref<4x100096xf32, #tpu.memory_space<vmem_shared>>) target_semaphore(%arg10 : memref<!tpu.dma_semaphore, #tpu.memory_space<semaphore_mem>>)
    } else {
    }
    %eq3A_562 = arith.constant 0 : i32
    %eq3A_563 = arith.cmpi eq, %arg1, %eq3A_562 : i32
    %convert_element_type3A_564 = arith.extui %eq3A_563 : i1 to i32
    %cond3A_565 = arith.constant 0 : i32
    %cond3A_566 = arith.cmpi ne, %convert_element_type3A_564, %cond3A_565 : i32
    scf.if %cond3A_566 {
      %mul3A_793 = arith.constant 8 : i32
      %mul3A_794 = arith.muli %arg0, %mul3A_793 : i32
      %add3A_795 = arith.constant 5 : i32
      %add3A_796 = arith.addi %mul3A_794, %add3A_795 : i32
      %mul3A_797 = arith.constant 8 : i32
      %mul3A_798 = arith.muli %add3A_796, %mul3A_797 : i32
      %add3A_799 = arith.constant 4 : i32
      %add3A_800 = arith.addi %mul3A_798, %add3A_799 : i32
      %dma_wait3A_801 = arith.constant 1 : i32
      %dma_wait3A_802 = arith.constant 0 : i32
      %dma_wait3A_803 = arith.constant 0 : i32
      %dma_wait3A_804 = tpu.memref_slice %arg5[%dma_wait3A_801, %dma_wait3A_802, %dma_wait3A_803] : memref<2x4x100096xf32, #tpu.memory_space<vmem_shared>> -> memref<1x4x100096xf32, #tpu.memory_space<vmem_shared>>
      %dma_wait3A_805 = tpu.memref_squeeze %dma_wait3A_804 : memref<1x4x100096xf32, #tpu.memory_space<vmem_shared>> -> memref<4x100096xf32, #tpu.memory_space<vmem_shared>>
      %dma_wait3A_806 = arith.constant 0 : i32
      %dma_wait3A_807 = tpu.memref_slice %arg2[%add3A_800, %dma_wait3A_806] : memref<128x100096xf32, #tpu.memory_space<hbm>> -> memref<4x100096xf32, #tpu.memory_space<hbm>>
      tpu.wait_dma2 semaphore(%arg11 : memref<!tpu.dma_semaphore, #tpu.memory_space<semaphore_mem>>) src(%dma_wait3A_807 : memref<4x100096xf32, #tpu.memory_space<hbm>>) dst(%dma_wait3A_805 : memref<4x100096xf32, #tpu.memory_space<vmem_shared>>)
    } else {
    }
    %barrier3A_567 = arith.constant 0 : index
    tpu.barrier barrier_id(%barrier3A_567)
    %dma_wait3A_568 = tpu.memref_slice %arg4[%add3A_496, %mul3A_29] : memref<128x16384xf32, #tpu.memory_space<hbm>> -> memref<1x4096xf32, #tpu.memory_space<hbm>>
    %dma_wait3A_569 = tpu.memref_squeeze %dma_wait3A_568 : memref<1x4096xf32, #tpu.memory_space<hbm>> -> memref<4096xf32, #tpu.memory_space<hbm>>
    %dma_wait3A_570 = tpu.memref_slice %arg4[%add3A_496, %mul3A_29] : memref<128x16384xf32, #tpu.memory_space<hbm>> -> memref<1x4096xf32, #tpu.memory_space<hbm>>
    %dma_wait3A_571 = tpu.memref_squeeze %dma_wait3A_570 : memref<1x4096xf32, #tpu.memory_space<hbm>> -> memref<4096xf32, #tpu.memory_space<hbm>>
    tpu.wait_dma2 semaphore(%arg17 : memref<!tpu.dma_semaphore, #tpu.memory_space<semaphore_mem>>) src(%arg9 : memref<4096xf32, #tpu.memory_space<vmem>>) dst(%dma_wait3A_571 : memref<4096xf32, #tpu.memory_space<hbm>>)
    %dma_start3A_572 = arith.constant 1 : i32
    %dma_start3A_573 = arith.constant 0 : i32
    %dma_start3A_574 = tpu.memref_slice %arg5[%dma_start3A_572, %select_n3A_7, %dma_start3A_573] : memref<2x4x100096xf32, #tpu.memory_space<vmem_shared>> -> memref<1x1x100096xf32, #tpu.memory_space<vmem_shared>>
    %dma_start3A_575 = tpu.memref_squeeze %dma_start3A_574 : memref<1x1x100096xf32, #tpu.memory_space<vmem_shared>> -> memref<100096xf32, #tpu.memory_space<vmem_shared>>
    %dma_start3A_576 = arith.constant 0 : i32
    %dma_start3A_577 = tpu.memref_slice %dma_start3A_575[%dma_start3A_576] : memref<100096xf32, #tpu.memory_space<vmem_shared>> -> memref<100096xf32, #tpu.memory_space<vmem_shared>>
    tpu.enqueue_indirect_dma source(%dma_start3A_577 : memref<100096xf32, #tpu.memory_space<vmem_shared>>) target(%arg9 : memref<4096xf32, #tpu.memory_space<vmem>>) offsets(%arg7 : memref<4096xi32, #tpu.memory_space<vmem>>) semaphore(%arg15 : memref<!tpu.dma_semaphore, #tpu.memory_space<semaphore_mem>>)
    %dma_wait3A_578 = arith.constant 1 : i32
    %dma_wait3A_579 = arith.constant 0 : i32
    %dma_wait3A_580 = tpu.memref_slice %arg5[%dma_wait3A_578, %select_n3A_7, %dma_wait3A_579] : memref<2x4x100096xf32, #tpu.memory_space<vmem_shared>> -> memref<1x1x100096xf32, #tpu.memory_space<vmem_shared>>
    %dma_wait3A_581 = tpu.memref_squeeze %dma_wait3A_580 : memref<1x1x100096xf32, #tpu.memory_space<vmem_shared>> -> memref<100096xf32, #tpu.memory_space<vmem_shared>>
    %dma_wait3A_582 = arith.constant 0 : i32
    %dma_wait3A_583 = tpu.memref_slice %dma_wait3A_581[%dma_wait3A_582] : memref<100096xf32, #tpu.memory_space<vmem_shared>> -> memref<100096xf32, #tpu.memory_space<vmem_shared>>
    tpu.wait_indirect_dma semaphore(%arg15 : memref<!tpu.dma_semaphore, #tpu.memory_space<semaphore_mem>>) src(%dma_wait3A_583 : memref<100096xf32, #tpu.memory_space<vmem_shared>>) dst(%arg9 : memref<4096xf32, #tpu.memory_space<vmem>>)
    %mul3A_584 = arith.constant 8 : i32
    %mul3A_585 = arith.muli %arg0, %mul3A_584 : i32
    %add3A_586 = arith.constant 5 : i32
    %add3A_587 = arith.addi %mul3A_585, %add3A_586 : i32
    %mul3A_588 = arith.constant 8 : i32
    %mul3A_589 = arith.muli %add3A_587, %mul3A_588 : i32
    %add3A_590 = arith.constant 4 : i32
    %add3A_591 = arith.addi %mul3A_589, %add3A_590 : i32
    %add3A_592 = arith.addi %add3A_591, %select_n3A_7 : i32
    %dma_start3A_593 = tpu.memref_slice %arg4[%add3A_592, %mul3A_29] : memref<128x16384xf32, #tpu.memory_space<hbm>> -> memref<1x4096xf32, #tpu.memory_space<hbm>>
    %dma_start3A_594 = tpu.memref_squeeze %dma_start3A_593 : memref<1x4096xf32, #tpu.memory_space<hbm>> -> memref<4096xf32, #tpu.memory_space<hbm>>
    %dma_start3A_595 = tpu.memref_slice %arg4[%add3A_592, %mul3A_29] : memref<128x16384xf32, #tpu.memory_space<hbm>> -> memref<1x4096xf32, #tpu.memory_space<hbm>>
    %dma_start3A_596 = tpu.memref_squeeze %dma_start3A_595 : memref<1x4096xf32, #tpu.memory_space<hbm>> -> memref<4096xf32, #tpu.memory_space<hbm>>
    tpu.enqueue_dma source(%arg9 : memref<4096xf32, #tpu.memory_space<vmem>>) target(%dma_start3A_596 : memref<4096xf32, #tpu.memory_space<hbm>>) target_semaphore(%arg17 : memref<!tpu.dma_semaphore, #tpu.memory_space<semaphore_mem>>)
    %mul3A_597 = arith.constant 8 : i32
    %mul3A_598 = arith.muli %arg0, %mul3A_597 : i32
    %add3A_599 = arith.constant 6 : i32
    %add3A_600 = arith.addi %mul3A_598, %add3A_599 : i32
    %add3A_601 = arith.constant 10 : i32
    %add3A_602 = arith.addi %add3A_601, %add3A_600 : i32
    %dma_start3A_603 = tpu.memref_slice %arg3[%add3A_602, %mul3A_29] : memref<26x16384xi32, #tpu.memory_space<hbm>> -> memref<1x4096xi32, #tpu.memory_space<hbm>>
    %dma_start3A_604 = tpu.memref_squeeze %dma_start3A_603 : memref<1x4096xi32, #tpu.memory_space<hbm>> -> memref<4096xi32, #tpu.memory_space<hbm>>
    %dma_start3A_605 = tpu.memref_slice %arg3[%add3A_602, %mul3A_29] : memref<26x16384xi32, #tpu.memory_space<hbm>> -> memref<1x4096xi32, #tpu.memory_space<hbm>>
    %dma_start3A_606 = tpu.memref_squeeze %dma_start3A_605 : memref<1x4096xi32, #tpu.memory_space<hbm>> -> memref<4096xi32, #tpu.memory_space<hbm>>
    tpu.enqueue_dma source(%dma_start3A_606 : memref<4096xi32, #tpu.memory_space<hbm>>) target(%arg6 : memref<4096xi32, #tpu.memory_space<vmem>>) target_semaphore(%arg12 : memref<!tpu.dma_semaphore, #tpu.memory_space<semaphore_mem>>)
    %barrier3A_607 = arith.constant 0 : index
    tpu.barrier barrier_id(%barrier3A_607)
    %eq3A_608 = arith.constant 0 : i32
    %eq3A_609 = arith.cmpi eq, %arg1, %eq3A_608 : i32
    %convert_element_type3A_610 = arith.extui %eq3A_609 : i1 to i32
    %cond3A_611 = arith.constant 0 : i32
    %cond3A_612 = arith.cmpi ne, %convert_element_type3A_610, %cond3A_611 : i32
    scf.if %cond3A_612 {
      %mul3A_793 = arith.constant 8 : i32
      %mul3A_794 = arith.muli %arg0, %mul3A_793 : i32
      %add3A_795 = arith.constant 6 : i32
      %add3A_796 = arith.addi %mul3A_794, %add3A_795 : i32
      %mul3A_797 = arith.constant 8 : i32
      %mul3A_798 = arith.muli %add3A_796, %mul3A_797 : i32
      %add3A_799 = arith.constant 4 : i32
      %add3A_800 = arith.addi %mul3A_798, %add3A_799 : i32
      %dma_start3A_801 = arith.constant 1 : i32
      %dma_start3A_802 = arith.constant 0 : i32
      %dma_start3A_803 = arith.constant 0 : i32
      %dma_start3A_804 = tpu.memref_slice %arg5[%dma_start3A_801, %dma_start3A_802, %dma_start3A_803] : memref<2x4x100096xf32, #tpu.memory_space<vmem_shared>> -> memref<1x4x100096xf32, #tpu.memory_space<vmem_shared>>
      %dma_start3A_805 = tpu.memref_squeeze %dma_start3A_804 : memref<1x4x100096xf32, #tpu.memory_space<vmem_shared>> -> memref<4x100096xf32, #tpu.memory_space<vmem_shared>>
      %dma_start3A_806 = arith.constant 0 : i32
      %dma_start3A_807 = tpu.memref_slice %arg2[%add3A_800, %dma_start3A_806] : memref<128x100096xf32, #tpu.memory_space<hbm>> -> memref<4x100096xf32, #tpu.memory_space<hbm>>
      tpu.enqueue_dma source(%dma_start3A_807 : memref<4x100096xf32, #tpu.memory_space<hbm>>) target(%dma_start3A_805 : memref<4x100096xf32, #tpu.memory_space<vmem_shared>>) target_semaphore(%arg11 : memref<!tpu.dma_semaphore, #tpu.memory_space<semaphore_mem>>)
    } else {
    }
    %eq3A_613 = arith.constant 0 : i32
    %eq3A_614 = arith.cmpi eq, %arg1, %eq3A_613 : i32
    %convert_element_type3A_615 = arith.extui %eq3A_614 : i1 to i32
    %cond3A_616 = arith.constant 0 : i32
    %cond3A_617 = arith.cmpi ne, %convert_element_type3A_615, %cond3A_616 : i32
    scf.if %cond3A_617 {
      %mul3A_793 = arith.constant 8 : i32
      %mul3A_794 = arith.muli %arg0, %mul3A_793 : i32
      %add3A_795 = arith.constant 6 : i32
      %add3A_796 = arith.addi %mul3A_794, %add3A_795 : i32
      %mul3A_797 = arith.constant 8 : i32
      %mul3A_798 = arith.muli %add3A_796, %mul3A_797 : i32
      %add3A_799 = arith.constant 0 : i32
      %add3A_800 = arith.addi %mul3A_798, %add3A_799 : i32
      %dma_wait3A_801 = arith.constant 0 : i32
      %dma_wait3A_802 = arith.constant 0 : i32
      %dma_wait3A_803 = arith.constant 0 : i32
      %dma_wait3A_804 = tpu.memref_slice %arg5[%dma_wait3A_801, %dma_wait3A_802, %dma_wait3A_803] : memref<2x4x100096xf32, #tpu.memory_space<vmem_shared>> -> memref<1x4x100096xf32, #tpu.memory_space<vmem_shared>>
      %dma_wait3A_805 = tpu.memref_squeeze %dma_wait3A_804 : memref<1x4x100096xf32, #tpu.memory_space<vmem_shared>> -> memref<4x100096xf32, #tpu.memory_space<vmem_shared>>
      %dma_wait3A_806 = arith.constant 0 : i32
      %dma_wait3A_807 = tpu.memref_slice %arg2[%add3A_800, %dma_wait3A_806] : memref<128x100096xf32, #tpu.memory_space<hbm>> -> memref<4x100096xf32, #tpu.memory_space<hbm>>
      tpu.wait_dma2 semaphore(%arg10 : memref<!tpu.dma_semaphore, #tpu.memory_space<semaphore_mem>>) src(%dma_wait3A_807 : memref<4x100096xf32, #tpu.memory_space<hbm>>) dst(%dma_wait3A_805 : memref<4x100096xf32, #tpu.memory_space<vmem_shared>>)
    } else {
    }
    %dma_wait3A_618 = tpu.memref_slice %arg3[%add3A_602, %mul3A_29] : memref<26x16384xi32, #tpu.memory_space<hbm>> -> memref<1x4096xi32, #tpu.memory_space<hbm>>
    %dma_wait3A_619 = tpu.memref_squeeze %dma_wait3A_618 : memref<1x4096xi32, #tpu.memory_space<hbm>> -> memref<4096xi32, #tpu.memory_space<hbm>>
    %dma_wait3A_620 = tpu.memref_slice %arg3[%add3A_602, %mul3A_29] : memref<26x16384xi32, #tpu.memory_space<hbm>> -> memref<1x4096xi32, #tpu.memory_space<hbm>>
    %dma_wait3A_621 = tpu.memref_squeeze %dma_wait3A_620 : memref<1x4096xi32, #tpu.memory_space<hbm>> -> memref<4096xi32, #tpu.memory_space<hbm>>
    tpu.wait_dma2 semaphore(%arg12 : memref<!tpu.dma_semaphore, #tpu.memory_space<semaphore_mem>>) src(%dma_wait3A_621 : memref<4096xi32, #tpu.memory_space<hbm>>) dst(%arg6 : memref<4096xi32, #tpu.memory_space<vmem>>)
    %barrier3A_622 = arith.constant 0 : index
    tpu.barrier barrier_id(%barrier3A_622)
    %dma_wait3A_623 = tpu.memref_slice %arg4[%add3A_551, %mul3A_29] : memref<128x16384xf32, #tpu.memory_space<hbm>> -> memref<1x4096xf32, #tpu.memory_space<hbm>>
    %dma_wait3A_624 = tpu.memref_squeeze %dma_wait3A_623 : memref<1x4096xf32, #tpu.memory_space<hbm>> -> memref<4096xf32, #tpu.memory_space<hbm>>
    %dma_wait3A_625 = tpu.memref_slice %arg4[%add3A_551, %mul3A_29] : memref<128x16384xf32, #tpu.memory_space<hbm>> -> memref<1x4096xf32, #tpu.memory_space<hbm>>
    %dma_wait3A_626 = tpu.memref_squeeze %dma_wait3A_625 : memref<1x4096xf32, #tpu.memory_space<hbm>> -> memref<4096xf32, #tpu.memory_space<hbm>>
    tpu.wait_dma2 semaphore(%arg16 : memref<!tpu.dma_semaphore, #tpu.memory_space<semaphore_mem>>) src(%arg8 : memref<4096xf32, #tpu.memory_space<vmem>>) dst(%dma_wait3A_626 : memref<4096xf32, #tpu.memory_space<hbm>>)
    %dma_start3A_627 = arith.constant 0 : i32
    %dma_start3A_628 = arith.constant 0 : i32
    %dma_start3A_629 = tpu.memref_slice %arg5[%dma_start3A_627, %select_n3A_7, %dma_start3A_628] : memref<2x4x100096xf32, #tpu.memory_space<vmem_shared>> -> memref<1x1x100096xf32, #tpu.memory_space<vmem_shared>>
    %dma_start3A_630 = tpu.memref_squeeze %dma_start3A_629 : memref<1x1x100096xf32, #tpu.memory_space<vmem_shared>> -> memref<100096xf32, #tpu.memory_space<vmem_shared>>
    %dma_start3A_631 = arith.constant 0 : i32
    %dma_start3A_632 = tpu.memref_slice %dma_start3A_630[%dma_start3A_631] : memref<100096xf32, #tpu.memory_space<vmem_shared>> -> memref<100096xf32, #tpu.memory_space<vmem_shared>>
    tpu.enqueue_indirect_dma source(%dma_start3A_632 : memref<100096xf32, #tpu.memory_space<vmem_shared>>) target(%arg8 : memref<4096xf32, #tpu.memory_space<vmem>>) offsets(%arg6 : memref<4096xi32, #tpu.memory_space<vmem>>) semaphore(%arg14 : memref<!tpu.dma_semaphore, #tpu.memory_space<semaphore_mem>>)
    %dma_wait3A_633 = arith.constant 0 : i32
    %dma_wait3A_634 = arith.constant 0 : i32
    %dma_wait3A_635 = tpu.memref_slice %arg5[%dma_wait3A_633, %select_n3A_7, %dma_wait3A_634] : memref<2x4x100096xf32, #tpu.memory_space<vmem_shared>> -> memref<1x1x100096xf32, #tpu.memory_space<vmem_shared>>
    %dma_wait3A_636 = tpu.memref_squeeze %dma_wait3A_635 : memref<1x1x100096xf32, #tpu.memory_space<vmem_shared>> -> memref<100096xf32, #tpu.memory_space<vmem_shared>>
    %dma_wait3A_637 = arith.constant 0 : i32
    %dma_wait3A_638 = tpu.memref_slice %dma_wait3A_636[%dma_wait3A_637] : memref<100096xf32, #tpu.memory_space<vmem_shared>> -> memref<100096xf32, #tpu.memory_space<vmem_shared>>
    tpu.wait_indirect_dma semaphore(%arg14 : memref<!tpu.dma_semaphore, #tpu.memory_space<semaphore_mem>>) src(%dma_wait3A_638 : memref<100096xf32, #tpu.memory_space<vmem_shared>>) dst(%arg8 : memref<4096xf32, #tpu.memory_space<vmem>>)
    %mul3A_639 = arith.constant 8 : i32
    %mul3A_640 = arith.muli %arg0, %mul3A_639 : i32
    %add3A_641 = arith.constant 6 : i32
    %add3A_642 = arith.addi %mul3A_640, %add3A_641 : i32
    %mul3A_643 = arith.constant 8 : i32
    %mul3A_644 = arith.muli %add3A_642, %mul3A_643 : i32
    %add3A_645 = arith.constant 0 : i32
    %add3A_646 = arith.addi %mul3A_644, %add3A_645 : i32
    %add3A_647 = arith.addi %add3A_646, %select_n3A_7 : i32
    %dma_start3A_648 = tpu.memref_slice %arg4[%add3A_647, %mul3A_29] : memref<128x16384xf32, #tpu.memory_space<hbm>> -> memref<1x4096xf32, #tpu.memory_space<hbm>>
    %dma_start3A_649 = tpu.memref_squeeze %dma_start3A_648 : memref<1x4096xf32, #tpu.memory_space<hbm>> -> memref<4096xf32, #tpu.memory_space<hbm>>
    %dma_start3A_650 = tpu.memref_slice %arg4[%add3A_647, %mul3A_29] : memref<128x16384xf32, #tpu.memory_space<hbm>> -> memref<1x4096xf32, #tpu.memory_space<hbm>>
    %dma_start3A_651 = tpu.memref_squeeze %dma_start3A_650 : memref<1x4096xf32, #tpu.memory_space<hbm>> -> memref<4096xf32, #tpu.memory_space<hbm>>
    tpu.enqueue_dma source(%arg8 : memref<4096xf32, #tpu.memory_space<vmem>>) target(%dma_start3A_651 : memref<4096xf32, #tpu.memory_space<hbm>>) target_semaphore(%arg16 : memref<!tpu.dma_semaphore, #tpu.memory_space<semaphore_mem>>)
    %barrier3A_652 = arith.constant 0 : index
    tpu.barrier barrier_id(%barrier3A_652)
    %eq3A_653 = arith.constant 0 : i32
    %eq3A_654 = arith.cmpi eq, %arg1, %eq3A_653 : i32
    %convert_element_type3A_655 = arith.extui %eq3A_654 : i1 to i32
    %cond3A_656 = arith.constant 0 : i32
    %cond3A_657 = arith.cmpi ne, %convert_element_type3A_655, %cond3A_656 : i32
    scf.if %cond3A_657 {
      %mul3A_793 = arith.constant 8 : i32
      %mul3A_794 = arith.muli %arg0, %mul3A_793 : i32
      %add3A_795 = arith.constant 7 : i32
      %add3A_796 = arith.addi %mul3A_794, %add3A_795 : i32
      %mul3A_797 = arith.constant 8 : i32
      %mul3A_798 = arith.muli %add3A_796, %mul3A_797 : i32
      %add3A_799 = arith.constant 0 : i32
      %add3A_800 = arith.addi %mul3A_798, %add3A_799 : i32
      %dma_start3A_801 = arith.constant 0 : i32
      %dma_start3A_802 = arith.constant 0 : i32
      %dma_start3A_803 = arith.constant 0 : i32
      %dma_start3A_804 = tpu.memref_slice %arg5[%dma_start3A_801, %dma_start3A_802, %dma_start3A_803] : memref<2x4x100096xf32, #tpu.memory_space<vmem_shared>> -> memref<1x4x100096xf32, #tpu.memory_space<vmem_shared>>
      %dma_start3A_805 = tpu.memref_squeeze %dma_start3A_804 : memref<1x4x100096xf32, #tpu.memory_space<vmem_shared>> -> memref<4x100096xf32, #tpu.memory_space<vmem_shared>>
      %dma_start3A_806 = arith.constant 0 : i32
      %dma_start3A_807 = tpu.memref_slice %arg2[%add3A_800, %dma_start3A_806] : memref<128x100096xf32, #tpu.memory_space<hbm>> -> memref<4x100096xf32, #tpu.memory_space<hbm>>
      tpu.enqueue_dma source(%dma_start3A_807 : memref<4x100096xf32, #tpu.memory_space<hbm>>) target(%dma_start3A_805 : memref<4x100096xf32, #tpu.memory_space<vmem_shared>>) target_semaphore(%arg10 : memref<!tpu.dma_semaphore, #tpu.memory_space<semaphore_mem>>)
    } else {
    }
    %eq3A_658 = arith.constant 0 : i32
    %eq3A_659 = arith.cmpi eq, %arg1, %eq3A_658 : i32
    %convert_element_type3A_660 = arith.extui %eq3A_659 : i1 to i32
    %cond3A_661 = arith.constant 0 : i32
    %cond3A_662 = arith.cmpi ne, %convert_element_type3A_660, %cond3A_661 : i32
    scf.if %cond3A_662 {
      %mul3A_793 = arith.constant 8 : i32
      %mul3A_794 = arith.muli %arg0, %mul3A_793 : i32
      %add3A_795 = arith.constant 6 : i32
      %add3A_796 = arith.addi %mul3A_794, %add3A_795 : i32
      %mul3A_797 = arith.constant 8 : i32
      %mul3A_798 = arith.muli %add3A_796, %mul3A_797 : i32
      %add3A_799 = arith.constant 4 : i32
      %add3A_800 = arith.addi %mul3A_798, %add3A_799 : i32
      %dma_wait3A_801 = arith.constant 1 : i32
      %dma_wait3A_802 = arith.constant 0 : i32
      %dma_wait3A_803 = arith.constant 0 : i32
      %dma_wait3A_804 = tpu.memref_slice %arg5[%dma_wait3A_801, %dma_wait3A_802, %dma_wait3A_803] : memref<2x4x100096xf32, #tpu.memory_space<vmem_shared>> -> memref<1x4x100096xf32, #tpu.memory_space<vmem_shared>>
      %dma_wait3A_805 = tpu.memref_squeeze %dma_wait3A_804 : memref<1x4x100096xf32, #tpu.memory_space<vmem_shared>> -> memref<4x100096xf32, #tpu.memory_space<vmem_shared>>
      %dma_wait3A_806 = arith.constant 0 : i32
      %dma_wait3A_807 = tpu.memref_slice %arg2[%add3A_800, %dma_wait3A_806] : memref<128x100096xf32, #tpu.memory_space<hbm>> -> memref<4x100096xf32, #tpu.memory_space<hbm>>
      tpu.wait_dma2 semaphore(%arg11 : memref<!tpu.dma_semaphore, #tpu.memory_space<semaphore_mem>>) src(%dma_wait3A_807 : memref<4x100096xf32, #tpu.memory_space<hbm>>) dst(%dma_wait3A_805 : memref<4x100096xf32, #tpu.memory_space<vmem_shared>>)
    } else {
    }
    %barrier3A_663 = arith.constant 0 : index
    tpu.barrier barrier_id(%barrier3A_663)
    %dma_wait3A_664 = tpu.memref_slice %arg4[%add3A_592, %mul3A_29] : memref<128x16384xf32, #tpu.memory_space<hbm>> -> memref<1x4096xf32, #tpu.memory_space<hbm>>
    %dma_wait3A_665 = tpu.memref_squeeze %dma_wait3A_664 : memref<1x4096xf32, #tpu.memory_space<hbm>> -> memref<4096xf32, #tpu.memory_space<hbm>>
    %dma_wait3A_666 = tpu.memref_slice %arg4[%add3A_592, %mul3A_29] : memref<128x16384xf32, #tpu.memory_space<hbm>> -> memref<1x4096xf32, #tpu.memory_space<hbm>>
    %dma_wait3A_667 = tpu.memref_squeeze %dma_wait3A_666 : memref<1x4096xf32, #tpu.memory_space<hbm>> -> memref<4096xf32, #tpu.memory_space<hbm>>
    tpu.wait_dma2 semaphore(%arg17 : memref<!tpu.dma_semaphore, #tpu.memory_space<semaphore_mem>>) src(%arg9 : memref<4096xf32, #tpu.memory_space<vmem>>) dst(%dma_wait3A_667 : memref<4096xf32, #tpu.memory_space<hbm>>)
    %dma_start3A_668 = arith.constant 1 : i32
    %dma_start3A_669 = arith.constant 0 : i32
    %dma_start3A_670 = tpu.memref_slice %arg5[%dma_start3A_668, %select_n3A_7, %dma_start3A_669] : memref<2x4x100096xf32, #tpu.memory_space<vmem_shared>> -> memref<1x1x100096xf32, #tpu.memory_space<vmem_shared>>
    %dma_start3A_671 = tpu.memref_squeeze %dma_start3A_670 : memref<1x1x100096xf32, #tpu.memory_space<vmem_shared>> -> memref<100096xf32, #tpu.memory_space<vmem_shared>>
    %dma_start3A_672 = arith.constant 0 : i32
    %dma_start3A_673 = tpu.memref_slice %dma_start3A_671[%dma_start3A_672] : memref<100096xf32, #tpu.memory_space<vmem_shared>> -> memref<100096xf32, #tpu.memory_space<vmem_shared>>
    tpu.enqueue_indirect_dma source(%dma_start3A_673 : memref<100096xf32, #tpu.memory_space<vmem_shared>>) target(%arg9 : memref<4096xf32, #tpu.memory_space<vmem>>) offsets(%arg6 : memref<4096xi32, #tpu.memory_space<vmem>>) semaphore(%arg15 : memref<!tpu.dma_semaphore, #tpu.memory_space<semaphore_mem>>)
    %dma_wait3A_674 = arith.constant 1 : i32
    %dma_wait3A_675 = arith.constant 0 : i32
    %dma_wait3A_676 = tpu.memref_slice %arg5[%dma_wait3A_674, %select_n3A_7, %dma_wait3A_675] : memref<2x4x100096xf32, #tpu.memory_space<vmem_shared>> -> memref<1x1x100096xf32, #tpu.memory_space<vmem_shared>>
    %dma_wait3A_677 = tpu.memref_squeeze %dma_wait3A_676 : memref<1x1x100096xf32, #tpu.memory_space<vmem_shared>> -> memref<100096xf32, #tpu.memory_space<vmem_shared>>
    %dma_wait3A_678 = arith.constant 0 : i32
    %dma_wait3A_679 = tpu.memref_slice %dma_wait3A_677[%dma_wait3A_678] : memref<100096xf32, #tpu.memory_space<vmem_shared>> -> memref<100096xf32, #tpu.memory_space<vmem_shared>>
    tpu.wait_indirect_dma semaphore(%arg15 : memref<!tpu.dma_semaphore, #tpu.memory_space<semaphore_mem>>) src(%dma_wait3A_679 : memref<100096xf32, #tpu.memory_space<vmem_shared>>) dst(%arg9 : memref<4096xf32, #tpu.memory_space<vmem>>)
    %mul3A_680 = arith.constant 8 : i32
    %mul3A_681 = arith.muli %arg0, %mul3A_680 : i32
    %add3A_682 = arith.constant 6 : i32
    %add3A_683 = arith.addi %mul3A_681, %add3A_682 : i32
    %mul3A_684 = arith.constant 8 : i32
    %mul3A_685 = arith.muli %add3A_683, %mul3A_684 : i32
    %add3A_686 = arith.constant 4 : i32
    %add3A_687 = arith.addi %mul3A_685, %add3A_686 : i32
    %add3A_688 = arith.addi %add3A_687, %select_n3A_7 : i32
    %dma_start3A_689 = tpu.memref_slice %arg4[%add3A_688, %mul3A_29] : memref<128x16384xf32, #tpu.memory_space<hbm>> -> memref<1x4096xf32, #tpu.memory_space<hbm>>
    %dma_start3A_690 = tpu.memref_squeeze %dma_start3A_689 : memref<1x4096xf32, #tpu.memory_space<hbm>> -> memref<4096xf32, #tpu.memory_space<hbm>>
    %dma_start3A_691 = tpu.memref_slice %arg4[%add3A_688, %mul3A_29] : memref<128x16384xf32, #tpu.memory_space<hbm>> -> memref<1x4096xf32, #tpu.memory_space<hbm>>
    %dma_start3A_692 = tpu.memref_squeeze %dma_start3A_691 : memref<1x4096xf32, #tpu.memory_space<hbm>> -> memref<4096xf32, #tpu.memory_space<hbm>>
    tpu.enqueue_dma source(%arg9 : memref<4096xf32, #tpu.memory_space<vmem>>) target(%dma_start3A_692 : memref<4096xf32, #tpu.memory_space<hbm>>) target_semaphore(%arg17 : memref<!tpu.dma_semaphore, #tpu.memory_space<semaphore_mem>>)
    %mul3A_693 = arith.constant 8 : i32
    %mul3A_694 = arith.muli %arg0, %mul3A_693 : i32
    %add3A_695 = arith.constant 7 : i32
    %add3A_696 = arith.addi %mul3A_694, %add3A_695 : i32
    %add3A_697 = arith.constant 10 : i32
    %add3A_698 = arith.addi %add3A_697, %add3A_696 : i32
    %dma_start3A_699 = tpu.memref_slice %arg3[%add3A_698, %mul3A_29] : memref<26x16384xi32, #tpu.memory_space<hbm>> -> memref<1x4096xi32, #tpu.memory_space<hbm>>
    %dma_start3A_700 = tpu.memref_squeeze %dma_start3A_699 : memref<1x4096xi32, #tpu.memory_space<hbm>> -> memref<4096xi32, #tpu.memory_space<hbm>>
    %dma_start3A_701 = tpu.memref_slice %arg3[%add3A_698, %mul3A_29] : memref<26x16384xi32, #tpu.memory_space<hbm>> -> memref<1x4096xi32, #tpu.memory_space<hbm>>
    %dma_start3A_702 = tpu.memref_squeeze %dma_start3A_701 : memref<1x4096xi32, #tpu.memory_space<hbm>> -> memref<4096xi32, #tpu.memory_space<hbm>>
    tpu.enqueue_dma source(%dma_start3A_702 : memref<4096xi32, #tpu.memory_space<hbm>>) target(%arg7 : memref<4096xi32, #tpu.memory_space<vmem>>) target_semaphore(%arg13 : memref<!tpu.dma_semaphore, #tpu.memory_space<semaphore_mem>>)
    %barrier3A_703 = arith.constant 0 : index
    tpu.barrier barrier_id(%barrier3A_703)
    %eq3A_704 = arith.constant 0 : i32
    %eq3A_705 = arith.cmpi eq, %arg1, %eq3A_704 : i32
    %convert_element_type3A_706 = arith.extui %eq3A_705 : i1 to i32
    %cond3A_707 = arith.constant 0 : i32
    %cond3A_708 = arith.cmpi ne, %convert_element_type3A_706, %cond3A_707 : i32
    scf.if %cond3A_708 {
      %mul3A_793 = arith.constant 8 : i32
      %mul3A_794 = arith.muli %arg0, %mul3A_793 : i32
      %add3A_795 = arith.constant 7 : i32
      %add3A_796 = arith.addi %mul3A_794, %add3A_795 : i32
      %mul3A_797 = arith.constant 8 : i32
      %mul3A_798 = arith.muli %add3A_796, %mul3A_797 : i32
      %add3A_799 = arith.constant 4 : i32
      %add3A_800 = arith.addi %mul3A_798, %add3A_799 : i32
      %dma_start3A_801 = arith.constant 1 : i32
      %dma_start3A_802 = arith.constant 0 : i32
      %dma_start3A_803 = arith.constant 0 : i32
      %dma_start3A_804 = tpu.memref_slice %arg5[%dma_start3A_801, %dma_start3A_802, %dma_start3A_803] : memref<2x4x100096xf32, #tpu.memory_space<vmem_shared>> -> memref<1x4x100096xf32, #tpu.memory_space<vmem_shared>>
      %dma_start3A_805 = tpu.memref_squeeze %dma_start3A_804 : memref<1x4x100096xf32, #tpu.memory_space<vmem_shared>> -> memref<4x100096xf32, #tpu.memory_space<vmem_shared>>
      %dma_start3A_806 = arith.constant 0 : i32
      %dma_start3A_807 = tpu.memref_slice %arg2[%add3A_800, %dma_start3A_806] : memref<128x100096xf32, #tpu.memory_space<hbm>> -> memref<4x100096xf32, #tpu.memory_space<hbm>>
      tpu.enqueue_dma source(%dma_start3A_807 : memref<4x100096xf32, #tpu.memory_space<hbm>>) target(%dma_start3A_805 : memref<4x100096xf32, #tpu.memory_space<vmem_shared>>) target_semaphore(%arg11 : memref<!tpu.dma_semaphore, #tpu.memory_space<semaphore_mem>>)
    } else {
    }
    %eq3A_709 = arith.constant 0 : i32
    %eq3A_710 = arith.cmpi eq, %arg1, %eq3A_709 : i32
    %convert_element_type3A_711 = arith.extui %eq3A_710 : i1 to i32
    %cond3A_712 = arith.constant 0 : i32
    %cond3A_713 = arith.cmpi ne, %convert_element_type3A_711, %cond3A_712 : i32
    scf.if %cond3A_713 {
      %mul3A_793 = arith.constant 8 : i32
      %mul3A_794 = arith.muli %arg0, %mul3A_793 : i32
      %add3A_795 = arith.constant 7 : i32
      %add3A_796 = arith.addi %mul3A_794, %add3A_795 : i32
      %mul3A_797 = arith.constant 8 : i32
      %mul3A_798 = arith.muli %add3A_796, %mul3A_797 : i32
      %add3A_799 = arith.constant 0 : i32
      %add3A_800 = arith.addi %mul3A_798, %add3A_799 : i32
      %dma_wait3A_801 = arith.constant 0 : i32
      %dma_wait3A_802 = arith.constant 0 : i32
      %dma_wait3A_803 = arith.constant 0 : i32
      %dma_wait3A_804 = tpu.memref_slice %arg5[%dma_wait3A_801, %dma_wait3A_802, %dma_wait3A_803] : memref<2x4x100096xf32, #tpu.memory_space<vmem_shared>> -> memref<1x4x100096xf32, #tpu.memory_space<vmem_shared>>
      %dma_wait3A_805 = tpu.memref_squeeze %dma_wait3A_804 : memref<1x4x100096xf32, #tpu.memory_space<vmem_shared>> -> memref<4x100096xf32, #tpu.memory_space<vmem_shared>>
      %dma_wait3A_806 = arith.constant 0 : i32
      %dma_wait3A_807 = tpu.memref_slice %arg2[%add3A_800, %dma_wait3A_806] : memref<128x100096xf32, #tpu.memory_space<hbm>> -> memref<4x100096xf32, #tpu.memory_space<hbm>>
      tpu.wait_dma2 semaphore(%arg10 : memref<!tpu.dma_semaphore, #tpu.memory_space<semaphore_mem>>) src(%dma_wait3A_807 : memref<4x100096xf32, #tpu.memory_space<hbm>>) dst(%dma_wait3A_805 : memref<4x100096xf32, #tpu.memory_space<vmem_shared>>)
    } else {
    }
    %dma_wait3A_714 = tpu.memref_slice %arg3[%add3A_698, %mul3A_29] : memref<26x16384xi32, #tpu.memory_space<hbm>> -> memref<1x4096xi32, #tpu.memory_space<hbm>>
    %dma_wait3A_715 = tpu.memref_squeeze %dma_wait3A_714 : memref<1x4096xi32, #tpu.memory_space<hbm>> -> memref<4096xi32, #tpu.memory_space<hbm>>
    %dma_wait3A_716 = tpu.memref_slice %arg3[%add3A_698, %mul3A_29] : memref<26x16384xi32, #tpu.memory_space<hbm>> -> memref<1x4096xi32, #tpu.memory_space<hbm>>
    %dma_wait3A_717 = tpu.memref_squeeze %dma_wait3A_716 : memref<1x4096xi32, #tpu.memory_space<hbm>> -> memref<4096xi32, #tpu.memory_space<hbm>>
    tpu.wait_dma2 semaphore(%arg13 : memref<!tpu.dma_semaphore, #tpu.memory_space<semaphore_mem>>) src(%dma_wait3A_717 : memref<4096xi32, #tpu.memory_space<hbm>>) dst(%arg7 : memref<4096xi32, #tpu.memory_space<vmem>>)
    %barrier3A_718 = arith.constant 0 : index
    tpu.barrier barrier_id(%barrier3A_718)
    %dma_wait3A_719 = tpu.memref_slice %arg4[%add3A_647, %mul3A_29] : memref<128x16384xf32, #tpu.memory_space<hbm>> -> memref<1x4096xf32, #tpu.memory_space<hbm>>
    %dma_wait3A_720 = tpu.memref_squeeze %dma_wait3A_719 : memref<1x4096xf32, #tpu.memory_space<hbm>> -> memref<4096xf32, #tpu.memory_space<hbm>>
    %dma_wait3A_721 = tpu.memref_slice %arg4[%add3A_647, %mul3A_29] : memref<128x16384xf32, #tpu.memory_space<hbm>> -> memref<1x4096xf32, #tpu.memory_space<hbm>>
    %dma_wait3A_722 = tpu.memref_squeeze %dma_wait3A_721 : memref<1x4096xf32, #tpu.memory_space<hbm>> -> memref<4096xf32, #tpu.memory_space<hbm>>
    tpu.wait_dma2 semaphore(%arg16 : memref<!tpu.dma_semaphore, #tpu.memory_space<semaphore_mem>>) src(%arg8 : memref<4096xf32, #tpu.memory_space<vmem>>) dst(%dma_wait3A_722 : memref<4096xf32, #tpu.memory_space<hbm>>)
    %dma_start3A_723 = arith.constant 0 : i32
    %dma_start3A_724 = arith.constant 0 : i32
    %dma_start3A_725 = tpu.memref_slice %arg5[%dma_start3A_723, %select_n3A_7, %dma_start3A_724] : memref<2x4x100096xf32, #tpu.memory_space<vmem_shared>> -> memref<1x1x100096xf32, #tpu.memory_space<vmem_shared>>
    %dma_start3A_726 = tpu.memref_squeeze %dma_start3A_725 : memref<1x1x100096xf32, #tpu.memory_space<vmem_shared>> -> memref<100096xf32, #tpu.memory_space<vmem_shared>>
    %dma_start3A_727 = arith.constant 0 : i32
    %dma_start3A_728 = tpu.memref_slice %dma_start3A_726[%dma_start3A_727] : memref<100096xf32, #tpu.memory_space<vmem_shared>> -> memref<100096xf32, #tpu.memory_space<vmem_shared>>
    tpu.enqueue_indirect_dma source(%dma_start3A_728 : memref<100096xf32, #tpu.memory_space<vmem_shared>>) target(%arg8 : memref<4096xf32, #tpu.memory_space<vmem>>) offsets(%arg7 : memref<4096xi32, #tpu.memory_space<vmem>>) semaphore(%arg14 : memref<!tpu.dma_semaphore, #tpu.memory_space<semaphore_mem>>)
    %dma_wait3A_729 = arith.constant 0 : i32
    %dma_wait3A_730 = arith.constant 0 : i32
    %dma_wait3A_731 = tpu.memref_slice %arg5[%dma_wait3A_729, %select_n3A_7, %dma_wait3A_730] : memref<2x4x100096xf32, #tpu.memory_space<vmem_shared>> -> memref<1x1x100096xf32, #tpu.memory_space<vmem_shared>>
    %dma_wait3A_732 = tpu.memref_squeeze %dma_wait3A_731 : memref<1x1x100096xf32, #tpu.memory_space<vmem_shared>> -> memref<100096xf32, #tpu.memory_space<vmem_shared>>
    %dma_wait3A_733 = arith.constant 0 : i32
    %dma_wait3A_734 = tpu.memref_slice %dma_wait3A_732[%dma_wait3A_733] : memref<100096xf32, #tpu.memory_space<vmem_shared>> -> memref<100096xf32, #tpu.memory_space<vmem_shared>>
    tpu.wait_indirect_dma semaphore(%arg14 : memref<!tpu.dma_semaphore, #tpu.memory_space<semaphore_mem>>) src(%dma_wait3A_734 : memref<100096xf32, #tpu.memory_space<vmem_shared>>) dst(%arg8 : memref<4096xf32, #tpu.memory_space<vmem>>)
    %mul3A_735 = arith.constant 8 : i32
    %mul3A_736 = arith.muli %arg0, %mul3A_735 : i32
    %add3A_737 = arith.constant 7 : i32
    %add3A_738 = arith.addi %mul3A_736, %add3A_737 : i32
    %mul3A_739 = arith.constant 8 : i32
    %mul3A_740 = arith.muli %add3A_738, %mul3A_739 : i32
    %add3A_741 = arith.constant 0 : i32
    %add3A_742 = arith.addi %mul3A_740, %add3A_741 : i32
    %add3A_743 = arith.addi %add3A_742, %select_n3A_7 : i32
    %dma_start3A_744 = tpu.memref_slice %arg4[%add3A_743, %mul3A_29] : memref<128x16384xf32, #tpu.memory_space<hbm>> -> memref<1x4096xf32, #tpu.memory_space<hbm>>
    %dma_start3A_745 = tpu.memref_squeeze %dma_start3A_744 : memref<1x4096xf32, #tpu.memory_space<hbm>> -> memref<4096xf32, #tpu.memory_space<hbm>>
    %dma_start3A_746 = tpu.memref_slice %arg4[%add3A_743, %mul3A_29] : memref<128x16384xf32, #tpu.memory_space<hbm>> -> memref<1x4096xf32, #tpu.memory_space<hbm>>
    %dma_start3A_747 = tpu.memref_squeeze %dma_start3A_746 : memref<1x4096xf32, #tpu.memory_space<hbm>> -> memref<4096xf32, #tpu.memory_space<hbm>>
    tpu.enqueue_dma source(%arg8 : memref<4096xf32, #tpu.memory_space<vmem>>) target(%dma_start3A_747 : memref<4096xf32, #tpu.memory_space<hbm>>) target_semaphore(%arg16 : memref<!tpu.dma_semaphore, #tpu.memory_space<semaphore_mem>>)
    %barrier3A_748 = arith.constant 0 : index
    tpu.barrier barrier_id(%barrier3A_748)
    %eq3A_749 = arith.constant 0 : i32
    %eq3A_750 = arith.cmpi eq, %arg1, %eq3A_749 : i32
    %convert_element_type3A_751 = arith.extui %eq3A_750 : i1 to i32
    %cond3A_752 = arith.constant 0 : i32
    %cond3A_753 = arith.cmpi ne, %convert_element_type3A_751, %cond3A_752 : i32
    scf.if %cond3A_753 {
      %mul3A_793 = arith.constant 8 : i32
      %mul3A_794 = arith.muli %arg0, %mul3A_793 : i32
      %add3A_795 = arith.constant 7 : i32
      %add3A_796 = arith.addi %mul3A_794, %add3A_795 : i32
      %mul3A_797 = arith.constant 8 : i32
      %mul3A_798 = arith.muli %add3A_796, %mul3A_797 : i32
      %add3A_799 = arith.constant 4 : i32
      %add3A_800 = arith.addi %mul3A_798, %add3A_799 : i32
      %dma_wait3A_801 = arith.constant 1 : i32
      %dma_wait3A_802 = arith.constant 0 : i32
      %dma_wait3A_803 = arith.constant 0 : i32
      %dma_wait3A_804 = tpu.memref_slice %arg5[%dma_wait3A_801, %dma_wait3A_802, %dma_wait3A_803] : memref<2x4x100096xf32, #tpu.memory_space<vmem_shared>> -> memref<1x4x100096xf32, #tpu.memory_space<vmem_shared>>
      %dma_wait3A_805 = tpu.memref_squeeze %dma_wait3A_804 : memref<1x4x100096xf32, #tpu.memory_space<vmem_shared>> -> memref<4x100096xf32, #tpu.memory_space<vmem_shared>>
      %dma_wait3A_806 = arith.constant 0 : i32
      %dma_wait3A_807 = tpu.memref_slice %arg2[%add3A_800, %dma_wait3A_806] : memref<128x100096xf32, #tpu.memory_space<hbm>> -> memref<4x100096xf32, #tpu.memory_space<hbm>>
      tpu.wait_dma2 semaphore(%arg11 : memref<!tpu.dma_semaphore, #tpu.memory_space<semaphore_mem>>) src(%dma_wait3A_807 : memref<4x100096xf32, #tpu.memory_space<hbm>>) dst(%dma_wait3A_805 : memref<4x100096xf32, #tpu.memory_space<vmem_shared>>)
    } else {
    }
    %barrier3A_754 = arith.constant 0 : index
    tpu.barrier barrier_id(%barrier3A_754)
    %dma_wait3A_755 = tpu.memref_slice %arg4[%add3A_688, %mul3A_29] : memref<128x16384xf32, #tpu.memory_space<hbm>> -> memref<1x4096xf32, #tpu.memory_space<hbm>>
    %dma_wait3A_756 = tpu.memref_squeeze %dma_wait3A_755 : memref<1x4096xf32, #tpu.memory_space<hbm>> -> memref<4096xf32, #tpu.memory_space<hbm>>
    %dma_wait3A_757 = tpu.memref_slice %arg4[%add3A_688, %mul3A_29] : memref<128x16384xf32, #tpu.memory_space<hbm>> -> memref<1x4096xf32, #tpu.memory_space<hbm>>
    %dma_wait3A_758 = tpu.memref_squeeze %dma_wait3A_757 : memref<1x4096xf32, #tpu.memory_space<hbm>> -> memref<4096xf32, #tpu.memory_space<hbm>>
    tpu.wait_dma2 semaphore(%arg17 : memref<!tpu.dma_semaphore, #tpu.memory_space<semaphore_mem>>) src(%arg9 : memref<4096xf32, #tpu.memory_space<vmem>>) dst(%dma_wait3A_758 : memref<4096xf32, #tpu.memory_space<hbm>>)
    %dma_start3A_759 = arith.constant 1 : i32
    %dma_start3A_760 = arith.constant 0 : i32
    %dma_start3A_761 = tpu.memref_slice %arg5[%dma_start3A_759, %select_n3A_7, %dma_start3A_760] : memref<2x4x100096xf32, #tpu.memory_space<vmem_shared>> -> memref<1x1x100096xf32, #tpu.memory_space<vmem_shared>>
    %dma_start3A_762 = tpu.memref_squeeze %dma_start3A_761 : memref<1x1x100096xf32, #tpu.memory_space<vmem_shared>> -> memref<100096xf32, #tpu.memory_space<vmem_shared>>
    %dma_start3A_763 = arith.constant 0 : i32
    %dma_start3A_764 = tpu.memref_slice %dma_start3A_762[%dma_start3A_763] : memref<100096xf32, #tpu.memory_space<vmem_shared>> -> memref<100096xf32, #tpu.memory_space<vmem_shared>>
    tpu.enqueue_indirect_dma source(%dma_start3A_764 : memref<100096xf32, #tpu.memory_space<vmem_shared>>) target(%arg9 : memref<4096xf32, #tpu.memory_space<vmem>>) offsets(%arg7 : memref<4096xi32, #tpu.memory_space<vmem>>) semaphore(%arg15 : memref<!tpu.dma_semaphore, #tpu.memory_space<semaphore_mem>>)
    %dma_wait3A_765 = arith.constant 1 : i32
    %dma_wait3A_766 = arith.constant 0 : i32
    %dma_wait3A_767 = tpu.memref_slice %arg5[%dma_wait3A_765, %select_n3A_7, %dma_wait3A_766] : memref<2x4x100096xf32, #tpu.memory_space<vmem_shared>> -> memref<1x1x100096xf32, #tpu.memory_space<vmem_shared>>
    %dma_wait3A_768 = tpu.memref_squeeze %dma_wait3A_767 : memref<1x1x100096xf32, #tpu.memory_space<vmem_shared>> -> memref<100096xf32, #tpu.memory_space<vmem_shared>>
    %dma_wait3A_769 = arith.constant 0 : i32
    %dma_wait3A_770 = tpu.memref_slice %dma_wait3A_768[%dma_wait3A_769] : memref<100096xf32, #tpu.memory_space<vmem_shared>> -> memref<100096xf32, #tpu.memory_space<vmem_shared>>
    tpu.wait_indirect_dma semaphore(%arg15 : memref<!tpu.dma_semaphore, #tpu.memory_space<semaphore_mem>>) src(%dma_wait3A_770 : memref<100096xf32, #tpu.memory_space<vmem_shared>>) dst(%arg9 : memref<4096xf32, #tpu.memory_space<vmem>>)
    %mul3A_771 = arith.constant 8 : i32
    %mul3A_772 = arith.muli %arg0, %mul3A_771 : i32
    %add3A_773 = arith.constant 7 : i32
    %add3A_774 = arith.addi %mul3A_772, %add3A_773 : i32
    %mul3A_775 = arith.constant 8 : i32
    %mul3A_776 = arith.muli %add3A_774, %mul3A_775 : i32
    %add3A_777 = arith.constant 4 : i32
    %add3A_778 = arith.addi %mul3A_776, %add3A_777 : i32
    %add3A_779 = arith.addi %add3A_778, %select_n3A_7 : i32
    %dma_start3A_780 = tpu.memref_slice %arg4[%add3A_779, %mul3A_29] : memref<128x16384xf32, #tpu.memory_space<hbm>> -> memref<1x4096xf32, #tpu.memory_space<hbm>>
    %dma_start3A_781 = tpu.memref_squeeze %dma_start3A_780 : memref<1x4096xf32, #tpu.memory_space<hbm>> -> memref<4096xf32, #tpu.memory_space<hbm>>
    %dma_start3A_782 = tpu.memref_slice %arg4[%add3A_779, %mul3A_29] : memref<128x16384xf32, #tpu.memory_space<hbm>> -> memref<1x4096xf32, #tpu.memory_space<hbm>>
    %dma_start3A_783 = tpu.memref_squeeze %dma_start3A_782 : memref<1x4096xf32, #tpu.memory_space<hbm>> -> memref<4096xf32, #tpu.memory_space<hbm>>
    tpu.enqueue_dma source(%arg9 : memref<4096xf32, #tpu.memory_space<vmem>>) target(%dma_start3A_783 : memref<4096xf32, #tpu.memory_space<hbm>>) target_semaphore(%arg17 : memref<!tpu.dma_semaphore, #tpu.memory_space<semaphore_mem>>)
    %barrier3A_784 = arith.constant 0 : index
    tpu.barrier barrier_id(%barrier3A_784)
    %dma_wait3A_785 = tpu.memref_slice %arg4[%add3A_743, %mul3A_29] : memref<128x16384xf32, #tpu.memory_space<hbm>> -> memref<1x4096xf32, #tpu.memory_space<hbm>>
    %dma_wait3A_786 = tpu.memref_squeeze %dma_wait3A_785 : memref<1x4096xf32, #tpu.memory_space<hbm>> -> memref<4096xf32, #tpu.memory_space<hbm>>
    %dma_wait3A_787 = tpu.memref_slice %arg4[%add3A_743, %mul3A_29] : memref<128x16384xf32, #tpu.memory_space<hbm>> -> memref<1x4096xf32, #tpu.memory_space<hbm>>
    %dma_wait3A_788 = tpu.memref_squeeze %dma_wait3A_787 : memref<1x4096xf32, #tpu.memory_space<hbm>> -> memref<4096xf32, #tpu.memory_space<hbm>>
    tpu.wait_dma2 semaphore(%arg16 : memref<!tpu.dma_semaphore, #tpu.memory_space<semaphore_mem>>) src(%arg8 : memref<4096xf32, #tpu.memory_space<vmem>>) dst(%dma_wait3A_788 : memref<4096xf32, #tpu.memory_space<hbm>>)
    %dma_wait3A_789 = tpu.memref_slice %arg4[%add3A_779, %mul3A_29] : memref<128x16384xf32, #tpu.memory_space<hbm>> -> memref<1x4096xf32, #tpu.memory_space<hbm>>
    %dma_wait3A_790 = tpu.memref_squeeze %dma_wait3A_789 : memref<1x4096xf32, #tpu.memory_space<hbm>> -> memref<4096xf32, #tpu.memory_space<hbm>>
    %dma_wait3A_791 = tpu.memref_slice %arg4[%add3A_779, %mul3A_29] : memref<128x16384xf32, #tpu.memory_space<hbm>> -> memref<1x4096xf32, #tpu.memory_space<hbm>>
    %dma_wait3A_792 = tpu.memref_squeeze %dma_wait3A_791 : memref<1x4096xf32, #tpu.memory_space<hbm>> -> memref<4096xf32, #tpu.memory_space<hbm>>
    tpu.wait_dma2 semaphore(%arg17 : memref<!tpu.dma_semaphore, #tpu.memory_space<semaphore_mem>>) src(%arg9 : memref<4096xf32, #tpu.memory_space<vmem>>) dst(%dma_wait3A_792 : memref<4096xf32, #tpu.memory_space<hbm>>)
    return
  }
}

#map = affine_map<(d0, d1) -> (0, 0)>
module attributes {stable_mosaic.version = 14 : i64} {
  func.func @gather_kernel(%arg0: i32, %arg1: i32, %arg2: memref<16x100096xf32, #tpu.memory_space<hbm>>, %arg3: memref<26x16384xi32, #tpu.memory_space<hbm>>, %arg4: memref<16x16384xf32, #tpu.memory_space<hbm>>, %arg5: memref<2x4x100096xf32, #tpu.memory_space<vmem_shared>>, %arg6: memref<4096xi32, #tpu.memory_space<vmem>>, %arg7: memref<4096xi32, #tpu.memory_space<vmem>>, %arg8: memref<4096xf32, #tpu.memory_space<vmem>>, %arg9: memref<4096xf32, #tpu.memory_space<vmem>>, %arg10: memref<!tpu.dma_semaphore, #tpu.memory_space<semaphore_mem>>, %arg11: memref<!tpu.dma_semaphore, #tpu.memory_space<semaphore_mem>>, %arg12: memref<!tpu.dma_semaphore, #tpu.memory_space<semaphore_mem>>, %arg13: memref<!tpu.dma_semaphore, #tpu.memory_space<semaphore_mem>>, %arg14: memref<!tpu.dma_semaphore, #tpu.memory_space<semaphore_mem>>, %arg15: memref<!tpu.dma_semaphore, #tpu.memory_space<semaphore_mem>>, %arg16: memref<!tpu.dma_semaphore, #tpu.memory_space<semaphore_mem>>, %arg17: memref<!tpu.dma_semaphore, #tpu.memory_space<semaphore_mem>>) attributes {dimension_semantics = [#tpu.dimension_semantics<core_parallel>, #tpu.dimension_semantics<subcore_parallel>], iteration_bounds = array<i64: 2, 16>, scalar_prefetch = 0 : i64, scratch_operands = 13 : i64, tpu.core_type = #tpu.core_type<sc_vector_subcore>, window_params = [{transform_indices = #map}, {transform_indices = #map}, {transform_indices = #map}]} {
    %jit3A = arith.constant 4 : i32
    %eq3A = arith.constant 0 : i32
    %eq3A_0 = arith.cmpi eq, %jit3A, %eq3A : i32
    %jit3A_1 = arith.constant 1 : i32
    %select_n3A = arith.select %eq3A_0, %jit3A_1, %jit3A : i32
    %rem3A = arith.remsi %arg1, %select_n3A : i32
    %ne3A = arith.constant 0 : i32
    %ne3A_2 = arith.cmpi ne, %rem3A, %ne3A : i32
    %lt3A = arith.constant 0 : i32
    %lt3A_3 = arith.cmpi slt, %rem3A, %lt3A : i32
    %lt3A_4 = arith.constant 0 : i32
    %lt3A_5 = arith.cmpi slt, %select_n3A, %lt3A_4 : i32
    %ne3A_6 = arith.xori %lt3A_3, %lt3A_5 : i1
    %and3A = arith.andi %ne3A_6, %ne3A_2 : i1
    %add3A = arith.addi %rem3A, %select_n3A : i32
    %select_n3A_7 = arith.select %and3A, %add3A, %rem3A : i32
    %jit3A_8 = arith.constant 4 : i32
    %div3A = arith.divsi %arg1, %jit3A_8 : i32
    %sign3A = arith.constant 0 : i32
    %sign3A_9 = arith.cmpi sgt, %arg1, %sign3A : i32
    %sign3A_10 = arith.extui %sign3A_9 : i1 to i32
    %sign3A_11 = arith.constant 0 : i32
    %sign3A_12 = arith.cmpi slt, %arg1, %sign3A_11 : i32
    %sign3A_13 = arith.extui %sign3A_12 : i1 to i32
    %sign3A_14 = arith.subi %sign3A_10, %sign3A_13 : i32
    %sign3A_15 = arith.constant 0 : i32
    %sign3A_16 = arith.cmpi sgt, %jit3A_8, %sign3A_15 : i32
    %sign3A_17 = arith.extui %sign3A_16 : i1 to i32
    %sign3A_18 = arith.constant 0 : i32
    %sign3A_19 = arith.cmpi slt, %jit3A_8, %sign3A_18 : i32
    %sign3A_20 = arith.extui %sign3A_19 : i1 to i32
    %sign3A_21 = arith.subi %sign3A_17, %sign3A_20 : i32
    %ne3A_22 = arith.cmpi ne, %sign3A_14, %sign3A_21 : i32
    %rem3A_23 = arith.remsi %arg1, %jit3A_8 : i32
    %ne3A_24 = arith.constant 0 : i32
    %ne3A_25 = arith.cmpi ne, %rem3A_23, %ne3A_24 : i32
    %and3A_26 = arith.andi %ne3A_22, %ne3A_25 : i1
    %sub3A = arith.constant 1 : i32
    %sub3A_27 = arith.subi %div3A, %sub3A : i32
    %select_n3A_28 = arith.select %and3A_26, %sub3A_27, %div3A : i32
    %mul3A = arith.constant 4096 : i32
    %mul3A_29 = arith.muli %select_n3A_28, %mul3A : i32
    %eq3A_30 = arith.constant 0 : i32
    %eq3A_31 = arith.cmpi eq, %arg1, %eq3A_30 : i32
    %convert_element_type3A = arith.extui %eq3A_31 : i1 to i32
    %cond3A = arith.constant 0 : i32
    %cond3A_32 = arith.cmpi ne, %convert_element_type3A, %cond3A : i32
    scf.if %cond3A_32 {
      %mul3A_121 = arith.constant 1 : i32
      %mul3A_122 = arith.muli %arg0, %mul3A_121 : i32
      %add3A_123 = arith.constant 0 : i32
      %add3A_124 = arith.addi %mul3A_122, %add3A_123 : i32
      %mul3A_125 = arith.constant 8 : i32
      %mul3A_126 = arith.muli %add3A_124, %mul3A_125 : i32
      %add3A_127 = arith.constant 0 : i32
      %add3A_128 = arith.addi %mul3A_126, %add3A_127 : i32
      %dma_start3A_129 = arith.constant 0 : i32
      %dma_start3A_130 = arith.constant 0 : i32
      %dma_start3A_131 = arith.constant 0 : i32
      %dma_start3A_132 = tpu.memref_slice %arg5[%dma_start3A_129, %dma_start3A_130, %dma_start3A_131] : memref<2x4x100096xf32, #tpu.memory_space<vmem_shared>> -> memref<1x4x100096xf32, #tpu.memory_space<vmem_shared>>
      %dma_start3A_133 = tpu.memref_squeeze %dma_start3A_132 : memref<1x4x100096xf32, #tpu.memory_space<vmem_shared>> -> memref<4x100096xf32, #tpu.memory_space<vmem_shared>>
      %dma_start3A_134 = arith.constant 0 : i32
      %dma_start3A_135 = tpu.memref_slice %arg2[%add3A_128, %dma_start3A_134] : memref<16x100096xf32, #tpu.memory_space<hbm>> -> memref<4x100096xf32, #tpu.memory_space<hbm>>
      tpu.enqueue_dma source(%dma_start3A_135 : memref<4x100096xf32, #tpu.memory_space<hbm>>) target(%dma_start3A_133 : memref<4x100096xf32, #tpu.memory_space<vmem_shared>>) target_semaphore(%arg10 : memref<!tpu.dma_semaphore, #tpu.memory_space<semaphore_mem>>)
    } else {
    }
    %mul3A_33 = arith.constant 1 : i32
    %mul3A_34 = arith.muli %arg0, %mul3A_33 : i32
    %add3A_35 = arith.constant 0 : i32
    %add3A_36 = arith.addi %mul3A_34, %add3A_35 : i32
    %add3A_37 = arith.constant 0 : i32
    %add3A_38 = arith.addi %add3A_37, %add3A_36 : i32
    %dma_start3A = tpu.memref_slice %arg3[%add3A_38, %mul3A_29] : memref<26x16384xi32, #tpu.memory_space<hbm>> -> memref<1x4096xi32, #tpu.memory_space<hbm>>
    %dma_start3A_39 = tpu.memref_squeeze %dma_start3A : memref<1x4096xi32, #tpu.memory_space<hbm>> -> memref<4096xi32, #tpu.memory_space<hbm>>
    %dma_start3A_40 = tpu.memref_slice %arg3[%add3A_38, %mul3A_29] : memref<26x16384xi32, #tpu.memory_space<hbm>> -> memref<1x4096xi32, #tpu.memory_space<hbm>>
    %dma_start3A_41 = tpu.memref_squeeze %dma_start3A_40 : memref<1x4096xi32, #tpu.memory_space<hbm>> -> memref<4096xi32, #tpu.memory_space<hbm>>
    tpu.enqueue_dma source(%dma_start3A_41 : memref<4096xi32, #tpu.memory_space<hbm>>) target(%arg6 : memref<4096xi32, #tpu.memory_space<vmem>>) target_semaphore(%arg12 : memref<!tpu.dma_semaphore, #tpu.memory_space<semaphore_mem>>)
    %eq3A_42 = arith.constant 0 : i32
    %eq3A_43 = arith.cmpi eq, %arg1, %eq3A_42 : i32
    %convert_element_type3A_44 = arith.extui %eq3A_43 : i1 to i32
    %cond3A_45 = arith.constant 0 : i32
    %cond3A_46 = arith.cmpi ne, %convert_element_type3A_44, %cond3A_45 : i32
    scf.if %cond3A_46 {
      %mul3A_121 = arith.constant 1 : i32
      %mul3A_122 = arith.muli %arg0, %mul3A_121 : i32
      %add3A_123 = arith.constant 0 : i32
      %add3A_124 = arith.addi %mul3A_122, %add3A_123 : i32
      %mul3A_125 = arith.constant 8 : i32
      %mul3A_126 = arith.muli %add3A_124, %mul3A_125 : i32
      %add3A_127 = arith.constant 4 : i32
      %add3A_128 = arith.addi %mul3A_126, %add3A_127 : i32
      %dma_start3A_129 = arith.constant 1 : i32
      %dma_start3A_130 = arith.constant 0 : i32
      %dma_start3A_131 = arith.constant 0 : i32
      %dma_start3A_132 = tpu.memref_slice %arg5[%dma_start3A_129, %dma_start3A_130, %dma_start3A_131] : memref<2x4x100096xf32, #tpu.memory_space<vmem_shared>> -> memref<1x4x100096xf32, #tpu.memory_space<vmem_shared>>
      %dma_start3A_133 = tpu.memref_squeeze %dma_start3A_132 : memref<1x4x100096xf32, #tpu.memory_space<vmem_shared>> -> memref<4x100096xf32, #tpu.memory_space<vmem_shared>>
      %dma_start3A_134 = arith.constant 0 : i32
      %dma_start3A_135 = tpu.memref_slice %arg2[%add3A_128, %dma_start3A_134] : memref<16x100096xf32, #tpu.memory_space<hbm>> -> memref<4x100096xf32, #tpu.memory_space<hbm>>
      tpu.enqueue_dma source(%dma_start3A_135 : memref<4x100096xf32, #tpu.memory_space<hbm>>) target(%dma_start3A_133 : memref<4x100096xf32, #tpu.memory_space<vmem_shared>>) target_semaphore(%arg11 : memref<!tpu.dma_semaphore, #tpu.memory_space<semaphore_mem>>)
    } else {
    }
    %eq3A_47 = arith.constant 0 : i32
    %eq3A_48 = arith.cmpi eq, %arg1, %eq3A_47 : i32
    %convert_element_type3A_49 = arith.extui %eq3A_48 : i1 to i32
    %cond3A_50 = arith.constant 0 : i32
    %cond3A_51 = arith.cmpi ne, %convert_element_type3A_49, %cond3A_50 : i32
    scf.if %cond3A_51 {
      %mul3A_121 = arith.constant 1 : i32
      %mul3A_122 = arith.muli %arg0, %mul3A_121 : i32
      %add3A_123 = arith.constant 0 : i32
      %add3A_124 = arith.addi %mul3A_122, %add3A_123 : i32
      %mul3A_125 = arith.constant 8 : i32
      %mul3A_126 = arith.muli %add3A_124, %mul3A_125 : i32
      %add3A_127 = arith.constant 0 : i32
      %add3A_128 = arith.addi %mul3A_126, %add3A_127 : i32
      %dma_wait3A_129 = arith.constant 0 : i32
      %dma_wait3A_130 = arith.constant 0 : i32
      %dma_wait3A_131 = arith.constant 0 : i32
      %dma_wait3A_132 = tpu.memref_slice %arg5[%dma_wait3A_129, %dma_wait3A_130, %dma_wait3A_131] : memref<2x4x100096xf32, #tpu.memory_space<vmem_shared>> -> memref<1x4x100096xf32, #tpu.memory_space<vmem_shared>>
      %dma_wait3A_133 = tpu.memref_squeeze %dma_wait3A_132 : memref<1x4x100096xf32, #tpu.memory_space<vmem_shared>> -> memref<4x100096xf32, #tpu.memory_space<vmem_shared>>
      %dma_wait3A_134 = arith.constant 0 : i32
      %dma_wait3A_135 = tpu.memref_slice %arg2[%add3A_128, %dma_wait3A_134] : memref<16x100096xf32, #tpu.memory_space<hbm>> -> memref<4x100096xf32, #tpu.memory_space<hbm>>
      tpu.wait_dma2 semaphore(%arg10 : memref<!tpu.dma_semaphore, #tpu.memory_space<semaphore_mem>>) src(%dma_wait3A_135 : memref<4x100096xf32, #tpu.memory_space<hbm>>) dst(%dma_wait3A_133 : memref<4x100096xf32, #tpu.memory_space<vmem_shared>>)
    } else {
    }
    %dma_wait3A = tpu.memref_slice %arg3[%add3A_38, %mul3A_29] : memref<26x16384xi32, #tpu.memory_space<hbm>> -> memref<1x4096xi32, #tpu.memory_space<hbm>>
    %dma_wait3A_52 = tpu.memref_squeeze %dma_wait3A : memref<1x4096xi32, #tpu.memory_space<hbm>> -> memref<4096xi32, #tpu.memory_space<hbm>>
    %dma_wait3A_53 = tpu.memref_slice %arg3[%add3A_38, %mul3A_29] : memref<26x16384xi32, #tpu.memory_space<hbm>> -> memref<1x4096xi32, #tpu.memory_space<hbm>>
    %dma_wait3A_54 = tpu.memref_squeeze %dma_wait3A_53 : memref<1x4096xi32, #tpu.memory_space<hbm>> -> memref<4096xi32, #tpu.memory_space<hbm>>
    tpu.wait_dma2 semaphore(%arg12 : memref<!tpu.dma_semaphore, #tpu.memory_space<semaphore_mem>>) src(%dma_wait3A_54 : memref<4096xi32, #tpu.memory_space<hbm>>) dst(%arg6 : memref<4096xi32, #tpu.memory_space<vmem>>)
    %barrier3A = arith.constant 0 : index
    tpu.barrier barrier_id(%barrier3A)
    %dma_start3A_55 = arith.constant 0 : i32
    %dma_start3A_56 = arith.constant 0 : i32
    %dma_start3A_57 = tpu.memref_slice %arg5[%dma_start3A_55, %select_n3A_7, %dma_start3A_56] : memref<2x4x100096xf32, #tpu.memory_space<vmem_shared>> -> memref<1x1x100096xf32, #tpu.memory_space<vmem_shared>>
    %dma_start3A_58 = tpu.memref_squeeze %dma_start3A_57 : memref<1x1x100096xf32, #tpu.memory_space<vmem_shared>> -> memref<100096xf32, #tpu.memory_space<vmem_shared>>
    %dma_start3A_59 = arith.constant 0 : i32
    %dma_start3A_60 = tpu.memref_slice %dma_start3A_58[%dma_start3A_59] : memref<100096xf32, #tpu.memory_space<vmem_shared>> -> memref<100096xf32, #tpu.memory_space<vmem_shared>>
    tpu.enqueue_indirect_dma source(%dma_start3A_60 : memref<100096xf32, #tpu.memory_space<vmem_shared>>) target(%arg8 : memref<4096xf32, #tpu.memory_space<vmem>>) offsets(%arg6 : memref<4096xi32, #tpu.memory_space<vmem>>) semaphore(%arg14 : memref<!tpu.dma_semaphore, #tpu.memory_space<semaphore_mem>>)
    %dma_wait3A_61 = arith.constant 0 : i32
    %dma_wait3A_62 = arith.constant 0 : i32
    %dma_wait3A_63 = tpu.memref_slice %arg5[%dma_wait3A_61, %select_n3A_7, %dma_wait3A_62] : memref<2x4x100096xf32, #tpu.memory_space<vmem_shared>> -> memref<1x1x100096xf32, #tpu.memory_space<vmem_shared>>
    %dma_wait3A_64 = tpu.memref_squeeze %dma_wait3A_63 : memref<1x1x100096xf32, #tpu.memory_space<vmem_shared>> -> memref<100096xf32, #tpu.memory_space<vmem_shared>>
    %dma_wait3A_65 = arith.constant 0 : i32
    %dma_wait3A_66 = tpu.memref_slice %dma_wait3A_64[%dma_wait3A_65] : memref<100096xf32, #tpu.memory_space<vmem_shared>> -> memref<100096xf32, #tpu.memory_space<vmem_shared>>
    tpu.wait_indirect_dma semaphore(%arg14 : memref<!tpu.dma_semaphore, #tpu.memory_space<semaphore_mem>>) src(%dma_wait3A_66 : memref<100096xf32, #tpu.memory_space<vmem_shared>>) dst(%arg8 : memref<4096xf32, #tpu.memory_space<vmem>>)
    %mul3A_67 = arith.constant 1 : i32
    %mul3A_68 = arith.muli %arg0, %mul3A_67 : i32
    %add3A_69 = arith.constant 0 : i32
    %add3A_70 = arith.addi %mul3A_68, %add3A_69 : i32
    %mul3A_71 = arith.constant 8 : i32
    %mul3A_72 = arith.muli %add3A_70, %mul3A_71 : i32
    %add3A_73 = arith.constant 0 : i32
    %add3A_74 = arith.addi %mul3A_72, %add3A_73 : i32
    %add3A_75 = arith.addi %add3A_74, %select_n3A_7 : i32
    %dma_start3A_76 = tpu.memref_slice %arg4[%add3A_75, %mul3A_29] : memref<16x16384xf32, #tpu.memory_space<hbm>> -> memref<1x4096xf32, #tpu.memory_space<hbm>>
    %dma_start3A_77 = tpu.memref_squeeze %dma_start3A_76 : memref<1x4096xf32, #tpu.memory_space<hbm>> -> memref<4096xf32, #tpu.memory_space<hbm>>
    %dma_start3A_78 = tpu.memref_slice %arg4[%add3A_75, %mul3A_29] : memref<16x16384xf32, #tpu.memory_space<hbm>> -> memref<1x4096xf32, #tpu.memory_space<hbm>>
    %dma_start3A_79 = tpu.memref_squeeze %dma_start3A_78 : memref<1x4096xf32, #tpu.memory_space<hbm>> -> memref<4096xf32, #tpu.memory_space<hbm>>
    tpu.enqueue_dma source(%arg8 : memref<4096xf32, #tpu.memory_space<vmem>>) target(%dma_start3A_79 : memref<4096xf32, #tpu.memory_space<hbm>>) target_semaphore(%arg16 : memref<!tpu.dma_semaphore, #tpu.memory_space<semaphore_mem>>)
    %barrier3A_80 = arith.constant 0 : index
    tpu.barrier barrier_id(%barrier3A_80)
    %eq3A_81 = arith.constant 0 : i32
    %eq3A_82 = arith.cmpi eq, %arg1, %eq3A_81 : i32
    %convert_element_type3A_83 = arith.extui %eq3A_82 : i1 to i32
    %cond3A_84 = arith.constant 0 : i32
    %cond3A_85 = arith.cmpi ne, %convert_element_type3A_83, %cond3A_84 : i32
    scf.if %cond3A_85 {
      %mul3A_121 = arith.constant 1 : i32
      %mul3A_122 = arith.muli %arg0, %mul3A_121 : i32
      %add3A_123 = arith.constant 0 : i32
      %add3A_124 = arith.addi %mul3A_122, %add3A_123 : i32
      %mul3A_125 = arith.constant 8 : i32
      %mul3A_126 = arith.muli %add3A_124, %mul3A_125 : i32
      %add3A_127 = arith.constant 4 : i32
      %add3A_128 = arith.addi %mul3A_126, %add3A_127 : i32
      %dma_wait3A_129 = arith.constant 1 : i32
      %dma_wait3A_130 = arith.constant 0 : i32
      %dma_wait3A_131 = arith.constant 0 : i32
      %dma_wait3A_132 = tpu.memref_slice %arg5[%dma_wait3A_129, %dma_wait3A_130, %dma_wait3A_131] : memref<2x4x100096xf32, #tpu.memory_space<vmem_shared>> -> memref<1x4x100096xf32, #tpu.memory_space<vmem_shared>>
      %dma_wait3A_133 = tpu.memref_squeeze %dma_wait3A_132 : memref<1x4x100096xf32, #tpu.memory_space<vmem_shared>> -> memref<4x100096xf32, #tpu.memory_space<vmem_shared>>
      %dma_wait3A_134 = arith.constant 0 : i32
      %dma_wait3A_135 = tpu.memref_slice %arg2[%add3A_128, %dma_wait3A_134] : memref<16x100096xf32, #tpu.memory_space<hbm>> -> memref<4x100096xf32, #tpu.memory_space<hbm>>
      tpu.wait_dma2 semaphore(%arg11 : memref<!tpu.dma_semaphore, #tpu.memory_space<semaphore_mem>>) src(%dma_wait3A_135 : memref<4x100096xf32, #tpu.memory_space<hbm>>) dst(%dma_wait3A_133 : memref<4x100096xf32, #tpu.memory_space<vmem_shared>>)
    } else {
    }
    %barrier3A_86 = arith.constant 0 : index
    tpu.barrier barrier_id(%barrier3A_86)
    %dma_start3A_87 = arith.constant 1 : i32
    %dma_start3A_88 = arith.constant 0 : i32
    %dma_start3A_89 = tpu.memref_slice %arg5[%dma_start3A_87, %select_n3A_7, %dma_start3A_88] : memref<2x4x100096xf32, #tpu.memory_space<vmem_shared>> -> memref<1x1x100096xf32, #tpu.memory_space<vmem_shared>>
    %dma_start3A_90 = tpu.memref_squeeze %dma_start3A_89 : memref<1x1x100096xf32, #tpu.memory_space<vmem_shared>> -> memref<100096xf32, #tpu.memory_space<vmem_shared>>
    %dma_start3A_91 = arith.constant 0 : i32
    %dma_start3A_92 = tpu.memref_slice %dma_start3A_90[%dma_start3A_91] : memref<100096xf32, #tpu.memory_space<vmem_shared>> -> memref<100096xf32, #tpu.memory_space<vmem_shared>>
    tpu.enqueue_indirect_dma source(%dma_start3A_92 : memref<100096xf32, #tpu.memory_space<vmem_shared>>) target(%arg9 : memref<4096xf32, #tpu.memory_space<vmem>>) offsets(%arg6 : memref<4096xi32, #tpu.memory_space<vmem>>) semaphore(%arg15 : memref<!tpu.dma_semaphore, #tpu.memory_space<semaphore_mem>>)
    %dma_wait3A_93 = arith.constant 1 : i32
    %dma_wait3A_94 = arith.constant 0 : i32
    %dma_wait3A_95 = tpu.memref_slice %arg5[%dma_wait3A_93, %select_n3A_7, %dma_wait3A_94] : memref<2x4x100096xf32, #tpu.memory_space<vmem_shared>> -> memref<1x1x100096xf32, #tpu.memory_space<vmem_shared>>
    %dma_wait3A_96 = tpu.memref_squeeze %dma_wait3A_95 : memref<1x1x100096xf32, #tpu.memory_space<vmem_shared>> -> memref<100096xf32, #tpu.memory_space<vmem_shared>>
    %dma_wait3A_97 = arith.constant 0 : i32
    %dma_wait3A_98 = tpu.memref_slice %dma_wait3A_96[%dma_wait3A_97] : memref<100096xf32, #tpu.memory_space<vmem_shared>> -> memref<100096xf32, #tpu.memory_space<vmem_shared>>
    tpu.wait_indirect_dma semaphore(%arg15 : memref<!tpu.dma_semaphore, #tpu.memory_space<semaphore_mem>>) src(%dma_wait3A_98 : memref<100096xf32, #tpu.memory_space<vmem_shared>>) dst(%arg9 : memref<4096xf32, #tpu.memory_space<vmem>>)
    %mul3A_99 = arith.constant 1 : i32
    %mul3A_100 = arith.muli %arg0, %mul3A_99 : i32
    %add3A_101 = arith.constant 0 : i32
    %add3A_102 = arith.addi %mul3A_100, %add3A_101 : i32
    %mul3A_103 = arith.constant 8 : i32
    %mul3A_104 = arith.muli %add3A_102, %mul3A_103 : i32
    %add3A_105 = arith.constant 4 : i32
    %add3A_106 = arith.addi %mul3A_104, %add3A_105 : i32
    %add3A_107 = arith.addi %add3A_106, %select_n3A_7 : i32
    %dma_start3A_108 = tpu.memref_slice %arg4[%add3A_107, %mul3A_29] : memref<16x16384xf32, #tpu.memory_space<hbm>> -> memref<1x4096xf32, #tpu.memory_space<hbm>>
    %dma_start3A_109 = tpu.memref_squeeze %dma_start3A_108 : memref<1x4096xf32, #tpu.memory_space<hbm>> -> memref<4096xf32, #tpu.memory_space<hbm>>
    %dma_start3A_110 = tpu.memref_slice %arg4[%add3A_107, %mul3A_29] : memref<16x16384xf32, #tpu.memory_space<hbm>> -> memref<1x4096xf32, #tpu.memory_space<hbm>>
    %dma_start3A_111 = tpu.memref_squeeze %dma_start3A_110 : memref<1x4096xf32, #tpu.memory_space<hbm>> -> memref<4096xf32, #tpu.memory_space<hbm>>
    tpu.enqueue_dma source(%arg9 : memref<4096xf32, #tpu.memory_space<vmem>>) target(%dma_start3A_111 : memref<4096xf32, #tpu.memory_space<hbm>>) target_semaphore(%arg17 : memref<!tpu.dma_semaphore, #tpu.memory_space<semaphore_mem>>)
    %barrier3A_112 = arith.constant 0 : index
    tpu.barrier barrier_id(%barrier3A_112)
    %dma_wait3A_113 = tpu.memref_slice %arg4[%add3A_75, %mul3A_29] : memref<16x16384xf32, #tpu.memory_space<hbm>> -> memref<1x4096xf32, #tpu.memory_space<hbm>>
    %dma_wait3A_114 = tpu.memref_squeeze %dma_wait3A_113 : memref<1x4096xf32, #tpu.memory_space<hbm>> -> memref<4096xf32, #tpu.memory_space<hbm>>
    %dma_wait3A_115 = tpu.memref_slice %arg4[%add3A_75, %mul3A_29] : memref<16x16384xf32, #tpu.memory_space<hbm>> -> memref<1x4096xf32, #tpu.memory_space<hbm>>
    %dma_wait3A_116 = tpu.memref_squeeze %dma_wait3A_115 : memref<1x4096xf32, #tpu.memory_space<hbm>> -> memref<4096xf32, #tpu.memory_space<hbm>>
    tpu.wait_dma2 semaphore(%arg16 : memref<!tpu.dma_semaphore, #tpu.memory_space<semaphore_mem>>) src(%arg8 : memref<4096xf32, #tpu.memory_space<vmem>>) dst(%dma_wait3A_116 : memref<4096xf32, #tpu.memory_space<hbm>>)
    %dma_wait3A_117 = tpu.memref_slice %arg4[%add3A_107, %mul3A_29] : memref<16x16384xf32, #tpu.memory_space<hbm>> -> memref<1x4096xf32, #tpu.memory_space<hbm>>
    %dma_wait3A_118 = tpu.memref_squeeze %dma_wait3A_117 : memref<1x4096xf32, #tpu.memory_space<hbm>> -> memref<4096xf32, #tpu.memory_space<hbm>>
    %dma_wait3A_119 = tpu.memref_slice %arg4[%add3A_107, %mul3A_29] : memref<16x16384xf32, #tpu.memory_space<hbm>> -> memref<1x4096xf32, #tpu.memory_space<hbm>>
    %dma_wait3A_120 = tpu.memref_squeeze %dma_wait3A_119 : memref<1x4096xf32, #tpu.memory_space<hbm>> -> memref<4096xf32, #tpu.memory_space<hbm>>
    tpu.wait_dma2 semaphore(%arg17 : memref<!tpu.dma_semaphore, #tpu.memory_space<semaphore_mem>>) src(%arg9 : memref<4096xf32, #tpu.memory_space<vmem>>) dst(%dma_wait3A_120 : memref<4096xf32, #tpu.memory_space<hbm>>)
    return
  }
}

module attributes {stable_mosaic.version = 14 : i64} {
  func.func @_detile_body(%arg0: i32, %arg1: i32, %arg2: memref<1x8x100001xf32, #tpu.memory_space<vmem>>, %arg3: memref<400384xf32, #tpu.memory_space<vmem>>) attributes {dimension_semantics = [#tpu.dimension_semantics<arbitrary>, #tpu.dimension_semantics<arbitrary>], iteration_bounds = array<i64: 8, 2>, scalar_prefetch = 0 : i64, scratch_operands = 0 : i64, tpu.core_type = #tpu.core_type<tc>, window_params = [{transform_indices = @transform_0, window_bounds = array<i64: 1, 8, 100001>}, {transform_indices = @transform_1, window_bounds = array<i64: 400384>}]} {
    %get3A = arith.constant 0 : index
    %get3A_0 = arith.constant 0 : index
    %get3A_1 = arith.constant 0 : index
    %get3A_2 = vector.load %arg2[%get3A, %get3A_0, %get3A_1] : memref<1x8x100001xf32, #tpu.memory_space<vmem>>, vector<1x1x100001xf32>
    %get3A_3 = vector.shape_cast %get3A_2 : vector<1x1x100001xf32> to vector<100001xf32>
    %bitcast_convert_type3A = tpu.bitcast %get3A_3 : vector<100001xf32> -> vector<100001xi32>
    %get3A_4 = arith.constant 0 : index
    %get3A_5 = arith.constant 1 : index
    %get3A_6 = arith.constant 0 : index
    %get3A_7 = vector.load %arg2[%get3A_4, %get3A_5, %get3A_6] : memref<1x8x100001xf32, #tpu.memory_space<vmem>>, vector<1x1x100001xf32>
    %get3A_8 = vector.shape_cast %get3A_7 : vector<1x1x100001xf32> to vector<100001xf32>
    %bitcast_convert_type3A_9 = tpu.bitcast %get3A_8 : vector<100001xf32> -> vector<100001xi32>
    %shift_right_logical3A = arith.constant 16 : i32
    %shift_right_logical3A_10 = vector.broadcast %shift_right_logical3A : i32 to vector<100001xi32>
    %shift_right_logical3A_11 = arith.shrui %bitcast_convert_type3A, %shift_right_logical3A_10 : vector<100001xi32>
    %and3A = arith.constant -65536 : i32
    %and3A_12 = vector.broadcast %and3A : i32 to vector<100001xi32>
    %and3A_13 = arith.andi %bitcast_convert_type3A_9, %and3A_12 : vector<100001xi32>
    %or3A = arith.ori %shift_right_logical3A_11, %and3A_13 : vector<100001xi32>
    %bitcast_convert_type3A_14 = tpu.bitcast %or3A : vector<100001xi32> -> vector<100001xf32>
    %swap3A = arith.constant 0 : index
    %swap3A_15 = vector.load %arg3[%swap3A] : memref<400384xf32, #tpu.memory_space<vmem>>, vector<100001xf32>
    tpu.vector_store %arg3[%swap3A], %bitcast_convert_type3A_14 {strides = array<i32>} : memref<400384xf32, #tpu.memory_space<vmem>>, vector<100001xf32>,
    %get3A_16 = arith.constant 0 : index
    %get3A_17 = arith.constant 2 : index
    %get3A_18 = arith.constant 0 : index
    %get3A_19 = vector.load %arg2[%get3A_16, %get3A_17, %get3A_18] : memref<1x8x100001xf32, #tpu.memory_space<vmem>>, vector<1x1x100001xf32>
    %get3A_20 = vector.shape_cast %get3A_19 : vector<1x1x100001xf32> to vector<100001xf32>
    %bitcast_convert_type3A_21 = tpu.bitcast %get3A_20 : vector<100001xf32> -> vector<100001xi32>
    %get3A_22 = arith.constant 0 : index
    %get3A_23 = arith.constant 3 : index
    %get3A_24 = arith.constant 0 : index
    %get3A_25 = vector.load %arg2[%get3A_22, %get3A_23, %get3A_24] : memref<1x8x100001xf32, #tpu.memory_space<vmem>>, vector<1x1x100001xf32>
    %get3A_26 = vector.shape_cast %get3A_25 : vector<1x1x100001xf32> to vector<100001xf32>
    %bitcast_convert_type3A_27 = tpu.bitcast %get3A_26 : vector<100001xf32> -> vector<100001xi32>
    %shift_right_logical3A_28 = arith.constant 16 : i32
    %shift_right_logical3A_29 = vector.broadcast %shift_right_logical3A_28 : i32 to vector<100001xi32>
    %shift_right_logical3A_30 = arith.shrui %bitcast_convert_type3A_21, %shift_right_logical3A_29 : vector<100001xi32>
    %and3A_31 = arith.constant -65536 : i32
    %and3A_32 = vector.broadcast %and3A_31 : i32 to vector<100001xi32>
    %and3A_33 = arith.andi %bitcast_convert_type3A_27, %and3A_32 : vector<100001xi32>
    %or3A_34 = arith.ori %shift_right_logical3A_30, %and3A_33 : vector<100001xi32>
    %bitcast_convert_type3A_35 = tpu.bitcast %or3A_34 : vector<100001xi32> -> vector<100001xf32>
    %swap3A_36 = arith.constant 100096 : index
    %swap3A_37 = vector.load %arg3[%swap3A_36] : memref<400384xf32, #tpu.memory_space<vmem>>, vector<100001xf32>
    tpu.vector_store %arg3[%swap3A_36], %bitcast_convert_type3A_35 {strides = array<i32>} : memref<400384xf32, #tpu.memory_space<vmem>>, vector<100001xf32>,
    %get3A_38 = arith.constant 0 : index
    %get3A_39 = arith.constant 4 : index
    %get3A_40 = arith.constant 0 : index
    %get3A_41 = vector.load %arg2[%get3A_38, %get3A_39, %get3A_40] : memref<1x8x100001xf32, #tpu.memory_space<vmem>>, vector<1x1x100001xf32>
    %get3A_42 = vector.shape_cast %get3A_41 : vector<1x1x100001xf32> to vector<100001xf32>
    %bitcast_convert_type3A_43 = tpu.bitcast %get3A_42 : vector<100001xf32> -> vector<100001xi32>
    %get3A_44 = arith.constant 0 : index
    %get3A_45 = arith.constant 5 : index
    %get3A_46 = arith.constant 0 : index
    %get3A_47 = vector.load %arg2[%get3A_44, %get3A_45, %get3A_46] : memref<1x8x100001xf32, #tpu.memory_space<vmem>>, vector<1x1x100001xf32>
    %get3A_48 = vector.shape_cast %get3A_47 : vector<1x1x100001xf32> to vector<100001xf32>
    %bitcast_convert_type3A_49 = tpu.bitcast %get3A_48 : vector<100001xf32> -> vector<100001xi32>
    %shift_right_logical3A_50 = arith.constant 16 : i32
    %shift_right_logical3A_51 = vector.broadcast %shift_right_logical3A_50 : i32 to vector<100001xi32>
    %shift_right_logical3A_52 = arith.shrui %bitcast_convert_type3A_43, %shift_right_logical3A_51 : vector<100001xi32>
    %and3A_53 = arith.constant -65536 : i32
    %and3A_54 = vector.broadcast %and3A_53 : i32 to vector<100001xi32>
    %and3A_55 = arith.andi %bitcast_convert_type3A_49, %and3A_54 : vector<100001xi32>
    %or3A_56 = arith.ori %shift_right_logical3A_52, %and3A_55 : vector<100001xi32>
    %bitcast_convert_type3A_57 = tpu.bitcast %or3A_56 : vector<100001xi32> -> vector<100001xf32>
    %swap3A_58 = arith.constant 200192 : index
    %swap3A_59 = vector.load %arg3[%swap3A_58] : memref<400384xf32, #tpu.memory_space<vmem>>, vector<100001xf32>
    tpu.vector_store %arg3[%swap3A_58], %bitcast_convert_type3A_57 {strides = array<i32>} : memref<400384xf32, #tpu.memory_space<vmem>>, vector<100001xf32>,
    %get3A_60 = arith.constant 0 : index
    %get3A_61 = arith.constant 6 : index
    %get3A_62 = arith.constant 0 : index
    %get3A_63 = vector.load %arg2[%get3A_60, %get3A_61, %get3A_62] : memref<1x8x100001xf32, #tpu.memory_space<vmem>>, vector<1x1x100001xf32>
    %get3A_64 = vector.shape_cast %get3A_63 : vector<1x1x100001xf32> to vector<100001xf32>
    %bitcast_convert_type3A_65 = tpu.bitcast %get3A_64 : vector<100001xf32> -> vector<100001xi32>
    %get3A_66 = arith.constant 0 : index
    %get3A_67 = arith.constant 7 : index
    %get3A_68 = arith.constant 0 : index
    %get3A_69 = vector.load %arg2[%get3A_66, %get3A_67, %get3A_68] : memref<1x8x100001xf32, #tpu.memory_space<vmem>>, vector<1x1x100001xf32>
    %get3A_70 = vector.shape_cast %get3A_69 : vector<1x1x100001xf32> to vector<100001xf32>
    %bitcast_convert_type3A_71 = tpu.bitcast %get3A_70 : vector<100001xf32> -> vector<100001xi32>
    %shift_right_logical3A_72 = arith.constant 16 : i32
    %shift_right_logical3A_73 = vector.broadcast %shift_right_logical3A_72 : i32 to vector<100001xi32>
    %shift_right_logical3A_74 = arith.shrui %bitcast_convert_type3A_65, %shift_right_logical3A_73 : vector<100001xi32>
    %and3A_75 = arith.constant -65536 : i32
    %and3A_76 = vector.broadcast %and3A_75 : i32 to vector<100001xi32>
    %and3A_77 = arith.andi %bitcast_convert_type3A_71, %and3A_76 : vector<100001xi32>
    %or3A_78 = arith.ori %shift_right_logical3A_74, %and3A_77 : vector<100001xi32>
    %bitcast_convert_type3A_79 = tpu.bitcast %or3A_78 : vector<100001xi32> -> vector<100001xf32>
    %swap3A_80 = arith.constant 300288 : index
    %swap3A_81 = vector.load %arg3[%swap3A_80] : memref<400384xf32, #tpu.memory_space<vmem>>, vector<100001xf32>
    tpu.vector_store %arg3[%swap3A_80], %bitcast_convert_type3A_79 {strides = array<i32>} : memref<400384xf32, #tpu.memory_space<vmem>>, vector<100001xf32>,
    return
  }
  func.func @transform_0(%arg0: i32, %arg1: i32) -> (i32, i32, i32) {
    %add3A = arith.constant 2 : i32
    %add3A_0 = arith.addi %arg0, %add3A : i32
    %c0_i32 = arith.constant 0 : i32
    %c0_i32_1 = arith.constant 0 : i32
    return %add3A_0, %arg1, %c0_i32 : i32, i32, i32
  }
  func.func @transform_1(%arg0: i32, %arg1: i32) -> i32 {
    %mul3A = arith.constant 2 : i32
    %mul3A_0 = arith.muli %arg0, %mul3A : i32
    %add3A = arith.addi %mul3A_0, %arg1 : i32
    %c0_i32 = arith.constant 0 : i32
    return %add3A : i32
  }
}

module attributes {stable_mosaic.version = 14 : i64} {
  func.func @_detile_body(%arg0: i32, %arg1: i32, %arg2: memref<1x8x100001xf32, #tpu.memory_space<vmem>>, %arg3: memref<400384xf32, #tpu.memory_space<vmem>>) attributes {dimension_semantics = [#tpu.dimension_semantics<arbitrary>, #tpu.dimension_semantics<arbitrary>], iteration_bounds = array<i64: 16, 2>, scalar_prefetch = 0 : i64, scratch_operands = 0 : i64, tpu.core_type = #tpu.core_type<tc>, window_params = [{transform_indices = @transform_0, window_bounds = array<i64: 1, 8, 100001>}, {transform_indices = @transform_1, window_bounds = array<i64: 400384>}]} {
    %get3A = arith.constant 0 : index
    %get3A_0 = arith.constant 0 : index
    %get3A_1 = arith.constant 0 : index
    %get3A_2 = vector.load %arg2[%get3A, %get3A_0, %get3A_1] : memref<1x8x100001xf32, #tpu.memory_space<vmem>>, vector<1x1x100001xf32>
    %get3A_3 = vector.shape_cast %get3A_2 : vector<1x1x100001xf32> to vector<100001xf32>
    %bitcast_convert_type3A = tpu.bitcast %get3A_3 : vector<100001xf32> -> vector<100001xi32>
    %get3A_4 = arith.constant 0 : index
    %get3A_5 = arith.constant 1 : index
    %get3A_6 = arith.constant 0 : index
    %get3A_7 = vector.load %arg2[%get3A_4, %get3A_5, %get3A_6] : memref<1x8x100001xf32, #tpu.memory_space<vmem>>, vector<1x1x100001xf32>
    %get3A_8 = vector.shape_cast %get3A_7 : vector<1x1x100001xf32> to vector<100001xf32>
    %bitcast_convert_type3A_9 = tpu.bitcast %get3A_8 : vector<100001xf32> -> vector<100001xi32>
    %shift_right_logical3A = arith.constant 16 : i32
    %shift_right_logical3A_10 = vector.broadcast %shift_right_logical3A : i32 to vector<100001xi32>
    %shift_right_logical3A_11 = arith.shrui %bitcast_convert_type3A, %shift_right_logical3A_10 : vector<100001xi32>
    %and3A = arith.constant -65536 : i32
    %and3A_12 = vector.broadcast %and3A : i32 to vector<100001xi32>
    %and3A_13 = arith.andi %bitcast_convert_type3A_9, %and3A_12 : vector<100001xi32>
    %or3A = arith.ori %shift_right_logical3A_11, %and3A_13 : vector<100001xi32>
    %bitcast_convert_type3A_14 = tpu.bitcast %or3A : vector<100001xi32> -> vector<100001xf32>
    %swap3A = arith.constant 0 : index
    %swap3A_15 = vector.load %arg3[%swap3A] : memref<400384xf32, #tpu.memory_space<vmem>>, vector<100001xf32>
    tpu.vector_store %arg3[%swap3A], %bitcast_convert_type3A_14 {strides = array<i32>} : memref<400384xf32, #tpu.memory_space<vmem>>, vector<100001xf32>,
    %get3A_16 = arith.constant 0 : index
    %get3A_17 = arith.constant 2 : index
    %get3A_18 = arith.constant 0 : index
    %get3A_19 = vector.load %arg2[%get3A_16, %get3A_17, %get3A_18] : memref<1x8x100001xf32, #tpu.memory_space<vmem>>, vector<1x1x100001xf32>
    %get3A_20 = vector.shape_cast %get3A_19 : vector<1x1x100001xf32> to vector<100001xf32>
    %bitcast_convert_type3A_21 = tpu.bitcast %get3A_20 : vector<100001xf32> -> vector<100001xi32>
    %get3A_22 = arith.constant 0 : index
    %get3A_23 = arith.constant 3 : index
    %get3A_24 = arith.constant 0 : index
    %get3A_25 = vector.load %arg2[%get3A_22, %get3A_23, %get3A_24] : memref<1x8x100001xf32, #tpu.memory_space<vmem>>, vector<1x1x100001xf32>
    %get3A_26 = vector.shape_cast %get3A_25 : vector<1x1x100001xf32> to vector<100001xf32>
    %bitcast_convert_type3A_27 = tpu.bitcast %get3A_26 : vector<100001xf32> -> vector<100001xi32>
    %shift_right_logical3A_28 = arith.constant 16 : i32
    %shift_right_logical3A_29 = vector.broadcast %shift_right_logical3A_28 : i32 to vector<100001xi32>
    %shift_right_logical3A_30 = arith.shrui %bitcast_convert_type3A_21, %shift_right_logical3A_29 : vector<100001xi32>
    %and3A_31 = arith.constant -65536 : i32
    %and3A_32 = vector.broadcast %and3A_31 : i32 to vector<100001xi32>
    %and3A_33 = arith.andi %bitcast_convert_type3A_27, %and3A_32 : vector<100001xi32>
    %or3A_34 = arith.ori %shift_right_logical3A_30, %and3A_33 : vector<100001xi32>
    %bitcast_convert_type3A_35 = tpu.bitcast %or3A_34 : vector<100001xi32> -> vector<100001xf32>
    %swap3A_36 = arith.constant 100096 : index
    %swap3A_37 = vector.load %arg3[%swap3A_36] : memref<400384xf32, #tpu.memory_space<vmem>>, vector<100001xf32>
    tpu.vector_store %arg3[%swap3A_36], %bitcast_convert_type3A_35 {strides = array<i32>} : memref<400384xf32, #tpu.memory_space<vmem>>, vector<100001xf32>,
    %get3A_38 = arith.constant 0 : index
    %get3A_39 = arith.constant 4 : index
    %get3A_40 = arith.constant 0 : index
    %get3A_41 = vector.load %arg2[%get3A_38, %get3A_39, %get3A_40] : memref<1x8x100001xf32, #tpu.memory_space<vmem>>, vector<1x1x100001xf32>
    %get3A_42 = vector.shape_cast %get3A_41 : vector<1x1x100001xf32> to vector<100001xf32>
    %bitcast_convert_type3A_43 = tpu.bitcast %get3A_42 : vector<100001xf32> -> vector<100001xi32>
    %get3A_44 = arith.constant 0 : index
    %get3A_45 = arith.constant 5 : index
    %get3A_46 = arith.constant 0 : index
    %get3A_47 = vector.load %arg2[%get3A_44, %get3A_45, %get3A_46] : memref<1x8x100001xf32, #tpu.memory_space<vmem>>, vector<1x1x100001xf32>
    %get3A_48 = vector.shape_cast %get3A_47 : vector<1x1x100001xf32> to vector<100001xf32>
    %bitcast_convert_type3A_49 = tpu.bitcast %get3A_48 : vector<100001xf32> -> vector<100001xi32>
    %shift_right_logical3A_50 = arith.constant 16 : i32
    %shift_right_logical3A_51 = vector.broadcast %shift_right_logical3A_50 : i32 to vector<100001xi32>
    %shift_right_logical3A_52 = arith.shrui %bitcast_convert_type3A_43, %shift_right_logical3A_51 : vector<100001xi32>
    %and3A_53 = arith.constant -65536 : i32
    %and3A_54 = vector.broadcast %and3A_53 : i32 to vector<100001xi32>
    %and3A_55 = arith.andi %bitcast_convert_type3A_49, %and3A_54 : vector<100001xi32>
    %or3A_56 = arith.ori %shift_right_logical3A_52, %and3A_55 : vector<100001xi32>
    %bitcast_convert_type3A_57 = tpu.bitcast %or3A_56 : vector<100001xi32> -> vector<100001xf32>
    %swap3A_58 = arith.constant 200192 : index
    %swap3A_59 = vector.load %arg3[%swap3A_58] : memref<400384xf32, #tpu.memory_space<vmem>>, vector<100001xf32>
    tpu.vector_store %arg3[%swap3A_58], %bitcast_convert_type3A_57 {strides = array<i32>} : memref<400384xf32, #tpu.memory_space<vmem>>, vector<100001xf32>,
    %get3A_60 = arith.constant 0 : index
    %get3A_61 = arith.constant 6 : index
    %get3A_62 = arith.constant 0 : index
    %get3A_63 = vector.load %arg2[%get3A_60, %get3A_61, %get3A_62] : memref<1x8x100001xf32, #tpu.memory_space<vmem>>, vector<1x1x100001xf32>
    %get3A_64 = vector.shape_cast %get3A_63 : vector<1x1x100001xf32> to vector<100001xf32>
    %bitcast_convert_type3A_65 = tpu.bitcast %get3A_64 : vector<100001xf32> -> vector<100001xi32>
    %get3A_66 = arith.constant 0 : index
    %get3A_67 = arith.constant 7 : index
    %get3A_68 = arith.constant 0 : index
    %get3A_69 = vector.load %arg2[%get3A_66, %get3A_67, %get3A_68] : memref<1x8x100001xf32, #tpu.memory_space<vmem>>, vector<1x1x100001xf32>
    %get3A_70 = vector.shape_cast %get3A_69 : vector<1x1x100001xf32> to vector<100001xf32>
    %bitcast_convert_type3A_71 = tpu.bitcast %get3A_70 : vector<100001xf32> -> vector<100001xi32>
    %shift_right_logical3A_72 = arith.constant 16 : i32
    %shift_right_logical3A_73 = vector.broadcast %shift_right_logical3A_72 : i32 to vector<100001xi32>
    %shift_right_logical3A_74 = arith.shrui %bitcast_convert_type3A_65, %shift_right_logical3A_73 : vector<100001xi32>
    %and3A_75 = arith.constant -65536 : i32
    %and3A_76 = vector.broadcast %and3A_75 : i32 to vector<100001xi32>
    %and3A_77 = arith.andi %bitcast_convert_type3A_71, %and3A_76 : vector<100001xi32>
    %or3A_78 = arith.ori %shift_right_logical3A_74, %and3A_77 : vector<100001xi32>
    %bitcast_convert_type3A_79 = tpu.bitcast %or3A_78 : vector<100001xi32> -> vector<100001xf32>
    %swap3A_80 = arith.constant 300288 : index
    %swap3A_81 = vector.load %arg3[%swap3A_80] : memref<400384xf32, #tpu.memory_space<vmem>>, vector<100001xf32>
    tpu.vector_store %arg3[%swap3A_80], %bitcast_convert_type3A_79 {strides = array<i32>} : memref<400384xf32, #tpu.memory_space<vmem>>, vector<100001xf32>,
    return
  }
  func.func @transform_0(%arg0: i32, %arg1: i32) -> (i32, i32, i32) {
    %add3A = arith.constant 10 : i32
    %add3A_0 = arith.addi %arg0, %add3A : i32
    %c0_i32 = arith.constant 0 : i32
    %c0_i32_1 = arith.constant 0 : i32
    return %add3A_0, %arg1, %c0_i32 : i32, i32, i32
  }
  func.func @transform_1(%arg0: i32, %arg1: i32) -> i32 {
    %mul3A = arith.constant 2 : i32
    %mul3A_0 = arith.muli %arg0, %mul3A : i32
    %add3A = arith.addi %mul3A_0, %arg1 : i32
    %c0_i32 = arith.constant 0 : i32
    return %add3A : i32
  }
}

module attributes {stable_mosaic.version = 14 : i64} {
  func.func @_detile_body(%arg0: i32, %arg1: i32, %arg2: memref<1x8x100001xf32, #tpu.memory_space<vmem>>, %arg3: memref<400384xf32, #tpu.memory_space<vmem>>) attributes {dimension_semantics = [#tpu.dimension_semantics<arbitrary>, #tpu.dimension_semantics<arbitrary>], iteration_bounds = array<i64: 2, 2>, scalar_prefetch = 0 : i64, scratch_operands = 0 : i64, tpu.core_type = #tpu.core_type<tc>, window_params = [{transform_indices = @transform_0, window_bounds = array<i64: 1, 8, 100001>}, {transform_indices = @transform_1, window_bounds = array<i64: 400384>}]} {
    %get3A = arith.constant 0 : index
    %get3A_0 = arith.constant 0 : index
    %get3A_1 = arith.constant 0 : index
    %get3A_2 = vector.load %arg2[%get3A, %get3A_0, %get3A_1] : memref<1x8x100001xf32, #tpu.memory_space<vmem>>, vector<1x1x100001xf32>
    %get3A_3 = vector.shape_cast %get3A_2 : vector<1x1x100001xf32> to vector<100001xf32>
    %bitcast_convert_type3A = tpu.bitcast %get3A_3 : vector<100001xf32> -> vector<100001xi32>
    %get3A_4 = arith.constant 0 : index
    %get3A_5 = arith.constant 1 : index
    %get3A_6 = arith.constant 0 : index
    %get3A_7 = vector.load %arg2[%get3A_4, %get3A_5, %get3A_6] : memref<1x8x100001xf32, #tpu.memory_space<vmem>>, vector<1x1x100001xf32>
    %get3A_8 = vector.shape_cast %get3A_7 : vector<1x1x100001xf32> to vector<100001xf32>
    %bitcast_convert_type3A_9 = tpu.bitcast %get3A_8 : vector<100001xf32> -> vector<100001xi32>
    %shift_right_logical3A = arith.constant 16 : i32
    %shift_right_logical3A_10 = vector.broadcast %shift_right_logical3A : i32 to vector<100001xi32>
    %shift_right_logical3A_11 = arith.shrui %bitcast_convert_type3A, %shift_right_logical3A_10 : vector<100001xi32>
    %and3A = arith.constant -65536 : i32
    %and3A_12 = vector.broadcast %and3A : i32 to vector<100001xi32>
    %and3A_13 = arith.andi %bitcast_convert_type3A_9, %and3A_12 : vector<100001xi32>
    %or3A = arith.ori %shift_right_logical3A_11, %and3A_13 : vector<100001xi32>
    %bitcast_convert_type3A_14 = tpu.bitcast %or3A : vector<100001xi32> -> vector<100001xf32>
    %swap3A = arith.constant 0 : index
    %swap3A_15 = vector.load %arg3[%swap3A] : memref<400384xf32, #tpu.memory_space<vmem>>, vector<100001xf32>
    tpu.vector_store %arg3[%swap3A], %bitcast_convert_type3A_14 {strides = array<i32>} : memref<400384xf32, #tpu.memory_space<vmem>>, vector<100001xf32>,
    %get3A_16 = arith.constant 0 : index
    %get3A_17 = arith.constant 2 : index
    %get3A_18 = arith.constant 0 : index
    %get3A_19 = vector.load %arg2[%get3A_16, %get3A_17, %get3A_18] : memref<1x8x100001xf32, #tpu.memory_space<vmem>>, vector<1x1x100001xf32>
    %get3A_20 = vector.shape_cast %get3A_19 : vector<1x1x100001xf32> to vector<100001xf32>
    %bitcast_convert_type3A_21 = tpu.bitcast %get3A_20 : vector<100001xf32> -> vector<100001xi32>
    %get3A_22 = arith.constant 0 : index
    %get3A_23 = arith.constant 3 : index
    %get3A_24 = arith.constant 0 : index
    %get3A_25 = vector.load %arg2[%get3A_22, %get3A_23, %get3A_24] : memref<1x8x100001xf32, #tpu.memory_space<vmem>>, vector<1x1x100001xf32>
    %get3A_26 = vector.shape_cast %get3A_25 : vector<1x1x100001xf32> to vector<100001xf32>
    %bitcast_convert_type3A_27 = tpu.bitcast %get3A_26 : vector<100001xf32> -> vector<100001xi32>
    %shift_right_logical3A_28 = arith.constant 16 : i32
    %shift_right_logical3A_29 = vector.broadcast %shift_right_logical3A_28 : i32 to vector<100001xi32>
    %shift_right_logical3A_30 = arith.shrui %bitcast_convert_type3A_21, %shift_right_logical3A_29 : vector<100001xi32>
    %and3A_31 = arith.constant -65536 : i32
    %and3A_32 = vector.broadcast %and3A_31 : i32 to vector<100001xi32>
    %and3A_33 = arith.andi %bitcast_convert_type3A_27, %and3A_32 : vector<100001xi32>
    %or3A_34 = arith.ori %shift_right_logical3A_30, %and3A_33 : vector<100001xi32>
    %bitcast_convert_type3A_35 = tpu.bitcast %or3A_34 : vector<100001xi32> -> vector<100001xf32>
    %swap3A_36 = arith.constant 100096 : index
    %swap3A_37 = vector.load %arg3[%swap3A_36] : memref<400384xf32, #tpu.memory_space<vmem>>, vector<100001xf32>
    tpu.vector_store %arg3[%swap3A_36], %bitcast_convert_type3A_35 {strides = array<i32>} : memref<400384xf32, #tpu.memory_space<vmem>>, vector<100001xf32>,
    %get3A_38 = arith.constant 0 : index
    %get3A_39 = arith.constant 4 : index
    %get3A_40 = arith.constant 0 : index
    %get3A_41 = vector.load %arg2[%get3A_38, %get3A_39, %get3A_40] : memref<1x8x100001xf32, #tpu.memory_space<vmem>>, vector<1x1x100001xf32>
    %get3A_42 = vector.shape_cast %get3A_41 : vector<1x1x100001xf32> to vector<100001xf32>
    %bitcast_convert_type3A_43 = tpu.bitcast %get3A_42 : vector<100001xf32> -> vector<100001xi32>
    %get3A_44 = arith.constant 0 : index
    %get3A_45 = arith.constant 5 : index
    %get3A_46 = arith.constant 0 : index
    %get3A_47 = vector.load %arg2[%get3A_44, %get3A_45, %get3A_46] : memref<1x8x100001xf32, #tpu.memory_space<vmem>>, vector<1x1x100001xf32>
    %get3A_48 = vector.shape_cast %get3A_47 : vector<1x1x100001xf32> to vector<100001xf32>
    %bitcast_convert_type3A_49 = tpu.bitcast %get3A_48 : vector<100001xf32> -> vector<100001xi32>
    %shift_right_logical3A_50 = arith.constant 16 : i32
    %shift_right_logical3A_51 = vector.broadcast %shift_right_logical3A_50 : i32 to vector<100001xi32>
    %shift_right_logical3A_52 = arith.shrui %bitcast_convert_type3A_43, %shift_right_logical3A_51 : vector<100001xi32>
    %and3A_53 = arith.constant -65536 : i32
    %and3A_54 = vector.broadcast %and3A_53 : i32 to vector<100001xi32>
    %and3A_55 = arith.andi %bitcast_convert_type3A_49, %and3A_54 : vector<100001xi32>
    %or3A_56 = arith.ori %shift_right_logical3A_52, %and3A_55 : vector<100001xi32>
    %bitcast_convert_type3A_57 = tpu.bitcast %or3A_56 : vector<100001xi32> -> vector<100001xf32>
    %swap3A_58 = arith.constant 200192 : index
    %swap3A_59 = vector.load %arg3[%swap3A_58] : memref<400384xf32, #tpu.memory_space<vmem>>, vector<100001xf32>
    tpu.vector_store %arg3[%swap3A_58], %bitcast_convert_type3A_57 {strides = array<i32>} : memref<400384xf32, #tpu.memory_space<vmem>>, vector<100001xf32>,
    %get3A_60 = arith.constant 0 : index
    %get3A_61 = arith.constant 6 : index
    %get3A_62 = arith.constant 0 : index
    %get3A_63 = vector.load %arg2[%get3A_60, %get3A_61, %get3A_62] : memref<1x8x100001xf32, #tpu.memory_space<vmem>>, vector<1x1x100001xf32>
    %get3A_64 = vector.shape_cast %get3A_63 : vector<1x1x100001xf32> to vector<100001xf32>
    %bitcast_convert_type3A_65 = tpu.bitcast %get3A_64 : vector<100001xf32> -> vector<100001xi32>
    %get3A_66 = arith.constant 0 : index
    %get3A_67 = arith.constant 7 : index
    %get3A_68 = arith.constant 0 : index
    %get3A_69 = vector.load %arg2[%get3A_66, %get3A_67, %get3A_68] : memref<1x8x100001xf32, #tpu.memory_space<vmem>>, vector<1x1x100001xf32>
    %get3A_70 = vector.shape_cast %get3A_69 : vector<1x1x100001xf32> to vector<100001xf32>
    %bitcast_convert_type3A_71 = tpu.bitcast %get3A_70 : vector<100001xf32> -> vector<100001xi32>
    %shift_right_logical3A_72 = arith.constant 16 : i32
    %shift_right_logical3A_73 = vector.broadcast %shift_right_logical3A_72 : i32 to vector<100001xi32>
    %shift_right_logical3A_74 = arith.shrui %bitcast_convert_type3A_65, %shift_right_logical3A_73 : vector<100001xi32>
    %and3A_75 = arith.constant -65536 : i32
    %and3A_76 = vector.broadcast %and3A_75 : i32 to vector<100001xi32>
    %and3A_77 = arith.andi %bitcast_convert_type3A_71, %and3A_76 : vector<100001xi32>
    %or3A_78 = arith.ori %shift_right_logical3A_74, %and3A_77 : vector<100001xi32>
    %bitcast_convert_type3A_79 = tpu.bitcast %or3A_78 : vector<100001xi32> -> vector<100001xf32>
    %swap3A_80 = arith.constant 300288 : index
    %swap3A_81 = vector.load %arg3[%swap3A_80] : memref<400384xf32, #tpu.memory_space<vmem>>, vector<100001xf32>
    tpu.vector_store %arg3[%swap3A_80], %bitcast_convert_type3A_79 {strides = array<i32>} : memref<400384xf32, #tpu.memory_space<vmem>>, vector<100001xf32>,
    return
  }
  func.func @transform_0(%arg0: i32, %arg1: i32) -> (i32, i32, i32) {
    %add3A = arith.constant 0 : i32
    %add3A_0 = arith.addi %arg0, %add3A : i32
    %c0_i32 = arith.constant 0 : i32
    %c0_i32_1 = arith.constant 0 : i32
    return %add3A_0, %arg1, %c0_i32 : i32, i32, i32
  }
  func.func @transform_1(%arg0: i32, %arg1: i32) -> i32 {
    %mul3A = arith.constant 2 : i32
    %mul3A_0 = arith.muli %arg0, %mul3A : i32
    %add3A = arith.addi %mul3A_0, %arg1 : i32
    %c0_i32 = arith.constant 0 : i32
    return %add3A : i32
  }
}

module attributes {stable_mosaic.version = 14 : i64} {
  func.func @_mlp_t_body(%arg0: i32, %arg1: memref<13x2048xf32, #tpu.memory_space<vmem>>, %arg2: memref<100x13xf32, #tpu.memory_space<vmem>>, %arg3: memref<100x1xf32, #tpu.memory_space<vmem>>, %arg4: memref<39x100xf32, #tpu.memory_space<vmem>>, %arg5: memref<39x100xf32, #tpu.memory_space<vmem>>, %arg6: memref<39x1xf32, #tpu.memory_space<vmem>>, %arg7: memref<100x1xf32, #tpu.memory_space<vmem>>, %arg8: memref<16x2048xf32, #tpu.memory_space<vmem>>, %arg9: memref<64x2048xf32, #tpu.memory_space<vmem>>, %arg10: memref<128x2048xf32, #tpu.memory_space<vmem>>, %arg11: memref<100x16xf32, #tpu.memory_space<vmem>>, %arg12: memref<100x64xf32, #tpu.memory_space<vmem>>, %arg13: memref<100x128xf32, #tpu.memory_space<vmem>>, %arg14: memref<100x16xf32, #tpu.memory_space<vmem>>, %arg15: memref<100x64xf32, #tpu.memory_space<vmem>>, %arg16: memref<100x128xf32, #tpu.memory_space<vmem>>, %arg17: memref<39x2048xf32, #tpu.memory_space<vmem>>) attributes {dimension_semantics = [#tpu.dimension_semantics<arbitrary>], iteration_bounds = array<i64: 8>, scalar_prefetch = 0 : i64, scratch_operands = 0 : i64, tpu.core_type = #tpu.core_type<tc>, window_params = [{transform_indices = @transform_0, window_bounds = array<i64: 13, 2048>}, {pipeline_mode = #tpu.pipeline_mode<synchronous>, transform_indices = @transform_1, window_bounds = array<i64: 100, 13>}, {pipeline_mode = #tpu.pipeline_mode<synchronous>, transform_indices = @transform_2, window_bounds = array<i64: 100, 1>}, {pipeline_mode = #tpu.pipeline_mode<synchronous>, transform_indices = @transform_3, window_bounds = array<i64: 39, 100>}, {pipeline_mode = #tpu.pipeline_mode<synchronous>, transform_indices = @transform_4, window_bounds = array<i64: 39, 100>}, {pipeline_mode = #tpu.pipeline_mode<synchronous>, transform_indices = @transform_5, window_bounds = array<i64: 39, 1>}, {pipeline_mode = #tpu.pipeline_mode<synchronous>, transform_indices = @transform_6, window_bounds = array<i64: 100, 1>}, {transform_indices = @transform_7, window_bounds = array<i64: 16, 2048>}, {transform_indices = @transform_8, window_bounds = array<i64: 64, 2048>}, {transform_indices = @transform_9, window_bounds = array<i64: 128, 2048>}, {pipeline_mode = #tpu.pipeline_mode<synchronous>, transform_indices = @transform_10, window_bounds = array<i64: 100, 16>}, {pipeline_mode = #tpu.pipeline_mode<synchronous>, transform_indices = @transform_11, window_bounds = array<i64: 100, 64>}, {pipeline_mode = #tpu.pipeline_mode<synchronous>, transform_indices = @transform_12, window_bounds = array<i64: 100, 128>}, {pipeline_mode = #tpu.pipeline_mode<synchronous>, transform_indices = @transform_13, window_bounds = array<i64: 100, 16>}, {pipeline_mode = #tpu.pipeline_mode<synchronous>, transform_indices = @transform_14, window_bounds = array<i64: 100, 64>}, {pipeline_mode = #tpu.pipeline_mode<synchronous>, transform_indices = @transform_15, window_bounds = array<i64: 100, 128>}, {transform_indices = @transform_16, window_bounds = array<i64: 39, 2048>}]} {
    %get3A = arith.constant 0 : index
    %get3A_0 = arith.constant 0 : index
    %get3A_1 = vector.load %arg7[%get3A, %get3A_0] : memref<100x1xf32, #tpu.memory_space<vmem>>, vector<100x1xf32>
    %get3A_2 = arith.constant 0 : index
    %get3A_3 = arith.constant 0 : index
    %get3A_4 = vector.load %arg8[%get3A_2, %get3A_3] : memref<16x2048xf32, #tpu.memory_space<vmem>>, vector<16x2048xf32>
    %bitcast_convert_type3A = tpu.bitcast %get3A_4 : vector<16x2048xf32> -> vector<16x2048xi32>
    %shift_left3A = arith.constant 16 : i32
    %shift_left3A_5 = vector.broadcast %shift_left3A : i32 to vector<16x2048xi32>
    %shift_left3A_6 = arith.shli %bitcast_convert_type3A, %shift_left3A_5 : vector<16x2048xi32>
    %bitcast_convert_type3A_7 = tpu.bitcast %shift_left3A_6 : vector<16x2048xi32> -> vector<16x2048xf32>
    %and3A = arith.constant -65536 : i32
    %and3A_8 = vector.broadcast %and3A : i32 to vector<16x2048xi32>
    %and3A_9 = arith.andi %bitcast_convert_type3A, %and3A_8 : vector<16x2048xi32>
    %bitcast_convert_type3A_10 = tpu.bitcast %and3A_9 : vector<16x2048xi32> -> vector<16x2048xf32>
    %get3A_11 = arith.constant 0 : index
    %get3A_12 = arith.constant 0 : index
    %get3A_13 = vector.load %arg11[%get3A_11, %get3A_12] : memref<100x16xf32, #tpu.memory_space<vmem>>, vector<100x16xf32>
    %dot_general3A = arith.constant dense<0.000000e+00> : vector<100x2048xf32>
    %dot_general3A_14 = tpu.matmul %get3A_13, %bitcast_convert_type3A_7, %dot_general3A {dimension_numbers = #tpu.dot_dimension_numbers<[1], [0], [0], [1], [0, 0, 1, 1], [], []>, transpose_lhs_hint = false} : vector<100x16xf32>, vector<16x2048xf32>, vector<100x2048xf32> -> vector<100x2048xf32>
    %add3A = vector.broadcast %get3A_1 : vector<100x1xf32> to vector<100x2048xf32>
    %add3A_15 = arith.addf %add3A, %dot_general3A_14 : vector<100x2048xf32>
    %get3A_16 = arith.constant 0 : index
    %get3A_17 = arith.constant 0 : index
    %get3A_18 = vector.load %arg14[%get3A_16, %get3A_17] : memref<100x16xf32, #tpu.memory_space<vmem>>, vector<100x16xf32>
    %dot_general3A_19 = arith.constant dense<0.000000e+00> : vector<100x2048xf32>
    %dot_general3A_20 = tpu.matmul %get3A_18, %bitcast_convert_type3A_10, %dot_general3A_19 {dimension_numbers = #tpu.dot_dimension_numbers<[1], [0], [0], [1], [0, 0, 1, 1], [], []>, transpose_lhs_hint = false} : vector<100x16xf32>, vector<16x2048xf32>, vector<100x2048xf32> -> vector<100x2048xf32>
    %add3A_21 = arith.addf %add3A_15, %dot_general3A_20 : vector<100x2048xf32>
    %get3A_22 = arith.constant 0 : index
    %get3A_23 = arith.constant 0 : index
    %get3A_24 = vector.load %arg9[%get3A_22, %get3A_23] : memref<64x2048xf32, #tpu.memory_space<vmem>>, vector<64x2048xf32>
    %bitcast_convert_type3A_25 = tpu.bitcast %get3A_24 : vector<64x2048xf32> -> vector<64x2048xi32>
    %shift_left3A_26 = arith.constant 16 : i32
    %shift_left3A_27 = vector.broadcast %shift_left3A_26 : i32 to vector<64x2048xi32>
    %shift_left3A_28 = arith.shli %bitcast_convert_type3A_25, %shift_left3A_27 : vector<64x2048xi32>
    %bitcast_convert_type3A_29 = tpu.bitcast %shift_left3A_28 : vector<64x2048xi32> -> vector<64x2048xf32>
    %and3A_30 = arith.constant -65536 : i32
    %and3A_31 = vector.broadcast %and3A_30 : i32 to vector<64x2048xi32>
    %and3A_32 = arith.andi %bitcast_convert_type3A_25, %and3A_31 : vector<64x2048xi32>
    %bitcast_convert_type3A_33 = tpu.bitcast %and3A_32 : vector<64x2048xi32> -> vector<64x2048xf32>
    %get3A_34 = arith.constant 0 : index
    %get3A_35 = arith.constant 0 : index
    %get3A_36 = vector.load %arg12[%get3A_34, %get3A_35] : memref<100x64xf32, #tpu.memory_space<vmem>>, vector<100x64xf32>
    %dot_general3A_37 = arith.constant dense<0.000000e+00> : vector<100x2048xf32>
    %dot_general3A_38 = tpu.matmul %get3A_36, %bitcast_convert_type3A_29, %dot_general3A_37 {dimension_numbers = #tpu.dot_dimension_numbers<[1], [0], [0], [1], [0, 0, 1, 1], [], []>, transpose_lhs_hint = false} : vector<100x64xf32>, vector<64x2048xf32>, vector<100x2048xf32> -> vector<100x2048xf32>
    %add3A_39 = arith.addf %add3A_21, %dot_general3A_38 : vector<100x2048xf32>
    %get3A_40 = arith.constant 0 : index
    %get3A_41 = arith.constant 0 : index
    %get3A_42 = vector.load %arg15[%get3A_40, %get3A_41] : memref<100x64xf32, #tpu.memory_space<vmem>>, vector<100x64xf32>
    %dot_general3A_43 = arith.constant dense<0.000000e+00> : vector<100x2048xf32>
    %dot_general3A_44 = tpu.matmul %get3A_42, %bitcast_convert_type3A_33, %dot_general3A_43 {dimension_numbers = #tpu.dot_dimension_numbers<[1], [0], [0], [1], [0, 0, 1, 1], [], []>, transpose_lhs_hint = false} : vector<100x64xf32>, vector<64x2048xf32>, vector<100x2048xf32> -> vector<100x2048xf32>
    %add3A_45 = arith.addf %add3A_39, %dot_general3A_44 : vector<100x2048xf32>
    %get3A_46 = arith.constant 0 : index
    %get3A_47 = arith.constant 0 : index
    %get3A_48 = vector.load %arg10[%get3A_46, %get3A_47] : memref<128x2048xf32, #tpu.memory_space<vmem>>, vector<128x2048xf32>
    %bitcast_convert_type3A_49 = tpu.bitcast %get3A_48 : vector<128x2048xf32> -> vector<128x2048xi32>
    %shift_left3A_50 = arith.constant 16 : i32
    %shift_left3A_51 = vector.broadcast %shift_left3A_50 : i32 to vector<128x2048xi32>
    %shift_left3A_52 = arith.shli %bitcast_convert_type3A_49, %shift_left3A_51 : vector<128x2048xi32>
    %bitcast_convert_type3A_53 = tpu.bitcast %shift_left3A_52 : vector<128x2048xi32> -> vector<128x2048xf32>
    %and3A_54 = arith.constant -65536 : i32
    %and3A_55 = vector.broadcast %and3A_54 : i32 to vector<128x2048xi32>
    %and3A_56 = arith.andi %bitcast_convert_type3A_49, %and3A_55 : vector<128x2048xi32>
    %bitcast_convert_type3A_57 = tpu.bitcast %and3A_56 : vector<128x2048xi32> -> vector<128x2048xf32>
    %get3A_58 = arith.constant 0 : index
    %get3A_59 = arith.constant 0 : index
    %get3A_60 = vector.load %arg13[%get3A_58, %get3A_59] : memref<100x128xf32, #tpu.memory_space<vmem>>, vector<100x128xf32>
    %dot_general3A_61 = arith.constant dense<0.000000e+00> : vector<100x2048xf32>
    %dot_general3A_62 = tpu.matmul %get3A_60, %bitcast_convert_type3A_53, %dot_general3A_61 {dimension_numbers = #tpu.dot_dimension_numbers<[1], [0], [0], [1], [0, 0, 1, 1], [], []>, transpose_lhs_hint = false} : vector<100x128xf32>, vector<128x2048xf32>, vector<100x2048xf32> -> vector<100x2048xf32>
    %add3A_63 = arith.addf %add3A_45, %dot_general3A_62 : vector<100x2048xf32>
    %get3A_64 = arith.constant 0 : index
    %get3A_65 = arith.constant 0 : index
    %get3A_66 = vector.load %arg16[%get3A_64, %get3A_65] : memref<100x128xf32, #tpu.memory_space<vmem>>, vector<100x128xf32>
    %dot_general3A_67 = arith.constant dense<0.000000e+00> : vector<100x2048xf32>
    %dot_general3A_68 = tpu.matmul %get3A_66, %bitcast_convert_type3A_57, %dot_general3A_67 {dimension_numbers = #tpu.dot_dimension_numbers<[1], [0], [0], [1], [0, 0, 1, 1], [], []>, transpose_lhs_hint = false} : vector<100x128xf32>, vector<128x2048xf32>, vector<100x2048xf32> -> vector<100x2048xf32>
    %add3A_69 = arith.addf %add3A_63, %dot_general3A_68 : vector<100x2048xf32>
    %get3A_70 = arith.constant 0 : index
    %get3A_71 = arith.constant 0 : index
    %get3A_72 = vector.load %arg2[%get3A_70, %get3A_71] : memref<100x13xf32, #tpu.memory_space<vmem>>, vector<100x13xf32>
    %get3A_73 = arith.constant 0 : index
    %get3A_74 = arith.constant 0 : index
    %get3A_75 = vector.load %arg1[%get3A_73, %get3A_74] : memref<13x2048xf32, #tpu.memory_space<vmem>>, vector<13x2048xf32>
    %dot_general3A_76 = arith.constant dense<0.000000e+00> : vector<100x2048xf32>
    %dot_general3A_77 = tpu.matmul %get3A_72, %get3A_75, %dot_general3A_76 {dimension_numbers = #tpu.dot_dimension_numbers<[1], [0], [0], [1], [0, 0, 1, 1], [], []>, transpose_lhs_hint = false} : vector<100x13xf32>, vector<13x2048xf32>, vector<100x2048xf32> -> vector<100x2048xf32>
    %get3A_78 = arith.constant 0 : index
    %get3A_79 = arith.constant 0 : index
    %get3A_80 = vector.load %arg3[%get3A_78, %get3A_79] : memref<100x1xf32, #tpu.memory_space<vmem>>, vector<100x1xf32>
    %add3A_81 = vector.broadcast %get3A_80 : vector<100x1xf32> to vector<100x2048xf32>
    %add3A_82 = arith.addf %dot_general3A_77, %add3A_81 : vector<100x2048xf32>
    %max3A = arith.constant 0.000000e+00 : f32
    %max3A_83 = vector.broadcast %max3A : f32 to vector<100x2048xf32>
    %max3A_84 = arith.maximumf %add3A_69, %max3A_83 : vector<100x2048xf32>
    %max3A_85 = arith.constant 0.000000e+00 : f32
    %max3A_86 = vector.broadcast %max3A_85 : f32 to vector<100x2048xf32>
    %max3A_87 = arith.maximumf %add3A_82, %max3A_86 : vector<100x2048xf32>
    %get3A_88 = arith.constant 0 : index
    %get3A_89 = arith.constant 0 : index
    %get3A_90 = vector.load %arg4[%get3A_88, %get3A_89] : memref<39x100xf32, #tpu.memory_space<vmem>>, vector<39x100xf32>
    %dot_general3A_91 = arith.constant dense<0.000000e+00> : vector<39x2048xf32>
    %dot_general3A_92 = tpu.matmul %get3A_90, %max3A_87, %dot_general3A_91 {dimension_numbers = #tpu.dot_dimension_numbers<[1], [0], [0], [1], [0, 0, 1, 1], [], []>, transpose_lhs_hint = false} : vector<39x100xf32>, vector<100x2048xf32>, vector<39x2048xf32> -> vector<39x2048xf32>
    %get3A_93 = arith.constant 0 : index
    %get3A_94 = arith.constant 0 : index
    %get3A_95 = vector.load %arg5[%get3A_93, %get3A_94] : memref<39x100xf32, #tpu.memory_space<vmem>>, vector<39x100xf32>
    %dot_general3A_96 = arith.constant dense<0.000000e+00> : vector<39x2048xf32>
    %dot_general3A_97 = tpu.matmul %get3A_95, %max3A_84, %dot_general3A_96 {dimension_numbers = #tpu.dot_dimension_numbers<[1], [0], [0], [1], [0, 0, 1, 1], [], []>, transpose_lhs_hint = false} : vector<39x100xf32>, vector<100x2048xf32>, vector<39x2048xf32> -> vector<39x2048xf32>
    %add3A_98 = arith.addf %dot_general3A_92, %dot_general3A_97 : vector<39x2048xf32>
    %get3A_99 = arith.constant 0 : index
    %get3A_100 = arith.constant 0 : index
    %get3A_101 = vector.load %arg6[%get3A_99, %get3A_100] : memref<39x1xf32, #tpu.memory_space<vmem>>, vector<39x1xf32>
    %add3A_102 = vector.broadcast %get3A_101 : vector<39x1xf32> to vector<39x2048xf32>
    %add3A_103 = arith.addf %add3A_98, %add3A_102 : vector<39x2048xf32>
    %swap3A = arith.constant 0 : index
    %swap3A_104 = arith.constant 0 : index
    %swap3A_105 = vector.load %arg17[%swap3A, %swap3A_104] : memref<39x2048xf32, #tpu.memory_space<vmem>>, vector<39x2048xf32>
    tpu.vector_store %arg17[%swap3A, %swap3A_104], %add3A_103 {strides = array<i32>} : memref<39x2048xf32, #tpu.memory_space<vmem>>, vector<39x2048xf32>,
    return
  }
  func.func @transform_0(%arg0: i32) -> (i32, i32) {
    %c0_i32 = arith.constant 0 : i32
    %c0_i32_0 = arith.constant 0 : i32
    return %c0_i32, %arg0 : i32, i32
  }
  func.func @transform_1(%arg0: i32) -> (i32, i32) {
    %c0_i32 = arith.constant 0 : i32
    %c0_i32_0 = arith.constant 0 : i32
    %c0_i32_1 = arith.constant 0 : i32
    return %c0_i32, %c0_i32_0 : i32, i32
  }
  func.func @transform_2(%arg0: i32) -> (i32, i32) {
    %c0_i32 = arith.constant 0 : i32
    %c0_i32_0 = arith.constant 0 : i32
    %c0_i32_1 = arith.constant 0 : i32
    return %c0_i32, %c0_i32_0 : i32, i32
  }
  func.func @transform_3(%arg0: i32) -> (i32, i32) {
    %c0_i32 = arith.constant 0 : i32
    %c0_i32_0 = arith.constant 0 : i32
    %c0_i32_1 = arith.constant 0 : i32
    return %c0_i32, %c0_i32_0 : i32, i32
  }
  func.func @transform_4(%arg0: i32) -> (i32, i32) {
    %c0_i32 = arith.constant 0 : i32
    %c0_i32_0 = arith.constant 0 : i32
    %c0_i32_1 = arith.constant 0 : i32
    return %c0_i32, %c0_i32_0 : i32, i32
  }
  func.func @transform_5(%arg0: i32) -> (i32, i32) {
    %c0_i32 = arith.constant 0 : i32
    %c0_i32_0 = arith.constant 0 : i32
    %c0_i32_1 = arith.constant 0 : i32
    return %c0_i32, %c0_i32_0 : i32, i32
  }
  func.func @transform_6(%arg0: i32) -> (i32, i32) {
    %c0_i32 = arith.constant 0 : i32
    %c0_i32_0 = arith.constant 0 : i32
    %c0_i32_1 = arith.constant 0 : i32
    return %c0_i32, %c0_i32_0 : i32, i32
  }
  func.func @transform_7(%arg0: i32) -> (i32, i32) {
    %c0_i32 = arith.constant 0 : i32
    %c0_i32_0 = arith.constant 0 : i32
    return %c0_i32, %arg0 : i32, i32
  }
  func.func @transform_8(%arg0: i32) -> (i32, i32) {
    %c0_i32 = arith.constant 0 : i32
    %c0_i32_0 = arith.constant 0 : i32
    return %c0_i32, %arg0 : i32, i32
  }
  func.func @transform_9(%arg0: i32) -> (i32, i32) {
    %c0_i32 = arith.constant 0 : i32
    %c0_i32_0 = arith.constant 0 : i32
    return %c0_i32, %arg0 : i32, i32
  }
  func.func @transform_10(%arg0: i32) -> (i32, i32) {
    %c0_i32 = arith.constant 0 : i32
    %c0_i32_0 = arith.constant 0 : i32
    %c0_i32_1 = arith.constant 0 : i32
    return %c0_i32, %c0_i32_0 : i32, i32
  }
  func.func @transform_11(%arg0: i32) -> (i32, i32) {
    %c0_i32 = arith.constant 0 : i32
    %c0_i32_0 = arith.constant 0 : i32
    %c0_i32_1 = arith.constant 0 : i32
    return %c0_i32, %c0_i32_0 : i32, i32
  }
  func.func @transform_12(%arg0: i32) -> (i32, i32) {
    %c0_i32 = arith.constant 0 : i32
    %c0_i32_0 = arith.constant 0 : i32
    %c0_i32_1 = arith.constant 0 : i32
    return %c0_i32, %c0_i32_0 : i32, i32
  }
  func.func @transform_13(%arg0: i32) -> (i32, i32) {
    %c0_i32 = arith.constant 0 : i32
    %c0_i32_0 = arith.constant 0 : i32
    %c0_i32_1 = arith.constant 0 : i32
    return %c0_i32, %c0_i32_0 : i32, i32
  }
  func.func @transform_14(%arg0: i32) -> (i32, i32) {
    %c0_i32 = arith.constant 0 : i32
    %c0_i32_0 = arith.constant 0 : i32
    %c0_i32_1 = arith.constant 0 : i32
    return %c0_i32, %c0_i32_0 : i32, i32
  }
  func.func @transform_15(%arg0: i32) -> (i32, i32) {
    %c0_i32 = arith.constant 0 : i32
    %c0_i32_0 = arith.constant 0 : i32
    %c0_i32_1 = arith.constant 0 : i32
    return %c0_i32, %c0_i32_0 : i32, i32
  }
  func.func @transform_16(%arg0: i32) -> (i32, i32) {
    %c0_i32 = arith.constant 0 : i32
    %c0_i32_0 = arith.constant 0 : i32
    return %c0_i32, %arg0 : i32, i32
  }
}

</mosaic_0001>

<sc_bundles>
// kernel: kernel.12.cloned.1.call-start
scs
__scs_entry_jumppad:
0x0: {  	(pc) =	sbr.rel $0x88, $3  }
0x1: {  	(tag) =	ssettag $0x0;
	lr =	simm.s32 $0x1  }
0x2: {  	[smem:$0x3F98] =	sst lr;
	_ =	strace $0xD0000000  }
0x3: {  	_ = 	snop  }
0x4: {  	_ = 	snop  }
0x5: {  	_ = 	snop  }
0x6: {  	_ = 	snop  }
0x7: {  	_ = 	snop  }
__scs_overlays_trampoline_lowered:
0x8: {  	[smem:$0x3FA7] =	sst s0  }
0x9: {  	[smem:$0x3FA8] =	sst s1  }
0xa: {  	[smem:$0x3FA9] =	sst s2  }
0xb: {  	[smem:$0x3FAA] =	sst s3  }
0xc: {  	[smem:$0x3FAB] =	sst s4  }
0xd: {  	[smem:$0x3FAC] =	sst s5  }
0xe: {  	[smem:$0x3FAD] =	sst s6  }
0xf: {  	[smem:$0x3FAE] =	sst s7  }
0x10: {  	[smem:$0x3FAF] =	sst s8  }
0x11: {  	[smem:$0x3FB0] =	sst s9;
	s0 =	simm.s32 @!p0 $0x0  }
0x12: {  	s1 =	sld [smem:$0x3F96];
	s0 =	simm.s32 @p0 $0x1  }
0x13: {  	[smem:$0x3FB1] =	sst s0;
	s0 =	simm.s32 @!p1 $0x0  }
0x14: {  	s2 =	sld [smem:$0x3F95];
	s0 =	simm.s32 @p1 $0x1  }
0x15: {  	[smem:$0x3FB2] =	sst s0;
	s0 =	simm.s32 @!p2 $0x0  }
0x16: {  	s3 =	sld [smem:$0x3FDB];
	s0 =	simm.s32 @p2 $0x1  }
0x17: {  	s4 =	simm.s32 $0x1BF5;
	[smem:$0x3FB4] =	sst s0  }
0x18: {  	s0 =	sld [smem:$0x3F97];
	_ =	swait.ge [sflag:s4], $0x0  }
0x19: {  	s7 =	sld [smem:$0x3F98]  }
0x1a: {  	s8 =	sadd.s32 $0xFFFFE003, lr  }
0x1b: {  	s9 =	sadd.s32 $0xFFFFFEF7, lr;
	s5 =	simm.s32 $0xFFFFFFFF;
	p2 =	slt.u32 s8, $0xFFFFF086  }
0x1c: {  	p1 =	slt.u32 s9, $0xF7A;
	s5 =	simm.s32 @!p2 $0x0  }
0x1d: {  	s5 =	simm.s32 @p1 $0x1;
	p0 =	seq.s32 s7, s2  }
0x1e: {  	s7 =	smul.u32 @!p0 $0xF7A, s2;
	p2 =	seq.s32 @!p0 s5, $0x0  }
0x1f: {  	s9 =	smul.u32 $0xF7A, s1;
	s8 =	simm.s32 @!p0 $0x1BF5;
	p2 =	por !p2, p0  }
0x20: {  	[sflag:s8] =	ssyncset.s32 @!p0 $0xFFFFF086;
	s6 =	sadd.s32 @!p0 s3, s7;
	s7 =	simm.s32 @!p0 $0x108  }
0x21: {  	s3 =	sadd.s32 s3, s9;
	s6 =	sadd.s32 @!p0 $0x88, s6;
	s7 =	simm.s32 @p2 $0x1082  }
0x22: {  	[simem:s7], [sflag:s8] =	dma.local @!p0 [hbm:s6], $0xF7A  }
0x23: {  	s9 =	sor.u32 $0xD0000000, s2;
	s6 =	simm.s32 $0x108;
	_ =	swait.ge @!p0 [sflag:s8], $0x0  }
0x24: {  	s3 =	sadd.s32 $0x88, s3;
	s6 =	simm.s32 @!p1 $0x1082;
	[sflag:s4] =	ssyncset.s32 $0xFFFFF086  }
0x25: {  	[simem:s6], [sflag:s4] =	dma.local [hbm:s3], $0xF7A  }
0x26: {  	[smem:$0x3F98] =	sst s1;
	(tag) =	ssettag s2;
	_ =	strace s9  }
0x27: {  	s1 =	sld [smem:$0x3FA8]  }
0x28: {  	s2 =	sld [smem:$0x3FA9]  }
0x29: {  	s4 =	sld [smem:$0x3FAB]  }
0x2a: {  	p0 =	seq.s32 s5, $0x0;
	s5 =	sld [smem:$0x3FAC]  }
0x2b: {  	s6 =	sld [smem:$0x3FAD]  }
0x2c: {  	s7 =	sld [smem:$0x3FAE]  }
0x2d: {  	s3 =	simm.s32 $0x108;
	s8 =	sld [smem:$0x3FAF]  }
0x2e: {  	s3 =	simm.s32 @!p0 $0x1082;
	s9 =	sld [smem:$0x3FB0]  }
0x2f: {  	lr =	sadd.s32 s0, s3;
	s0 =	sld [smem:$0x3FA7]  }
0x30: {  	s3 =	sld [smem:$0x3FAA]  }
0x31: {  	[smem:$0x3FB3] =	sst s10  }
0x32: {  	s10 =	sld [smem:$0x3FB1];
	_ =	sdelay $0x3  }
0x33: {  	p0 =	seq.s32 s10, $0x1;
	s10 =	sld [smem:$0x3FB3];
	_ =	sdelay $0x3  }
0x34: {  	[smem:$0x3FB3] =	sst s10  }
0x35: {  	s10 =	sld [smem:$0x3FB2];
	_ =	sdelay $0x3  }
0x36: {  	p1 =	seq.s32 s10, $0x1;
	s10 =	sld [smem:$0x3FB3];
	_ =	sdelay $0x3  }
0x37: {  	[smem:$0x3FB3] =	sst s10  }
0x38: {  	s10 =	sld [smem:$0x3FB4]  }
0x39: {  	_ = 	snop;
	(pc) =	sbr.ind lr, $3  }
0x3a: {  	_ = 	snop  }
0x3b: {  	_ = 	snop  }
0x3c: {  	p2 =	seq.s32 s10, $0x1;
	s10 =	sld [smem:$0x3FB3]  }
0x3d: {  	_ =	shalt  }
0x3e: {  	_ =	shalt  }
0x3f: {  	_ =	shalt  }
0x40: {  	_ =	shalt  }
0x41: {  	_ =	shalt  }
0x42: {  	_ =	shalt  }
0x43: {  	_ =	shalt  }
0x44: {  	_ =	shalt  }
0x45: {  	_ =	shalt  }
0x46: {  	_ =	shalt  }
0x47: {  	_ =	shalt  }
0x48: {  	_ =	shalt  }
0x49: {  	_ =	shalt  }
0x4a: {  	_ =	shalt  }
0x4b: {  	_ =	shalt  }
0x4c: {  	_ =	shalt  }
0x4d: {  	_ =	shalt  }
0x4e: {  	_ =	shalt  }
0x4f: {  	_ =	shalt  }
0x50: {  	_ =	shalt  }
0x51: {  	_ =	shalt  }
0x52: {  	_ =	shalt  }
0x53: {  	_ =	shalt  }
0x54: {  	_ =	shalt  }
0x55: {  	_ =	shalt  }
0x56: {  	_ =	shalt  }
0x57: {  	_ =	shalt  }
0x58: {  	_ =	shalt  }
0x59: {  	_ =	shalt  }
0x5a: {  	_ =	shalt  }
0x5b: {  	_ =	shalt  }
0x5c: {  	_ =	shalt  }
0x5d: {  	_ =	shalt  }
0x5e: {  	_ =	shalt  }
0x5f: {  	_ =	shalt  }
0x60: {  	_ =	shalt  }
0x61: {  	_ =	shalt  }
0x62: {  	_ =	shalt  }
0x63: {  	_ =	shalt  }
0x64: {  	_ =	shalt  }
0x65: {  	_ =	shalt  }
0x66: {  	_ =	shalt  }
0x67: {  	_ =	shalt  }
0x68: {  	_ =	shalt  }
0x69: {  	_ =	shalt  }
0x6a: {  	_ =	shalt  }
0x6b: {  	_ =	shalt  }
0x6c: {  	_ =	shalt  }
0x6d: {  	_ =	shalt  }
0x6e: {  	_ =	shalt  }
0x6f: {  	_ =	shalt  }
0x70: {  	_ =	shalt  }
0x71: {  	_ =	shalt  }
0x72: {  	_ =	shalt  }
0x73: {  	_ =	shalt  }
0x74: {  	_ =	shalt  }
0x75: {  	_ =	shalt  }
0x76: {  	_ =	shalt  }
0x77: {  	_ =	shalt  }
0x78: {  	_ =	shalt  }
0x79: {  	_ =	shalt  }
0x7a: {  	_ =	shalt  }
0x7b: {  	_ =	shalt  }
0x7c: {  	_ =	shalt  }
0x7d: {  	_ =	shalt  }
0x7e: {  	_ =	shalt  }
0x7f: {  	_ =	shalt  }
0x80: {  	_ =	shalt  }
0x81: {  	_ =	shalt  }
0x82: {  	_ =	shalt  }
0x83: {  	_ =	shalt  }
0x84: {  	_ =	shalt  }
0x85: {  	_ =	shalt  }
0x86: {  	_ =	shalt  }
0x87: {  	_ =	shalt  }
.Lfunc_end0:
.L_simem_size_0:
called_computation.1_lowered:
.L_overlay_start_0:
0x88: {  	s2 =	sld [smem:$0x3FD9]  }
0x89: {  	s3 =	sld [smem:$0x3FFE];
	_ =	sdelay $0x1  }
0x8a: {  	s1 =	srdreg.scid  }
0x8b: {  	s0 =	sand.u32 $0x1, s1  }
0x8c: {  	s17 =	sshll.u32 s0, $0xA;
	s2 =	sadd.s32 s3, s2  }
0x8d: {  	s2 =	sadd.s32 s2, s17  }
0x8e: {  	[smem:$0x3FBF] =	sst s2  }
0x8f: {  	_ = 	snop  }
0x90: {  	s18 =	sld [smem:$0x3FD0];
	(tm) =	ssettm $0x1  }
0x91: {  	s19 =	sld [smem:$0x3FFB];
	_ =	sdelay $0x3  }
0x92: {  	_ =	strace s19  }
0x93: {  	s2 =	sld [smem:$0x3FFC];
	_ =	sdelay $0x3  }
0x94: {  	_ =	strace s2  }
0x95: {  	s2 =	sld [smem:$0x3FFD];
	_ =	sdelay $0x3  }
0x96: {  	_ =	strace s2  }
0x97: {  	_ =	strace $0x8FFFFFFF  }
0x98: {  	s20 =	sld [smem:$0x3FDB];
	_ =	sdelay $0x1  }
0x99: {  	s4 =	simm.s32 $_scs_section_size  }
0x9a: {  	s5 =	simm.s32 $_size__tile_overlayer_lowered;
	s6 =	simm.s32 $_tile_overlayer_lowered  }
0x9b: {  	s7 =	simm.s32 $0x1BFF;
	s21 =	sshll.u32 s6, $0x1;
	s4 =	sadd.s32 s4, s20  }
0x9c: {  	s22 =	simm.s32 $0x0;
	s5 =	sshll.u32 s5, $0x1;
	s6 =	sadd.s32 s21, s4  }
0x9d: {  	[timem:s22], [sflag:s7] =	dma.local [hbm:s6], s5  }
0x9e: {  	_ =	swait.ge [sflag:s7], s5  }
0x9f: {  	s5 =	ssub.s32 $0x0, s5;
	[sflag:s7] =	ssyncset.done $0x0  }
0xa0: {  	[sflag:s7] =	ssyncadd.s32 s5;
	_ =	sdelay $0x1  }
0xa1: {  	s23 =	simm.s32 $0x1B8B  }
0xa2: {  	_ =	swait.ge [sflag:s23], $0x1  }
0xa3: {  	[sflag:s23] =	ssyncset.done $0x0  }
0xa4: {  	[sflag:s23] =	ssyncadd.s32 $0xFFFFFFFF  }
0xa5: {  	s5 =	sld [smem:$0x0]  }
0xa6: {  	s6 =	sand.u32 $0xFFFFFFFE, s1  }
0xa7: {  	p0 =	sne.s32 s1, s6  }
0xa8: {  	s6 =	sshll.u32 @p0 s6, $0xE  }
0xa9: {  	s6 =	sadd.s32 @p0 $0x11B8D, s6;
	s7 =	sshll.u32 @p0 s5, $0x11  }
0xaa: {  	s6 =	sor.u32 @p0 s7, s6  }
0xab: {  	[sflag:s6] =	ssyncadd.remote.s32 @p0 $0x1;
	_ =	sdelay $0x1  }
0xac: {  	s6 =	simm.s32 @p0 $0x1B8D  }
0xad: {  	_ =	swait.eq @p0 [sflag:s6], $0x1  }
0xae: {  	[sflag:s6] =	ssyncadd.s32 @p0 $0xFFFFFFFF  }
0xaf: {  	s7 =	sshll.u32 @!p0 s1, $0xE  }
0xb0: {  	s7 =	sor.u32 @!p0 $0x4000, s7;
	s6 =	simm.s32 @!p0 $0x1B8D  }
0xb1: {  	s5 =	sshll.u32 @!p0 s5, $0x11;
	s7 =	sadd.s32 @!p0 $0x11B8D, s7;
	_ =	swait.eq @!p0 [sflag:s6], $0x1  }
0xb2: {  	s5 =	sor.u32 @!p0 s5, s7;
	[sflag:s6] =	ssyncadd.s32 @!p0 $0xFFFFFFFF  }
0xb3: {  	s25 =	simm.s32 $0x1B8E;
	s24 =	sld [smem:$0x3FFE];
	[sflag:s5] =	ssyncadd.remote.s32 @!p0 $0x1  }
0xb4: {  	s26 =	simm.s32 $execute0_lowered;
	[smem:$0x3FD2] =	sst s25  }
0xb5: {  	s6 =	sshll.u32 s26, $0x1;
	_ =	strace $0x80000049;
	[dreg:$0x1] =	wrdreg $0xFFFFFFFF  }
0xb6: {  	s28 =	simm.s32 $_size_execute0_lowered;
	s4 =	sadd.s32 s4, s6;
	[dreg:$0x0] =	wrdreg $0x0  }
0xb7: {  	s6 =	sshll.u32 s28, $0x1;
	[dreg:$0x2] =	wrdreg s4  }
0xb8: {  	[dreg:$0x3] =	wrdreg s6  }
0xb9: {  	[dreg:$0x4] =	wrdreg $0xC0  }
0xba: {  	_ =	task [dreg:s22], $0x5FFFF  }
0xbb: {  	[dreg:$0x1] =	wrdreg $0xFFFFFFFF  }
0xbc: {  	[dreg:$0x0] =	wrdreg $0x60  }
0xbd: {  	[dreg:$0x2] =	wrdreg s24  }
0xbe: {  	[dreg:$0x3] =	wrdreg s18  }
0xbf: {  	[dreg:$0x4] =	wrdreg $0x0  }
0xc0: {  	[dreg:$0x5] =	wrdreg $0xA  }
0xc1: {  	_ =	task.clear_ibuf [dreg:s22], $0x6FFFF;
	_ =	strace $0x90000049  }
0xc2: {  	s29 =	simm.s32 $0xA;
	_ =	strace $0x8000004B  }
0xc3: {  	_ =	swait.ge [sflag:s29], $0x1  }
0xc4: {  	[sflag:s29] =	ssyncadd.s32 $0xFFFFFFFF  }
0xc5: {  	_ =	strace $0x9000004B  }
0xc6: {  	_ =	sfence  }
0xc7: {  	s30 =	sld [smem:$0x0];
	_ =	sdelay $0x2  }
0xc8: {  	s31 =	sshll.u32 s1, $0xD;
	s1 =	sshrl.u32 s1, $0x2  }
0xc9: {  	s4 =	sand.u32 $0x4000, s31;
	s1 =	sadd.s32 s1, s30  }
0xca: {  	s0 =	sor.u32 s4, s0;
	s1 =	sshll.u32 s1, $0x11  }
0xcb: {  	s0 =	sor.u32 s1, s0  }
0xcc: {  	s0 =	sadd.s32 $0x8F2B, s0  }
0xcd: {  	[sflag:s0] =	ssyncadd.remote.s32 $0x1  }
0xce: {  	_ =	sfence.sel $0xFFFF  }
0xcf: {  	[dreg:$0x0] =	wrdreg $0xFFFFFFFF;
	(pc) =	sbr.abs _section_cstart, $3  }
0xd0: {  	[dreg:$0x1] =	wrdreg $0xFFFFFFFF  }
0xd1: {  	_ =	task.clear_ibuf [dreg:s22], $0x2FFFF;
	_ =	strace $0x9FFFFFFF  }
0xd2: {  	(tm) =	ssettm $0x7FFFFFFF  }
0xd3: {  	_ =	shalt  }
tec
execute0_lowered:
.L_overlay_start_1:
0x0: {  	(tag) =	ssettag $0x1  }
0x1: {  	s2 =	rddreg [dreg:$0x0]  }
0x2: {  	s0 =	rddreg [dreg:$0x1]  }
0x3: {  	s20 =	rddreg [dreg:$0x2]  }
0x4: {  	s26 =	rddreg [dreg:$0x3]  }
0x5: {  	s1 =	simm.s32 $0x0;
	s3 =	srdreg.scid;
	s5 =	stileid.u32  }
0x6: {  	p1 =	por $0x0, $0x0;
	[smem:$0x7FF] =	sst s1;
	s3 =	sand.u32 $0x1, s3  }
0x7: {  	s6 =	sadd.s32 $0x1C9000, s2;
	s4 =	sadd.s32 $0x28C800, s2;
	s10 =	sand.u32 $0x3, s5  }
0x8: {  	s25 =	sshll.u32 s5, $0xA;
	s28 =	sadd.s32 $0x61C00, s20;
	p0 =	sne.s32 s5, $0x0  }
0x9: {  	_ =	strace $0x8000004A;
	s7 =	ssub.s32 $0x2, s3;
	s9 =	smul.u32 $0x61C00, s3  }
0xa: {  	s24 =	sshll.u32 s3, $0x2;
	s13 =	smul.u32 $0x30E000, s3;
	s14 =	sshll.u32 s3, $0x5  }
0xb: {  	[dreg:$0x5] =	wrdreg s28;
	s16 =	sshllo.u32 s3, $0x2;
	s3 =	sshll.u32 s3, $0x10  }
0xc: {  	s8 =	sshrl.u32 s7, $0x1;
	s11 =	sor.u32 $0x2, s24;
	s15 =	sor.u32 s10, s14  }
0xd: {  	s17 =	sshll.u32 s16, $0xE;
	s23 =	sor.u32 s5, s14;
	s5 =	simm.s32 $0x8  }
0xe: {  	s7 =	ssub.s32 s7, s8;
	s9 =	sadd.s32 s6, s9;
	s8 =	sand.u32 $0x3000, s25  }
0xf: {  	s12 =	sshll.u32 s11, $0xE;
	s13 =	sshrl.u32 s13, $0x3;
	s28 =	smul.u32 $0x18700, s11  }
0x10: {  	s29 =	sshll.u32 s15, $0xE;
	s24 =	sshll.u32 s23, $0xE;
	s14 =	smul.u32 $0xC3800, s11  }
0x11: {  	s11 =	sshll.u32 s11, $0x11;
	[dreg:$0x4] =	wrdreg s9;
	s12 =	sor.u32 s8, s12  }
0x12: {  	s13 =	sadd.s32 s6, s13;
	s9 =	sor.u32 s8, s29;
	s19 =	sor.u32 s8, s17  }
0x13: {  	s29 =	smul.u32 $0x61C00, s10;
	s10 =	sshll.u32 s10, $0xE;
	s30 =	sadd.s32 $0xC380, s13  }
0x14: {  	s31 =	sshrl.u32 s9, $0x3;
	s18 =	sadd.s32 $0x18700, s13;
	s9 =	sadd.s32 $0x28E800, s2  }
0x15: {  	s2 =	sshrl.u32 s19, $0x3;
	s12 =	sshrl.u32 s12, $0x3;
	s22 =	sadd.s32 $0x24A80, s13  }
0x16: {  	s11 =	sor.u32 s10, s11;
	s19 =	smul.u32 $0x18700, s16;
	[dreg:$0x6] =	wrdreg s30  }
0x17: {  	s13 =	simm.s32 $0x5;
	[dreg:$0x7] =	wrdreg s18;
	s21 =	sadd.s32 s31, s9  }
0x18: {  	s2 =	sadd.s32 s0, s2;
	[dreg:$0xa] =	wrdreg s22;
	s30 =	sadd.s32 s6, s28  }
0x19: {  	s18 =	sor.u32 s8, s11;
	s22 =	sshrl.u32 s29, $0x2;
	[dreg:$0x8] =	wrdreg s21  }
0x1a: {  	[dreg:$0x9] =	wrdreg s2;
	s21 =	sadd.s32 s4, s31;
	s2 =	sor.u32 s8, s24  }
0x1b: {  	[dreg:$0xc] =	wrdreg s30;
	s31 =	sor.u32 s8, s3;
	s11 =	sshrl.u32 s18, $0x3  }
0x1c: {  	s24 =	smul.u32 $0xC3800, s16;
	s18 =	simm.s32 $0x3;
	s25 =	sadd.s32 $0x4000, s21  }
0x1d: {  	s2 =	sshrl.u32 s2, $0x3;
	s3 =	sadd.s32 $0x10000, s31;
	s23 =	sadd.s32 s4, s11  }
0x1e: {  	s11 =	sadd.s32 s11, s9;
	s28 =	sadd.s32 $0x14000, s31;
	[dreg:$0xb] =	wrdreg s25  }
0x1f: {  	s31 =	smax.u32 s7, $0x1;
	s7 =	simm.s32 $0xF380;
	[dreg:$0x10] =	wrdreg s23  }
0x20: {  	s2 =	sor.u32 $0x6000, s2;
	s25 =	sshll.u32 s16, $0x11;
	[dreg:$0x12] =	wrdreg s11  }
0x21: {  	s11 =	sshrl.u32 s28, $0x3;
	s16 =	simm.s32 $0x4;
	s23 =	simm.s32 @p0 $0x0  }
0x22: {  	s2 =	sadd.s32 s4, s2;
	s10 =	sor.u32 s10, s25;
	s15 =	sadd.s32 s0, s11  }
0x23: {  	s11 =	simm.s32 $0xD380;
	s25 =	sadd.s32 $0xFFFFFFFF, s31;
	[dreg:$0xd] =	wrdreg s2  }
0x24: {  	s2 =	sshrl.u32 s3, $0x3;
	s3 =	sshrl.u32 s14, $0x3;
	s14 =	sadd.s32 s6, s19  }
0x25: {  	s8 =	sor.u32 s8, s10;
	p2 =	sne.s32 s25, $0x0;
	s19 =	simm.s32 @!p0 $0x1C01  }
0x26: {  	s2 =	sadd.s32 s0, s2;
	s17 =	sadd.s32 s6, s3;
	s3 =	sadd.s32 s22, s20  }
0x27: {  	s22 =	sadd.s32 s0, s12;
	[dreg:$0x11] =	wrdreg s14;
	s12 =	sshrl.u32 s24, $0x3  }
0x28: {  	s30 =	sshrl.u32 s8, $0x3;
	s8 =	simm.s32 $0x7;
	s24 =	simm.s32 @p0 $0xC380  }
.Ltmp0:
0x29: {  	s20 =	sshrl.u32 @!p0 s20, $0x3;
	s0 =	rddreg [dreg:$0x4];
	(pc) =	sbr.rel @!p2 .LBB2_5-.Ltmp0, $4  }
0x2a: {  	[dreg:$0xe] =	wrdreg s2;
	s2 =	sadd.s32 $0xC380, s17;
	s29 =	sadd.s32 s6, s12  }
0x2b: {  	s14 =	sadd.s32 s4, s30;
	s4 =	sadd.s32 s30, s9;
	s6 =	simm.s32 $0x1000  }
0x2c: {  	s17 =	simm.s32 $0xC380;
	s12 =	simm.s32 $0xE380;
	s9 =	simm.s32 $0x6  }
0x2d: {  	[dreg:$0xf] =	wrdreg s2;
	s2 =	sadd.s32 $0x61C00, s3;
	s10 =	sadd.s32 $0xC380, s29  }
0x2e: {  	[tilespmem:s24], [sflag:$0x3] =	stream.linear.gather @p0 [hbm4b:s22+s23], $0x1000, $0x38;
	[tilespmem:$0x10380] =	vst v63  }
0x2f: {  	[spmem:s20], [sflag:s19] =	dma.local @!p0 [hbm:s0], $0xC380  }
0x30: {  	[dreg:$0x14] =	wrdreg s25  }
0x31: {  	[dreg:$0x13] =	wrdreg s4  }
0x32: {  	s28 =	simm.s32 @!p0 $0x1C02;
	s0 =	rddreg [dreg:$0x5]  }
0x33: {  	s25 =	simm.s32 @!p0 $0x0;
	s4 =	simm.s32 @!p0 $0xC380;
	s30 =	rddreg [dreg:$0x6]  }
0x34: {  	[tilespmem:s4], [sflag:$0x3] =	stream.linear.gather @!p0 [hbm4b:s22+s25], $0x1000, $0x38;
	[tilespmem:$0x10380] =	vst v63  }
0x35: {  	s29 =	simm.s32 @!p0 $0x1;
	s4 =	rddreg [dreg:$0x13];
	s25 =	sshrl.u32 @!p0 s0, $0x3  }
0x36: {  	[spmem:s25], [sflag:s28] =	dma.local @!p0 [hbm:s30], $0xC380  }
0x37: {  	_ =	swait.ge @!p0 [sflag:s29], $0xC380  }
0x38: {  	[sflag:s29] =	ssyncset.done @!p0 $0x0  }
0x39: {  	[sflag:s29] =	ssyncadd.s32 @!p0 $0xFFFF3C80  }
0x3a: {  	_ =	swait.ge [sflag:s18], $0x1000  }
0x3b: {  	[sflag:s18] =	ssyncset.done $0x0  }
0x3c: {  	[sflag:s18] =	ssyncadd.s32 $0xFFFFF000  }
0x3d: {  	[bflag:$0x0] =	sbarrier.arrive $0xFFFF  }
0x3e: {  	[tilespmem:s12], [sflag:$0x5] =	stream.indirect.gather [spmem:s3], $0x1, s17, s6, $0xb8;
	[tilespmem:$0x10380] =	vst v63  }
0x3f: {  	_ =	swait.ge [sflag:s13], $0x1000  }
0x40: {  	[sflag:s13] =	ssyncset.done $0x0  }
0x41: {  	[sflag:s13] =	ssyncadd.s32 $0xFFFFF000  }
0x42: {  	[hbm4b:s21+s1] =	stream.linear.scatter [tilespmem:s12], [sflag:$0x7], $0x1000, $0x38;
	[tilespmem:$0x10380] =	vst v63  }
0x43: {  	[bflag:$0x0] =	sbarrier.arrive $0xFFFF  }
0x44: {  	s30 =	simm.s32 @!p0 $0x2;
	s0 =	rddreg [dreg:$0x7]  }
0x45: {  	[spmem:s20], [sflag:s19] =	dma.local @!p0 [hbm:s0], $0xC380  }
0x46: {  	_ =	swait.ge @!p0 [sflag:s30], $0xC380  }
0x47: {  	[sflag:s30] =	ssyncset.done @!p0 $0x0  }
0x48: {  	[sflag:s30] =	ssyncadd.s32 @!p0 $0xFFFF3C80  }
0x49: {  	[bflag:$0x0] =	sbarrier.arrive $0xFFFF  }
0x4a: {  	[tilespmem:s7], [sflag:$0x6] =	stream.indirect.gather [spmem:s2], $0x1, s17, s6, $0xb8;
	[tilespmem:$0x10380] =	vst v63  }
0x4b: {  	_ =	swait.ge [sflag:s9], $0x1000  }
0x4c: {  	[sflag:s9] =	ssyncset.done $0x0  }
0x4d: {  	s31 =	rddreg [dreg:$0x8];
	[sflag:s9] =	ssyncadd.s32 $0xFFFFF000  }
0x4e: {  	[hbm4b:s31+s1] =	stream.linear.scatter [tilespmem:s7], [sflag:$0x8], $0x1000, $0x38;
	[tilespmem:$0x10380] =	vst v63  }
0x4f: {  	s26 =	rddreg [dreg:$0x9]  }
0x50: {  	[tilespmem:s11], [sflag:$0x4] =	stream.linear.gather [hbm4b:s26+s1], $0x1000, $0x38;
	[tilespmem:$0x10380] =	vst v63  }
0x51: {  	[bflag:$0x0] =	sbarrier.arrive $0xFFFF  }
0x52: {  	s0 =	rddreg [dreg:$0xa]  }
0x53: {  	[spmem:s25], [sflag:s28] =	dma.local @!p0 [hbm:s0], $0xC380  }
0x54: {  	_ =	swait.ge @!p0 [sflag:s29], $0xC380  }
0x55: {  	[sflag:s29] =	ssyncset.done @!p0 $0x0  }
0x56: {  	[sflag:s29] =	ssyncadd.s32 @!p0 $0xFFFF3C80  }
0x57: {  	_ =	swait.ge [sflag:s16], $0x1000  }
0x58: {  	[sflag:s16] =	ssyncset.done $0x0  }
0x59: {  	[sflag:s16] =	ssyncadd.s32 $0xFFFFF000  }
0x5a: {  	[bflag:$0x0] =	sbarrier.arrive $0xFFFF  }
0x5b: {  	_ =	swait.ge [sflag:s8], $0x1000  }
0x5c: {  	[sflag:s8] =	ssyncset.done $0x0  }
0x5d: {  	[sflag:s8] =	ssyncadd.s32 $0xFFFFF000  }
0x5e: {  	[tilespmem:s12], [sflag:$0x5] =	stream.indirect.gather [spmem:s3], $0x1, s11, s6, $0xb8;
	[tilespmem:$0x10380] =	vst v63  }
0x5f: {  	_ =	swait.ge [sflag:s13], $0x1000  }
0x60: {  	[sflag:s13] =	ssyncset.done $0x0  }
0x61: {  	s26 =	rddreg [dreg:$0xb];
	[sflag:s13] =	ssyncadd.s32 $0xFFFFF000  }
0x62: {  	[hbm4b:s26+s1] =	stream.linear.scatter [tilespmem:s12], [sflag:$0x7], $0x1000, $0x38;
	[tilespmem:$0x10380] =	vst v63  }
0x63: {  	[bflag:$0x0] =	sbarrier.arrive $0xFFFF  }
0x64: {  	s0 =	rddreg [dreg:$0xc]  }
0x65: {  	[spmem:s20], [sflag:s19] =	dma.local @!p0 [hbm:s0], $0xC380  }
0x66: {  	_ =	swait.ge @!p0 [sflag:s30], $0xC380  }
0x67: {  	[sflag:s30] =	ssyncset.done @!p0 $0x0  }
0x68: {  	[sflag:s30] =	ssyncadd.s32 @!p0 $0xFFFF3C80  }
0x69: {  	[bflag:$0x0] =	sbarrier.arrive $0xFFFF  }
0x6a: {  	_ =	swait.ge [sflag:s5], $0x1000  }
0x6b: {  	[sflag:s5] =	ssyncset.done $0x0  }
0x6c: {  	[sflag:s5] =	ssyncadd.s32 $0xFFFFF000  }
0x6d: {  	[tilespmem:s7], [sflag:$0x6] =	stream.indirect.gather [spmem:s2], $0x1, s11, s6, $0xb8;
	[tilespmem:$0x10380] =	vst v63  }
0x6e: {  	_ =	swait.ge [sflag:s9], $0x1000  }
0x6f: {  	[sflag:s9] =	ssyncset.done $0x0  }
0x70: {  	s26 =	rddreg [dreg:$0xd];
	[sflag:s9] =	ssyncadd.s32 $0xFFFFF000  }
0x71: {  	[hbm4b:s26+s1] =	stream.linear.scatter [tilespmem:s7], [sflag:$0x8], $0x1000, $0x38;
	[tilespmem:$0x10380] =	vst v63  }
0x72: {  	s31 =	rddreg [dreg:$0xe]  }
0x73: {  	[tilespmem:s17], [sflag:$0x3] =	stream.linear.gather [hbm4b:s31+s1], $0x1000, $0x38;
	[tilespmem:$0x10380] =	vst v63  }
0x74: {  	[bflag:$0x0] =	sbarrier.arrive $0xFFFF  }
0x75: {  	s0 =	rddreg [dreg:$0xf]  }
0x76: {  	[spmem:s25], [sflag:s28] =	dma.local @!p0 [hbm:s0], $0xC380  }
0x77: {  	_ =	swait.ge @!p0 [sflag:s29], $0xC380  }
0x78: {  	[sflag:s29] =	ssyncset.done @!p0 $0x0  }
0x79: {  	[sflag:s29] =	ssyncadd.s32 @!p0 $0xFFFF3C80  }
0x7a: {  	_ =	swait.ge [sflag:s18], $0x1000  }
0x7b: {  	[sflag:s18] =	ssyncset.done $0x0  }
0x7c: {  	[sflag:s18] =	ssyncadd.s32 $0xFFFFF000  }
0x7d: {  	[bflag:$0x0] =	sbarrier.arrive $0xFFFF  }
0x7e: {  	_ =	swait.ge [sflag:s8], $0x1000  }
0x7f: {  	[sflag:s8] =	ssyncset.done $0x0  }
0x80: {  	[sflag:s8] =	ssyncadd.s32 $0xFFFFF000  }
0x81: {  	[tilespmem:s12], [sflag:$0x5] =	stream.indirect.gather [spmem:s3], $0x1, s17, s6, $0xb8;
	[tilespmem:$0x10380] =	vst v63  }
0x82: {  	_ =	swait.ge [sflag:s13], $0x1000  }
0x83: {  	[sflag:s13] =	ssyncset.done $0x0  }
0x84: {  	s26 =	rddreg [dreg:$0x10];
	[sflag:s13] =	ssyncadd.s32 $0xFFFFF000  }
0x85: {  	[hbm4b:s26+s1] =	stream.linear.scatter [tilespmem:s12], [sflag:$0x7], $0x1000, $0x38;
	[tilespmem:$0x10380] =	vst v63  }
0x86: {  	[bflag:$0x0] =	sbarrier.arrive $0xFFFF  }
0x87: {  	s0 =	rddreg [dreg:$0x11]  }
0x88: {  	[spmem:s20], [sflag:s19] =	dma.local @!p0 [hbm:s0], $0xC380  }
0x89: {  	_ =	swait.ge @!p0 [sflag:s30], $0xC380  }
0x8a: {  	[sflag:s30] =	ssyncset.done @!p0 $0x0  }
0x8b: {  	[sflag:s30] =	ssyncadd.s32 @!p0 $0xFFFF3C80  }
0x8c: {  	[bflag:$0x0] =	sbarrier.arrive $0xFFFF  }
0x8d: {  	_ =	swait.ge [sflag:s5], $0x1000  }
0x8e: {  	[sflag:s5] =	ssyncset.done $0x0  }
0x8f: {  	[sflag:s5] =	ssyncadd.s32 $0xFFFFF000  }
0x90: {  	[tilespmem:s7], [sflag:$0x6] =	stream.indirect.gather [spmem:s2], $0x1, s17, s6, $0xb8;
	[tilespmem:$0x10380] =	vst v63  }
0x91: {  	_ =	swait.ge [sflag:s9], $0x1000  }
0x92: {  	[sflag:s9] =	ssyncset.done $0x0  }
0x93: {  	s26 =	rddreg [dreg:$0x12];
	[sflag:s9] =	ssyncadd.s32 $0xFFFFF000  }
0x94: {  	[hbm4b:s26+s1] =	stream.linear.scatter [tilespmem:s7], [sflag:$0x8], $0x1000, $0x38;
	[tilespmem:$0x10380] =	vst v63  }
0x95: {  	_ = 	snop  }
0x96: {  	[tilespmem:s11], [sflag:$0x4] =	stream.linear.gather [hbm4b:s15+s1], $0x1000, $0x38;
	[tilespmem:$0x10380] =	vst v63  }
0x97: {  	[bflag:$0x0] =	sbarrier.arrive $0xFFFF  }
0x98: {  	[spmem:s25], [sflag:s28] =	dma.local @!p0 [hbm:s10], $0xC380  }
0x99: {  	_ =	swait.ge @!p0 [sflag:s29], $0xC380  }
0x9a: {  	[sflag:s29] =	ssyncset.done @!p0 $0x0  }
0x9b: {  	[sflag:s29] =	ssyncadd.s32 @!p0 $0xFFFF3C80  }
0x9c: {  	_ =	swait.ge [sflag:s16], $0x1000  }
0x9d: {  	[sflag:s16] =	ssyncset.done $0x0  }
0x9e: {  	[sflag:s16] =	ssyncadd.s32 $0xFFFFF000  }
0x9f: {  	[bflag:$0x0] =	sbarrier.arrive $0xFFFF  }
0xa0: {  	_ =	swait.ge [sflag:s8], $0x1000  }
0xa1: {  	[sflag:s8] =	ssyncset.done $0x0  }
0xa2: {  	[sflag:s8] =	ssyncadd.s32 $0xFFFFF000  }
0xa3: {  	[tilespmem:s12], [sflag:$0x5] =	stream.indirect.gather [spmem:s3], $0x1, s11, s6, $0xb8;
	[tilespmem:$0x10380] =	vst v63  }
0xa4: {  	_ =	swait.ge [sflag:s13], $0x1000  }
0xa5: {  	[sflag:s13] =	ssyncset.done $0x0  }
0xa6: {  	[sflag:s13] =	ssyncadd.s32 $0xFFFFF000  }
0xa7: {  	[hbm4b:s14+s1] =	stream.linear.scatter [tilespmem:s12], [sflag:$0x7], $0x1000, $0x38;
	[tilespmem:$0x10380] =	vst v63  }
0xa8: {  	[bflag:$0x0] =	sbarrier.arrive $0xFFFF  }
0xa9: {  	_ =	swait.ge @!p0 [sflag:s30], $0xC380  }
0xaa: {  	[sflag:s30] =	ssyncset.done @!p0 $0x0  }
0xab: {  	[sflag:s30] =	ssyncadd.s32 @!p0 $0xFFFF3C80  }
0xac: {  	[bflag:$0x0] =	sbarrier.arrive $0xFFFF  }
0xad: {  	_ =	swait.ge [sflag:s5], $0x1000  }
0xae: {  	[sflag:s5] =	ssyncset.done $0x0  }
0xaf: {  	[sflag:s5] =	ssyncadd.s32 $0xFFFFF000  }
0xb0: {  	[tilespmem:s7], [sflag:$0x6] =	stream.indirect.gather [spmem:s2], $0x1, s11, s6, $0xb8;
	[tilespmem:$0x10380] =	vst v63  }
0xb1: {  	_ =	swait.ge [sflag:s9], $0x1000  }
0xb2: {  	[sflag:s9] =	ssyncset.done $0x0  }
0xb3: {  	[sflag:s9] =	ssyncadd.s32 $0xFFFFF000  }
0xb4: {  	[hbm4b:s4+s1] =	stream.linear.scatter [tilespmem:s7], [sflag:$0x8], $0x1000, $0x38;
	[tilespmem:$0x10380] =	vst v63  }
0xb5: {  	[bflag:$0x0] =	sbarrier.arrive $0xFFFF  }
0xb6: {  	_ =	swait.ge [sflag:s8], $0x1000  }
0xb7: {  	s26 =	rddreg [dreg:$0x14]  }
0xb8: {  	s31 =	sadd.s32 $0xFFFFFFFF, s26  }
0xb9: {  	p2 =	sne.s32 s31, $0x0  }
.Ltmp1:
0xba: {  	_ = 	snop;
	(pc) =	sbr.rel @!p2 .LBB2_2-.Ltmp1, $4  }
0xbb: {  	[sflag:s8] =	ssyncset.done $0x0  }
0xbc: {  	[sflag:s8] =	ssyncadd.s32 $0xFFFFF000  }
0xbd: {  	_ =	swait.ge [sflag:s5], $0x1000  }
0xbe: {  	p1 =	por $0x1, $0x1;
	s0 =	rddreg [dreg:$0x4];
	[sflag:s5] =	ssyncset.done $0x0  }
.LBB2_3:
0xbf: {  	[sflag:s5] =	ssyncadd.s32 $0xFFFFF000  }
0xc0: {  	[tilespmem:s24], [sflag:$0x3] =	stream.linear.gather @p0 [hbm4b:s22+s23], $0x1000, $0x38;
	[tilespmem:$0x10380] =	vst v63  }
0xc1: {  	[spmem:s20], [sflag:s19] =	dma.local @!p0 [hbm:s0], $0xC380  }
0xc2: {  	s25 =	simm.s32 @p0 $0x0;
	s4 =	simm.s32 @!p0 $0xC380;
	s0 =	rddreg [dreg:$0x5]  }
0xc3: {  	s23 =	smov.u32 s25;
	s25 =	simm.s32 @!p0 $0x0;
	s24 =	rddreg [dreg:$0x6]  }
0xc4: {  	[tilespmem:s4], [sflag:$0x3] =	stream.linear.gather @!p0 [hbm4b:s22+s25], $0x1000, $0x38;
	[tilespmem:$0x10380] =	vst v63  }
0xc5: {  	s4 =	rddreg [dreg:$0x13];
	s0 =	sshrl.u32 @!p0 s0, $0x3  }
0xc6: {  	[spmem:s0], [sflag:s28] =	dma.local @!p0 [hbm:s24], $0xC380  }
0xc7: {  	_ =	swait.ge @!p0 [sflag:s29], $0xC380  }
0xc8: {  	[sflag:s29] =	ssyncset.done @!p0 $0x0  }
0xc9: {  	[sflag:s29] =	ssyncadd.s32 @!p0 $0xFFFF3C80  }
0xca: {  	_ =	swait.ge [sflag:s18], $0x1000  }
0xcb: {  	[sflag:s18] =	ssyncset.done $0x0  }
0xcc: {  	[sflag:s18] =	ssyncadd.s32 $0xFFFFF000  }
0xcd: {  	[bflag:$0x0] =	sbarrier.arrive $0xFFFF  }
0xce: {  	[tilespmem:s12], [sflag:$0x5] =	stream.indirect.gather [spmem:s3], $0x1, s17, s6, $0xb8;
	[tilespmem:$0x10380] =	vst v63  }
0xcf: {  	_ =	swait.ge [sflag:s13], $0x1000  }
0xd0: {  	[sflag:s13] =	ssyncset.done $0x0  }
0xd1: {  	[sflag:s13] =	ssyncadd.s32 $0xFFFFF000  }
0xd2: {  	[hbm4b:s21+s1] =	stream.linear.scatter [tilespmem:s12], [sflag:$0x7], $0x1000, $0x38;
	[tilespmem:$0x10380] =	vst v63  }
0xd3: {  	[bflag:$0x0] =	sbarrier.arrive $0xFFFF  }
0xd4: {  	s25 =	rddreg [dreg:$0x7]  }
0xd5: {  	[spmem:s20], [sflag:s19] =	dma.local @!p0 [hbm:s25], $0xC380  }
0xd6: {  	_ =	swait.ge @!p0 [sflag:s30], $0xC380  }
0xd7: {  	[sflag:s30] =	ssyncset.done @!p0 $0x0  }
0xd8: {  	[sflag:s30] =	ssyncadd.s32 @!p0 $0xFFFF3C80  }
0xd9: {  	[bflag:$0x0] =	sbarrier.arrive $0xFFFF  }
0xda: {  	[tilespmem:s7], [sflag:$0x6] =	stream.indirect.gather [spmem:s2], $0x1, s17, s6, $0xb8;
	[tilespmem:$0x10380] =	vst v63  }
0xdb: {  	_ =	swait.ge [sflag:s9], $0x1000  }
0xdc: {  	[sflag:s9] =	ssyncset.done $0x0  }
0xdd: {  	s26 =	simm.s32 @p0 $0xC380;
	s25 =	rddreg [dreg:$0x8];
	[sflag:s9] =	ssyncadd.s32 $0xFFFFF000  }
0xde: {  	[hbm4b:s25+s1] =	stream.linear.scatter [tilespmem:s7], [sflag:$0x8], $0x1000, $0x38;
	[tilespmem:$0x10380] =	vst v63  }
0xdf: {  	s24 =	smov.u32 s26;
	s26 =	rddreg [dreg:$0x9]  }
0xe0: {  	[tilespmem:s11], [sflag:$0x4] =	stream.linear.gather [hbm4b:s26+s1], $0x1000, $0x38;
	[tilespmem:$0x10380] =	vst v63  }
0xe1: {  	[bflag:$0x0] =	sbarrier.arrive $0xFFFF  }
0xe2: {  	s25 =	rddreg [dreg:$0xa]  }
0xe3: {  	[spmem:s0], [sflag:s28] =	dma.local @!p0 [hbm:s25], $0xC380  }
0xe4: {  	_ =	swait.ge @!p0 [sflag:s29], $0xC380  }
0xe5: {  	[sflag:s29] =	ssyncset.done @!p0 $0x0  }
0xe6: {  	[sflag:s29] =	ssyncadd.s32 @!p0 $0xFFFF3C80  }
0xe7: {  	_ =	swait.ge [sflag:s16], $0x1000  }
0xe8: {  	[sflag:s16] =	ssyncset.done $0x0  }
0xe9: {  	[sflag:s16] =	ssyncadd.s32 $0xFFFFF000  }
0xea: {  	[bflag:$0x0] =	sbarrier.arrive $0xFFFF  }
0xeb: {  	_ =	swait.ge [sflag:s8], $0x1000  }
0xec: {  	[sflag:s8] =	ssyncset.done $0x0  }
0xed: {  	[sflag:s8] =	ssyncadd.s32 $0xFFFFF000  }
0xee: {  	[tilespmem:s12], [sflag:$0x5] =	stream.indirect.gather [spmem:s3], $0x1, s11, s6, $0xb8;
	[tilespmem:$0x10380] =	vst v63  }
0xef: {  	_ =	swait.ge [sflag:s13], $0x1000  }
0xf0: {  	[sflag:s13] =	ssyncset.done $0x0  }
0xf1: {  	s26 =	rddreg [dreg:$0xb];
	[sflag:s13] =	ssyncadd.s32 $0xFFFFF000  }
0xf2: {  	[hbm4b:s26+s1] =	stream.linear.scatter [tilespmem:s12], [sflag:$0x7], $0x1000, $0x38;
	[tilespmem:$0x10380] =	vst v63  }
0xf3: {  	[bflag:$0x0] =	sbarrier.arrive $0xFFFF  }
0xf4: {  	s25 =	rddreg [dreg:$0xc]  }
0xf5: {  	[spmem:s20], [sflag:s19] =	dma.local @!p0 [hbm:s25], $0xC380  }
0xf6: {  	_ =	swait.ge @!p0 [sflag:s30], $0xC380  }
0xf7: {  	[sflag:s30] =	ssyncset.done @!p0 $0x0  }
0xf8: {  	[sflag:s30] =	ssyncadd.s32 @!p0 $0xFFFF3C80  }
0xf9: {  	[bflag:$0x0] =	sbarrier.arrive $0xFFFF  }
0xfa: {  	_ =	swait.ge [sflag:s5], $0x1000  }
0xfb: {  	[sflag:s5] =	ssyncset.done $0x0  }
0xfc: {  	[sflag:s5] =	ssyncadd.s32 $0xFFFFF000  }
0xfd: {  	[tilespmem:s7], [sflag:$0x6] =	stream.indirect.gather [spmem:s2], $0x1, s11, s6, $0xb8;
	[tilespmem:$0x10380] =	vst v63  }
0xfe: {  	_ =	swait.ge [sflag:s9], $0x1000  }
0xff: {  	[sflag:s9] =	ssyncset.done $0x0  }
0x100: {  	s25 =	rddreg [dreg:$0xd];
	[sflag:s9] =	ssyncadd.s32 $0xFFFFF000  }
0x101: {  	[hbm4b:s25+s1] =	stream.linear.scatter [tilespmem:s7], [sflag:$0x8], $0x1000, $0x38;
	[tilespmem:$0x10380] =	vst v63  }
0x102: {  	s26 =	rddreg [dreg:$0xe]  }
0x103: {  	[tilespmem:s17], [sflag:$0x3] =	stream.linear.gather [hbm4b:s26+s1], $0x1000, $0x38;
	[tilespmem:$0x10380] =	vst v63  }
0x104: {  	[bflag:$0x0] =	sbarrier.arrive $0xFFFF  }
0x105: {  	s25 =	rddreg [dreg:$0xf]  }
0x106: {  	[spmem:s0], [sflag:s28] =	dma.local @!p0 [hbm:s25], $0xC380  }
0x107: {  	_ =	swait.ge @!p0 [sflag:s29], $0xC380  }
0x108: {  	[sflag:s29] =	ssyncset.done @!p0 $0x0  }
0x109: {  	[sflag:s29] =	ssyncadd.s32 @!p0 $0xFFFF3C80  }
0x10a: {  	_ =	swait.ge [sflag:s18], $0x1000  }
0x10b: {  	[sflag:s18] =	ssyncset.done $0x0  }
0x10c: {  	[sflag:s18] =	ssyncadd.s32 $0xFFFFF000  }
0x10d: {  	[bflag:$0x0] =	sbarrier.arrive $0xFFFF  }
0x10e: {  	_ =	swait.ge [sflag:s8], $0x1000  }
0x10f: {  	[sflag:s8] =	ssyncset.done $0x0  }
0x110: {  	[sflag:s8] =	ssyncadd.s32 $0xFFFFF000  }
0x111: {  	[tilespmem:s12], [sflag:$0x5] =	stream.indirect.gather [spmem:s3], $0x1, s17, s6, $0xb8;
	[tilespmem:$0x10380] =	vst v63  }
0x112: {  	_ =	swait.ge [sflag:s13], $0x1000  }
0x113: {  	[sflag:s13] =	ssyncset.done $0x0  }
0x114: {  	s26 =	rddreg [dreg:$0x10];
	[sflag:s13] =	ssyncadd.s32 $0xFFFFF000  }
0x115: {  	[hbm4b:s26+s1] =	stream.linear.scatter [tilespmem:s12], [sflag:$0x7], $0x1000, $0x38;
	[tilespmem:$0x10380] =	vst v63  }
0x116: {  	[bflag:$0x0] =	sbarrier.arrive $0xFFFF  }
0x117: {  	s25 =	rddreg [dreg:$0x11]  }
0x118: {  	[spmem:s20], [sflag:s19] =	dma.local @!p0 [hbm:s25], $0xC380  }
0x119: {  	_ =	swait.ge @!p0 [sflag:s30], $0xC380  }
0x11a: {  	[sflag:s30] =	ssyncset.done @!p0 $0x0  }
0x11b: {  	[sflag:s30] =	ssyncadd.s32 @!p0 $0xFFFF3C80  }
0x11c: {  	[bflag:$0x0] =	sbarrier.arrive $0xFFFF  }
0x11d: {  	_ =	swait.ge [sflag:s5], $0x1000  }
0x11e: {  	[sflag:s5] =	ssyncset.done $0x0  }
0x11f: {  	[sflag:s5] =	ssyncadd.s32 $0xFFFFF000  }
0x120: {  	[tilespmem:s7], [sflag:$0x6] =	stream.indirect.gather [spmem:s2], $0x1, s17, s6, $0xb8;
	[tilespmem:$0x10380] =	vst v63  }
0x121: {  	_ =	swait.ge [sflag:s9], $0x1000  }
0x122: {  	[sflag:s9] =	ssyncset.done $0x0  }
0x123: {  	s26 =	rddreg [dreg:$0x12];
	[sflag:s9] =	ssyncadd.s32 $0xFFFFF000  }
0x124: {  	[hbm4b:s26+s1] =	stream.linear.scatter [tilespmem:s7], [sflag:$0x8], $0x1000, $0x38;
	[tilespmem:$0x10380] =	vst v63  }
0x125: {  	_ = 	snop  }
0x126: {  	[tilespmem:s11], [sflag:$0x4] =	stream.linear.gather [hbm4b:s15+s1], $0x1000, $0x38;
	[tilespmem:$0x10380] =	vst v63  }
0x127: {  	[bflag:$0x0] =	sbarrier.arrive $0xFFFF  }
0x128: {  	[spmem:s0], [sflag:s28] =	dma.local @!p0 [hbm:s10], $0xC380  }
0x129: {  	_ =	swait.ge @!p0 [sflag:s29], $0xC380  }
0x12a: {  	[sflag:s29] =	ssyncset.done @!p0 $0x0  }
0x12b: {  	[sflag:s29] =	ssyncadd.s32 @!p0 $0xFFFF3C80  }
0x12c: {  	_ =	swait.ge [sflag:s16], $0x1000  }
0x12d: {  	[sflag:s16] =	ssyncset.done $0x0  }
0x12e: {  	[sflag:s16] =	ssyncadd.s32 $0xFFFFF000  }
0x12f: {  	[bflag:$0x0] =	sbarrier.arrive $0xFFFF  }
0x130: {  	_ =	swait.ge [sflag:s8], $0x1000  }
0x131: {  	[sflag:s8] =	ssyncset.done $0x0  }
0x132: {  	[sflag:s8] =	ssyncadd.s32 $0xFFFFF000  }
0x133: {  	[tilespmem:s12], [sflag:$0x5] =	stream.indirect.gather [spmem:s3], $0x1, s11, s6, $0xb8;
	[tilespmem:$0x10380] =	vst v63  }
0x134: {  	_ =	swait.ge [sflag:s13], $0x1000  }
0x135: {  	[sflag:s13] =	ssyncset.done $0x0  }
0x136: {  	[sflag:s13] =	ssyncadd.s32 $0xFFFFF000  }
0x137: {  	[hbm4b:s14+s1] =	stream.linear.scatter [tilespmem:s12], [sflag:$0x7], $0x1000, $0x38;
	[tilespmem:$0x10380] =	vst v63  }
0x138: {  	[bflag:$0x0] =	sbarrier.arrive $0xFFFF  }
0x139: {  	_ =	swait.ge @!p0 [sflag:s30], $0xC380  }
0x13a: {  	[sflag:s30] =	ssyncset.done @!p0 $0x0  }
0x13b: {  	[sflag:s30] =	ssyncadd.s32 @!p0 $0xFFFF3C80  }
0x13c: {  	[bflag:$0x0] =	sbarrier.arrive $0xFFFF  }
0x13d: {  	_ =	swait.ge [sflag:s5], $0x1000  }
0x13e: {  	[sflag:s5] =	ssyncset.done $0x0  }
0x13f: {  	[sflag:s5] =	ssyncadd.s32 $0xFFFFF000  }
0x140: {  	[tilespmem:s7], [sflag:$0x6] =	stream.indirect.gather [spmem:s2], $0x1, s11, s6, $0xb8;
	[tilespmem:$0x10380] =	vst v63  }
0x141: {  	_ =	swait.ge [sflag:s9], $0x1000  }
0x142: {  	[sflag:s9] =	ssyncset.done $0x0  }
0x143: {  	s31 =	sadd.s32 $0xFFFFFFFF, s31;
	[sflag:s9] =	ssyncadd.s32 $0xFFFFF000  }
0x144: {  	[hbm4b:s4+s1] =	stream.linear.scatter [tilespmem:s7], [sflag:$0x8], $0x1000, $0x38;
	[tilespmem:$0x10380] =	vst v63  }
0x145: {  	p2 =	sne.s32 s31, $0x0;
	[bflag:$0x0] =	sbarrier.arrive $0xFFFF  }
.Ltmp2:
0x146: {  	_ =	swait.ge [sflag:s8], $0x1000;
	(pc) =	sbr.rel @p2 .LBB2_3-.Ltmp2, $4  }
0x147: {  	[sflag:s8] =	ssyncset.done $0x0  }
0x148: {  	[sflag:s8] =	ssyncadd.s32 $0xFFFFF000  }
0x149: {  	_ =	swait.ge [sflag:s5], $0x1000  }
0x14a: {  	s0 =	rddreg [dreg:$0x4];
	[sflag:s5] =	ssyncset.done $0x0  }
0x14b: {  	s26 =	rddreg [dreg:$0x3]  }
.LBB2_5:
0x14c: {  	[sflag:s5] =	ssyncadd.s32 @p1 $0xFFFFF000  }
0x14d: {  	[tilespmem:s24], [sflag:$0x3] =	stream.linear.gather @p0 [hbm4b:s22+s23], $0x1000, $0x38;
	[tilespmem:$0x10380] =	vst v63  }
0x14e: {  	[spmem:s20], [sflag:s19] =	dma.local @!p0 [hbm:s0], $0xC380  }
0x14f: {  	s0 =	rddreg [dreg:$0x5]  }
0x150: {  	s23 =	simm.s32 @!p0 $0x0;
	s24 =	simm.s32 @!p0 $0xC380;
	s25 =	rddreg [dreg:$0x6]  }
0x151: {  	[tilespmem:s24], [sflag:$0x3] =	stream.linear.gather @!p0 [hbm4b:s22+s23], $0x1000, $0x38;
	[tilespmem:$0x10380] =	vst v63  }
0x152: {  	s23 =	simm.s32 @!p0 $0x1C02;
	s22 =	sshrl.u32 @!p0 s0, $0x3;
	s0 =	simm.s32 @!p0 $0x1  }
0x153: {  	[spmem:s22], [sflag:s23] =	dma.local @!p0 [hbm:s25], $0xC380  }
0x154: {  	_ =	swait.ge @!p0 [sflag:s0], $0xC380  }
0x155: {  	[sflag:s0] =	ssyncset.done @!p0 $0x0  }
0x156: {  	[sflag:s0] =	ssyncadd.s32 @!p0 $0xFFFF3C80  }
0x157: {  	_ =	swait.ge [sflag:s18], $0x1000  }
0x158: {  	[sflag:s18] =	ssyncset.done $0x0  }
0x159: {  	[sflag:s18] =	ssyncadd.s32 $0xFFFFF000  }
0x15a: {  	[bflag:$0x0] =	sbarrier.arrive $0xFFFF  }
0x15b: {  	[tilespmem:s12], [sflag:$0x5] =	stream.indirect.gather [spmem:s3], $0x1, s17, s6, $0xb8;
	[tilespmem:$0x10380] =	vst v63  }
0x15c: {  	_ =	swait.ge [sflag:s13], $0x1000  }
0x15d: {  	[sflag:s13] =	ssyncset.done $0x0  }
0x15e: {  	[sflag:s13] =	ssyncadd.s32 $0xFFFFF000  }
0x15f: {  	[hbm4b:s21+s1] =	stream.linear.scatter [tilespmem:s12], [sflag:$0x7], $0x1000, $0x38;
	[tilespmem:$0x10380] =	vst v63  }
0x160: {  	[bflag:$0x0] =	sbarrier.arrive $0xFFFF  }
0x161: {  	s21 =	simm.s32 @!p0 $0x2;
	s24 =	rddreg [dreg:$0x7]  }
0x162: {  	[spmem:s20], [sflag:s19] =	dma.local @!p0 [hbm:s24], $0xC380  }
0x163: {  	_ =	swait.ge @!p0 [sflag:s21], $0xC380  }
0x164: {  	[sflag:s21] =	ssyncset.done @!p0 $0x0  }
0x165: {  	[sflag:s21] =	ssyncadd.s32 @!p0 $0xFFFF3C80  }
0x166: {  	[bflag:$0x0] =	sbarrier.arrive $0xFFFF  }
0x167: {  	[tilespmem:s7], [sflag:$0x6] =	stream.indirect.gather [spmem:s2], $0x1, s17, s6, $0xb8;
	[tilespmem:$0x10380] =	vst v63  }
0x168: {  	_ =	swait.ge [sflag:s9], $0x1000  }
0x169: {  	[sflag:s9] =	ssyncset.done $0x0  }
0x16a: {  	s30 =	rddreg [dreg:$0x8];
	[sflag:s9] =	ssyncadd.s32 $0xFFFFF000  }
0x16b: {  	[hbm4b:s30+s1] =	stream.linear.scatter [tilespmem:s7], [sflag:$0x8], $0x1000, $0x38;
	[tilespmem:$0x10380] =	vst v63  }
0x16c: {  	s31 =	rddreg [dreg:$0x9]  }
0x16d: {  	[tilespmem:s11], [sflag:$0x4] =	stream.linear.gather [hbm4b:s31+s1], $0x1000, $0x38;
	[tilespmem:$0x10380] =	vst v63  }
0x16e: {  	[bflag:$0x0] =	sbarrier.arrive $0xFFFF  }
0x16f: {  	s24 =	rddreg [dreg:$0xa]  }
0x170: {  	[spmem:s22], [sflag:s23] =	dma.local @!p0 [hbm:s24], $0xC380  }
0x171: {  	_ =	swait.ge @!p0 [sflag:s0], $0xC380  }
0x172: {  	[sflag:s0] =	ssyncset.done @!p0 $0x0  }
0x173: {  	[sflag:s0] =	ssyncadd.s32 @!p0 $0xFFFF3C80  }
0x174: {  	_ =	swait.ge [sflag:s16], $0x1000  }
0x175: {  	[sflag:s16] =	ssyncset.done $0x0  }
0x176: {  	[sflag:s16] =	ssyncadd.s32 $0xFFFFF000  }
0x177: {  	[bflag:$0x0] =	sbarrier.arrive $0xFFFF  }
0x178: {  	_ =	swait.ge [sflag:s8], $0x1000  }
0x179: {  	[sflag:s8] =	ssyncset.done $0x0  }
0x17a: {  	[sflag:s8] =	ssyncadd.s32 $0xFFFFF000  }
0x17b: {  	[tilespmem:s12], [sflag:$0x5] =	stream.indirect.gather [spmem:s3], $0x1, s11, s6, $0xb8;
	[tilespmem:$0x10380] =	vst v63  }
0x17c: {  	_ =	swait.ge [sflag:s13], $0x1000  }
0x17d: {  	[sflag:s13] =	ssyncset.done $0x0  }
0x17e: {  	s25 =	rddreg [dreg:$0xb];
	[sflag:s13] =	ssyncadd.s32 $0xFFFFF000  }
0x17f: {  	[hbm4b:s25+s1] =	stream.linear.scatter [tilespmem:s12], [sflag:$0x7], $0x1000, $0x38;
	[tilespmem:$0x10380] =	vst v63  }
0x180: {  	[bflag:$0x0] =	sbarrier.arrive $0xFFFF  }
0x181: {  	s24 =	rddreg [dreg:$0xc]  }
0x182: {  	[spmem:s20], [sflag:s19] =	dma.local @!p0 [hbm:s24], $0xC380  }
0x183: {  	_ =	swait.ge @!p0 [sflag:s21], $0xC380  }
0x184: {  	[sflag:s21] =	ssyncset.done @!p0 $0x0  }
0x185: {  	[sflag:s21] =	ssyncadd.s32 @!p0 $0xFFFF3C80  }
0x186: {  	[bflag:$0x0] =	sbarrier.arrive $0xFFFF  }
0x187: {  	_ =	swait.ge [sflag:s5], $0x1000  }
0x188: {  	[sflag:s5] =	ssyncset.done $0x0  }
0x189: {  	[sflag:s5] =	ssyncadd.s32 $0xFFFFF000  }
0x18a: {  	[tilespmem:s7], [sflag:$0x6] =	stream.indirect.gather [spmem:s2], $0x1, s11, s6, $0xb8;
	[tilespmem:$0x10380] =	vst v63  }
0x18b: {  	_ =	swait.ge [sflag:s9], $0x1000  }
0x18c: {  	[sflag:s9] =	ssyncset.done $0x0  }
0x18d: {  	s28 =	rddreg [dreg:$0xd];
	[sflag:s9] =	ssyncadd.s32 $0xFFFFF000  }
0x18e: {  	[hbm4b:s28+s1] =	stream.linear.scatter [tilespmem:s7], [sflag:$0x8], $0x1000, $0x38;
	[tilespmem:$0x10380] =	vst v63  }
0x18f: {  	s29 =	rddreg [dreg:$0xe]  }
0x190: {  	[tilespmem:s17], [sflag:$0x3] =	stream.linear.gather [hbm4b:s29+s1], $0x1000, $0x38;
	[tilespmem:$0x10380] =	vst v63  }
0x191: {  	[bflag:$0x0] =	sbarrier.arrive $0xFFFF  }
0x192: {  	s24 =	rddreg [dreg:$0xf]  }
0x193: {  	[spmem:s22], [sflag:s23] =	dma.local @!p0 [hbm:s24], $0xC380  }
0x194: {  	_ =	swait.ge @!p0 [sflag:s0], $0xC380  }
0x195: {  	[sflag:s0] =	ssyncset.done @!p0 $0x0  }
0x196: {  	[sflag:s0] =	ssyncadd.s32 @!p0 $0xFFFF3C80  }
0x197: {  	_ =	swait.ge [sflag:s18], $0x1000  }
0x198: {  	[sflag:s18] =	ssyncset.done $0x0  }
0x199: {  	[sflag:s18] =	ssyncadd.s32 $0xFFFFF000  }
0x19a: {  	[bflag:$0x0] =	sbarrier.arrive $0xFFFF  }
0x19b: {  	_ =	swait.ge [sflag:s8], $0x1000  }
0x19c: {  	[sflag:s8] =	ssyncset.done $0x0  }
0x19d: {  	[sflag:s8] =	ssyncadd.s32 $0xFFFFF000  }
0x19e: {  	[tilespmem:s12], [sflag:$0x5] =	stream.indirect.gather [spmem:s3], $0x1, s17, s6, $0xb8;
	[tilespmem:$0x10380] =	vst v63  }
0x19f: {  	_ =	swait.ge [sflag:s13], $0x1000  }
0x1a0: {  	[sflag:s13] =	ssyncset.done $0x0  }
0x1a1: {  	s30 =	rddreg [dreg:$0x10];
	[sflag:s13] =	ssyncadd.s32 $0xFFFFF000  }
0x1a2: {  	[hbm4b:s30+s1] =	stream.linear.scatter [tilespmem:s12], [sflag:$0x7], $0x1000, $0x38;
	[tilespmem:$0x10380] =	vst v63  }
0x1a3: {  	[bflag:$0x0] =	sbarrier.arrive $0xFFFF  }
0x1a4: {  	s18 =	rddreg [dreg:$0x11]  }
0x1a5: {  	[spmem:s20], [sflag:s19] =	dma.local @!p0 [hbm:s18], $0xC380  }
0x1a6: {  	_ =	swait.ge @!p0 [sflag:s21], $0xC380  }
0x1a7: {  	[sflag:s21] =	ssyncset.done @!p0 $0x0  }
0x1a8: {  	[sflag:s21] =	ssyncadd.s32 @!p0 $0xFFFF3C80  }
0x1a9: {  	[bflag:$0x0] =	sbarrier.arrive $0xFFFF  }
0x1aa: {  	_ =	swait.ge [sflag:s5], $0x1000  }
0x1ab: {  	[sflag:s5] =	ssyncset.done $0x0  }
0x1ac: {  	[sflag:s5] =	ssyncadd.s32 $0xFFFFF000  }
0x1ad: {  	[tilespmem:s7], [sflag:$0x6] =	stream.indirect.gather [spmem:s2], $0x1, s17, s6, $0xb8;
	[tilespmem:$0x10380] =	vst v63  }
0x1ae: {  	_ =	swait.ge [sflag:s9], $0x1000  }
0x1af: {  	[sflag:s9] =	ssyncset.done $0x0  }
0x1b0: {  	s31 =	rddreg [dreg:$0x12];
	[sflag:s9] =	ssyncadd.s32 $0xFFFFF000  }
0x1b1: {  	[hbm4b:s31+s1] =	stream.linear.scatter [tilespmem:s7], [sflag:$0x8], $0x1000, $0x38;
	[tilespmem:$0x10380] =	vst v63  }
0x1b2: {  	_ = 	snop  }
0x1b3: {  	[tilespmem:s11], [sflag:$0x4] =	stream.linear.gather [hbm4b:s15+s1], $0x1000, $0x38;
	[tilespmem:$0x10380] =	vst v63  }
0x1b4: {  	[bflag:$0x0] =	sbarrier.arrive $0xFFFF  }
0x1b5: {  	[spmem:s22], [sflag:s23] =	dma.local @!p0 [hbm:s10], $0xC380  }
0x1b6: {  	_ =	swait.ge @!p0 [sflag:s0], $0xC380  }
0x1b7: {  	[sflag:s0] =	ssyncset.done @!p0 $0x0  }
0x1b8: {  	[sflag:s0] =	ssyncadd.s32 @!p0 $0xFFFF3C80  }
0x1b9: {  	_ =	swait.ge [sflag:s16], $0x1000  }
0x1ba: {  	[sflag:s16] =	ssyncset.done $0x0  }
0x1bb: {  	[sflag:s16] =	ssyncadd.s32 $0xFFFFF000  }
0x1bc: {  	[bflag:$0x0] =	sbarrier.arrive $0xFFFF  }
0x1bd: {  	_ =	swait.ge [sflag:s8], $0x1000  }
0x1be: {  	[sflag:s8] =	ssyncset.done $0x0  }
0x1bf: {  	[sflag:s8] =	ssyncadd.s32 $0xFFFFF000  }
0x1c0: {  	[tilespmem:s12], [sflag:$0x5] =	stream.indirect.gather [spmem:s3], $0x1, s11, s6, $0xb8;
	[tilespmem:$0x10380] =	vst v63  }
0x1c1: {  	_ =	swait.ge [sflag:s13], $0x1000  }
0x1c2: {  	[sflag:s13] =	ssyncset.done $0x0  }
0x1c3: {  	[sflag:s13] =	ssyncadd.s32 $0xFFFFF000  }
0x1c4: {  	[hbm4b:s14+s1] =	stream.linear.scatter [tilespmem:s12], [sflag:$0x7], $0x1000, $0x38;
	[tilespmem:$0x10380] =	vst v63  }
0x1c5: {  	[bflag:$0x0] =	sbarrier.arrive $0xFFFF  }
0x1c6: {  	_ =	swait.ge @!p0 [sflag:s21], $0xC380  }
0x1c7: {  	[sflag:s21] =	ssyncset.done @!p0 $0x0  }
0x1c8: {  	[sflag:s21] =	ssyncadd.s32 @!p0 $0xFFFF3C80  }
0x1c9: {  	[bflag:$0x0] =	sbarrier.arrive $0xFFFF  }
0x1ca: {  	_ =	swait.ge [sflag:s5], $0x1000  }
0x1cb: {  	[sflag:s5] =	ssyncset.done $0x0  }
0x1cc: {  	[sflag:s5] =	ssyncadd.s32 $0xFFFFF000  }
0x1cd: {  	[tilespmem:s7], [sflag:$0x6] =	stream.indirect.gather [spmem:s2], $0x1, s11, s6, $0xb8;
	[tilespmem:$0x10380] =	vst v63  }
0x1ce: {  	_ =	swait.ge [sflag:s9], $0x1000  }
0x1cf: {  	[sflag:s9] =	ssyncset.done $0x0  }
0x1d0: {  	[sflag:s9] =	ssyncadd.s32 $0xFFFFF000  }
0x1d1: {  	[hbm4b:s4+s1] =	stream.linear.scatter [tilespmem:s7], [sflag:$0x8], $0x1000, $0x38;
	[tilespmem:$0x10380] =	vst v63  }
0x1d2: {  	[bflag:$0x0] =	sbarrier.arrive $0xFFFF  }
0x1d3: {  	_ =	swait.ge [sflag:s8], $0x1000  }
0x1d4: {  	[sflag:s8] =	ssyncset.done $0x0  }
0x1d5: {  	[sflag:s8] =	ssyncadd.s32 $0xFFFFF000  }
0x1d6: {  	_ =	swait.ge [sflag:s5], $0x1000  }
0x1d7: {  	[sflag:s5] =	ssyncset.done $0x0  }
0x1d8: {  	[sflag:s5] =	ssyncadd.s32 $0xFFFFF000  }
0x1d9: {  	_ =	sfence.sel $0x180000  }
0x1da: {  	[bflag:$0x0] =	sbarrier.arrive $0xFFFF  }
0x1db: {  	_ =	strace $0x9000004A  }
0x1dc: {  	s0 =	sadd.s32 @!p0 $0x100000, s26;
	[bflag:$0x2] =	sbarrier.arrive $0xFFFF  }
0x1dd: {  	[sflag:s0] =	ssyncadd.tile.s32 @!p0 $0x1;
	_ =	shalt  }
.LBB2_2:
.Ltmp3:
0x1de: {  	(pc) =	sbr.rel .LBB2_5-.Ltmp3, $2  }
0x1df: {  	_ =	sdelay $0x2  }
0x1e0: {  	s26 =	rddreg [dreg:$0x3]  }
.Lfunc_end2:
_tile_overlayer_lowered:
.L_overlay_start_2:
0x1e1: {  	(tag) =	ssettag $0x2  }
0x1e2: {  	s0 =	rddreg [dreg:$0x0];
	s2 =	stileid.u32  }
0x1e3: {  	s1 =	rddreg [dreg:$0x1];
	p0 =	sne.s32 s2, $0x0  }
0x1e4: {  	s3 =	rddreg [dreg:$0x2];
	[bflag:$0x3] =	sbarrier.arrive $0xFFFF;
	s2 =	simm.s32 @!p0 $0x1C09  }
0x1e5: {  	[timem:s3], [sflag:s2] =	dma.local @!p0 [hbm:s0], s1  }
0x1e6: {  	s0 =	simm.s32 @!p0 $0x9  }
0x1e7: {  	_ =	swait.ge @!p0 [sflag:s0], s1  }
0x1e8: {  	s1 =	ssub.s32 @!p0 $0x0, s1;
	[sflag:s0] =	ssyncset.done @!p0 $0x0  }
0x1e9: {  	[sflag:s0] =	ssyncadd.s32 @!p0 s1  }
0x1ea: {  	[bflag:$0x3] =	sbarrier.arrive $0xFFFF  }
0x1eb: {  	_ =	shalt  }

// kernel: kernel.15.cloned.1.call-start
scs
__scs_entry_jumppad:
0x0: {  	(pc) =	sbr.rel $0x88, $3  }
0x1: {  	(tag) =	ssettag $0x0;
	lr =	simm.s32 $0x1  }
0x2: {  	[smem:$0x3F98] =	sst lr;
	_ =	strace $0xD0000000  }
0x3: {  	_ = 	snop  }
0x4: {  	_ = 	snop  }
0x5: {  	_ = 	snop  }
0x6: {  	_ = 	snop  }
0x7: {  	_ = 	snop  }
__scs_overlays_trampoline_lowered:
0x8: {  	[smem:$0x3FA7] =	sst s0  }
0x9: {  	[smem:$0x3FA8] =	sst s1  }
0xa: {  	[smem:$0x3FA9] =	sst s2  }
0xb: {  	[smem:$0x3FAA] =	sst s3  }
0xc: {  	[smem:$0x3FAB] =	sst s4  }
0xd: {  	[smem:$0x3FAC] =	sst s5  }
0xe: {  	[smem:$0x3FAD] =	sst s6  }
0xf: {  	[smem:$0x3FAE] =	sst s7  }
0x10: {  	[smem:$0x3FAF] =	sst s8  }
0x11: {  	[smem:$0x3FB0] =	sst s9;
	s0 =	simm.s32 @!p0 $0x0  }
0x12: {  	s1 =	sld [smem:$0x3F96];
	s0 =	simm.s32 @p0 $0x1  }
0x13: {  	[smem:$0x3FB1] =	sst s0;
	s0 =	simm.s32 @!p1 $0x0  }
0x14: {  	s2 =	sld [smem:$0x3F95];
	s0 =	simm.s32 @p1 $0x1  }
0x15: {  	[smem:$0x3FB2] =	sst s0;
	s0 =	simm.s32 @!p2 $0x0  }
0x16: {  	s3 =	sld [smem:$0x3FDB];
	s0 =	simm.s32 @p2 $0x1  }
0x17: {  	s4 =	simm.s32 $0x1BF5;
	[smem:$0x3FB4] =	sst s0  }
0x18: {  	s0 =	sld [smem:$0x3F97];
	_ =	swait.ge [sflag:s4], $0x0  }
0x19: {  	s7 =	sld [smem:$0x3F98]  }
0x1a: {  	s8 =	sadd.s32 $0xFFFFE003, lr  }
0x1b: {  	s9 =	sadd.s32 $0xFFFFFEF7, lr;
	s5 =	simm.s32 $0xFFFFFFFF;
	p2 =	slt.u32 s8, $0xFFFFF086  }
0x1c: {  	p1 =	slt.u32 s9, $0xF7A;
	s5 =	simm.s32 @!p2 $0x0  }
0x1d: {  	s5 =	simm.s32 @p1 $0x1;
	p0 =	seq.s32 s7, s2  }
0x1e: {  	s7 =	smul.u32 @!p0 $0xF7A, s2;
	p2 =	seq.s32 @!p0 s5, $0x0  }
0x1f: {  	s9 =	smul.u32 $0xF7A, s1;
	s8 =	simm.s32 @!p0 $0x1BF5;
	p2 =	por !p2, p0  }
0x20: {  	[sflag:s8] =	ssyncset.s32 @!p0 $0xFFFFF086;
	s6 =	sadd.s32 @!p0 s3, s7;
	s7 =	simm.s32 @!p0 $0x108  }
0x21: {  	s3 =	sadd.s32 s3, s9;
	s6 =	sadd.s32 @!p0 $0x88, s6;
	s7 =	simm.s32 @p2 $0x1082  }
0x22: {  	[simem:s7], [sflag:s8] =	dma.local @!p0 [hbm:s6], $0xF7A  }
0x23: {  	s9 =	sor.u32 $0xD0000000, s2;
	s6 =	simm.s32 $0x108;
	_ =	swait.ge @!p0 [sflag:s8], $0x0  }
0x24: {  	s3 =	sadd.s32 $0x88, s3;
	s6 =	simm.s32 @!p1 $0x1082;
	[sflag:s4] =	ssyncset.s32 $0xFFFFF086  }
0x25: {  	[simem:s6], [sflag:s4] =	dma.local [hbm:s3], $0xF7A  }
0x26: {  	[smem:$0x3F98] =	sst s1;
	(tag) =	ssettag s2;
	_ =	strace s9  }
0x27: {  	s1 =	sld [smem:$0x3FA8]  }
0x28: {  	s2 =	sld [smem:$0x3FA9]  }
0x29: {  	s4 =	sld [smem:$0x3FAB]  }
0x2a: {  	p0 =	seq.s32 s5, $0x0;
	s5 =	sld [smem:$0x3FAC]  }
0x2b: {  	s6 =	sld [smem:$0x3FAD]  }
0x2c: {  	s7 =	sld [smem:$0x3FAE]  }
0x2d: {  	s3 =	simm.s32 $0x108;
	s8 =	sld [smem:$0x3FAF]  }
0x2e: {  	s3 =	simm.s32 @!p0 $0x1082;
	s9 =	sld [smem:$0x3FB0]  }
0x2f: {  	lr =	sadd.s32 s0, s3;
	s0 =	sld [smem:$0x3FA7]  }
0x30: {  	s3 =	sld [smem:$0x3FAA]  }
0x31: {  	[smem:$0x3FB3] =	sst s10  }
0x32: {  	s10 =	sld [smem:$0x3FB1];
	_ =	sdelay $0x3  }
0x33: {  	p0 =	seq.s32 s10, $0x1;
	s10 =	sld [smem:$0x3FB3];
	_ =	sdelay $0x3  }
0x34: {  	[smem:$0x3FB3] =	sst s10  }
0x35: {  	s10 =	sld [smem:$0x3FB2];
	_ =	sdelay $0x3  }
0x36: {  	p1 =	seq.s32 s10, $0x1;
	s10 =	sld [smem:$0x3FB3];
	_ =	sdelay $0x3  }
0x37: {  	[smem:$0x3FB3] =	sst s10  }
0x38: {  	s10 =	sld [smem:$0x3FB4]  }
0x39: {  	_ = 	snop;
	(pc) =	sbr.ind lr, $3  }
0x3a: {  	_ = 	snop  }
0x3b: {  	_ = 	snop  }
0x3c: {  	p2 =	seq.s32 s10, $0x1;
	s10 =	sld [smem:$0x3FB3]  }
0x3d: {  	_ =	shalt  }
0x3e: {  	_ =	shalt  }
0x3f: {  	_ =	shalt  }
0x40: {  	_ =	shalt  }
0x41: {  	_ =	shalt  }
0x42: {  	_ =	shalt  }
0x43: {  	_ =	shalt  }
0x44: {  	_ =	shalt  }
0x45: {  	_ =	shalt  }
0x46: {  	_ =	shalt  }
0x47: {  	_ =	shalt  }
0x48: {  	_ =	shalt  }
0x49: {  	_ =	shalt  }
0x4a: {  	_ =	shalt  }
0x4b: {  	_ =	shalt  }
0x4c: {  	_ =	shalt  }
0x4d: {  	_ =	shalt  }
0x4e: {  	_ =	shalt  }
0x4f: {  	_ =	shalt  }
0x50: {  	_ =	shalt  }
0x51: {  	_ =	shalt  }
0x52: {  	_ =	shalt  }
0x53: {  	_ =	shalt  }
0x54: {  	_ =	shalt  }
0x55: {  	_ =	shalt  }
0x56: {  	_ =	shalt  }
0x57: {  	_ =	shalt  }
0x58: {  	_ =	shalt  }
0x59: {  	_ =	shalt  }
0x5a: {  	_ =	shalt  }
0x5b: {  	_ =	shalt  }
0x5c: {  	_ =	shalt  }
0x5d: {  	_ =	shalt  }
0x5e: {  	_ =	shalt  }
0x5f: {  	_ =	shalt  }
0x60: {  	_ =	shalt  }
0x61: {  	_ =	shalt  }
0x62: {  	_ =	shalt  }
0x63: {  	_ =	shalt  }
0x64: {  	_ =	shalt  }
0x65: {  	_ =	shalt  }
0x66: {  	_ =	shalt  }
0x67: {  	_ =	shalt  }
0x68: {  	_ =	shalt  }
0x69: {  	_ =	shalt  }
0x6a: {  	_ =	shalt  }
0x6b: {  	_ =	shalt  }
0x6c: {  	_ =	shalt  }
0x6d: {  	_ =	shalt  }
0x6e: {  	_ =	shalt  }
0x6f: {  	_ =	shalt  }
0x70: {  	_ =	shalt  }
0x71: {  	_ =	shalt  }
0x72: {  	_ =	shalt  }
0x73: {  	_ =	shalt  }
0x74: {  	_ =	shalt  }
0x75: {  	_ =	shalt  }
0x76: {  	_ =	shalt  }
0x77: {  	_ =	shalt  }
0x78: {  	_ =	shalt  }
0x79: {  	_ =	shalt  }
0x7a: {  	_ =	shalt  }
0x7b: {  	_ =	shalt  }
0x7c: {  	_ =	shalt  }
0x7d: {  	_ =	shalt  }
0x7e: {  	_ =	shalt  }
0x7f: {  	_ =	shalt  }
0x80: {  	_ =	shalt  }
0x81: {  	_ =	shalt  }
0x82: {  	_ =	shalt  }
0x83: {  	_ =	shalt  }
0x84: {  	_ =	shalt  }
0x85: {  	_ =	shalt  }
0x86: {  	_ =	shalt  }
0x87: {  	_ =	shalt  }
.Lfunc_end0:
.L_simem_size_0:
called_computation.2_lowered:
.L_overlay_start_0:
0x88: {  	s2 =	sld [smem:$0x3FD9]  }
0x89: {  	s3 =	sld [smem:$0x3FFE];
	_ =	sdelay $0x1  }
0x8a: {  	s1 =	srdreg.scid  }
0x8b: {  	s0 =	sand.u32 $0x1, s1  }
0x8c: {  	s17 =	sshll.u32 s0, $0xA;
	s2 =	sadd.s32 s3, s2  }
0x8d: {  	s2 =	sadd.s32 s2, s17  }
0x8e: {  	[smem:$0x3FBF] =	sst s2  }
0x8f: {  	_ = 	snop  }
0x90: {  	s2 =	sld [smem:$0x3FD0];
	(tm) =	ssettm $0x1  }
0x91: {  	s18 =	sld [smem:$0x3FFB];
	_ =	sdelay $0x3  }
0x92: {  	_ =	strace s18  }
0x93: {  	s3 =	sld [smem:$0x3FFC];
	_ =	sdelay $0x3  }
0x94: {  	_ =	strace s3  }
0x95: {  	s3 =	sld [smem:$0x3FFD];
	_ =	sdelay $0x3  }
0x96: {  	_ =	strace s3  }
0x97: {  	_ =	strace $0x8FFFFFFF  }
0x98: {  	s19 =	sld [smem:$0x3FDB];
	_ =	sdelay $0x1  }
0x99: {  	s4 =	simm.s32 $_scs_section_size  }
0x9a: {  	s5 =	simm.s32 $_size__tile_overlayer_lowered;
	s6 =	simm.s32 $_tile_overlayer_lowered  }
0x9b: {  	s22 =	simm.s32 $0x1BFF;
	s21 =	sshll.u32 s6, $0x1;
	s3 =	sadd.s32 s4, s19  }
0x9c: {  	s7 =	simm.s32 $0x0;
	s20 =	sshll.u32 s5, $0x1;
	s5 =	sadd.s32 s21, s3  }
0x9d: {  	[timem:s7], [sflag:s22] =	dma.local [hbm:s5], s20  }
0x9e: {  	_ =	swait.ge [sflag:s22], s20  }
0x9f: {  	s4 =	ssub.s32 $0x0, s20;
	[sflag:s22] =	ssyncset.done $0x0  }
0xa0: {  	[sflag:s22] =	ssyncadd.s32 s4;
	_ =	sdelay $0x1  }
0xa1: {  	s23 =	simm.s32 $0x1B8B  }
0xa2: {  	_ =	swait.ge [sflag:s23], $0x1  }
0xa3: {  	[sflag:s23] =	ssyncset.done $0x0  }
0xa4: {  	s25 =	simm.s32 $0x1B8E;
	s24 =	sld [smem:$0x3FFE];
	[sflag:s23] =	ssyncadd.s32 $0xFFFFFFFF  }
0xa5: {  	s26 =	simm.s32 $execute0_lowered;
	[smem:$0x3FD2] =	sst s25  }
0xa6: {  	s5 =	sshll.u32 s26, $0x1;
	_ =	strace $0x80000046;
	[dreg:$0x1] =	wrdreg $0xFFFFFFFF  }
0xa7: {  	s28 =	simm.s32 $_size_execute0_lowered;
	s3 =	sadd.s32 s3, s5;
	[dreg:$0x0] =	wrdreg $0x0  }
0xa8: {  	s5 =	sshll.u32 s28, $0x1;
	[dreg:$0x2] =	wrdreg s3  }
0xa9: {  	[dreg:$0x3] =	wrdreg s5  }
0xaa: {  	[dreg:$0x4] =	wrdreg $0xC0  }
0xab: {  	_ =	task [dreg:s7], $0x5FFFF  }
0xac: {  	[dreg:$0x1] =	wrdreg $0xFFFFFFFF  }
0xad: {  	[dreg:$0x0] =	wrdreg $0x60  }
0xae: {  	[dreg:$0x2] =	wrdreg s24  }
0xaf: {  	[dreg:$0x3] =	wrdreg s2  }
0xb0: {  	[dreg:$0x4] =	wrdreg $0x0  }
0xb1: {  	[dreg:$0x5] =	wrdreg $0xB  }
0xb2: {  	_ =	task.clear_ibuf [dreg:s7], $0x6FFFF;
	_ =	strace $0x90000046  }
0xb3: {  	s29 =	simm.s32 $0xB;
	_ =	strace $0x80000048  }
0xb4: {  	_ =	swait.ge [sflag:s29], $0x1  }
0xb5: {  	[sflag:s29] =	ssyncadd.s32 $0xFFFFFFFF  }
0xb6: {  	_ =	strace $0x90000048  }
0xb7: {  	_ =	sfence  }
0xb8: {  	s30 =	sld [smem:$0x0];
	_ =	sdelay $0x2  }
0xb9: {  	s31 =	sshll.u32 s1, $0xD;
	s1 =	sshrl.u32 s1, $0x2  }
0xba: {  	s3 =	sand.u32 $0x4000, s31;
	s1 =	sadd.s32 s1, s30  }
0xbb: {  	s0 =	sor.u32 s3, s0;
	s1 =	sshll.u32 s1, $0x11  }
0xbc: {  	s0 =	sor.u32 s1, s0  }
0xbd: {  	s0 =	sadd.s32 $0x8F2B, s0  }
0xbe: {  	[sflag:s0] =	ssyncadd.remote.s32 $0x1  }
0xbf: {  	_ =	sfence.sel $0xFFFF  }
0xc0: {  	[dreg:$0x0] =	wrdreg $0xFFFFFFFF;
	(pc) =	sbr.abs _section_cstart, $3  }
0xc1: {  	[dreg:$0x1] =	wrdreg $0xFFFFFFFF  }
0xc2: {  	_ =	task.clear_ibuf [dreg:s7], $0x2FFFF;
	_ =	strace $0x9FFFFFFF  }
0xc3: {  	(tm) =	ssettm $0x7FFFFFFF  }
tec
execute0_lowered:
.L_overlay_start_1:
0x0: {  	(tag) =	ssettag $0x1  }
0x1: {  	s3 =	rddreg [dreg:$0x0]  }
0x2: {  	s2 =	rddreg [dreg:$0x1]  }
0x3: {  	s20 =	rddreg [dreg:$0x2]  }
0x4: {  	s26 =	rddreg [dreg:$0x3];
	s1 =	simm.s32 $0x0;
	s0 =	srdreg.scid  }
0x5: {  	p1 =	por $0x0, $0x0;
	[smem:$0x7FF] =	sst s1;
	s6 =	sand.u32 $0x1, s0  }
0x6: {  	s0 =	stileid.u32;
	s7 =	sadd.s32 $0x2000, s3;
	s3 =	sadd.s32 $0x189000, s3  }
0x7: {  	s12 =	sadd.s32 $0x61C00, s20;
	_ =	strace $0x80000047;
	s5 =	smul.u32 $0xC3800, s6  }
0x8: {  	s4 =	sand.u32 $0x3, s0;
	s8 =	sshll.u32 s0, $0xA;
	s9 =	smul.u32 $0x61C000, s6  }
0x9: {  	s10 =	sshll.u32 s6, $0x6;
	s13 =	sshll.u32 s6, $0x11;
	[dreg:$0x5] =	wrdreg s12  }
0xa: {  	s6 =	ssub.s32 $0x2, s6;
	p0 =	sne.s32 s0, $0x0;
	s11 =	sand.u32 $0x3000, s8  }
0xb: {  	s15 =	sor.u32 s4, s10;
	s24 =	sor.u32 s0, s10;
	s4 =	smul.u32 $0x61C00, s4  }
0xc: {  	s5 =	sadd.s32 s7, s5;
	s14 =	sshrl.u32 s9, $0x3;
	s16 =	sshll.u32 s15, $0xE  }
0xd: {  	s8 =	sor.u32 s13, s11;
	[dreg:$0x4] =	wrdreg s5;
	s5 =	sadd.s32 s7, s14  }
0xe: {  	s7 =	sor.u32 s11, s16;
	s19 =	sadd.s32 $0x2C000, s8;
	s31 =	sadd.s32 $0x30000, s8  }
0xf: {  	s16 =	sadd.s32 $0x34000, s8;
	s17 =	sadd.s32 $0xC380, s5;
	s0 =	rddreg [dreg:$0x4]  }
0x10: {  	s4 =	sshrl.u32 s4, $0x2;
	s18 =	sadd.s32 $0x18700, s5;
	[dreg:$0x6] =	wrdreg s17  }
0x11: {  	s7 =	sshrl.u32 s7, $0x3;
	s25 =	sadd.s32 $0x24A80, s5;
	[dreg:$0x7] =	wrdreg s18  }
0x12: {  	s9 =	sshrl.u32 s19, $0x3;
	s29 =	sadd.s32 $0x30E00, s5;
	[dreg:$0xa] =	wrdreg s25  }
0x13: {  	s13 =	sadd.s32 $0x3D180, s5;
	s15 =	sadd.s32 $0x49500, s5;
	[dreg:$0xc] =	wrdreg s29  }
0x14: {  	s19 =	sadd.s32 $0x55880, s5;
	s4 =	sadd.s32 s4, s20;
	[dreg:$0xf] =	wrdreg s13  }
0x15: {  	s20 =	sshrl.u32 @!p0 s20, $0x3;
	s21 =	sadd.s32 s3, s7;
	[dreg:$0x11] =	wrdreg s15  }
0x16: {  	s23 =	sadd.s32 s2, s9;
	s9 =	sshll.u32 s24, $0xE;
	[dreg:$0x14] =	wrdreg s19  }
0x17: {  	s25 =	sadd.s32 $0x38000, s8;
	s15 =	sshrl.u32 s6, $0x1;
	s22 =	sadd.s32 $0x2000, s21  }
0x18: {  	[dreg:$0x9] =	wrdreg s23;
	s28 =	sadd.s32 $0x4000, s21;
	s9 =	sor.u32 s11, s9  }
0x19: {  	s11 =	sshrl.u32 s31, $0x3;
	s14 =	sadd.s32 $0x8000, s21;
	[dreg:$0x8] =	wrdreg s22  }
0x1a: {  	s17 =	sadd.s32 $0xA000, s21;
	s23 =	sadd.s32 $0x61C00, s5;
	[dreg:$0xb] =	wrdreg s28  }
0x1b: {  	s29 =	sshrl.u32 s25, $0x3;
	s31 =	sadd.s32 $0x6DF80, s5;
	[dreg:$0x10] =	wrdreg s14  }
0x1c: {  	s13 =	sadd.s32 $0x12000, s21;
	s6 =	ssub.s32 s6, s15;
	[dreg:$0x12] =	wrdreg s17  }
0x1d: {  	s7 =	sshrl.u32 s9, $0x3;
	s12 =	sadd.s32 s2, s11;
	[dreg:$0x16] =	wrdreg s23  }
0x1e: {  	s22 =	sadd.s32 $0xC000, s21;
	[dreg:$0x19] =	wrdreg s31;
	s11 =	sadd.s32 $0x7A300, s5  }
0x1f: {  	[dreg:$0x1c] =	wrdreg s13;
	s17 =	sadd.s32 $0x28000, s8;
	s31 =	sadd.s32 $0x1A000, s21  }
0x20: {  	s13 =	simm.s32 $0x5;
	s9 =	simm.s32 $0x6;
	[dreg:$0xe] =	wrdreg s12  }
0x21: {  	s30 =	sor.u32 $0x6000, s7;
	[dreg:$0x15] =	wrdreg s22;
	s24 =	sor.u32 $0xE000, s7  }
0x22: {  	s12 =	sadd.s32 $0x3C000, s8;
	[dreg:$0x1b] =	wrdreg s11;
	s19 =	sshrl.u32 s17, $0x3  }
0x23: {  	s22 =	sadd.s32 $0x92A00, s5;
	s23 =	sor.u32 $0x16000, s7;
	s8 =	sshrl.u32 s8, $0x3  }
0x24: {  	[smem:$0x7FD] =	sst s31;
	s7 =	sor.u32 $0x1E000, s7;
	s17 =	simm.s32 $0xC380  }
0x25: {  	s11 =	simm.s32 $0xD380;
	s10 =	sadd.s32 s3, s30;
	s28 =	sadd.s32 s3, s24  }
0x26: {  	s30 =	sadd.s32 s2, s29;
	[smem:$0x7F7] =	sst s22;
	s24 =	sadd.s32 s3, s23  }
0x27: {  	s8 =	sadd.s32 s8, s2;
	s22 =	sadd.s32 s2, s19;
	s29 =	sadd.s32 $0x18000, s21  }
0x28: {  	s3 =	sadd.s32 s3, s7;
	s19 =	smax.u32 s6, $0x1;
	[dreg:$0xd] =	wrdreg s10  }
0x29: {  	s6 =	simm.s32 $0x1000;
	s7 =	simm.s32 $0xF380;
	[dreg:$0x17] =	wrdreg s28  }
0x2a: {  	s23 =	simm.s32 @p0 $0x0;
	s10 =	sshrl.u32 s16, $0x3;
	[dreg:$0x18] =	wrdreg s30  }
0x2b: {  	s16 =	sadd.s32 $0x86680, s5;
	[smem:$0x7F8] =	sst s24;
	s25 =	sadd.s32 $0x8000, s8  }
0x2c: {  	s28 =	sadd.s32 $0x9ED80, s5;
	[smem:$0x7FB] =	sst s29;
	s30 =	sadd.s32 $0xAB100, s5  }
0x2d: {  	s15 =	sadd.s32 $0x8800, s8;
	s8 =	simm.s32 $0x7;
	[dreg:$0x1e] =	wrdreg s16  }
0x2e: {  	s24 =	simm.s32 @p0 $0xC380;
	s18 =	sadd.s32 s2, s10;
	[smem:$0x7F9] =	sst s25  }
0x2f: {  	s10 =	sadd.s32 $0x10000, s21;
	[smem:$0x7FA] =	sst s28;
	s25 =	sadd.s32 $0xFFFFFFFF, s19  }
0x30: {  	[smem:$0x7FC] =	sst s30;
	s16 =	simm.s32 $0x4;
	p2 =	sne.s32 s25, $0x0  }
.Ltmp0:
0x31: {  	s19 =	simm.s32 @!p0 $0x1C01;
	[dreg:$0x13] =	wrdreg s18;
	(pc) =	sbr.rel @!p2 .LBB2_5-.Ltmp0, $4  }
0x32: {  	[dreg:$0x1a] =	wrdreg s10;
	s10 =	sshrl.u32 s12, $0x3;
	s18 =	sadd.s32 $0x14000, s21  }
0x33: {  	s12 =	simm.s32 $0xE380;
	s14 =	sadd.s32 s2, s10;
	[dreg:$0x1f] =	wrdreg s18  }
0x34: {  	s2 =	sadd.s32 $0x61C00, s4;
	s10 =	sadd.s32 $0xB7480, s5;
	s18 =	simm.s32 $0x3  }
0x35: {  	s5 =	simm.s32 $0x8;
	[dreg:$0x1d] =	wrdreg s14;
	s14 =	sadd.s32 $0x1C000, s21  }
0x36: {  	[tilespmem:s24], [sflag:$0x3] =	stream.linear.gather @p0 [hbm4b:s22+s23], $0x1000, $0x38;
	[tilespmem:$0x10380] =	vst v63  }
0x37: {  	[spmem:s20], [sflag:s19] =	dma.local @!p0 [hbm:s0], $0xC380  }
0x38: {  	[smem:$0x7F6] =	sst s25  }
0x39: {  	[smem:$0x7F5] =	sst s3  }
0x3a: {  	s28 =	simm.s32 @!p0 $0x1C02;
	s0 =	rddreg [dreg:$0x5]  }
0x3b: {  	s25 =	simm.s32 @!p0 $0x0;
	s3 =	simm.s32 @!p0 $0xC380;
	s30 =	rddreg [dreg:$0x6]  }
0x3c: {  	[tilespmem:s3], [sflag:$0x3] =	stream.linear.gather @!p0 [hbm4b:s22+s25], $0x1000, $0x38;
	[tilespmem:$0x10380] =	vst v63  }
0x3d: {  	s29 =	simm.s32 @!p0 $0x1;
	s3 =	sld [smem:$0x7F5];
	s25 =	sshrl.u32 @!p0 s0, $0x3  }
0x3e: {  	[spmem:s25], [sflag:s28] =	dma.local @!p0 [hbm:s30], $0xC380  }
0x3f: {  	_ =	swait.ge @!p0 [sflag:s29], $0xC380  }
0x40: {  	[sflag:s29] =	ssyncset.done @!p0 $0x0  }
0x41: {  	[sflag:s29] =	ssyncadd.s32 @!p0 $0xFFFF3C80  }
0x42: {  	_ =	swait.ge [sflag:s18], $0x1000  }
0x43: {  	[sflag:s18] =	ssyncset.done $0x0  }
0x44: {  	[sflag:s18] =	ssyncadd.s32 $0xFFFFF000  }
0x45: {  	[bflag:$0x0] =	sbarrier.arrive $0xFFFF  }
0x46: {  	[tilespmem:s12], [sflag:$0x5] =	stream.indirect.gather [spmem:s4], $0x1, s17, s6, $0xb8;
	[tilespmem:$0x10380] =	vst v63  }
0x47: {  	_ =	swait.ge [sflag:s13], $0x1000  }
0x48: {  	[sflag:s13] =	ssyncset.done $0x0  }
0x49: {  	[sflag:s13] =	ssyncadd.s32 $0xFFFFF000  }
0x4a: {  	[hbm4b:s21+s1] =	stream.linear.scatter [tilespmem:s12], [sflag:$0x7], $0x1000, $0x38;
	[tilespmem:$0x10380] =	vst v63  }
0x4b: {  	[bflag:$0x0] =	sbarrier.arrive $0xFFFF  }
0x4c: {  	s30 =	simm.s32 @!p0 $0x2;
	s0 =	rddreg [dreg:$0x7]  }
0x4d: {  	[spmem:s20], [sflag:s19] =	dma.local @!p0 [hbm:s0], $0xC380  }
0x4e: {  	_ =	swait.ge @!p0 [sflag:s30], $0xC380  }
0x4f: {  	[sflag:s30] =	ssyncset.done @!p0 $0x0  }
0x50: {  	[sflag:s30] =	ssyncadd.s32 @!p0 $0xFFFF3C80  }
0x51: {  	[bflag:$0x0] =	sbarrier.arrive $0xFFFF  }
0x52: {  	[tilespmem:s7], [sflag:$0x6] =	stream.indirect.gather [spmem:s2], $0x1, s17, s6, $0xb8;
	[tilespmem:$0x10380] =	vst v63  }
0x53: {  	_ =	swait.ge [sflag:s9], $0x1000  }
0x54: {  	[sflag:s9] =	ssyncset.done $0x0  }
0x55: {  	s31 =	rddreg [dreg:$0x8];
	[sflag:s9] =	ssyncadd.s32 $0xFFFFF000  }
0x56: {  	[hbm4b:s31+s1] =	stream.linear.scatter [tilespmem:s7], [sflag:$0x8], $0x1000, $0x38;
	[tilespmem:$0x10380] =	vst v63  }
0x57: {  	s26 =	rddreg [dreg:$0x9]  }
0x58: {  	[tilespmem:s11], [sflag:$0x4] =	stream.linear.gather [hbm4b:s26+s1], $0x1000, $0x38;
	[tilespmem:$0x10380] =	vst v63  }
0x59: {  	[bflag:$0x0] =	sbarrier.arrive $0xFFFF  }
0x5a: {  	s0 =	rddreg [dreg:$0xa]  }
0x5b: {  	[spmem:s25], [sflag:s28] =	dma.local @!p0 [hbm:s0], $0xC380  }
0x5c: {  	_ =	swait.ge @!p0 [sflag:s29], $0xC380  }
0x5d: {  	[sflag:s29] =	ssyncset.done @!p0 $0x0  }
0x5e: {  	[sflag:s29] =	ssyncadd.s32 @!p0 $0xFFFF3C80  }
0x5f: {  	_ =	swait.ge [sflag:s16], $0x1000  }
0x60: {  	[sflag:s16] =	ssyncset.done $0x0  }
0x61: {  	[sflag:s16] =	ssyncadd.s32 $0xFFFFF000  }
0x62: {  	[bflag:$0x0] =	sbarrier.arrive $0xFFFF  }
0x63: {  	_ =	swait.ge [sflag:s8], $0x1000  }
0x64: {  	[sflag:s8] =	ssyncset.done $0x0  }
0x65: {  	[sflag:s8] =	ssyncadd.s32 $0xFFFFF000  }
0x66: {  	[tilespmem:s12], [sflag:$0x5] =	stream.indirect.gather [spmem:s4], $0x1, s11, s6, $0xb8;
	[tilespmem:$0x10380] =	vst v63  }
0x67: {  	_ =	swait.ge [sflag:s13], $0x1000  }
0x68: {  	[sflag:s13] =	ssyncset.done $0x0  }
0x69: {  	s26 =	rddreg [dreg:$0xb];
	[sflag:s13] =	ssyncadd.s32 $0xFFFFF000  }
0x6a: {  	[hbm4b:s26+s1] =	stream.linear.scatter [tilespmem:s12], [sflag:$0x7], $0x1000, $0x38;
	[tilespmem:$0x10380] =	vst v63  }
0x6b: {  	[bflag:$0x0] =	sbarrier.arrive $0xFFFF  }
0x6c: {  	s0 =	rddreg [dreg:$0xc]  }
0x6d: {  	[spmem:s20], [sflag:s19] =	dma.local @!p0 [hbm:s0], $0xC380  }
0x6e: {  	_ =	swait.ge @!p0 [sflag:s30], $0xC380  }
0x6f: {  	[sflag:s30] =	ssyncset.done @!p0 $0x0  }
0x70: {  	[sflag:s30] =	ssyncadd.s32 @!p0 $0xFFFF3C80  }
0x71: {  	[bflag:$0x0] =	sbarrier.arrive $0xFFFF  }
0x72: {  	_ =	swait.ge [sflag:s5], $0x1000  }
0x73: {  	[sflag:s5] =	ssyncset.done $0x0  }
0x74: {  	[sflag:s5] =	ssyncadd.s32 $0xFFFFF000  }
0x75: {  	[tilespmem:s7], [sflag:$0x6] =	stream.indirect.gather [spmem:s2], $0x1, s11, s6, $0xb8;
	[tilespmem:$0x10380] =	vst v63  }
0x76: {  	_ =	swait.ge [sflag:s9], $0x1000  }
0x77: {  	[sflag:s9] =	ssyncset.done $0x0  }
0x78: {  	s26 =	rddreg [dreg:$0xd];
	[sflag:s9] =	ssyncadd.s32 $0xFFFFF000  }
0x79: {  	[hbm4b:s26+s1] =	stream.linear.scatter [tilespmem:s7], [sflag:$0x8], $0x1000, $0x38;
	[tilespmem:$0x10380] =	vst v63  }
0x7a: {  	s31 =	rddreg [dreg:$0xe]  }
0x7b: {  	[tilespmem:s17], [sflag:$0x3] =	stream.linear.gather [hbm4b:s31+s1], $0x1000, $0x38;
	[tilespmem:$0x10380] =	vst v63  }
0x7c: {  	[bflag:$0x0] =	sbarrier.arrive $0xFFFF  }
0x7d: {  	s0 =	rddreg [dreg:$0xf]  }
0x7e: {  	[spmem:s25], [sflag:s28] =	dma.local @!p0 [hbm:s0], $0xC380  }
0x7f: {  	_ =	swait.ge @!p0 [sflag:s29], $0xC380  }
0x80: {  	[sflag:s29] =	ssyncset.done @!p0 $0x0  }
0x81: {  	[sflag:s29] =	ssyncadd.s32 @!p0 $0xFFFF3C80  }
0x82: {  	_ =	swait.ge [sflag:s18], $0x1000  }
0x83: {  	[sflag:s18] =	ssyncset.done $0x0  }
0x84: {  	[sflag:s18] =	ssyncadd.s32 $0xFFFFF000  }
0x85: {  	[bflag:$0x0] =	sbarrier.arrive $0xFFFF  }
0x86: {  	_ =	swait.ge [sflag:s8], $0x1000  }
0x87: {  	[sflag:s8] =	ssyncset.done $0x0  }
0x88: {  	[sflag:s8] =	ssyncadd.s32 $0xFFFFF000  }
0x89: {  	[tilespmem:s12], [sflag:$0x5] =	stream.indirect.gather [spmem:s4], $0x1, s17, s6, $0xb8;
	[tilespmem:$0x10380] =	vst v63  }
0x8a: {  	_ =	swait.ge [sflag:s13], $0x1000  }
0x8b: {  	[sflag:s13] =	ssyncset.done $0x0  }
0x8c: {  	s26 =	rddreg [dreg:$0x10];
	[sflag:s13] =	ssyncadd.s32 $0xFFFFF000  }
0x8d: {  	[hbm4b:s26+s1] =	stream.linear.scatter [tilespmem:s12], [sflag:$0x7], $0x1000, $0x38;
	[tilespmem:$0x10380] =	vst v63  }
0x8e: {  	[bflag:$0x0] =	sbarrier.arrive $0xFFFF  }
0x8f: {  	s0 =	rddreg [dreg:$0x11]  }
0x90: {  	[spmem:s20], [sflag:s19] =	dma.local @!p0 [hbm:s0], $0xC380  }
0x91: {  	_ =	swait.ge @!p0 [sflag:s30], $0xC380  }
0x92: {  	[sflag:s30] =	ssyncset.done @!p0 $0x0  }
0x93: {  	[sflag:s30] =	ssyncadd.s32 @!p0 $0xFFFF3C80  }
0x94: {  	[bflag:$0x0] =	sbarrier.arrive $0xFFFF  }
0x95: {  	_ =	swait.ge [sflag:s5], $0x1000  }
0x96: {  	[sflag:s5] =	ssyncset.done $0x0  }
0x97: {  	[sflag:s5] =	ssyncadd.s32 $0xFFFFF000  }
0x98: {  	[tilespmem:s7], [sflag:$0x6] =	stream.indirect.gather [spmem:s2], $0x1, s17, s6, $0xb8;
	[tilespmem:$0x10380] =	vst v63  }
0x99: {  	_ =	swait.ge [sflag:s9], $0x1000  }
0x9a: {  	[sflag:s9] =	ssyncset.done $0x0  }
0x9b: {  	s26 =	rddreg [dreg:$0x12];
	[sflag:s9] =	ssyncadd.s32 $0xFFFFF000  }
0x9c: {  	[hbm4b:s26+s1] =	stream.linear.scatter [tilespmem:s7], [sflag:$0x8], $0x1000, $0x38;
	[tilespmem:$0x10380] =	vst v63  }
0x9d: {  	s31 =	rddreg [dreg:$0x13]  }
0x9e: {  	[tilespmem:s11], [sflag:$0x4] =	stream.linear.gather [hbm4b:s31+s1], $0x1000, $0x38;
	[tilespmem:$0x10380] =	vst v63  }
0x9f: {  	[bflag:$0x0] =	sbarrier.arrive $0xFFFF  }
0xa0: {  	s0 =	rddreg [dreg:$0x14]  }
0xa1: {  	[spmem:s25], [sflag:s28] =	dma.local @!p0 [hbm:s0], $0xC380  }
0xa2: {  	_ =	swait.ge @!p0 [sflag:s29], $0xC380  }
0xa3: {  	[sflag:s29] =	ssyncset.done @!p0 $0x0  }
0xa4: {  	[sflag:s29] =	ssyncadd.s32 @!p0 $0xFFFF3C80  }
0xa5: {  	_ =	swait.ge [sflag:s16], $0x1000  }
0xa6: {  	[sflag:s16] =	ssyncset.done $0x0  }
0xa7: {  	[sflag:s16] =	ssyncadd.s32 $0xFFFFF000  }
0xa8: {  	[bflag:$0x0] =	sbarrier.arrive $0xFFFF  }
0xa9: {  	_ =	swait.ge [sflag:s8], $0x1000  }
0xaa: {  	[sflag:s8] =	ssyncset.done $0x0  }
0xab: {  	[sflag:s8] =	ssyncadd.s32 $0xFFFFF000  }
0xac: {  	[tilespmem:s12], [sflag:$0x5] =	stream.indirect.gather [spmem:s4], $0x1, s11, s6, $0xb8;
	[tilespmem:$0x10380] =	vst v63  }
0xad: {  	_ =	swait.ge [sflag:s13], $0x1000  }
0xae: {  	[sflag:s13] =	ssyncset.done $0x0  }
0xaf: {  	s26 =	rddreg [dreg:$0x15];
	[sflag:s13] =	ssyncadd.s32 $0xFFFFF000  }
0xb0: {  	[hbm4b:s26+s1] =	stream.linear.scatter [tilespmem:s12], [sflag:$0x7], $0x1000, $0x38;
	[tilespmem:$0x10380] =	vst v63  }
0xb1: {  	[bflag:$0x0] =	sbarrier.arrive $0xFFFF  }
0xb2: {  	s0 =	rddreg [dreg:$0x16]  }
0xb3: {  	[spmem:s20], [sflag:s19] =	dma.local @!p0 [hbm:s0], $0xC380  }
0xb4: {  	_ =	swait.ge @!p0 [sflag:s30], $0xC380  }
0xb5: {  	[sflag:s30] =	ssyncset.done @!p0 $0x0  }
0xb6: {  	[sflag:s30] =	ssyncadd.s32 @!p0 $0xFFFF3C80  }
0xb7: {  	[bflag:$0x0] =	sbarrier.arrive $0xFFFF  }
0xb8: {  	_ =	swait.ge [sflag:s5], $0x1000  }
0xb9: {  	[sflag:s5] =	ssyncset.done $0x0  }
0xba: {  	[sflag:s5] =	ssyncadd.s32 $0xFFFFF000  }
0xbb: {  	[tilespmem:s7], [sflag:$0x6] =	stream.indirect.gather [spmem:s2], $0x1, s11, s6, $0xb8;
	[tilespmem:$0x10380] =	vst v63  }
0xbc: {  	_ =	swait.ge [sflag:s9], $0x1000  }
0xbd: {  	[sflag:s9] =	ssyncset.done $0x0  }
0xbe: {  	s26 =	rddreg [dreg:$0x17];
	[sflag:s9] =	ssyncadd.s32 $0xFFFFF000  }
0xbf: {  	[hbm4b:s26+s1] =	stream.linear.scatter [tilespmem:s7], [sflag:$0x8], $0x1000, $0x38;
	[tilespmem:$0x10380] =	vst v63  }
0xc0: {  	s31 =	rddreg [dreg:$0x18]  }
0xc1: {  	[tilespmem:s17], [sflag:$0x3] =	stream.linear.gather [hbm4b:s31+s1], $0x1000, $0x38;
	[tilespmem:$0x10380] =	vst v63  }
0xc2: {  	[bflag:$0x0] =	sbarrier.arrive $0xFFFF  }
0xc3: {  	s0 =	rddreg [dreg:$0x19]  }
0xc4: {  	[spmem:s25], [sflag:s28] =	dma.local @!p0 [hbm:s0], $0xC380  }
0xc5: {  	_ =	swait.ge @!p0 [sflag:s29], $0xC380  }
0xc6: {  	[sflag:s29] =	ssyncset.done @!p0 $0x0  }
0xc7: {  	[sflag:s29] =	ssyncadd.s32 @!p0 $0xFFFF3C80  }
0xc8: {  	_ =	swait.ge [sflag:s18], $0x1000  }
0xc9: {  	[sflag:s18] =	ssyncset.done $0x0  }
0xca: {  	[sflag:s18] =	ssyncadd.s32 $0xFFFFF000  }
0xcb: {  	[bflag:$0x0] =	sbarrier.arrive $0xFFFF  }
0xcc: {  	_ =	swait.ge [sflag:s8], $0x1000  }
0xcd: {  	[sflag:s8] =	ssyncset.done $0x0  }
0xce: {  	[sflag:s8] =	ssyncadd.s32 $0xFFFFF000  }
0xcf: {  	[tilespmem:s12], [sflag:$0x5] =	stream.indirect.gather [spmem:s4], $0x1, s17, s6, $0xb8;
	[tilespmem:$0x10380] =	vst v63  }
0xd0: {  	_ =	swait.ge [sflag:s13], $0x1000  }
0xd1: {  	[sflag:s13] =	ssyncset.done $0x0  }
0xd2: {  	s26 =	rddreg [dreg:$0x1a];
	[sflag:s13] =	ssyncadd.s32 $0xFFFFF000  }
0xd3: {  	[hbm4b:s26+s1] =	stream.linear.scatter [tilespmem:s12], [sflag:$0x7], $0x1000, $0x38;
	[tilespmem:$0x10380] =	vst v63  }
0xd4: {  	[bflag:$0x0] =	sbarrier.arrive $0xFFFF  }
0xd5: {  	s0 =	rddreg [dreg:$0x1b]  }
0xd6: {  	[spmem:s20], [sflag:s19] =	dma.local @!p0 [hbm:s0], $0xC380  }
0xd7: {  	_ =	swait.ge @!p0 [sflag:s30], $0xC380  }
0xd8: {  	[sflag:s30] =	ssyncset.done @!p0 $0x0  }
0xd9: {  	[sflag:s30] =	ssyncadd.s32 @!p0 $0xFFFF3C80  }
0xda: {  	[bflag:$0x0] =	sbarrier.arrive $0xFFFF  }
0xdb: {  	_ =	swait.ge [sflag:s5], $0x1000  }
0xdc: {  	[sflag:s5] =	ssyncset.done $0x0  }
0xdd: {  	[sflag:s5] =	ssyncadd.s32 $0xFFFFF000  }
0xde: {  	[tilespmem:s7], [sflag:$0x6] =	stream.indirect.gather [spmem:s2], $0x1, s17, s6, $0xb8;
	[tilespmem:$0x10380] =	vst v63  }
0xdf: {  	_ =	swait.ge [sflag:s9], $0x1000  }
0xe0: {  	[sflag:s9] =	ssyncset.done $0x0  }
0xe1: {  	s26 =	rddreg [dreg:$0x1c];
	[sflag:s9] =	ssyncadd.s32 $0xFFFFF000  }
0xe2: {  	[hbm4b:s26+s1] =	stream.linear.scatter [tilespmem:s7], [sflag:$0x8], $0x1000, $0x38;
	[tilespmem:$0x10380] =	vst v63  }
0xe3: {  	s31 =	rddreg [dreg:$0x1d]  }
0xe4: {  	[tilespmem:s11], [sflag:$0x4] =	stream.linear.gather [hbm4b:s31+s1], $0x1000, $0x38;
	[tilespmem:$0x10380] =	vst v63  }
0xe5: {  	[bflag:$0x0] =	sbarrier.arrive $0xFFFF  }
0xe6: {  	s0 =	rddreg [dreg:$0x1e]  }
0xe7: {  	[spmem:s25], [sflag:s28] =	dma.local @!p0 [hbm:s0], $0xC380  }
0xe8: {  	_ =	swait.ge @!p0 [sflag:s29], $0xC380  }
0xe9: {  	[sflag:s29] =	ssyncset.done @!p0 $0x0  }
0xea: {  	[sflag:s29] =	ssyncadd.s32 @!p0 $0xFFFF3C80  }
0xeb: {  	_ =	swait.ge [sflag:s16], $0x1000  }
0xec: {  	[sflag:s16] =	ssyncset.done $0x0  }
0xed: {  	[sflag:s16] =	ssyncadd.s32 $0xFFFFF000  }
0xee: {  	[bflag:$0x0] =	sbarrier.arrive $0xFFFF  }
0xef: {  	_ =	swait.ge [sflag:s8], $0x1000  }
0xf0: {  	[sflag:s8] =	ssyncset.done $0x0  }
0xf1: {  	[sflag:s8] =	ssyncadd.s32 $0xFFFFF000  }
0xf2: {  	[tilespmem:s12], [sflag:$0x5] =	stream.indirect.gather [spmem:s4], $0x1, s11, s6, $0xb8;
	[tilespmem:$0x10380] =	vst v63  }
0xf3: {  	_ =	swait.ge [sflag:s13], $0x1000  }
0xf4: {  	[sflag:s13] =	ssyncset.done $0x0  }
0xf5: {  	s26 =	rddreg [dreg:$0x1f];
	[sflag:s13] =	ssyncadd.s32 $0xFFFFF000  }
0xf6: {  	[hbm4b:s26+s1] =	stream.linear.scatter [tilespmem:s12], [sflag:$0x7], $0x1000, $0x38;
	[tilespmem:$0x10380] =	vst v63  }
0xf7: {  	[bflag:$0x0] =	sbarrier.arrive $0xFFFF  }
0xf8: {  	s0 =	sld [smem:$0x7F7];
	_ =	sdelay $0x2  }
0xf9: {  	[spmem:s20], [sflag:s19] =	dma.local @!p0 [hbm:s0], $0xC380  }
0xfa: {  	_ =	swait.ge @!p0 [sflag:s30], $0xC380  }
0xfb: {  	[sflag:s30] =	ssyncset.done @!p0 $0x0  }
0xfc: {  	[sflag:s30] =	ssyncadd.s32 @!p0 $0xFFFF3C80  }
0xfd: {  	[bflag:$0x0] =	sbarrier.arrive $0xFFFF  }
0xfe: {  	_ =	swait.ge [sflag:s5], $0x1000  }
0xff: {  	[sflag:s5] =	ssyncset.done $0x0  }
0x100: {  	[sflag:s5] =	ssyncadd.s32 $0xFFFFF000  }
0x101: {  	[tilespmem:s7], [sflag:$0x6] =	stream.indirect.gather [spmem:s2], $0x1, s11, s6, $0xb8;
	[tilespmem:$0x10380] =	vst v63  }
0x102: {  	_ =	swait.ge [sflag:s9], $0x1000  }
0x103: {  	s26 =	sld [smem:$0x7F8]  }
0x104: {  	[sflag:s9] =	ssyncset.done $0x0  }
0x105: {  	s31 =	sld [smem:$0x7F9];
	[sflag:s9] =	ssyncadd.s32 $0xFFFFF000  }
0x106: {  	[hbm4b:s26+s1] =	stream.linear.scatter [tilespmem:s7], [sflag:$0x8], $0x1000, $0x38;
	[tilespmem:$0x10380] =	vst v63  }
0x107: {  	_ = 	snop  }
0x108: {  	[tilespmem:s17], [sflag:$0x3] =	stream.linear.gather [hbm4b:s31+s1], $0x1000, $0x38;
	[tilespmem:$0x10380] =	vst v63  }
0x109: {  	[bflag:$0x0] =	sbarrier.arrive $0xFFFF  }
0x10a: {  	s0 =	sld [smem:$0x7FA];
	_ =	sdelay $0x2  }
0x10b: {  	[spmem:s25], [sflag:s28] =	dma.local @!p0 [hbm:s0], $0xC380  }
0x10c: {  	_ =	swait.ge @!p0 [sflag:s29], $0xC380  }
0x10d: {  	[sflag:s29] =	ssyncset.done @!p0 $0x0  }
0x10e: {  	[sflag:s29] =	ssyncadd.s32 @!p0 $0xFFFF3C80  }
0x10f: {  	_ =	swait.ge [sflag:s18], $0x1000  }
0x110: {  	[sflag:s18] =	ssyncset.done $0x0  }
0x111: {  	[sflag:s18] =	ssyncadd.s32 $0xFFFFF000  }
0x112: {  	[bflag:$0x0] =	sbarrier.arrive $0xFFFF  }
0x113: {  	_ =	swait.ge [sflag:s8], $0x1000  }
0x114: {  	[sflag:s8] =	ssyncset.done $0x0  }
0x115: {  	[sflag:s8] =	ssyncadd.s32 $0xFFFFF000  }
0x116: {  	[tilespmem:s12], [sflag:$0x5] =	stream.indirect.gather [spmem:s4], $0x1, s17, s6, $0xb8;
	[tilespmem:$0x10380] =	vst v63  }
0x117: {  	_ =	swait.ge [sflag:s13], $0x1000  }
0x118: {  	s26 =	sld [smem:$0x7FB]  }
0x119: {  	[sflag:s13] =	ssyncset.done $0x0  }
0x11a: {  	[sflag:s13] =	ssyncadd.s32 $0xFFFFF000  }
0x11b: {  	[hbm4b:s26+s1] =	stream.linear.scatter [tilespmem:s12], [sflag:$0x7], $0x1000, $0x38;
	[tilespmem:$0x10380] =	vst v63  }
0x11c: {  	[bflag:$0x0] =	sbarrier.arrive $0xFFFF  }
0x11d: {  	s0 =	sld [smem:$0x7FC];
	_ =	sdelay $0x2  }
0x11e: {  	[spmem:s20], [sflag:s19] =	dma.local @!p0 [hbm:s0], $0xC380  }
0x11f: {  	_ =	swait.ge @!p0 [sflag:s30], $0xC380  }
0x120: {  	[sflag:s30] =	ssyncset.done @!p0 $0x0  }
0x121: {  	[sflag:s30] =	ssyncadd.s32 @!p0 $0xFFFF3C80  }
0x122: {  	[bflag:$0x0] =	sbarrier.arrive $0xFFFF  }
0x123: {  	_ =	swait.ge [sflag:s5], $0x1000  }
0x124: {  	[sflag:s5] =	ssyncset.done $0x0  }
0x125: {  	[sflag:s5] =	ssyncadd.s32 $0xFFFFF000  }
0x126: {  	[tilespmem:s7], [sflag:$0x6] =	stream.indirect.gather [spmem:s2], $0x1, s17, s6, $0xb8;
	[tilespmem:$0x10380] =	vst v63  }
0x127: {  	_ =	swait.ge [sflag:s9], $0x1000  }
0x128: {  	s26 =	sld [smem:$0x7FD]  }
0x129: {  	[sflag:s9] =	ssyncset.done $0x0  }
0x12a: {  	[sflag:s9] =	ssyncadd.s32 $0xFFFFF000  }
0x12b: {  	[hbm4b:s26+s1] =	stream.linear.scatter [tilespmem:s7], [sflag:$0x8], $0x1000, $0x38;
	[tilespmem:$0x10380] =	vst v63  }
0x12c: {  	_ = 	snop  }
0x12d: {  	[tilespmem:s11], [sflag:$0x4] =	stream.linear.gather [hbm4b:s15+s1], $0x1000, $0x38;
	[tilespmem:$0x10380] =	vst v63  }
0x12e: {  	[bflag:$0x0] =	sbarrier.arrive $0xFFFF  }
0x12f: {  	[spmem:s25], [sflag:s28] =	dma.local @!p0 [hbm:s10], $0xC380  }
0x130: {  	_ =	swait.ge @!p0 [sflag:s29], $0xC380  }
0x131: {  	[sflag:s29] =	ssyncset.done @!p0 $0x0  }
0x132: {  	[sflag:s29] =	ssyncadd.s32 @!p0 $0xFFFF3C80  }
0x133: {  	_ =	swait.ge [sflag:s16], $0x1000  }
0x134: {  	[sflag:s16] =	ssyncset.done $0x0  }
0x135: {  	[sflag:s16] =	ssyncadd.s32 $0xFFFFF000  }
0x136: {  	[bflag:$0x0] =	sbarrier.arrive $0xFFFF  }
0x137: {  	_ =	swait.ge [sflag:s8], $0x1000  }
0x138: {  	[sflag:s8] =	ssyncset.done $0x0  }
0x139: {  	[sflag:s8] =	ssyncadd.s32 $0xFFFFF000  }
0x13a: {  	[tilespmem:s12], [sflag:$0x5] =	stream.indirect.gather [spmem:s4], $0x1, s11, s6, $0xb8;
	[tilespmem:$0x10380] =	vst v63  }
0x13b: {  	_ =	swait.ge [sflag:s13], $0x1000  }
0x13c: {  	[sflag:s13] =	ssyncset.done $0x0  }
0x13d: {  	[sflag:s13] =	ssyncadd.s32 $0xFFFFF000  }
0x13e: {  	[hbm4b:s14+s1] =	stream.linear.scatter [tilespmem:s12], [sflag:$0x7], $0x1000, $0x38;
	[tilespmem:$0x10380] =	vst v63  }
0x13f: {  	[bflag:$0x0] =	sbarrier.arrive $0xFFFF  }
0x140: {  	_ =	swait.ge @!p0 [sflag:s30], $0xC380  }
0x141: {  	[sflag:s30] =	ssyncset.done @!p0 $0x0  }
0x142: {  	[sflag:s30] =	ssyncadd.s32 @!p0 $0xFFFF3C80  }
0x143: {  	[bflag:$0x0] =	sbarrier.arrive $0xFFFF  }
0x144: {  	_ =	swait.ge [sflag:s5], $0x1000  }
0x145: {  	[sflag:s5] =	ssyncset.done $0x0  }
0x146: {  	[sflag:s5] =	ssyncadd.s32 $0xFFFFF000  }
0x147: {  	[tilespmem:s7], [sflag:$0x6] =	stream.indirect.gather [spmem:s2], $0x1, s11, s6, $0xb8;
	[tilespmem:$0x10380] =	vst v63  }
0x148: {  	_ =	swait.ge [sflag:s9], $0x1000  }
0x149: {  	[sflag:s9] =	ssyncset.done $0x0  }
0x14a: {  	[sflag:s9] =	ssyncadd.s32 $0xFFFFF000  }
0x14b: {  	[hbm4b:s3+s1] =	stream.linear.scatter [tilespmem:s7], [sflag:$0x8], $0x1000, $0x38;
	[tilespmem:$0x10380] =	vst v63  }
0x14c: {  	[bflag:$0x0] =	sbarrier.arrive $0xFFFF  }
0x14d: {  	_ =	swait.ge [sflag:s8], $0x1000  }
0x14e: {  	s26 =	sld [smem:$0x7F6];
	_ =	sdelay $0x2  }
0x14f: {  	s31 =	sadd.s32 $0xFFFFFFFF, s26  }
0x150: {  	p2 =	sne.s32 s31, $0x0  }
.Ltmp1:
0x151: {  	_ = 	snop;
	(pc) =	sbr.rel @!p2 .LBB2_2-.Ltmp1, $4  }
0x152: {  	[sflag:s8] =	ssyncset.done $0x0  }
0x153: {  	[sflag:s8] =	ssyncadd.s32 $0xFFFFF000  }
0x154: {  	_ =	swait.ge [sflag:s5], $0x1000  }
0x155: {  	p1 =	por $0x1, $0x1;
	s0 =	rddreg [dreg:$0x4];
	[sflag:s5] =	ssyncset.done $0x0  }
.LBB2_3:
0x156: {  	[sflag:s5] =	ssyncadd.s32 $0xFFFFF000  }
0x157: {  	[tilespmem:s24], [sflag:$0x3] =	stream.linear.gather @p0 [hbm4b:s22+s23], $0x1000, $0x38;
	[tilespmem:$0x10380] =	vst v63  }
0x158: {  	[spmem:s20], [sflag:s19] =	dma.local @!p0 [hbm:s0], $0xC380  }
0x159: {  	s25 =	simm.s32 @p0 $0x0;
	s3 =	simm.s32 @!p0 $0xC380;
	s0 =	rddreg [dreg:$0x5]  }
0x15a: {  	s23 =	smov.u32 s25;
	s25 =	simm.s32 @!p0 $0x0;
	s24 =	rddreg [dreg:$0x6]  }
0x15b: {  	[tilespmem:s3], [sflag:$0x3] =	stream.linear.gather @!p0 [hbm4b:s22+s25], $0x1000, $0x38;
	[tilespmem:$0x10380] =	vst v63  }
0x15c: {  	s3 =	sld [smem:$0x7F5];
	s0 =	sshrl.u32 @!p0 s0, $0x3  }
0x15d: {  	[spmem:s0], [sflag:s28] =	dma.local @!p0 [hbm:s24], $0xC380  }
0x15e: {  	_ =	swait.ge @!p0 [sflag:s29], $0xC380  }
0x15f: {  	[sflag:s29] =	ssyncset.done @!p0 $0x0  }
0x160: {  	[sflag:s29] =	ssyncadd.s32 @!p0 $0xFFFF3C80  }
0x161: {  	_ =	swait.ge [sflag:s18], $0x1000  }
0x162: {  	[sflag:s18] =	ssyncset.done $0x0  }
0x163: {  	[sflag:s18] =	ssyncadd.s32 $0xFFFFF000  }
0x164: {  	[bflag:$0x0] =	sbarrier.arrive $0xFFFF  }
0x165: {  	[tilespmem:s12], [sflag:$0x5] =	stream.indirect.gather [spmem:s4], $0x1, s17, s6, $0xb8;
	[tilespmem:$0x10380] =	vst v63  }
0x166: {  	_ =	swait.ge [sflag:s13], $0x1000  }
0x167: {  	[sflag:s13] =	ssyncset.done $0x0  }
0x168: {  	[sflag:s13] =	ssyncadd.s32 $0xFFFFF000  }
0x169: {  	[hbm4b:s21+s1] =	stream.linear.scatter [tilespmem:s12], [sflag:$0x7], $0x1000, $0x38;
	[tilespmem:$0x10380] =	vst v63  }
0x16a: {  	[bflag:$0x0] =	sbarrier.arrive $0xFFFF  }
0x16b: {  	s25 =	rddreg [dreg:$0x7]  }
0x16c: {  	[spmem:s20], [sflag:s19] =	dma.local @!p0 [hbm:s25], $0xC380  }
0x16d: {  	_ =	swait.ge @!p0 [sflag:s30], $0xC380  }
0x16e: {  	[sflag:s30] =	ssyncset.done @!p0 $0x0  }
0x16f: {  	[sflag:s30] =	ssyncadd.s32 @!p0 $0xFFFF3C80  }
0x170: {  	[bflag:$0x0] =	sbarrier.arrive $0xFFFF  }
0x171: {  	[tilespmem:s7], [sflag:$0x6] =	stream.indirect.gather [spmem:s2], $0x1, s17, s6, $0xb8;
	[tilespmem:$0x10380] =	vst v63  }
0x172: {  	_ =	swait.ge [sflag:s9], $0x1000  }
0x173: {  	[sflag:s9] =	ssyncset.done $0x0  }
0x174: {  	s26 =	simm.s32 @p0 $0xC380;
	s25 =	rddreg [dreg:$0x8];
	[sflag:s9] =	ssyncadd.s32 $0xFFFFF000  }
0x175: {  	[hbm4b:s25+s1] =	stream.linear.scatter [tilespmem:s7], [sflag:$0x8], $0x1000, $0x38;
	[tilespmem:$0x10380] =	vst v63  }
0x176: {  	s24 =	smov.u32 s26;
	s26 =	rddreg [dreg:$0x9]  }
0x177: {  	[tilespmem:s11], [sflag:$0x4] =	stream.linear.gather [hbm4b:s26+s1], $0x1000, $0x38;
	[tilespmem:$0x10380] =	vst v63  }
0x178: {  	[bflag:$0x0] =	sbarrier.arrive $0xFFFF  }
0x179: {  	s25 =	rddreg [dreg:$0xa]  }
0x17a: {  	[spmem:s0], [sflag:s28] =	dma.local @!p0 [hbm:s25], $0xC380  }
0x17b: {  	_ =	swait.ge @!p0 [sflag:s29], $0xC380  }
0x17c: {  	[sflag:s29] =	ssyncset.done @!p0 $0x0  }
0x17d: {  	[sflag:s29] =	ssyncadd.s32 @!p0 $0xFFFF3C80  }
0x17e: {  	_ =	swait.ge [sflag:s16], $0x1000  }
0x17f: {  	[sflag:s16] =	ssyncset.done $0x0  }
0x180: {  	[sflag:s16] =	ssyncadd.s32 $0xFFFFF000  }
0x181: {  	[bflag:$0x0] =	sbarrier.arrive $0xFFFF  }
0x182: {  	_ =	swait.ge [sflag:s8], $0x1000  }
0x183: {  	[sflag:s8] =	ssyncset.done $0x0  }
0x184: {  	[sflag:s8] =	ssyncadd.s32 $0xFFFFF000  }
0x185: {  	[tilespmem:s12], [sflag:$0x5] =	stream.indirect.gather [spmem:s4], $0x1, s11, s6, $0xb8;
	[tilespmem:$0x10380] =	vst v63  }
0x186: {  	_ =	swait.ge [sflag:s13], $0x1000  }
0x187: {  	[sflag:s13] =	ssyncset.done $0x0  }
0x188: {  	s26 =	rddreg [dreg:$0xb];
	[sflag:s13] =	ssyncadd.s32 $0xFFFFF000  }
0x189: {  	[hbm4b:s26+s1] =	stream.linear.scatter [tilespmem:s12], [sflag:$0x7], $0x1000, $0x38;
	[tilespmem:$0x10380] =	vst v63  }
0x18a: {  	[bflag:$0x0] =	sbarrier.arrive $0xFFFF  }
0x18b: {  	s25 =	rddreg [dreg:$0xc]  }
0x18c: {  	[spmem:s20], [sflag:s19] =	dma.local @!p0 [hbm:s25], $0xC380  }
0x18d: {  	_ =	swait.ge @!p0 [sflag:s30], $0xC380  }
0x18e: {  	[sflag:s30] =	ssyncset.done @!p0 $0x0  }
0x18f: {  	[sflag:s30] =	ssyncadd.s32 @!p0 $0xFFFF3C80  }
0x190: {  	[bflag:$0x0] =	sbarrier.arrive $0xFFFF  }
0x191: {  	_ =	swait.ge [sflag:s5], $0x1000  }
0x192: {  	[sflag:s5] =	ssyncset.done $0x0  }
0x193: {  	[sflag:s5] =	ssyncadd.s32 $0xFFFFF000  }
0x194: {  	[tilespmem:s7], [sflag:$0x6] =	stream.indirect.gather [spmem:s2], $0x1, s11, s6, $0xb8;
	[tilespmem:$0x10380] =	vst v63  }
0x195: {  	_ =	swait.ge [sflag:s9], $0x1000  }
0x196: {  	[sflag:s9] =	ssyncset.done $0x0  }
0x197: {  	s25 =	rddreg [dreg:$0xd];
	[sflag:s9] =	ssyncadd.s32 $0xFFFFF000  }
0x198: {  	[hbm4b:s25+s1] =	stream.linear.scatter [tilespmem:s7], [sflag:$0x8], $0x1000, $0x38;
	[tilespmem:$0x10380] =	vst v63  }
0x199: {  	s26 =	rddreg [dreg:$0xe]  }
0x19a: {  	[tilespmem:s17], [sflag:$0x3] =	stream.linear.gather [hbm4b:s26+s1], $0x1000, $0x38;
	[tilespmem:$0x10380] =	vst v63  }
0x19b: {  	[bflag:$0x0] =	sbarrier.arrive $0xFFFF  }
0x19c: {  	s25 =	rddreg [dreg:$0xf]  }
0x19d: {  	[spmem:s0], [sflag:s28] =	dma.local @!p0 [hbm:s25], $0xC380  }
0x19e: {  	_ =	swait.ge @!p0 [sflag:s29], $0xC380  }
0x19f: {  	[sflag:s29] =	ssyncset.done @!p0 $0x0  }
0x1a0: {  	[sflag:s29] =	ssyncadd.s32 @!p0 $0xFFFF3C80  }
0x1a1: {  	_ =	swait.ge [sflag:s18], $0x1000  }
0x1a2: {  	[sflag:s18] =	ssyncset.done $0x0  }
0x1a3: {  	[sflag:s18] =	ssyncadd.s32 $0xFFFFF000  }
0x1a4: {  	[bflag:$0x0] =	sbarrier.arrive $0xFFFF  }
0x1a5: {  	_ =	swait.ge [sflag:s8], $0x1000  }
0x1a6: {  	[sflag:s8] =	ssyncset.done $0x0  }
0x1a7: {  	[sflag:s8] =	ssyncadd.s32 $0xFFFFF000  }
0x1a8: {  	[tilespmem:s12], [sflag:$0x5] =	stream.indirect.gather [spmem:s4], $0x1, s17, s6, $0xb8;
	[tilespmem:$0x10380] =	vst v63  }
0x1a9: {  	_ =	swait.ge [sflag:s13], $0x1000  }
0x1aa: {  	[sflag:s13] =	ssyncset.done $0x0  }
0x1ab: {  	s26 =	rddreg [dreg:$0x10];
	[sflag:s13] =	ssyncadd.s32 $0xFFFFF000  }
0x1ac: {  	[hbm4b:s26+s1] =	stream.linear.scatter [tilespmem:s12], [sflag:$0x7], $0x1000, $0x38;
	[tilespmem:$0x10380] =	vst v63  }
0x1ad: {  	[bflag:$0x0] =	sbarrier.arrive $0xFFFF  }
0x1ae: {  	s25 =	rddreg [dreg:$0x11]  }
0x1af: {  	[spmem:s20], [sflag:s19] =	dma.local @!p0 [hbm:s25], $0xC380  }
0x1b0: {  	_ =	swait.ge @!p0 [sflag:s30], $0xC380  }
0x1b1: {  	[sflag:s30] =	ssyncset.done @!p0 $0x0  }
0x1b2: {  	[sflag:s30] =	ssyncadd.s32 @!p0 $0xFFFF3C80  }
0x1b3: {  	[bflag:$0x0] =	sbarrier.arrive $0xFFFF  }
0x1b4: {  	_ =	swait.ge [sflag:s5], $0x1000  }
0x1b5: {  	[sflag:s5] =	ssyncset.done $0x0  }
0x1b6: {  	[sflag:s5] =	ssyncadd.s32 $0xFFFFF000  }
0x1b7: {  	[tilespmem:s7], [sflag:$0x6] =	stream.indirect.gather [spmem:s2], $0x1, s17, s6, $0xb8;
	[tilespmem:$0x10380] =	vst v63  }
0x1b8: {  	_ =	swait.ge [sflag:s9], $0x1000  }
0x1b9: {  	[sflag:s9] =	ssyncset.done $0x0  }
0x1ba: {  	s25 =	rddreg [dreg:$0x12];
	[sflag:s9] =	ssyncadd.s32 $0xFFFFF000  }
0x1bb: {  	[hbm4b:s25+s1] =	stream.linear.scatter [tilespmem:s7], [sflag:$0x8], $0x1000, $0x38;
	[tilespmem:$0x10380] =	vst v63  }
0x1bc: {  	s26 =	rddreg [dreg:$0x13]  }
0x1bd: {  	[tilespmem:s11], [sflag:$0x4] =	stream.linear.gather [hbm4b:s26+s1], $0x1000, $0x38;
	[tilespmem:$0x10380] =	vst v63  }
0x1be: {  	[bflag:$0x0] =	sbarrier.arrive $0xFFFF  }
0x1bf: {  	s25 =	rddreg [dreg:$0x14]  }
0x1c0: {  	[spmem:s0], [sflag:s28] =	dma.local @!p0 [hbm:s25], $0xC380  }
0x1c1: {  	_ =	swait.ge @!p0 [sflag:s29], $0xC380  }
0x1c2: {  	[sflag:s29] =	ssyncset.done @!p0 $0x0  }
0x1c3: {  	[sflag:s29] =	ssyncadd.s32 @!p0 $0xFFFF3C80  }
0x1c4: {  	_ =	swait.ge [sflag:s16], $0x1000  }
0x1c5: {  	[sflag:s16] =	ssyncset.done $0x0  }
0x1c6: {  	[sflag:s16] =	ssyncadd.s32 $0xFFFFF000  }
0x1c7: {  	[bflag:$0x0] =	sbarrier.arrive $0xFFFF  }
0x1c8: {  	_ =	swait.ge [sflag:s8], $0x1000  }
0x1c9: {  	[sflag:s8] =	ssyncset.done $0x0  }
0x1ca: {  	[sflag:s8] =	ssyncadd.s32 $0xFFFFF000  }
0x1cb: {  	[tilespmem:s12], [sflag:$0x5] =	stream.indirect.gather [spmem:s4], $0x1, s11, s6, $0xb8;
	[tilespmem:$0x10380] =	vst v63  }
0x1cc: {  	_ =	swait.ge [sflag:s13], $0x1000  }
0x1cd: {  	[sflag:s13] =	ssyncset.done $0x0  }
0x1ce: {  	s26 =	rddreg [dreg:$0x15];
	[sflag:s13] =	ssyncadd.s32 $0xFFFFF000  }
0x1cf: {  	[hbm4b:s26+s1] =	stream.linear.scatter [tilespmem:s12], [sflag:$0x7], $0x1000, $0x38;
	[tilespmem:$0x10380] =	vst v63  }
0x1d0: {  	[bflag:$0x0] =	sbarrier.arrive $0xFFFF  }
0x1d1: {  	s25 =	rddreg [dreg:$0x16]  }
0x1d2: {  	[spmem:s20], [sflag:s19] =	dma.local @!p0 [hbm:s25], $0xC380  }
0x1d3: {  	_ =	swait.ge @!p0 [sflag:s30], $0xC380  }
0x1d4: {  	[sflag:s30] =	ssyncset.done @!p0 $0x0  }
0x1d5: {  	[sflag:s30] =	ssyncadd.s32 @!p0 $0xFFFF3C80  }
0x1d6: {  	[bflag:$0x0] =	sbarrier.arrive $0xFFFF  }
0x1d7: {  	_ =	swait.ge [sflag:s5], $0x1000  }
0x1d8: {  	[sflag:s5] =	ssyncset.done $0x0  }
0x1d9: {  	[sflag:s5] =	ssyncadd.s32 $0xFFFFF000  }
0x1da: {  	[tilespmem:s7], [sflag:$0x6] =	stream.indirect.gather [spmem:s2], $0x1, s11, s6, $0xb8;
	[tilespmem:$0x10380] =	vst v63  }
0x1db: {  	_ =	swait.ge [sflag:s9], $0x1000  }
0x1dc: {  	[sflag:s9] =	ssyncset.done $0x0  }
0x1dd: {  	s25 =	rddreg [dreg:$0x17];
	[sflag:s9] =	ssyncadd.s32 $0xFFFFF000  }
0x1de: {  	[hbm4b:s25+s1] =	stream.linear.scatter [tilespmem:s7], [sflag:$0x8], $0x1000, $0x38;
	[tilespmem:$0x10380] =	vst v63  }
0x1df: {  	s26 =	rddreg [dreg:$0x18]  }
0x1e0: {  	[tilespmem:s17], [sflag:$0x3] =	stream.linear.gather [hbm4b:s26+s1], $0x1000, $0x38;
	[tilespmem:$0x10380] =	vst v63  }
0x1e1: {  	[bflag:$0x0] =	sbarrier.arrive $0xFFFF  }
0x1e2: {  	s25 =	rddreg [dreg:$0x19]  }
0x1e3: {  	[spmem:s0], [sflag:s28] =	dma.local @!p0 [hbm:s25], $0xC380  }
0x1e4: {  	_ =	swait.ge @!p0 [sflag:s29], $0xC380  }
0x1e5: {  	[sflag:s29] =	ssyncset.done @!p0 $0x0  }
0x1e6: {  	[sflag:s29] =	ssyncadd.s32 @!p0 $0xFFFF3C80  }
0x1e7: {  	_ =	swait.ge [sflag:s18], $0x1000  }
0x1e8: {  	[sflag:s18] =	ssyncset.done $0x0  }
0x1e9: {  	[sflag:s18] =	ssyncadd.s32 $0xFFFFF000  }
0x1ea: {  	[bflag:$0x0] =	sbarrier.arrive $0xFFFF  }
0x1eb: {  	_ =	swait.ge [sflag:s8], $0x1000  }
0x1ec: {  	[sflag:s8] =	ssyncset.done $0x0  }
0x1ed: {  	[sflag:s8] =	ssyncadd.s32 $0xFFFFF000  }
0x1ee: {  	[tilespmem:s12], [sflag:$0x5] =	stream.indirect.gather [spmem:s4], $0x1, s17, s6, $0xb8;
	[tilespmem:$0x10380] =	vst v63  }
0x1ef: {  	_ =	swait.ge [sflag:s13], $0x1000  }
0x1f0: {  	[sflag:s13] =	ssyncset.done $0x0  }
0x1f1: {  	s26 =	rddreg [dreg:$0x1a];
	[sflag:s13] =	ssyncadd.s32 $0xFFFFF000  }
0x1f2: {  	[hbm4b:s26+s1] =	stream.linear.scatter [tilespmem:s12], [sflag:$0x7], $0x1000, $0x38;
	[tilespmem:$0x10380] =	vst v63  }
0x1f3: {  	[bflag:$0x0] =	sbarrier.arrive $0xFFFF  }
0x1f4: {  	s25 =	rddreg [dreg:$0x1b]  }
0x1f5: {  	[spmem:s20], [sflag:s19] =	dma.local @!p0 [hbm:s25], $0xC380  }
0x1f6: {  	_ =	swait.ge @!p0 [sflag:s30], $0xC380  }
0x1f7: {  	[sflag:s30] =	ssyncset.done @!p0 $0x0  }
0x1f8: {  	[sflag:s30] =	ssyncadd.s32 @!p0 $0xFFFF3C80  }
0x1f9: {  	[bflag:$0x0] =	sbarrier.arrive $0xFFFF  }
0x1fa: {  	_ =	swait.ge [sflag:s5], $0x1000  }
0x1fb: {  	[sflag:s5] =	ssyncset.done $0x0  }
0x1fc: {  	[sflag:s5] =	ssyncadd.s32 $0xFFFFF000  }
0x1fd: {  	[tilespmem:s7], [sflag:$0x6] =	stream.indirect.gather [spmem:s2], $0x1, s17, s6, $0xb8;
	[tilespmem:$0x10380] =	vst v63  }
0x1fe: {  	_ =	swait.ge [sflag:s9], $0x1000  }
0x1ff: {  	[sflag:s9] =	ssyncset.done $0x0  }
0x200: {  	s25 =	rddreg [dreg:$0x1c];
	[sflag:s9] =	ssyncadd.s32 $0xFFFFF000  }
0x201: {  	[hbm4b:s25+s1] =	stream.linear.scatter [tilespmem:s7], [sflag:$0x8], $0x1000, $0x38;
	[tilespmem:$0x10380] =	vst v63  }
0x202: {  	s26 =	rddreg [dreg:$0x1d]  }
0x203: {  	[tilespmem:s11], [sflag:$0x4] =	stream.linear.gather [hbm4b:s26+s1], $0x1000, $0x38;
	[tilespmem:$0x10380] =	vst v63  }
0x204: {  	[bflag:$0x0] =	sbarrier.arrive $0xFFFF  }
0x205: {  	s25 =	rddreg [dreg:$0x1e]  }
0x206: {  	[spmem:s0], [sflag:s28] =	dma.local @!p0 [hbm:s25], $0xC380  }
0x207: {  	_ =	swait.ge @!p0 [sflag:s29], $0xC380  }
0x208: {  	[sflag:s29] =	ssyncset.done @!p0 $0x0  }
0x209: {  	[sflag:s29] =	ssyncadd.s32 @!p0 $0xFFFF3C80  }
0x20a: {  	_ =	swait.ge [sflag:s16], $0x1000  }
0x20b: {  	[sflag:s16] =	ssyncset.done $0x0  }
0x20c: {  	[sflag:s16] =	ssyncadd.s32 $0xFFFFF000  }
0x20d: {  	[bflag:$0x0] =	sbarrier.arrive $0xFFFF  }
0x20e: {  	_ =	swait.ge [sflag:s8], $0x1000  }
0x20f: {  	[sflag:s8] =	ssyncset.done $0x0  }
0x210: {  	[sflag:s8] =	ssyncadd.s32 $0xFFFFF000  }
0x211: {  	[tilespmem:s12], [sflag:$0x5] =	stream.indirect.gather [spmem:s4], $0x1, s11, s6, $0xb8;
	[tilespmem:$0x10380] =	vst v63  }
0x212: {  	_ =	swait.ge [sflag:s13], $0x1000  }
0x213: {  	[sflag:s13] =	ssyncset.done $0x0  }
0x214: {  	s26 =	rddreg [dreg:$0x1f];
	[sflag:s13] =	ssyncadd.s32 $0xFFFFF000  }
0x215: {  	[hbm4b:s26+s1] =	stream.linear.scatter [tilespmem:s12], [sflag:$0x7], $0x1000, $0x38;
	[tilespmem:$0x10380] =	vst v63  }
0x216: {  	[bflag:$0x0] =	sbarrier.arrive $0xFFFF  }
0x217: {  	s25 =	sld [smem:$0x7F7];
	_ =	sdelay $0x2  }
0x218: {  	[spmem:s20], [sflag:s19] =	dma.local @!p0 [hbm:s25], $0xC380  }
0x219: {  	_ =	swait.ge @!p0 [sflag:s30], $0xC380  }
0x21a: {  	[sflag:s30] =	ssyncset.done @!p0 $0x0  }
0x21b: {  	[sflag:s30] =	ssyncadd.s32 @!p0 $0xFFFF3C80  }
0x21c: {  	[bflag:$0x0] =	sbarrier.arrive $0xFFFF  }
0x21d: {  	_ =	swait.ge [sflag:s5], $0x1000  }
0x21e: {  	[sflag:s5] =	ssyncset.done $0x0  }
0x21f: {  	[sflag:s5] =	ssyncadd.s32 $0xFFFFF000  }
0x220: {  	[tilespmem:s7], [sflag:$0x6] =	stream.indirect.gather [spmem:s2], $0x1, s11, s6, $0xb8;
	[tilespmem:$0x10380] =	vst v63  }
0x221: {  	_ =	swait.ge [sflag:s9], $0x1000  }
0x222: {  	s25 =	sld [smem:$0x7F8]  }
0x223: {  	[sflag:s9] =	ssyncset.done $0x0  }
0x224: {  	s26 =	sld [smem:$0x7F9];
	[sflag:s9] =	ssyncadd.s32 $0xFFFFF000  }
0x225: {  	[hbm4b:s25+s1] =	stream.linear.scatter [tilespmem:s7], [sflag:$0x8], $0x1000, $0x38;
	[tilespmem:$0x10380] =	vst v63  }
0x226: {  	_ = 	snop  }
0x227: {  	[tilespmem:s17], [sflag:$0x3] =	stream.linear.gather [hbm4b:s26+s1], $0x1000, $0x38;
	[tilespmem:$0x10380] =	vst v63  }
0x228: {  	[bflag:$0x0] =	sbarrier.arrive $0xFFFF  }
0x229: {  	s25 =	sld [smem:$0x7FA];
	_ =	sdelay $0x2  }
0x22a: {  	[spmem:s0], [sflag:s28] =	dma.local @!p0 [hbm:s25], $0xC380  }
0x22b: {  	_ =	swait.ge @!p0 [sflag:s29], $0xC380  }
0x22c: {  	[sflag:s29] =	ssyncset.done @!p0 $0x0  }
0x22d: {  	[sflag:s29] =	ssyncadd.s32 @!p0 $0xFFFF3C80  }
0x22e: {  	_ =	swait.ge [sflag:s18], $0x1000  }
0x22f: {  	[sflag:s18] =	ssyncset.done $0x0  }
0x230: {  	[sflag:s18] =	ssyncadd.s32 $0xFFFFF000  }
0x231: {  	[bflag:$0x0] =	sbarrier.arrive $0xFFFF  }
0x232: {  	_ =	swait.ge [sflag:s8], $0x1000  }
0x233: {  	[sflag:s8] =	ssyncset.done $0x0  }
0x234: {  	[sflag:s8] =	ssyncadd.s32 $0xFFFFF000  }
0x235: {  	[tilespmem:s12], [sflag:$0x5] =	stream.indirect.gather [spmem:s4], $0x1, s17, s6, $0xb8;
	[tilespmem:$0x10380] =	vst v63  }
0x236: {  	_ =	swait.ge [sflag:s13], $0x1000  }
0x237: {  	s26 =	sld [smem:$0x7FB]  }
0x238: {  	[sflag:s13] =	ssyncset.done $0x0  }
0x239: {  	[sflag:s13] =	ssyncadd.s32 $0xFFFFF000  }
0x23a: {  	[hbm4b:s26+s1] =	stream.linear.scatter [tilespmem:s12], [sflag:$0x7], $0x1000, $0x38;
	[tilespmem:$0x10380] =	vst v63  }
0x23b: {  	[bflag:$0x0] =	sbarrier.arrive $0xFFFF  }
0x23c: {  	s25 =	sld [smem:$0x7FC];
	_ =	sdelay $0x2  }
0x23d: {  	[spmem:s20], [sflag:s19] =	dma.local @!p0 [hbm:s25], $0xC380  }
0x23e: {  	_ =	swait.ge @!p0 [sflag:s30], $0xC380  }
0x23f: {  	[sflag:s30] =	ssyncset.done @!p0 $0x0  }
0x240: {  	[sflag:s30] =	ssyncadd.s32 @!p0 $0xFFFF3C80  }
0x241: {  	[bflag:$0x0] =	sbarrier.arrive $0xFFFF  }
0x242: {  	_ =	swait.ge [sflag:s5], $0x1000  }
0x243: {  	[sflag:s5] =	ssyncset.done $0x0  }
0x244: {  	[sflag:s5] =	ssyncadd.s32 $0xFFFFF000  }
0x245: {  	[tilespmem:s7], [sflag:$0x6] =	stream.indirect.gather [spmem:s2], $0x1, s17, s6, $0xb8;
	[tilespmem:$0x10380] =	vst v63  }
0x246: {  	_ =	swait.ge [sflag:s9], $0x1000  }
0x247: {  	s26 =	sld [smem:$0x7FD]  }
0x248: {  	[sflag:s9] =	ssyncset.done $0x0  }
0x249: {  	[sflag:s9] =	ssyncadd.s32 $0xFFFFF000  }
0x24a: {  	[hbm4b:s26+s1] =	stream.linear.scatter [tilespmem:s7], [sflag:$0x8], $0x1000, $0x38;
	[tilespmem:$0x10380] =	vst v63  }
0x24b: {  	_ = 	snop  }
0x24c: {  	[tilespmem:s11], [sflag:$0x4] =	stream.linear.gather [hbm4b:s15+s1], $0x1000, $0x38;
	[tilespmem:$0x10380] =	vst v63  }
0x24d: {  	[bflag:$0x0] =	sbarrier.arrive $0xFFFF  }
0x24e: {  	[spmem:s0], [sflag:s28] =	dma.local @!p0 [hbm:s10], $0xC380  }
0x24f: {  	_ =	swait.ge @!p0 [sflag:s29], $0xC380  }
0x250: {  	[sflag:s29] =	ssyncset.done @!p0 $0x0  }
0x251: {  	[sflag:s29] =	ssyncadd.s32 @!p0 $0xFFFF3C80  }
0x252: {  	_ =	swait.ge [sflag:s16], $0x1000  }
0x253: {  	[sflag:s16] =	ssyncset.done $0x0  }
0x254: {  	[sflag:s16] =	ssyncadd.s32 $0xFFFFF000  }
0x255: {  	[bflag:$0x0] =	sbarrier.arrive $0xFFFF  }
0x256: {  	_ =	swait.ge [sflag:s8], $0x1000  }
0x257: {  	[sflag:s8] =	ssyncset.done $0x0  }
0x258: {  	[sflag:s8] =	ssyncadd.s32 $0xFFFFF000  }
0x259: {  	[tilespmem:s12], [sflag:$0x5] =	stream.indirect.gather [spmem:s4], $0x1, s11, s6, $0xb8;
	[tilespmem:$0x10380] =	vst v63  }
0x25a: {  	_ =	swait.ge [sflag:s13], $0x1000  }
0x25b: {  	[sflag:s13] =	ssyncset.done $0x0  }
0x25c: {  	[sflag:s13] =	ssyncadd.s32 $0xFFFFF000  }
0x25d: {  	[hbm4b:s14+s1] =	stream.linear.scatter [tilespmem:s12], [sflag:$0x7], $0x1000, $0x38;
	[tilespmem:$0x10380] =	vst v63  }
0x25e: {  	[bflag:$0x0] =	sbarrier.arrive $0xFFFF  }
0x25f: {  	_ =	swait.ge @!p0 [sflag:s30], $0xC380  }
0x260: {  	[sflag:s30] =	ssyncset.done @!p0 $0x0  }
0x261: {  	[sflag:s30] =	ssyncadd.s32 @!p0 $0xFFFF3C80  }
0x262: {  	[bflag:$0x0] =	sbarrier.arrive $0xFFFF  }
0x263: {  	_ =	swait.ge [sflag:s5], $0x1000  }
0x264: {  	[sflag:s5] =	ssyncset.done $0x0  }
0x265: {  	[sflag:s5] =	ssyncadd.s32 $0xFFFFF000  }
0x266: {  	[tilespmem:s7], [sflag:$0x6] =	stream.indirect.gather [spmem:s2], $0x1, s11, s6, $0xb8;
	[tilespmem:$0x10380] =	vst v63  }
0x267: {  	_ =	swait.ge [sflag:s9], $0x1000  }
0x268: {  	[sflag:s9] =	ssyncset.done $0x0  }
0x269: {  	s31 =	sadd.s32 $0xFFFFFFFF, s31;
	[sflag:s9] =	ssyncadd.s32 $0xFFFFF000  }
0x26a: {  	[hbm4b:s3+s1] =	stream.linear.scatter [tilespmem:s7], [sflag:$0x8], $0x1000, $0x38;
	[tilespmem:$0x10380] =	vst v63  }
0x26b: {  	p2 =	sne.s32 s31, $0x0;
	[bflag:$0x0] =	sbarrier.arrive $0xFFFF  }
.Ltmp2:
0x26c: {  	_ =	swait.ge [sflag:s8], $0x1000;
	(pc) =	sbr.rel @p2 .LBB2_3-.Ltmp2, $4  }
0x26d: {  	[sflag:s8] =	ssyncset.done $0x0  }
0x26e: {  	[sflag:s8] =	ssyncadd.s32 $0xFFFFF000  }
0x26f: {  	_ =	swait.ge [sflag:s5], $0x1000  }
0x270: {  	s0 =	rddreg [dreg:$0x4];
	[sflag:s5] =	ssyncset.done $0x0  }
0x271: {  	s26 =	rddreg [dreg:$0x3]  }
.LBB2_5:
0x272: {  	[sflag:s5] =	ssyncadd.s32 @p1 $0xFFFFF000  }
0x273: {  	[tilespmem:s24], [sflag:$0x3] =	stream.linear.gather @p0 [hbm4b:s22+s23], $0x1000, $0x38;
	[tilespmem:$0x10380] =	vst v63  }
0x274: {  	[spmem:s20], [sflag:s19] =	dma.local @!p0 [hbm:s0], $0xC380  }
0x275: {  	s0 =	rddreg [dreg:$0x5]  }
0x276: {  	s23 =	simm.s32 @!p0 $0x0;
	s24 =	simm.s32 @!p0 $0xC380;
	s25 =	rddreg [dreg:$0x6]  }
0x277: {  	[tilespmem:s24], [sflag:$0x3] =	stream.linear.gather @!p0 [hbm4b:s22+s23], $0x1000, $0x38;
	[tilespmem:$0x10380] =	vst v63  }
0x278: {  	s23 =	simm.s32 @!p0 $0x1C02;
	s22 =	sshrl.u32 @!p0 s0, $0x3;
	s0 =	simm.s32 @!p0 $0x1  }
0x279: {  	[spmem:s22], [sflag:s23] =	dma.local @!p0 [hbm:s25], $0xC380  }
0x27a: {  	_ =	swait.ge @!p0 [sflag:s0], $0xC380  }
0x27b: {  	[sflag:s0] =	ssyncset.done @!p0 $0x0  }
0x27c: {  	[sflag:s0] =	ssyncadd.s32 @!p0 $0xFFFF3C80  }
0x27d: {  	_ =	swait.ge [sflag:s18], $0x1000  }
0x27e: {  	[sflag:s18] =	ssyncset.done $0x0  }
0x27f: {  	[sflag:s18] =	ssyncadd.s32 $0xFFFFF000  }
0x280: {  	[bflag:$0x0] =	sbarrier.arrive $0xFFFF  }
0x281: {  	[tilespmem:s12], [sflag:$0x5] =	stream.indirect.gather [spmem:s4], $0x1, s17, s6, $0xb8;
	[tilespmem:$0x10380] =	vst v63  }
0x282: {  	_ =	swait.ge [sflag:s13], $0x1000  }
0x283: {  	[sflag:s13] =	ssyncset.done $0x0  }
0x284: {  	[sflag:s13] =	ssyncadd.s32 $0xFFFFF000  }
0x285: {  	[hbm4b:s21+s1] =	stream.linear.scatter [tilespmem:s12], [sflag:$0x7], $0x1000, $0x38;
	[tilespmem:$0x10380] =	vst v63  }
0x286: {  	[bflag:$0x0] =	sbarrier.arrive $0xFFFF  }
0x287: {  	s21 =	simm.s32 @!p0 $0x2;
	s24 =	rddreg [dreg:$0x7]  }
0x288: {  	[spmem:s20], [sflag:s19] =	dma.local @!p0 [hbm:s24], $0xC380  }
0x289: {  	_ =	swait.ge @!p0 [sflag:s21], $0xC380  }
0x28a: {  	[sflag:s21] =	ssyncset.done @!p0 $0x0  }
0x28b: {  	[sflag:s21] =	ssyncadd.s32 @!p0 $0xFFFF3C80  }
0x28c: {  	[bflag:$0x0] =	sbarrier.arrive $0xFFFF  }
0x28d: {  	[tilespmem:s7], [sflag:$0x6] =	stream.indirect.gather [spmem:s2], $0x1, s17, s6, $0xb8;
	[tilespmem:$0x10380] =	vst v63  }
0x28e: {  	_ =	swait.ge [sflag:s9], $0x1000  }
0x28f: {  	[sflag:s9] =	ssyncset.done $0x0  }
0x290: {  	s25 =	rddreg [dreg:$0x8];
	[sflag:s9] =	ssyncadd.s32 $0xFFFFF000  }
0x291: {  	[hbm4b:s25+s1] =	stream.linear.scatter [tilespmem:s7], [sflag:$0x8], $0x1000, $0x38;
	[tilespmem:$0x10380] =	vst v63  }
0x292: {  	s28 =	rddreg [dreg:$0x9]  }
0x293: {  	[tilespmem:s11], [sflag:$0x4] =	stream.linear.gather [hbm4b:s28+s1], $0x1000, $0x38;
	[tilespmem:$0x10380] =	vst v63  }
0x294: {  	[bflag:$0x0] =	sbarrier.arrive $0xFFFF  }
0x295: {  	s24 =	rddreg [dreg:$0xa]  }
0x296: {  	[spmem:s22], [sflag:s23] =	dma.local @!p0 [hbm:s24], $0xC380  }
0x297: {  	_ =	swait.ge @!p0 [sflag:s0], $0xC380  }
0x298: {  	[sflag:s0] =	ssyncset.done @!p0 $0x0  }
0x299: {  	[sflag:s0] =	ssyncadd.s32 @!p0 $0xFFFF3C80  }
0x29a: {  	_ =	swait.ge [sflag:s16], $0x1000  }
0x29b: {  	[sflag:s16] =	ssyncset.done $0x0  }
0x29c: {  	[sflag:s16] =	ssyncadd.s32 $0xFFFFF000  }
0x29d: {  	[bflag:$0x0] =	sbarrier.arrive $0xFFFF  }
0x29e: {  	_ =	swait.ge [sflag:s8], $0x1000  }
0x29f: {  	[sflag:s8] =	ssyncset.done $0x0  }
0x2a0: {  	[sflag:s8] =	ssyncadd.s32 $0xFFFFF000  }
0x2a1: {  	[tilespmem:s12], [sflag:$0x5] =	stream.indirect.gather [spmem:s4], $0x1, s11, s6, $0xb8;
	[tilespmem:$0x10380] =	vst v63  }
0x2a2: {  	_ =	swait.ge [sflag:s13], $0x1000  }
0x2a3: {  	[sflag:s13] =	ssyncset.done $0x0  }
0x2a4: {  	s29 =	rddreg [dreg:$0xb];
	[sflag:s13] =	ssyncadd.s32 $0xFFFFF000  }
0x2a5: {  	[hbm4b:s29+s1] =	stream.linear.scatter [tilespmem:s12], [sflag:$0x7], $0x1000, $0x38;
	[tilespmem:$0x10380] =	vst v63  }
0x2a6: {  	[bflag:$0x0] =	sbarrier.arrive $0xFFFF  }
0x2a7: {  	s24 =	rddreg [dreg:$0xc]  }
0x2a8: {  	[spmem:s20], [sflag:s19] =	dma.local @!p0 [hbm:s24], $0xC380  }
0x2a9: {  	_ =	swait.ge @!p0 [sflag:s21], $0xC380  }
0x2aa: {  	[sflag:s21] =	ssyncset.done @!p0 $0x0  }
0x2ab: {  	[sflag:s21] =	ssyncadd.s32 @!p0 $0xFFFF3C80  }
0x2ac: {  	[bflag:$0x0] =	sbarrier.arrive $0xFFFF  }
0x2ad: {  	_ =	swait.ge [sflag:s5], $0x1000  }
0x2ae: {  	[sflag:s5] =	ssyncset.done $0x0  }
0x2af: {  	[sflag:s5] =	ssyncadd.s32 $0xFFFFF000  }
0x2b0: {  	[tilespmem:s7], [sflag:$0x6] =	stream.indirect.gather [spmem:s2], $0x1, s11, s6, $0xb8;
	[tilespmem:$0x10380] =	vst v63  }
0x2b1: {  	_ =	swait.ge [sflag:s9], $0x1000  }
0x2b2: {  	[sflag:s9] =	ssyncset.done $0x0  }
0x2b3: {  	s30 =	rddreg [dreg:$0xd];
	[sflag:s9] =	ssyncadd.s32 $0xFFFFF000  }
0x2b4: {  	[hbm4b:s30+s1] =	stream.linear.scatter [tilespmem:s7], [sflag:$0x8], $0x1000, $0x38;
	[tilespmem:$0x10380] =	vst v63  }
0x2b5: {  	s31 =	rddreg [dreg:$0xe]  }
0x2b6: {  	[tilespmem:s17], [sflag:$0x3] =	stream.linear.gather [hbm4b:s31+s1], $0x1000, $0x38;
	[tilespmem:$0x10380] =	vst v63  }
0x2b7: {  	[bflag:$0x0] =	sbarrier.arrive $0xFFFF  }
0x2b8: {  	s24 =	rddreg [dreg:$0xf]  }
0x2b9: {  	[spmem:s22], [sflag:s23] =	dma.local @!p0 [hbm:s24], $0xC380  }
0x2ba: {  	_ =	swait.ge @!p0 [sflag:s0], $0xC380  }
0x2bb: {  	[sflag:s0] =	ssyncset.done @!p0 $0x0  }
0x2bc: {  	[sflag:s0] =	ssyncadd.s32 @!p0 $0xFFFF3C80  }
0x2bd: {  	_ =	swait.ge [sflag:s18], $0x1000  }
0x2be: {  	[sflag:s18] =	ssyncset.done $0x0  }
0x2bf: {  	[sflag:s18] =	ssyncadd.s32 $0xFFFFF000  }
0x2c0: {  	[bflag:$0x0] =	sbarrier.arrive $0xFFFF  }
0x2c1: {  	_ =	swait.ge [sflag:s8], $0x1000  }
0x2c2: {  	[sflag:s8] =	ssyncset.done $0x0  }
0x2c3: {  	[sflag:s8] =	ssyncadd.s32 $0xFFFFF000  }
0x2c4: {  	[tilespmem:s12], [sflag:$0x5] =	stream.indirect.gather [spmem:s4], $0x1, s17, s6, $0xb8;
	[tilespmem:$0x10380] =	vst v63  }
0x2c5: {  	_ =	swait.ge [sflag:s13], $0x1000  }
0x2c6: {  	[sflag:s13] =	ssyncset.done $0x0  }
0x2c7: {  	s28 =	rddreg [dreg:$0x10];
	[sflag:s13] =	ssyncadd.s32 $0xFFFFF000  }
0x2c8: {  	[hbm4b:s28+s1] =	stream.linear.scatter [tilespmem:s12], [sflag:$0x7], $0x1000, $0x38;
	[tilespmem:$0x10380] =	vst v63  }
0x2c9: {  	[bflag:$0x0] =	sbarrier.arrive $0xFFFF  }
0x2ca: {  	s24 =	rddreg [dreg:$0x11]  }
0x2cb: {  	[spmem:s20], [sflag:s19] =	dma.local @!p0 [hbm:s24], $0xC380  }
0x2cc: {  	_ =	swait.ge @!p0 [sflag:s21], $0xC380  }
0x2cd: {  	[sflag:s21] =	ssyncset.done @!p0 $0x0  }
0x2ce: {  	[sflag:s21] =	ssyncadd.s32 @!p0 $0xFFFF3C80  }
0x2cf: {  	[bflag:$0x0] =	sbarrier.arrive $0xFFFF  }
0x2d0: {  	_ =	swait.ge [sflag:s5], $0x1000  }
0x2d1: {  	[sflag:s5] =	ssyncset.done $0x0  }
0x2d2: {  	[sflag:s5] =	ssyncadd.s32 $0xFFFFF000  }
0x2d3: {  	[tilespmem:s7], [sflag:$0x6] =	stream.indirect.gather [spmem:s2], $0x1, s17, s6, $0xb8;
	[tilespmem:$0x10380] =	vst v63  }
0x2d4: {  	_ =	swait.ge [sflag:s9], $0x1000  }
0x2d5: {  	[sflag:s9] =	ssyncset.done $0x0  }
0x2d6: {  	s29 =	rddreg [dreg:$0x12];
	[sflag:s9] =	ssyncadd.s32 $0xFFFFF000  }
0x2d7: {  	[hbm4b:s29+s1] =	stream.linear.scatter [tilespmem:s7], [sflag:$0x8], $0x1000, $0x38;
	[tilespmem:$0x10380] =	vst v63  }
0x2d8: {  	s30 =	rddreg [dreg:$0x13]  }
0x2d9: {  	[tilespmem:s11], [sflag:$0x4] =	stream.linear.gather [hbm4b:s30+s1], $0x1000, $0x38;
	[tilespmem:$0x10380] =	vst v63  }
0x2da: {  	[bflag:$0x0] =	sbarrier.arrive $0xFFFF  }
0x2db: {  	s24 =	rddreg [dreg:$0x14]  }
0x2dc: {  	[spmem:s22], [sflag:s23] =	dma.local @!p0 [hbm:s24], $0xC380  }
0x2dd: {  	_ =	swait.ge @!p0 [sflag:s0], $0xC380  }
0x2de: {  	[sflag:s0] =	ssyncset.done @!p0 $0x0  }
0x2df: {  	[sflag:s0] =	ssyncadd.s32 @!p0 $0xFFFF3C80  }
0x2e0: {  	_ =	swait.ge [sflag:s16], $0x1000  }
0x2e1: {  	[sflag:s16] =	ssyncset.done $0x0  }
0x2e2: {  	[sflag:s16] =	ssyncadd.s32 $0xFFFFF000  }
0x2e3: {  	[bflag:$0x0] =	sbarrier.arrive $0xFFFF  }
0x2e4: {  	_ =	swait.ge [sflag:s8], $0x1000  }
0x2e5: {  	[sflag:s8] =	ssyncset.done $0x0  }
0x2e6: {  	[sflag:s8] =	ssyncadd.s32 $0xFFFFF000  }
0x2e7: {  	[tilespmem:s12], [sflag:$0x5] =	stream.indirect.gather [spmem:s4], $0x1, s11, s6, $0xb8;
	[tilespmem:$0x10380] =	vst v63  }
0x2e8: {  	_ =	swait.ge [sflag:s13], $0x1000  }
0x2e9: {  	[sflag:s13] =	ssyncset.done $0x0  }
0x2ea: {  	s31 =	rddreg [dreg:$0x15];
	[sflag:s13] =	ssyncadd.s32 $0xFFFFF000  }
0x2eb: {  	[hbm4b:s31+s1] =	stream.linear.scatter [tilespmem:s12], [sflag:$0x7], $0x1000, $0x38;
	[tilespmem:$0x10380] =	vst v63  }
0x2ec: {  	[bflag:$0x0] =	sbarrier.arrive $0xFFFF  }
0x2ed: {  	s24 =	rddreg [dreg:$0x16]  }
0x2ee: {  	[spmem:s20], [sflag:s19] =	dma.local @!p0 [hbm:s24], $0xC380  }
0x2ef: {  	_ =	swait.ge @!p0 [sflag:s21], $0xC380  }
0x2f0: {  	[sflag:s21] =	ssyncset.done @!p0 $0x0  }
0x2f1: {  	[sflag:s21] =	ssyncadd.s32 @!p0 $0xFFFF3C80  }
0x2f2: {  	[bflag:$0x0] =	sbarrier.arrive $0xFFFF  }
0x2f3: {  	_ =	swait.ge [sflag:s5], $0x1000  }
0x2f4: {  	[sflag:s5] =	ssyncset.done $0x0  }
0x2f5: {  	[sflag:s5] =	ssyncadd.s32 $0xFFFFF000  }
0x2f6: {  	[tilespmem:s7], [sflag:$0x6] =	stream.indirect.gather [spmem:s2], $0x1, s11, s6, $0xb8;
	[tilespmem:$0x10380] =	vst v63  }
0x2f7: {  	_ =	swait.ge [sflag:s9], $0x1000  }
0x2f8: {  	[sflag:s9] =	ssyncset.done $0x0  }
0x2f9: {  	s25 =	rddreg [dreg:$0x17];
	[sflag:s9] =	ssyncadd.s32 $0xFFFFF000  }
0x2fa: {  	[hbm4b:s25+s1] =	stream.linear.scatter [tilespmem:s7], [sflag:$0x8], $0x1000, $0x38;
	[tilespmem:$0x10380] =	vst v63  }
0x2fb: {  	s28 =	rddreg [dreg:$0x18]  }
0x2fc: {  	[tilespmem:s17], [sflag:$0x3] =	stream.linear.gather [hbm4b:s28+s1], $0x1000, $0x38;
	[tilespmem:$0x10380] =	vst v63  }
0x2fd: {  	[bflag:$0x0] =	sbarrier.arrive $0xFFFF  }
0x2fe: {  	s24 =	rddreg [dreg:$0x19]  }
0x2ff: {  	[spmem:s22], [sflag:s23] =	dma.local @!p0 [hbm:s24], $0xC380  }
0x300: {  	_ =	swait.ge @!p0 [sflag:s0], $0xC380  }
0x301: {  	[sflag:s0] =	ssyncset.done @!p0 $0x0  }
0x302: {  	[sflag:s0] =	ssyncadd.s32 @!p0 $0xFFFF3C80  }
0x303: {  	_ =	swait.ge [sflag:s18], $0x1000  }
0x304: {  	[sflag:s18] =	ssyncset.done $0x0  }
0x305: {  	[sflag:s18] =	ssyncadd.s32 $0xFFFFF000  }
0x306: {  	[bflag:$0x0] =	sbarrier.arrive $0xFFFF  }
0x307: {  	_ =	swait.ge [sflag:s8], $0x1000  }
0x308: {  	[sflag:s8] =	ssyncset.done $0x0  }
0x309: {  	[sflag:s8] =	ssyncadd.s32 $0xFFFFF000  }
0x30a: {  	[tilespmem:s12], [sflag:$0x5] =	stream.indirect.gather [spmem:s4], $0x1, s17, s6, $0xb8;
	[tilespmem:$0x10380] =	vst v63  }
0x30b: {  	_ =	swait.ge [sflag:s13], $0x1000  }
0x30c: {  	[sflag:s13] =	ssyncset.done $0x0  }
0x30d: {  	s29 =	rddreg [dreg:$0x1a];
	[sflag:s13] =	ssyncadd.s32 $0xFFFFF000  }
0x30e: {  	[hbm4b:s29+s1] =	stream.linear.scatter [tilespmem:s12], [sflag:$0x7], $0x1000, $0x38;
	[tilespmem:$0x10380] =	vst v63  }
0x30f: {  	[bflag:$0x0] =	sbarrier.arrive $0xFFFF  }
0x310: {  	s24 =	rddreg [dreg:$0x1b]  }
0x311: {  	[spmem:s20], [sflag:s19] =	dma.local @!p0 [hbm:s24], $0xC380  }
0x312: {  	_ =	swait.ge @!p0 [sflag:s21], $0xC380  }
0x313: {  	[sflag:s21] =	ssyncset.done @!p0 $0x0  }
0x314: {  	[sflag:s21] =	ssyncadd.s32 @!p0 $0xFFFF3C80  }
0x315: {  	[bflag:$0x0] =	sbarrier.arrive $0xFFFF  }
0x316: {  	_ =	swait.ge [sflag:s5], $0x1000  }
0x317: {  	[sflag:s5] =	ssyncset.done $0x0  }
0x318: {  	[sflag:s5] =	ssyncadd.s32 $0xFFFFF000  }
0x319: {  	[tilespmem:s7], [sflag:$0x6] =	stream.indirect.gather [spmem:s2], $0x1, s17, s6, $0xb8;
	[tilespmem:$0x10380] =	vst v63  }
0x31a: {  	_ =	swait.ge [sflag:s9], $0x1000  }
0x31b: {  	[sflag:s9] =	ssyncset.done $0x0  }
0x31c: {  	s30 =	rddreg [dreg:$0x1c];
	[sflag:s9] =	ssyncadd.s32 $0xFFFFF000  }
0x31d: {  	[hbm4b:s30+s1] =	stream.linear.scatter [tilespmem:s7], [sflag:$0x8], $0x1000, $0x38;
	[tilespmem:$0x10380] =	vst v63  }
0x31e: {  	s31 =	rddreg [dreg:$0x1d]  }
0x31f: {  	[tilespmem:s11], [sflag:$0x4] =	stream.linear.gather [hbm4b:s31+s1], $0x1000, $0x38;
	[tilespmem:$0x10380] =	vst v63  }
0x320: {  	[bflag:$0x0] =	sbarrier.arrive $0xFFFF  }
0x321: {  	s24 =	rddreg [dreg:$0x1e]  }
0x322: {  	[spmem:s22], [sflag:s23] =	dma.local @!p0 [hbm:s24], $0xC380  }
0x323: {  	_ =	swait.ge @!p0 [sflag:s0], $0xC380  }
0x324: {  	[sflag:s0] =	ssyncset.done @!p0 $0x0  }
0x325: {  	[sflag:s0] =	ssyncadd.s32 @!p0 $0xFFFF3C80  }
0x326: {  	_ =	swait.ge [sflag:s16], $0x1000  }
0x327: {  	[sflag:s16] =	ssyncset.done $0x0  }
0x328: {  	[sflag:s16] =	ssyncadd.s32 $0xFFFFF000  }
0x329: {  	[bflag:$0x0] =	sbarrier.arrive $0xFFFF  }
0x32a: {  	_ =	swait.ge [sflag:s8], $0x1000  }
0x32b: {  	[sflag:s8] =	ssyncset.done $0x0  }
0x32c: {  	[sflag:s8] =	ssyncadd.s32 $0xFFFFF000  }
0x32d: {  	[tilespmem:s12], [sflag:$0x5] =	stream.indirect.gather [spmem:s4], $0x1, s11, s6, $0xb8;
	[tilespmem:$0x10380] =	vst v63  }
0x32e: {  	_ =	swait.ge [sflag:s13], $0x1000  }
0x32f: {  	[sflag:s13] =	ssyncset.done $0x0  }
0x330: {  	s25 =	rddreg [dreg:$0x1f];
	[sflag:s13] =	ssyncadd.s32 $0xFFFFF000  }
0x331: {  	[hbm4b:s25+s1] =	stream.linear.scatter [tilespmem:s12], [sflag:$0x7], $0x1000, $0x38;
	[tilespmem:$0x10380] =	vst v63  }
0x332: {  	[bflag:$0x0] =	sbarrier.arrive $0xFFFF  }
0x333: {  	s24 =	sld [smem:$0x7F7];
	_ =	sdelay $0x2  }
0x334: {  	[spmem:s20], [sflag:s19] =	dma.local @!p0 [hbm:s24], $0xC380  }
0x335: {  	_ =	swait.ge @!p0 [sflag:s21], $0xC380  }
0x336: {  	[sflag:s21] =	ssyncset.done @!p0 $0x0  }
0x337: {  	[sflag:s21] =	ssyncadd.s32 @!p0 $0xFFFF3C80  }
0x338: {  	[bflag:$0x0] =	sbarrier.arrive $0xFFFF  }
0x339: {  	_ =	swait.ge [sflag:s5], $0x1000  }
0x33a: {  	[sflag:s5] =	ssyncset.done $0x0  }
0x33b: {  	[sflag:s5] =	ssyncadd.s32 $0xFFFFF000  }
0x33c: {  	[tilespmem:s7], [sflag:$0x6] =	stream.indirect.gather [spmem:s2], $0x1, s11, s6, $0xb8;
	[tilespmem:$0x10380] =	vst v63  }
0x33d: {  	_ =	swait.ge [sflag:s9], $0x1000  }
0x33e: {  	s28 =	sld [smem:$0x7F8]  }
0x33f: {  	[sflag:s9] =	ssyncset.done $0x0  }
0x340: {  	s29 =	sld [smem:$0x7F9];
	[sflag:s9] =	ssyncadd.s32 $0xFFFFF000  }
0x341: {  	[hbm4b:s28+s1] =	stream.linear.scatter [tilespmem:s7], [sflag:$0x8], $0x1000, $0x38;
	[tilespmem:$0x10380] =	vst v63  }
0x342: {  	_ = 	snop  }
0x343: {  	[tilespmem:s17], [sflag:$0x3] =	stream.linear.gather [hbm4b:s29+s1], $0x1000, $0x38;
	[tilespmem:$0x10380] =	vst v63  }
0x344: {  	[bflag:$0x0] =	sbarrier.arrive $0xFFFF  }
0x345: {  	s24 =	sld [smem:$0x7FA];
	_ =	sdelay $0x2  }
0x346: {  	[spmem:s22], [sflag:s23] =	dma.local @!p0 [hbm:s24], $0xC380  }
0x347: {  	_ =	swait.ge @!p0 [sflag:s0], $0xC380  }
0x348: {  	[sflag:s0] =	ssyncset.done @!p0 $0x0  }
0x349: {  	[sflag:s0] =	ssyncadd.s32 @!p0 $0xFFFF3C80  }
0x34a: {  	_ =	swait.ge [sflag:s18], $0x1000  }
0x34b: {  	[sflag:s18] =	ssyncset.done $0x0  }
0x34c: {  	[sflag:s18] =	ssyncadd.s32 $0xFFFFF000  }
0x34d: {  	[bflag:$0x0] =	sbarrier.arrive $0xFFFF  }
0x34e: {  	_ =	swait.ge [sflag:s8], $0x1000  }
0x34f: {  	[sflag:s8] =	ssyncset.done $0x0  }
0x350: {  	[sflag:s8] =	ssyncadd.s32 $0xFFFFF000  }
0x351: {  	[tilespmem:s12], [sflag:$0x5] =	stream.indirect.gather [spmem:s4], $0x1, s17, s6, $0xb8;
	[tilespmem:$0x10380] =	vst v63  }
0x352: {  	_ =	swait.ge [sflag:s13], $0x1000  }
0x353: {  	s30 =	sld [smem:$0x7FB]  }
0x354: {  	[sflag:s13] =	ssyncset.done $0x0  }
0x355: {  	[sflag:s13] =	ssyncadd.s32 $0xFFFFF000  }
0x356: {  	[hbm4b:s30+s1] =	stream.linear.scatter [tilespmem:s12], [sflag:$0x7], $0x1000, $0x38;
	[tilespmem:$0x10380] =	vst v63  }
0x357: {  	[bflag:$0x0] =	sbarrier.arrive $0xFFFF  }
0x358: {  	s18 =	sld [smem:$0x7FC];
	_ =	sdelay $0x2  }
0x359: {  	[spmem:s20], [sflag:s19] =	dma.local @!p0 [hbm:s18], $0xC380  }
0x35a: {  	_ =	swait.ge @!p0 [sflag:s21], $0xC380  }
0x35b: {  	[sflag:s21] =	ssyncset.done @!p0 $0x0  }
0x35c: {  	[sflag:s21] =	ssyncadd.s32 @!p0 $0xFFFF3C80  }
0x35d: {  	[bflag:$0x0] =	sbarrier.arrive $0xFFFF  }
0x35e: {  	_ =	swait.ge [sflag:s5], $0x1000  }
0x35f: {  	[sflag:s5] =	ssyncset.done $0x0  }
0x360: {  	[sflag:s5] =	ssyncadd.s32 $0xFFFFF000  }
0x361: {  	[tilespmem:s7], [sflag:$0x6] =	stream.indirect.gather [spmem:s2], $0x1, s17, s6, $0xb8;
	[tilespmem:$0x10380] =	vst v63  }
0x362: {  	_ =	swait.ge [sflag:s9], $0x1000  }
0x363: {  	s31 =	sld [smem:$0x7FD]  }
0x364: {  	[sflag:s9] =	ssyncset.done $0x0  }
0x365: {  	[sflag:s9] =	ssyncadd.s32 $0xFFFFF000  }
0x366: {  	[hbm4b:s31+s1] =	stream.linear.scatter [tilespmem:s7], [sflag:$0x8], $0x1000, $0x38;
	[tilespmem:$0x10380] =	vst v63  }
0x367: {  	_ = 	snop  }
0x368: {  	[tilespmem:s11], [sflag:$0x4] =	stream.linear.gather [hbm4b:s15+s1], $0x1000, $0x38;
	[tilespmem:$0x10380] =	vst v63  }
0x369: {  	[bflag:$0x0] =	sbarrier.arrive $0xFFFF  }
0x36a: {  	[spmem:s22], [sflag:s23] =	dma.local @!p0 [hbm:s10], $0xC380  }
0x36b: {  	_ =	swait.ge @!p0 [sflag:s0], $0xC380  }
0x36c: {  	[sflag:s0] =	ssyncset.done @!p0 $0x0  }
0x36d: {  	[sflag:s0] =	ssyncadd.s32 @!p0 $0xFFFF3C80  }
0x36e: {  	_ =	swait.ge [sflag:s16], $0x1000  }
0x36f: {  	[sflag:s16] =	ssyncset.done $0x0  }
0x370: {  	[sflag:s16] =	ssyncadd.s32 $0xFFFFF000  }
0x371: {  	[bflag:$0x0] =	sbarrier.arrive $0xFFFF  }
0x372: {  	_ =	swait.ge [sflag:s8], $0x1000  }
0x373: {  	[sflag:s8] =	ssyncset.done $0x0  }
0x374: {  	[sflag:s8] =	ssyncadd.s32 $0xFFFFF000  }
0x375: {  	[tilespmem:s12], [sflag:$0x5] =	stream.indirect.gather [spmem:s4], $0x1, s11, s6, $0xb8;
	[tilespmem:$0x10380] =	vst v63  }
0x376: {  	_ =	swait.ge [sflag:s13], $0x1000  }
0x377: {  	[sflag:s13] =	ssyncset.done $0x0  }
0x378: {  	[sflag:s13] =	ssyncadd.s32 $0xFFFFF000  }
0x379: {  	[hbm4b:s14+s1] =	stream.linear.scatter [tilespmem:s12], [sflag:$0x7], $0x1000, $0x38;
	[tilespmem:$0x10380] =	vst v63  }
0x37a: {  	[bflag:$0x0] =	sbarrier.arrive $0xFFFF  }
0x37b: {  	_ =	swait.ge @!p0 [sflag:s21], $0xC380  }
0x37c: {  	[sflag:s21] =	ssyncset.done @!p0 $0x0  }
0x37d: {  	[sflag:s21] =	ssyncadd.s32 @!p0 $0xFFFF3C80  }
0x37e: {  	[bflag:$0x0] =	sbarrier.arrive $0xFFFF  }
0x37f: {  	_ =	swait.ge [sflag:s5], $0x1000  }
0x380: {  	[sflag:s5] =	ssyncset.done $0x0  }
0x381: {  	[sflag:s5] =	ssyncadd.s32 $0xFFFFF000  }
0x382: {  	[tilespmem:s7], [sflag:$0x6] =	stream.indirect.gather [spmem:s2], $0x1, s11, s6, $0xb8;
	[tilespmem:$0x10380] =	vst v63  }
0x383: {  	_ =	swait.ge [sflag:s9], $0x1000  }
0x384: {  	[sflag:s9] =	ssyncset.done $0x0  }
0x385: {  	[sflag:s9] =	ssyncadd.s32 $0xFFFFF000  }
0x386: {  	[hbm4b:s3+s1] =	stream.linear.scatter [tilespmem:s7], [sflag:$0x8], $0x1000, $0x38;
	[tilespmem:$0x10380] =	vst v63  }
0x387: {  	[bflag:$0x0] =	sbarrier.arrive $0xFFFF  }
0x388: {  	_ =	swait.ge [sflag:s8], $0x1000  }
0x389: {  	[sflag:s8] =	ssyncset.done $0x0  }
0x38a: {  	[sflag:s8] =	ssyncadd.s32 $0xFFFFF000  }
0x38b: {  	_ =	swait.ge [sflag:s5], $0x1000  }
0x38c: {  	[sflag:s5] =	ssyncset.done $0x0  }
0x38d: {  	[sflag:s5] =	ssyncadd.s32 $0xFFFFF000  }
0x38e: {  	_ =	sfence.sel $0x180000  }
0x38f: {  	[bflag:$0x0] =	sbarrier.arrive $0xFFFF  }
0x390: {  	_ =	strace $0x90000047  }
0x391: {  	s0 =	sadd.s32 @!p0 $0x100000, s26;
	[bflag:$0x2] =	sbarrier.arrive $0xFFFF  }
0x392: {  	[sflag:s0] =	ssyncadd.tile.s32 @!p0 $0x1;
	_ =	shalt  }
.LBB2_2:
.Ltmp3:
0x393: {  	(pc) =	sbr.rel .LBB2_5-.Ltmp3, $2  }
0x394: {  	_ =	sdelay $0x2  }
0x395: {  	s26 =	rddreg [dreg:$0x3]  }
.Lfunc_end2:
_tile_overlayer_lowered:
.L_overlay_start_2:
0x396: {  	(tag) =	ssettag $0x2  }
0x397: {  	s0 =	rddreg [dreg:$0x0];
	s2 =	stileid.u32  }
0x398: {  	s1 =	rddreg [dreg:$0x1];
	p0 =	sne.s32 s2, $0x0  }
0x399: {  	s3 =	rddreg [dreg:$0x2];
	[bflag:$0x3] =	sbarrier.arrive $0xFFFF;
	s2 =	simm.s32 @!p0 $0x1C09  }
0x39a: {  	[timem:s3], [sflag:s2] =	dma.local @!p0 [hbm:s0], s1  }
0x39b: {  	s0 =	simm.s32 @!p0 $0x9  }
0x39c: {  	_ =	swait.ge @!p0 [sflag:s0], s1  }
0x39d: {  	s1 =	ssub.s32 @!p0 $0x0, s1;
	[sflag:s0] =	ssyncset.done @!p0 $0x0  }
0x39e: {  	[sflag:s0] =	ssyncadd.s32 @!p0 s1  }
0x39f: {  	[bflag:$0x3] =	sbarrier.arrive $0xFFFF  }
0x3a0: {  	_ =	shalt  }

// kernel: kernel.9.cloned.1.call-start
scs
__scs_entry_jumppad:
0x0: {  	(pc) =	sbr.rel $0x88, $3  }
0x1: {  	(tag) =	ssettag $0x0;
	lr =	simm.s32 $0x1  }
0x2: {  	[smem:$0x3F98] =	sst lr;
	_ =	strace $0xD0000000  }
0x3: {  	_ = 	snop  }
0x4: {  	_ = 	snop  }
0x5: {  	_ = 	snop  }
0x6: {  	_ = 	snop  }
0x7: {  	_ = 	snop  }
__scs_overlays_trampoline_lowered:
0x8: {  	[smem:$0x3FA7] =	sst s0  }
0x9: {  	[smem:$0x3FA8] =	sst s1  }
0xa: {  	[smem:$0x3FA9] =	sst s2  }
0xb: {  	[smem:$0x3FAA] =	sst s3  }
0xc: {  	[smem:$0x3FAB] =	sst s4  }
0xd: {  	[smem:$0x3FAC] =	sst s5  }
0xe: {  	[smem:$0x3FAD] =	sst s6  }
0xf: {  	[smem:$0x3FAE] =	sst s7  }
0x10: {  	[smem:$0x3FAF] =	sst s8  }
0x11: {  	[smem:$0x3FB0] =	sst s9;
	s0 =	simm.s32 @!p0 $0x0  }
0x12: {  	s1 =	sld [smem:$0x3F96];
	s0 =	simm.s32 @p0 $0x1  }
0x13: {  	[smem:$0x3FB1] =	sst s0;
	s0 =	simm.s32 @!p1 $0x0  }
0x14: {  	s2 =	sld [smem:$0x3F95];
	s0 =	simm.s32 @p1 $0x1  }
0x15: {  	[smem:$0x3FB2] =	sst s0;
	s0 =	simm.s32 @!p2 $0x0  }
0x16: {  	s3 =	sld [smem:$0x3FDB];
	s0 =	simm.s32 @p2 $0x1  }
0x17: {  	s4 =	simm.s32 $0x1BF5;
	[smem:$0x3FB4] =	sst s0  }
0x18: {  	s0 =	sld [smem:$0x3F97];
	_ =	swait.ge [sflag:s4], $0x0  }
0x19: {  	s7 =	sld [smem:$0x3F98]  }
0x1a: {  	s8 =	sadd.s32 $0xFFFFE003, lr  }
0x1b: {  	s9 =	sadd.s32 $0xFFFFFEF7, lr;
	s5 =	simm.s32 $0xFFFFFFFF;
	p2 =	slt.u32 s8, $0xFFFFF086  }
0x1c: {  	p1 =	slt.u32 s9, $0xF7A;
	s5 =	simm.s32 @!p2 $0x0  }
0x1d: {  	s5 =	simm.s32 @p1 $0x1;
	p0 =	seq.s32 s7, s2  }
0x1e: {  	s7 =	smul.u32 @!p0 $0xF7A, s2;
	p2 =	seq.s32 @!p0 s5, $0x0  }
0x1f: {  	s9 =	smul.u32 $0xF7A, s1;
	s8 =	simm.s32 @!p0 $0x1BF5;
	p2 =	por !p2, p0  }
0x20: {  	[sflag:s8] =	ssyncset.s32 @!p0 $0xFFFFF086;
	s6 =	sadd.s32 @!p0 s3, s7;
	s7 =	simm.s32 @!p0 $0x108  }
0x21: {  	s3 =	sadd.s32 s3, s9;
	s6 =	sadd.s32 @!p0 $0x88, s6;
	s7 =	simm.s32 @p2 $0x1082  }
0x22: {  	[simem:s7], [sflag:s8] =	dma.local @!p0 [hbm:s6], $0xF7A  }
0x23: {  	s9 =	sor.u32 $0xD0000000, s2;
	s6 =	simm.s32 $0x108;
	_ =	swait.ge @!p0 [sflag:s8], $0x0  }
0x24: {  	s3 =	sadd.s32 $0x88, s3;
	s6 =	simm.s32 @!p1 $0x1082;
	[sflag:s4] =	ssyncset.s32 $0xFFFFF086  }
0x25: {  	[simem:s6], [sflag:s4] =	dma.local [hbm:s3], $0xF7A  }
0x26: {  	[smem:$0x3F98] =	sst s1;
	(tag) =	ssettag s2;
	_ =	strace s9  }
0x27: {  	s1 =	sld [smem:$0x3FA8]  }
0x28: {  	s2 =	sld [smem:$0x3FA9]  }
0x29: {  	s4 =	sld [smem:$0x3FAB]  }
0x2a: {  	p0 =	seq.s32 s5, $0x0;
	s5 =	sld [smem:$0x3FAC]  }
0x2b: {  	s6 =	sld [smem:$0x3FAD]  }
0x2c: {  	s7 =	sld [smem:$0x3FAE]  }
0x2d: {  	s3 =	simm.s32 $0x108;
	s8 =	sld [smem:$0x3FAF]  }
0x2e: {  	s3 =	simm.s32 @!p0 $0x1082;
	s9 =	sld [smem:$0x3FB0]  }
0x2f: {  	lr =	sadd.s32 s0, s3;
	s0 =	sld [smem:$0x3FA7]  }
0x30: {  	s3 =	sld [smem:$0x3FAA]  }
0x31: {  	[smem:$0x3FB3] =	sst s10  }
0x32: {  	s10 =	sld [smem:$0x3FB1];
	_ =	sdelay $0x3  }
0x33: {  	p0 =	seq.s32 s10, $0x1;
	s10 =	sld [smem:$0x3FB3];
	_ =	sdelay $0x3  }
0x34: {  	[smem:$0x3FB3] =	sst s10  }
0x35: {  	s10 =	sld [smem:$0x3FB2];
	_ =	sdelay $0x3  }
0x36: {  	p1 =	seq.s32 s10, $0x1;
	s10 =	sld [smem:$0x3FB3];
	_ =	sdelay $0x3  }
0x37: {  	[smem:$0x3FB3] =	sst s10  }
0x38: {  	s10 =	sld [smem:$0x3FB4]  }
0x39: {  	_ = 	snop;
	(pc) =	sbr.ind lr, $3  }
0x3a: {  	_ = 	snop  }
0x3b: {  	_ = 	snop  }
0x3c: {  	p2 =	seq.s32 s10, $0x1;
	s10 =	sld [smem:$0x3FB3]  }
0x3d: {  	_ =	shalt  }
0x3e: {  	_ =	shalt  }
0x3f: {  	_ =	shalt  }
0x40: {  	_ =	shalt  }
0x41: {  	_ =	shalt  }
0x42: {  	_ =	shalt  }
0x43: {  	_ =	shalt  }
0x44: {  	_ =	shalt  }
0x45: {  	_ =	shalt  }
0x46: {  	_ =	shalt  }
0x47: {  	_ =	shalt  }
0x48: {  	_ =	shalt  }
0x49: {  	_ =	shalt  }
0x4a: {  	_ =	shalt  }
0x4b: {  	_ =	shalt  }
0x4c: {  	_ =	shalt  }
0x4d: {  	_ =	shalt  }
0x4e: {  	_ =	shalt  }
0x4f: {  	_ =	shalt  }
0x50: {  	_ =	shalt  }
0x51: {  	_ =	shalt  }
0x52: {  	_ =	shalt  }
0x53: {  	_ =	shalt  }
0x54: {  	_ =	shalt  }
0x55: {  	_ =	shalt  }
0x56: {  	_ =	shalt  }
0x57: {  	_ =	shalt  }
0x58: {  	_ =	shalt  }
0x59: {  	_ =	shalt  }
0x5a: {  	_ =	shalt  }
0x5b: {  	_ =	shalt  }
0x5c: {  	_ =	shalt  }
0x5d: {  	_ =	shalt  }
0x5e: {  	_ =	shalt  }
0x5f: {  	_ =	shalt  }
0x60: {  	_ =	shalt  }
0x61: {  	_ =	shalt  }
0x62: {  	_ =	shalt  }
0x63: {  	_ =	shalt  }
0x64: {  	_ =	shalt  }
0x65: {  	_ =	shalt  }
0x66: {  	_ =	shalt  }
0x67: {  	_ =	shalt  }
0x68: {  	_ =	shalt  }
0x69: {  	_ =	shalt  }
0x6a: {  	_ =	shalt  }
0x6b: {  	_ =	shalt  }
0x6c: {  	_ =	shalt  }
0x6d: {  	_ =	shalt  }
0x6e: {  	_ =	shalt  }
0x6f: {  	_ =	shalt  }
0x70: {  	_ =	shalt  }
0x71: {  	_ =	shalt  }
0x72: {  	_ =	shalt  }
0x73: {  	_ =	shalt  }
0x74: {  	_ =	shalt  }
0x75: {  	_ =	shalt  }
0x76: {  	_ =	shalt  }
0x77: {  	_ =	shalt  }
0x78: {  	_ =	shalt  }
0x79: {  	_ =	shalt  }
0x7a: {  	_ =	shalt  }
0x7b: {  	_ =	shalt  }
0x7c: {  	_ =	shalt  }
0x7d: {  	_ =	shalt  }
0x7e: {  	_ =	shalt  }
0x7f: {  	_ =	shalt  }
0x80: {  	_ =	shalt  }
0x81: {  	_ =	shalt  }
0x82: {  	_ =	shalt  }
0x83: {  	_ =	shalt  }
0x84: {  	_ =	shalt  }
0x85: {  	_ =	shalt  }
0x86: {  	_ =	shalt  }
0x87: {  	_ =	shalt  }
.Lfunc_end0:
.L_simem_size_0:
called_computation_lowered:
.L_overlay_start_0:
0x88: {  	s2 =	sld [smem:$0x3FD9]  }
0x89: {  	s3 =	sld [smem:$0x3FFE];
	_ =	sdelay $0x1  }
0x8a: {  	s1 =	srdreg.scid  }
0x8b: {  	s0 =	sand.u32 $0x1, s1  }
0x8c: {  	s17 =	sshll.u32 s0, $0xA;
	s2 =	sadd.s32 s3, s2  }
0x8d: {  	s2 =	sadd.s32 s2, s17  }
0x8e: {  	[smem:$0x3FBF] =	sst s2  }
0x8f: {  	_ = 	snop  }
0x90: {  	s18 =	sld [smem:$0x3FD0];
	(tm) =	ssettm $0x1  }
0x91: {  	s19 =	sld [smem:$0x3FFB];
	_ =	sdelay $0x3  }
0x92: {  	_ =	strace s19  }
0x93: {  	s2 =	sld [smem:$0x3FFC];
	_ =	sdelay $0x3  }
0x94: {  	_ =	strace s2  }
0x95: {  	s2 =	sld [smem:$0x3FFD];
	_ =	sdelay $0x3  }
0x96: {  	_ =	strace s2  }
0x97: {  	_ =	strace $0x8FFFFFFF  }
0x98: {  	s20 =	sld [smem:$0x3FDB];
	_ =	sdelay $0x1  }
0x99: {  	s4 =	simm.s32 $_scs_section_size  }
0x9a: {  	s5 =	simm.s32 $_size__tile_overlayer_lowered;
	s6 =	simm.s32 $_tile_overlayer_lowered  }
0x9b: {  	s7 =	simm.s32 $0x1BFF;
	s21 =	sshll.u32 s6, $0x1;
	s4 =	sadd.s32 s4, s20  }
0x9c: {  	s22 =	simm.s32 $0x0;
	s5 =	sshll.u32 s5, $0x1;
	s6 =	sadd.s32 s21, s4  }
0x9d: {  	[timem:s22], [sflag:s7] =	dma.local [hbm:s6], s5  }
0x9e: {  	_ =	swait.ge [sflag:s7], s5  }
0x9f: {  	s5 =	ssub.s32 $0x0, s5;
	[sflag:s7] =	ssyncset.done $0x0  }
0xa0: {  	[sflag:s7] =	ssyncadd.s32 s5;
	_ =	sdelay $0x1  }
0xa1: {  	s23 =	simm.s32 $0x1B8B  }
0xa2: {  	_ =	swait.ge [sflag:s23], $0x1  }
0xa3: {  	[sflag:s23] =	ssyncset.done $0x0  }
0xa4: {  	[sflag:s23] =	ssyncadd.s32 $0xFFFFFFFF  }
0xa5: {  	s5 =	sld [smem:$0x0]  }
0xa6: {  	s6 =	sand.u32 $0xFFFFFFFE, s1  }
0xa7: {  	p0 =	sne.s32 s1, s6  }
0xa8: {  	s6 =	sshll.u32 @p0 s6, $0xE  }
0xa9: {  	s6 =	sadd.s32 @p0 $0x11B8D, s6;
	s7 =	sshll.u32 @p0 s5, $0x11  }
0xaa: {  	s6 =	sor.u32 @p0 s7, s6  }
0xab: {  	[sflag:s6] =	ssyncadd.remote.s32 @p0 $0x1;
	_ =	sdelay $0x1  }
0xac: {  	s6 =	simm.s32 @p0 $0x1B8D  }
0xad: {  	_ =	swait.eq @p0 [sflag:s6], $0x1  }
0xae: {  	[sflag:s6] =	ssyncadd.s32 @p0 $0xFFFFFFFF  }
0xaf: {  	s7 =	sshll.u32 @!p0 s1, $0xE  }
0xb0: {  	s7 =	sor.u32 @!p0 $0x4000, s7;
	s6 =	simm.s32 @!p0 $0x1B8D  }
0xb1: {  	s5 =	sshll.u32 @!p0 s5, $0x11;
	s7 =	sadd.s32 @!p0 $0x11B8D, s7;
	_ =	swait.eq @!p0 [sflag:s6], $0x1  }
0xb2: {  	s5 =	sor.u32 @!p0 s5, s7;
	[sflag:s6] =	ssyncadd.s32 @!p0 $0xFFFFFFFF  }
0xb3: {  	s25 =	simm.s32 $0x1B8E;
	s24 =	sld [smem:$0x3FFE];
	[sflag:s5] =	ssyncadd.remote.s32 @!p0 $0x1  }
0xb4: {  	s26 =	simm.s32 $execute0_lowered;
	[smem:$0x3FD2] =	sst s25  }
0xb5: {  	s6 =	sshll.u32 s26, $0x1;
	_ =	strace $0x8000004C;
	[dreg:$0x1] =	wrdreg $0xFFFFFFFF  }
0xb6: {  	s28 =	simm.s32 $_size_execute0_lowered;
	s4 =	sadd.s32 s4, s6;
	[dreg:$0x0] =	wrdreg $0x0  }
0xb7: {  	s6 =	sshll.u32 s28, $0x1;
	[dreg:$0x2] =	wrdreg s4  }
0xb8: {  	[dreg:$0x3] =	wrdreg s6  }
0xb9: {  	[dreg:$0x4] =	wrdreg $0xC0  }
0xba: {  	_ =	task [dreg:s22], $0x5FFFF  }
0xbb: {  	[dreg:$0x1] =	wrdreg $0xFFFFFFFF  }
0xbc: {  	[dreg:$0x0] =	wrdreg $0x60  }
0xbd: {  	[dreg:$0x2] =	wrdreg s24  }
0xbe: {  	[dreg:$0x3] =	wrdreg s18  }
0xbf: {  	[dreg:$0x4] =	wrdreg $0x0  }
0xc0: {  	[dreg:$0x5] =	wrdreg $0x9  }
0xc1: {  	_ =	task.clear_ibuf [dreg:s22], $0x6FFFF;
	_ =	strace $0x9000004C  }
0xc2: {  	s29 =	simm.s32 $0x9;
	_ =	strace $0x8000004E  }
0xc3: {  	_ =	swait.ge [sflag:s29], $0x1  }
0xc4: {  	[sflag:s29] =	ssyncadd.s32 $0xFFFFFFFF  }
0xc5: {  	_ =	strace $0x9000004E  }
0xc6: {  	_ =	sfence  }
0xc7: {  	s30 =	sld [smem:$0x0];
	_ =	sdelay $0x2  }
0xc8: {  	s31 =	sshll.u32 s1, $0xD;
	s1 =	sshrl.u32 s1, $0x2  }
0xc9: {  	s4 =	sand.u32 $0x4000, s31;
	s1 =	sadd.s32 s1, s30  }
0xca: {  	s0 =	sor.u32 s4, s0;
	s1 =	sshll.u32 s1, $0x11  }
0xcb: {  	s0 =	sor.u32 s1, s0  }
0xcc: {  	s0 =	sadd.s32 $0x8F2B, s0  }
0xcd: {  	[sflag:s0] =	ssyncadd.remote.s32 $0x1  }
0xce: {  	_ =	sfence.sel $0xFFFF  }
0xcf: {  	[dreg:$0x0] =	wrdreg $0xFFFFFFFF;
	(pc) =	sbr.abs _section_cstart, $3  }
0xd0: {  	[dreg:$0x1] =	wrdreg $0xFFFFFFFF  }
0xd1: {  	_ =	task.clear_ibuf [dreg:s22], $0x2FFFF;
	_ =	strace $0x9FFFFFFF  }
0xd2: {  	(tm) =	ssettm $0x7FFFFFFF  }
0xd3: {  	_ =	shalt  }
tec
execute0_lowered:
.L_overlay_start_1:
0x0: {  	(tag) =	ssettag $0x1  }
0x1: {  	s2 =	rddreg [dreg:$0x0]  }
0x2: {  	s0 =	srdreg.scid;
	s3 =	rddreg [dreg:$0x1]  }
0x3: {  	s4 =	stileid.u32;
	s8 =	rddreg [dreg:$0x2];
	s17 =	simm.s32 $0x3  }
0x4: {  	s15 =	simm.s32 $0xD380;
	s16 =	simm.s32 $0x4;
	p1 =	por $0x0, $0x0  }
0x5: {  	s5 =	sand.u32 $0x1, s0;
	s6 =	sand.u32 $0x3, s4;
	s26 =	sshll.u32 s4, $0xA  }
0x6: {  	s0 =	rddreg [dreg:$0x3];
	s10 =	sadd.s32 $0x2AC800, s2;
	p0 =	sne.s32 s4, $0x0  }
0x7: {  	s4 =	simm.s32 $0x7;
	s1 =	sshll.u32 s5, $0x11;
	s11 =	smul.u32 $0x18700, s5  }
0x8: {  	s28 =	ssub.s32 $0x2, s5;
	s12 =	sshll.u32 s5, $0xE;
	s5 =	smul.u32 $0xC3800, s5  }
0x9: {  	s7 =	sshll.u32 s6, $0xE;
	s9 =	sand.u32 $0x3000, s26;
	s6 =	smul.u32 $0x61C00, s6  }
0xa: {  	s19 =	sshrl.u32 @!p0 s8, $0x3;
	s25 =	simm.s32 @p0 $0x0;
	s20 =	simm.s32 @!p0 $0x1  }
0xb: {  	s21 =	simm.s32 @!p0 $0xC380;
	s22 =	simm.s32 @!p0 $0x1C02;
	s7 =	sor.u32 s1, s7  }
0xc: {  	s23 =	simm.s32 @!p0 $0x1C01;
	s24 =	simm.s32 @!p0 $0x0;
	s7 =	sor.u32 s9, s7  }
0xd: {  	s1 =	simm.s32 $0x0;
	s13 =	sshrl.u32 s28, $0x1;
	s7 =	sshrl.u32 s7, $0x3  }
0xe: {  	[smem:$0x7FF] =	sst s1;
	s2 =	sadd.s32 s7, s2;
	s7 =	ssub.s32 s28, s13  }
0xf: {  	s9 =	sor.u32 s12, s9;
	s12 =	sadd.s32 s10, s11;
	s31 =	smax.u32 s7, $0x1  }
0x10: {  	s30 =	sshrl.u32 s5, $0x3;
	s5 =	sadd.s32 $0x61C00, s8;
	s29 =	sadd.s32 $0xFFFFFFFF, s31  }
0x11: {  	s6 =	sshrl.u32 s6, $0x2;
	s11 =	simm.s32 $0x5;
	p2 =	sne.s32 s29, $0x0  }
.Ltmp0:
0x12: {  	_ =	strace $0x8000004D;
	s9 =	sshrl.u32 s9, $0x3;
	(pc) =	sbr.rel @!p2 .LBB2_3-.Ltmp0, $4  }
0x13: {  	s18 =	sshrl.u32 @!p0 s5, $0x3;
	s5 =	simm.s32 $0x6;
	s13 =	sadd.s32 s3, s9  }
0x14: {  	s3 =	sadd.s32 s10, s30;
	s10 =	sadd.s32 s6, s8;
	s9 =	simm.s32 $0xC380  }
0x15: {  	s8 =	simm.s32 $0xE380;
	s14 =	sadd.s32 $0xC380, s3;
	s6 =	sadd.s32 $0x2DD600, s2  }
0x16: {  	s3 =	sadd.s32 $0x61C00, s10;
	s2 =	sadd.s32 $0x2DF600, s2;
	s7 =	simm.s32 $0x1000  }
0x17: {  	s26 =	simm.s32 @p0 $0xC380  }
0x18: {  	[tilespmem:s26], [sflag:$0x3] =	stream.linear.gather @p0 [hbm4b:s13+s25], $0x1000, $0x38;
	[tilespmem:$0xF380] =	vst v63  }
0x19: {  	[spmem:s19], [sflag:s23] =	dma.local @!p0 [hbm:s12], $0xC380  }
0x1a: {  	[tilespmem:s21], [sflag:$0x3] =	stream.linear.gather @!p0 [hbm4b:s13+s24], $0x1000, $0x38;
	[tilespmem:$0xF380] =	vst v63  }
0x1b: {  	[spmem:s18], [sflag:s22] =	dma.local @!p0 [hbm:s14], $0xC380  }
0x1c: {  	_ =	swait.ge @!p0 [sflag:s20], $0xC380  }
0x1d: {  	[sflag:s20] =	ssyncset.done @!p0 $0x0  }
0x1e: {  	[sflag:s20] =	ssyncadd.s32 @!p0 $0xFFFF3C80  }
0x1f: {  	_ =	swait.ge [sflag:s17], $0x1000  }
0x20: {  	[sflag:s17] =	ssyncset.done $0x0  }
0x21: {  	[sflag:s17] =	ssyncadd.s32 $0xFFFFF000  }
0x22: {  	[bflag:$0x0] =	sbarrier.arrive $0xFFFF  }
0x23: {  	[tilespmem:s15], [sflag:$0x4] =	stream.indirect.gather [spmem:s10], $0x1, s9, s7, $0xb8;
	[tilespmem:$0xF380] =	vst v63  }
0x24: {  	_ =	swait.ge [sflag:s16], $0x1000  }
0x25: {  	[sflag:s16] =	ssyncset.done $0x0  }
0x26: {  	[sflag:s16] =	ssyncadd.s32 $0xFFFFF000  }
0x27: {  	[hbm4b:s6+s1] =	stream.linear.scatter [tilespmem:s15], [sflag:$0x6], $0x1000, $0x38;
	[tilespmem:$0xF380] =	vst v63  }
0x28: {  	s28 =	simm.s32 @!p0 $0x2;
	[bflag:$0x0] =	sbarrier.arrive $0xFFFF  }
0x29: {  	_ =	swait.ge @!p0 [sflag:s28], $0xC380  }
0x2a: {  	[sflag:s28] =	ssyncset.done @!p0 $0x0  }
0x2b: {  	[sflag:s28] =	ssyncadd.s32 @!p0 $0xFFFF3C80  }
0x2c: {  	[bflag:$0x0] =	sbarrier.arrive $0xFFFF  }
0x2d: {  	[tilespmem:s8], [sflag:$0x5] =	stream.indirect.gather [spmem:s3], $0x1, s9, s7, $0xb8;
	[tilespmem:$0xF380] =	vst v63  }
0x2e: {  	_ =	swait.ge [sflag:s11], $0x1000  }
0x2f: {  	[sflag:s11] =	ssyncset.done $0x0  }
0x30: {  	s29 =	sadd.s32 $0xFFFFFFFF, s29;
	[sflag:s11] =	ssyncadd.s32 $0xFFFFF000  }
0x31: {  	[hbm4b:s2+s1] =	stream.linear.scatter [tilespmem:s8], [sflag:$0x7], $0x1000, $0x38;
	[tilespmem:$0xF380] =	vst v63  }
0x32: {  	p2 =	sne.s32 s29, $0x0;
	[bflag:$0x0] =	sbarrier.arrive $0xFFFF  }
.Ltmp1:
0x33: {  	_ =	swait.ge [sflag:s5], $0x1000;
	(pc) =	sbr.rel @!p2 .LBB2_3-.Ltmp1, $4  }
0x34: {  	[sflag:s5] =	ssyncset.done $0x0  }
0x35: {  	[sflag:s5] =	ssyncadd.s32 $0xFFFFF000  }
0x36: {  	_ =	swait.ge [sflag:s4], $0x1000  }
0x37: {  	p1 =	por $0x1, $0x1;
	[sflag:s4] =	ssyncset.done $0x0  }
.LBB2_2:
0x38: {  	s30 =	simm.s32 @p0 $0x0;
	[sflag:s4] =	ssyncadd.s32 $0xFFFFF000  }
0x39: {  	[tilespmem:s26], [sflag:$0x3] =	stream.linear.gather @p0 [hbm4b:s13+s25], $0x1000, $0x38;
	[tilespmem:$0xF380] =	vst v63  }
0x3a: {  	[spmem:s19], [sflag:s23] =	dma.local @!p0 [hbm:s12], $0xC380  }
0x3b: {  	[tilespmem:s21], [sflag:$0x3] =	stream.linear.gather @!p0 [hbm4b:s13+s24], $0x1000, $0x38;
	[tilespmem:$0xF380] =	vst v63  }
0x3c: {  	[spmem:s18], [sflag:s22] =	dma.local @!p0 [hbm:s14], $0xC380  }
0x3d: {  	s29 =	sadd.s32 $0xFFFFFFFF, s29;
	s25 =	smov.u32 s30;
	_ =	swait.ge @!p0 [sflag:s20], $0xC380  }
0x3e: {  	p2 =	sne.s32 s29, $0x0;
	[sflag:s20] =	ssyncset.done @!p0 $0x0  }
0x3f: {  	[sflag:s20] =	ssyncadd.s32 @!p0 $0xFFFF3C80  }
0x40: {  	_ =	swait.ge [sflag:s17], $0x1000  }
0x41: {  	[sflag:s17] =	ssyncset.done $0x0  }
0x42: {  	[sflag:s17] =	ssyncadd.s32 $0xFFFFF000  }
0x43: {  	[bflag:$0x0] =	sbarrier.arrive $0xFFFF  }
0x44: {  	[tilespmem:s15], [sflag:$0x4] =	stream.indirect.gather [spmem:s10], $0x1, s9, s7, $0xb8;
	[tilespmem:$0xF380] =	vst v63  }
0x45: {  	_ =	swait.ge [sflag:s16], $0x1000  }
0x46: {  	[sflag:s16] =	ssyncset.done $0x0  }
0x47: {  	[sflag:s16] =	ssyncadd.s32 $0xFFFFF000  }
0x48: {  	[hbm4b:s6+s1] =	stream.linear.scatter [tilespmem:s15], [sflag:$0x6], $0x1000, $0x38;
	[tilespmem:$0xF380] =	vst v63  }
0x49: {  	[bflag:$0x0] =	sbarrier.arrive $0xFFFF  }
0x4a: {  	_ =	swait.ge @!p0 [sflag:s28], $0xC380  }
0x4b: {  	[sflag:s28] =	ssyncset.done @!p0 $0x0  }
0x4c: {  	[sflag:s28] =	ssyncadd.s32 @!p0 $0xFFFF3C80  }
0x4d: {  	[bflag:$0x0] =	sbarrier.arrive $0xFFFF  }
0x4e: {  	[tilespmem:s8], [sflag:$0x5] =	stream.indirect.gather [spmem:s3], $0x1, s9, s7, $0xb8;
	[tilespmem:$0xF380] =	vst v63  }
0x4f: {  	_ =	swait.ge [sflag:s11], $0x1000  }
0x50: {  	[sflag:s11] =	ssyncset.done $0x0  }
0x51: {  	[sflag:s11] =	ssyncadd.s32 $0xFFFFF000  }
0x52: {  	[hbm4b:s2+s1] =	stream.linear.scatter [tilespmem:s8], [sflag:$0x7], $0x1000, $0x38;
	[tilespmem:$0xF380] =	vst v63  }
0x53: {  	[bflag:$0x0] =	sbarrier.arrive $0xFFFF  }
.Ltmp2:
0x54: {  	_ =	swait.ge [sflag:s5], $0x1000;
	(pc) =	sbr.rel @p2 .LBB2_2-.Ltmp2, $4  }
0x55: {  	[sflag:s5] =	ssyncset.done $0x0  }
0x56: {  	[sflag:s5] =	ssyncadd.s32 $0xFFFFF000  }
0x57: {  	_ =	swait.ge [sflag:s4], $0x1000  }
0x58: {  	[sflag:s4] =	ssyncset.done $0x0  }
.LBB2_3:
0x59: {  	[sflag:s4] =	ssyncadd.s32 @p1 $0xFFFFF000;
	s26 =	simm.s32 @p0 $0xC380  }
0x5a: {  	[tilespmem:s26], [sflag:$0x3] =	stream.linear.gather @p0 [hbm4b:s13+s25], $0x1000, $0x38;
	[tilespmem:$0xF380] =	vst v63  }
0x5b: {  	[spmem:s19], [sflag:s23] =	dma.local @!p0 [hbm:s12], $0xC380  }
0x5c: {  	[tilespmem:s21], [sflag:$0x3] =	stream.linear.gather @!p0 [hbm4b:s13+s24], $0x1000, $0x38;
	[tilespmem:$0xF380] =	vst v63  }
0x5d: {  	[spmem:s18], [sflag:s22] =	dma.local @!p0 [hbm:s14], $0xC380  }
0x5e: {  	_ =	swait.ge @!p0 [sflag:s20], $0xC380  }
0x5f: {  	[sflag:s20] =	ssyncset.done @!p0 $0x0  }
0x60: {  	[sflag:s20] =	ssyncadd.s32 @!p0 $0xFFFF3C80  }
0x61: {  	_ =	swait.ge [sflag:s17], $0x1000  }
0x62: {  	[sflag:s17] =	ssyncset.done $0x0  }
0x63: {  	[sflag:s17] =	ssyncadd.s32 $0xFFFFF000  }
0x64: {  	[bflag:$0x0] =	sbarrier.arrive $0xFFFF  }
0x65: {  	[tilespmem:s15], [sflag:$0x4] =	stream.indirect.gather [spmem:s10], $0x1, s9, s7, $0xb8;
	[tilespmem:$0xF380] =	vst v63  }
0x66: {  	_ =	swait.ge [sflag:s16], $0x1000  }
0x67: {  	[sflag:s16] =	ssyncset.done $0x0  }
0x68: {  	[sflag:s16] =	ssyncadd.s32 $0xFFFFF000  }
0x69: {  	[hbm4b:s6+s1] =	stream.linear.scatter [tilespmem:s15], [sflag:$0x6], $0x1000, $0x38;
	[tilespmem:$0xF380] =	vst v63  }
0x6a: {  	s6 =	simm.s32 @!p0 $0x2;
	[bflag:$0x0] =	sbarrier.arrive $0xFFFF  }
0x6b: {  	_ =	swait.ge @!p0 [sflag:s6], $0xC380  }
0x6c: {  	[sflag:s6] =	ssyncset.done @!p0 $0x0  }
0x6d: {  	[sflag:s6] =	ssyncadd.s32 @!p0 $0xFFFF3C80  }
0x6e: {  	[bflag:$0x0] =	sbarrier.arrive $0xFFFF  }
0x6f: {  	[tilespmem:s8], [sflag:$0x5] =	stream.indirect.gather [spmem:s3], $0x1, s9, s7, $0xb8;
	[tilespmem:$0xF380] =	vst v63  }
0x70: {  	_ =	swait.ge [sflag:s11], $0x1000  }
0x71: {  	[sflag:s11] =	ssyncset.done $0x0  }
0x72: {  	[sflag:s11] =	ssyncadd.s32 $0xFFFFF000  }
0x73: {  	[hbm4b:s2+s1] =	stream.linear.scatter [tilespmem:s8], [sflag:$0x7], $0x1000, $0x38;
	[tilespmem:$0xF380] =	vst v63  }
0x74: {  	[bflag:$0x0] =	sbarrier.arrive $0xFFFF  }
0x75: {  	_ =	swait.ge [sflag:s5], $0x1000  }
0x76: {  	[sflag:s5] =	ssyncset.done $0x0  }
0x77: {  	[sflag:s5] =	ssyncadd.s32 $0xFFFFF000  }
0x78: {  	_ =	swait.ge [sflag:s4], $0x1000  }
0x79: {  	[sflag:s4] =	ssyncset.done $0x0  }
0x7a: {  	[sflag:s4] =	ssyncadd.s32 $0xFFFFF000  }
0x7b: {  	_ =	sfence.sel $0x180000  }
0x7c: {  	[bflag:$0x0] =	sbarrier.arrive $0xFFFF  }
0x7d: {  	_ =	strace $0x9000004D  }
0x7e: {  	s0 =	sadd.s32 @!p0 $0x100000, s0;
	[bflag:$0x2] =	sbarrier.arrive $0xFFFF  }
0x7f: {  	[sflag:s0] =	ssyncadd.tile.s32 @!p0 $0x1;
	_ =	shalt  }
.Lfunc_end2:
_tile_overlayer_lowered:
.L_overlay_start_2:
0x80: {  	(tag) =	ssettag $0x2  }
0x81: {  	s0 =	rddreg [dreg:$0x0];
	s2 =	stileid.u32  }
0x82: {  	s1 =	rddreg [dreg:$0x1];
	p0 =	sne.s32 s2, $0x0  }
0x83: {  	s3 =	rddreg [dreg:$0x2];
	[bflag:$0x3] =	sbarrier.arrive $0xFFFF;
	s2 =	simm.s32 @!p0 $0x1C08  }
0x84: {  	[timem:s3], [sflag:s2] =	dma.local @!p0 [hbm:s0], s1  }
0x85: {  	s0 =	simm.s32 @!p0 $0x8  }
0x86: {  	_ =	swait.ge @!p0 [sflag:s0], s1  }
0x87: {  	s1 =	ssub.s32 @!p0 $0x0, s1;
	[sflag:s0] =	ssyncset.done @!p0 $0x0  }
0x88: {  	[sflag:s0] =	ssyncadd.s32 @!p0 s1  }
0x89: {  	[bflag:$0x3] =	sbarrier.arrive $0xFFFF  }
0x8a: {  	_ =	shalt  }

</sc_bundles>
